<compile_context>
chip_gen: v7x
topology: tpu7x:2x2x1
jax: 0.10.2.dev20260603
libtpu: 0.0.44.dev20260713+nightly
codegen_flags: <defaults>
</compile_context>

<pallas_src>
import dataclasses
import functools
import math

import jax
import jax.numpy as jnp
from jax import lax
from jax.experimental import pallas as pl
from jax.experimental.pallas import tpu as pltpu
from jax.experimental.pallas import tpu_sc as plsc

N_SC_CORES = 2
N_SUBCORES = 16
N_WORKERS = N_SC_CORES * N_SUBCORES
NUM_BATCHES = 16
NEG_INF = -1e9



def _mm_body(a_ref, b_ref, o_ref):
    o_ref[...] = jax.lax.dot_general(
        a_ref[...].astype(jnp.bfloat16), b_ref[...].astype(jnp.bfloat16),
        (((1,), (0,)), ((), ())),
        preferred_element_type=jnp.float32).astype(o_ref.dtype)


def _mm_bias_body(a_ref, b_ref, bias_ref, o_ref):
    o_ref[...] = (jax.lax.dot_general(
        a_ref[...].astype(jnp.bfloat16), b_ref[...].astype(jnp.bfloat16),
        (((1,), (0,)), ((), ())),
        preferred_element_type=jnp.float32)
        + bias_ref[...]).astype(o_ref.dtype)


def _matmul(a, b, bias=None, bm=512, bn=512, out_dtype=jnp.float32):
    M, K = a.shape
    _, N = b.shape
    bm = min(bm, M)
    bn = min(bn, N)
    grid = (M // bm, N // bn)
    in_specs = [
        pl.BlockSpec((bm, K), lambda i, j: (i, 0)),
        pl.BlockSpec((K, bn), lambda i, j: (0, j)),
    ]
    args = [a, b]
    body = _mm_body
    if bias is not None:
        in_specs.append(pl.BlockSpec((1, bn), lambda i, j: (0, j)))
        args.append(bias.reshape(1, N))
        body = _mm_bias_body
    return pl.pallas_call(
        body,
        grid=grid,
        in_specs=in_specs,
        out_specs=pl.BlockSpec((bm, bn), lambda i, j: (i, j)),
        out_shape=jax.ShapeDtypeStruct((M, N), out_dtype),
        compiler_params=pltpu.CompilerParams(
            dimension_semantics=("parallel", "parallel")),
    )(*args)



def _sc_gather_rows(table, idx):
    n = idx.shape[0]
    _, D = table.shape
    per_w = n // N_WORKERS
    chunk = min(per_w, 64)
    nchunks = per_w // chunk
    mesh = plsc.VectorSubcoreMesh(core_axis_name="c", subcore_axis_name="s")

    @functools.partial(
        pl.kernel, mesh=mesh,
        out_type=jax.ShapeDtypeStruct((n, D), jnp.float32),
        scratch_types=[
            pltpu.VMEM((chunk,), jnp.int32),
            pltpu.VMEM((chunk, D), jnp.float32),
            pltpu.SemaphoreType.DMA,
        ])
    def k(table_hbm, idx_hbm, out_hbm, idx_v, rows_v, sem):
        wid = lax.axis_index("s") * N_SC_CORES + lax.axis_index("c")
        base = wid * per_w

        @pl.loop(0, nchunks)
        def _(c):
            b = base + c * chunk
            pltpu.sync_copy(idx_hbm.at[pl.ds(b, chunk)], idx_v)
            pltpu.async_copy(table_hbm.at[idx_v], rows_v, sem).wait()
            pltpu.sync_copy(rows_v, out_hbm.at[pl.ds(b, chunk)])

    return k(table, idx)



def _sc_build_adj(src, dst, etype, ny):
    E = src.shape[0]
    per_rows = ny // N_WORKERS
    half = per_rows // 2
    mesh = plsc.VectorSubcoreMesh(core_axis_name="c", subcore_axis_name="s")

    cp = pltpu.CompilerParams()
    if "needs_layout_passes" in pltpu.CompilerParams.__dataclass_fields__:
        cp = dataclasses.replace(cp, needs_layout_passes=False)

    @functools.partial(
        pl.kernel, mesh=mesh, compiler_params=cp,
        out_type=(jax.ShapeDtypeStruct((ny, ny), jnp.float32),
                  jax.ShapeDtypeStruct((ny, 16), jnp.float32)),
        scratch_types=[
            pltpu.VMEM((E,), jnp.int32),
            pltpu.VMEM((E,), jnp.int32),
            pltpu.VMEM((E,), jnp.int32),
            pltpu.VMEM((E + 16,), jnp.int32),
            pltpu.VMEM((E + 16,), jnp.int32),
            pltpu.VMEM((E + 16,), jnp.int32),
            pltpu.VMEM((half, ny), jnp.float32),
            pltpu.VMEM((per_rows, 16), jnp.float32),
        ])
    def k(src_hbm, dst_hbm, et_hbm, adj_hbm, cnt_hbm,
          src_v, dst_v, et_v, cs_v, cd_v, ct_v, acc_v, c_v):
        cid = lax.axis_index("c")
        sid = lax.axis_index("s")
        wid = sid * N_SC_CORES + cid
        row0 = wid * per_rows
        pltpu.sync_copy(src_hbm, src_v)
        pltpu.sync_copy(dst_hbm, dst_v)
        pltpu.sync_copy(et_hbm, et_v)

        @pl.loop(0, per_rows)
        def _(r):
            c_v.at[r, pl.ds(0, 16)][...] = jnp.zeros((16,), jnp.float32)

        lanes = lax.iota(jnp.int32, 16)
        ones = jnp.full((16,), 1.0, jnp.float32)

        def compress(g, off):
            b = g * 16
            d_v = dst_v[pl.ds(b, 16)]
            m = (d_v >= row0) & (d_v < row0 + per_rows)
            plsc.store_compressed(cd_v.at[pl.ds(off, 16)], d_v, mask=m)
            plsc.store_compressed(cs_v.at[pl.ds(off, 16)],
                                  src_v[pl.ds(b, 16)], mask=m)
            plsc.store_compressed(ct_v.at[pl.ds(off, 16)],
                                  et_v[pl.ds(b, 16)], mask=m)
            return off + jnp.sum(m.astype(jnp.int32), axis=0)

        nmine = lax.fori_loop(0, E // 16, compress, jnp.int32(0))
        ng = (nmine + 15) // 16

        def cnt_pass(g, _):
            b = g * 16
            valid = lanes < (nmine - b)
            d_v = cd_v[pl.ds(b, 16)]
            t_v = ct_v[pl.ds(b, 16)]
            rc_v = jnp.clip(d_v - row0, 0, per_rows - 1)
            for l in range(16):
                plsc.addupdate_scatter(
                    c_v, [rc_v, t_v], ones, mask=valid & (lanes == l))
            return 0

        lax.fori_loop(0, ng, cnt_pass, 0)

        for p in range(2):
            plo = row0 + p * half

            @pl.loop(0, half)
            def _(r):
                @pl.loop(0, ny, step=16)
                def _(cc):
                    acc_v.at[r, pl.ds(cc, 16)][...] = jnp.zeros(
                        (16,), jnp.float32)

            def adj_pass(g, _):
                b = g * 16
                valid = lanes < (nmine - b)
                d_v = cd_v[pl.ds(b, 16)]
                s_v = cs_v[pl.ds(b, 16)]
                in_a = valid & (d_v >= plo) & (d_v < plo + half)
                r_v = jnp.clip(d_v - plo, 0, half - 1)
                for l in range(16):
                    plsc.addupdate_scatter(
                        acc_v, [r_v, s_v], ones, mask=in_a & (lanes == l))
                return 0

            lax.fori_loop(0, ng, adj_pass, 0)
            pltpu.sync_copy(acc_v, adj_hbm.at[pl.ds(plo, half)])

        pltpu.sync_copy(c_v, cnt_hbm.at[pl.ds(row0, per_rows)])

    return k(src, dst, etype)



def _sc_edge_scores(ab, src, dst):
    E = src.shape[0]
    W = ab.shape[1]
    per_w = E // N_WORKERS
    chunk = min(per_w, 96)
    nchunks = per_w // chunk
    mesh = plsc.VectorSubcoreMesh(core_axis_name="c", subcore_axis_name="s")

    cp = pltpu.CompilerParams()
    if "needs_layout_passes" in pltpu.CompilerParams.__dataclass_fields__:
        cp = dataclasses.replace(cp, needs_layout_passes=False)

    @functools.partial(
        pl.kernel, mesh=mesh, compiler_params=cp,
        out_type=jax.ShapeDtypeStruct((E, 16), jnp.float32),
        scratch_types=[
            pltpu.VMEM((chunk,), jnp.int32),
            pltpu.VMEM((chunk,), jnp.int32),
            pltpu.VMEM((chunk, W), jnp.float32),
            pltpu.VMEM((chunk, W), jnp.float32),
            pltpu.VMEM((chunk, 16), jnp.float32),
            pltpu.SemaphoreType.DMA,
            pltpu.SemaphoreType.DMA,
        ])
    def k(ab_hbm, src_hbm, dst_hbm, out_hbm,
          src_v, dst_v, arow_v, brow_v, o_v, sem1, sem2):
        wid = lax.axis_index("s") * N_SC_CORES + lax.axis_index("c")
        base = wid * per_w
        lanes = lax.iota(jnp.int32, 16)

        @pl.loop(0, nchunks)
        def _(c):
            b = base + c * chunk
            pltpu.sync_copy(src_hbm.at[pl.ds(b, chunk)], src_v)
            pltpu.sync_copy(dst_hbm.at[pl.ds(b, chunk)], dst_v)
            cp1 = pltpu.async_copy(ab_hbm.at[src_v], arow_v, sem1)
            cp2 = pltpu.async_copy(ab_hbm.at[dst_v], brow_v, sem2)
            cp1.wait()
            cp2.wait()

            @pl.loop(0, chunk)
            def _(i):
                row = jnp.full((16,), 0, jnp.int32) + i
                a = plsc.load_gather(arow_v, [row, lanes])
                bb = plsc.load_gather(brow_v, [row, lanes + 16])
                plsc.store_scatter(o_v, [row, lanes], a + bb)

            pltpu.sync_copy(o_v, out_hbm.at[pl.ds(b, chunk)])

    return k(ab, src, dst)



def _flash_layer3(y_prev, w1, A, B, cnt, embp, wq, kv, k_col, v_col,
                  yb3, xb2, sched, D, BY=256, BX=512,
                  out_dtype=jnp.float32):
    NYr = A.shape[0]
    KA = A.shape[1]
    in_d = y_prev.shape[1]
    ny = NYr // BY
    scale = 1.0 / math.sqrt(float(D))
    bf16 = jnp.bfloat16

    def body(sched_ref, y_ref, w1_ref, a_ref, b_ref, cnt_ref, embp_ref,
             wq_ref, kv_ref, yb_ref, xb_ref, o_ref,
             kbuf, vbuf, acc_s, m_s, l_s, ksem, vsem):
        i = pl.program_id(0)
        lo = sched_ref[0, i]
        hi = sched_ref[1, i]

        def start_copy(jx, slot):
            pltpu.make_async_copy(
                kv_ref.at[pl.ds(jx * BX, BX), pl.ds(k_col, D)],
                kbuf.at[slot], ksem.at[slot]).start()
            pltpu.make_async_copy(
                kv_ref.at[pl.ds(jx * BX, BX), pl.ds(v_col, D)],
                vbuf.at[slot], vsem.at[slot]).start()

        start_copy(lo, 0)
        h = (jnp.dot(y_ref[...].astype(bf16), w1_ref[...],
                     preferred_element_type=jnp.float32)
             + jnp.dot(a_ref[...].astype(bf16), b_ref[...],
                       preferred_element_type=jnp.float32)
             + jnp.dot(cnt_ref[...].astype(bf16), embp_ref[...],
                       preferred_element_type=jnp.float32))
        q = (jnp.dot(h.astype(bf16), wq_ref[...],
                     preferred_element_type=jnp.float32) * scale).astype(bf16)
        yb = yb_ref[0]

        acc_s[...] = jnp.zeros((BY, D), jnp.float32)
        m_s[...] = jnp.full((BY, 1), -jnp.inf, jnp.float32)
        l_s[...] = jnp.zeros((BY, 1), jnp.float32)

        def step(j, slot):
            @pl.when(j < hi)
            def _():
                start_copy(j + 1, 1 - slot)

            pltpu.make_async_copy(
                kv_ref.at[pl.ds(j * BX, BX), pl.ds(k_col, D)],
                kbuf.at[slot], ksem.at[slot]).wait()
            pltpu.make_async_copy(
                kv_ref.at[pl.ds(j * BX, BX), pl.ds(v_col, D)],
                vbuf.at[slot], vsem.at[slot]).wait()
            sc = lax.dot_general(
                q, kbuf[slot], (((1,), (1,)), ((), ())),
                preferred_element_type=jnp.float32)
            xb = xb_ref[:, pl.ds(j * BX, BX)]
            sc = jnp.where(yb == xb, sc, NEG_INF)
            m_prev = m_s[...]
            m_new = jnp.maximum(m_prev, jnp.max(sc, axis=1, keepdims=True))
            p = jnp.exp(sc - m_new)
            corr = jnp.exp(m_prev - m_new)
            l_s[...] = l_s[...] * corr + jnp.sum(p, axis=1, keepdims=True)
            m_s[...] = m_new
            acc_s[...] = acc_s[...] * corr + jnp.dot(
                p.astype(bf16), vbuf[slot],
                preferred_element_type=jnp.float32)
            return 1 - slot

        lax.fori_loop(lo, hi + 1, step, 0)
        o_ref[...] = jnp.maximum(
            h + acc_s[...] / l_s[...], 0.0).astype(o_ref.dtype)

    grid_spec = pltpu.PrefetchScalarGridSpec(
        num_scalar_prefetch=1,
        grid=(ny,),
        in_specs=[
            pl.BlockSpec((BY, in_d), lambda i, sched: (i, 0)),
            pl.BlockSpec((in_d, D), lambda i, sched: (0, 0)),
            pl.BlockSpec((BY, KA), lambda i, sched: (i, 0)),
            pl.BlockSpec((KA, D), lambda i, sched: (0, 0)),
            pl.BlockSpec((BY, 16), lambda i, sched: (i, 0)),
            pl.BlockSpec((16, D), lambda i, sched: (0, 0)),
            pl.BlockSpec((D, D), lambda i, sched: (0, 0)),
            pl.BlockSpec(memory_space=pl.ANY),
            pl.BlockSpec((1, BY, 1), lambda i, sched: (i, 0, 0)),
            pl.BlockSpec((1, xb2.shape[1]), lambda i, sched: (0, 0)),
        ],
        out_specs=pl.BlockSpec((BY, D), lambda i, sched: (i, 0)),
        scratch_shapes=[
            pltpu.VMEM((2, BX, D), bf16),
            pltpu.VMEM((2, BX, D), bf16),
            pltpu.VMEM((BY, D), jnp.float32),
            pltpu.VMEM((BY, 1), jnp.float32),
            pltpu.VMEM((BY, 1), jnp.float32),
            pltpu.SemaphoreType.DMA((2,)),
            pltpu.SemaphoreType.DMA((2,)),
        ],
    )
    return pl.pallas_call(
        body,
        grid_spec=grid_spec,
        out_shape=jax.ShapeDtypeStruct((NYr, D), out_dtype),
        compiler_params=pltpu.CompilerParams(
            dimension_semantics=("parallel",)),
    )(sched, y_prev, w1, A, B, cnt, embp, wq, kv, yb3, xb2)


def _block_schedule(y_batch, x_batch, BY, BX, nx):
    ny = y_batch.shape[0] // BY
    b_lo = y_batch[::BY]
    b_hi = y_batch[BY - 1::BY]
    counts = jnp.sum(
        (x_batch[None, :] == jnp.arange(NUM_BATCHES)[:, None]).astype(
            jnp.int32), axis=1)
    bounds = jnp.concatenate(
        [jnp.zeros((1,), jnp.int32), jnp.cumsum(counts)]).astype(jnp.int32)
    xs = bounds[b_lo]
    xe = bounds[b_hi + 1]
    lo = jnp.clip(xs // BX, 0, nx - 1)
    hi = jnp.clip(jnp.maximum((xe - 1) // BX, lo), 0, nx - 1)
    return jnp.stack([lo, hi]).astype(jnp.int32)



def kernel(x, x_batch, tgt_y, tgt_edge_index, tgt_edge_type, tgt_y_batch,
           params):
    p = params
    g1, g2, g3 = p['gcn1'], p['gcn2'], p['gcn3']
    src = tgt_edge_index[0]
    dst = tgt_edge_index[1]
    H1 = g1['W_self'].shape[1]
    H2 = g2['W_self'].shape[1]
    H3 = g3['W_self'].shape[1]

    BY, BX = 512, 1024
    NXr = x.shape[0]
    nx = NXr // BX
    ny = tgt_y_batch.shape[0] // BY
    sched = _block_schedule(tgt_y_batch, x_batch, BY, BX, nx)
    yb3 = tgt_y_batch.reshape(ny, BY, 1)
    xb2 = x_batch.reshape(1, NXr)

    bf16 = jnp.bfloat16

    kvw = jnp.concatenate(
        [g1['Wk'], g1['Wv'], g2['Wk'], g2['Wv'], g3['Wk'], g3['Wv']], axis=1)
    kv = _matmul(x, kvw, out_dtype=bf16, bm=2048, bn=kvw.shape[1])

    ny_nodes = tgt_y.shape[0]
    adj, cnt = _sc_build_adj(src, dst, tgt_edge_type, ny_nodes)

    def _emb_pad(emb):
        return jnp.concatenate(
            [emb.astype(bf16),
             jnp.zeros((16 - emb.shape[0], emb.shape[1]), bf16)], axis=0)

    y0 = _sc_gather_rows(p['embed'], tgt_y)
    ay0 = _matmul(adj, y0, out_dtype=bf16)
    y1 = _flash_layer3(y0, g1['W_self'].astype(bf16), ay0,
                       g1['W_nb'].astype(bf16), cnt, _emb_pad(g1['edge_emb']),
                       g1['Wq'].astype(bf16), kv, 0, H1,
                       yb3, xb2, sched, H1, BY, BX, out_dtype=bf16)

    m2 = _matmul(y1, g2['W_nb'], out_dtype=bf16)
    y2 = _flash_layer3(y1, g2['W_self'].astype(bf16), adj, m2, cnt,
                       _emb_pad(g2['edge_emb']), g2['Wq'].astype(bf16), kv,
                       2 * H1, 2 * H1 + H2, yb3, xb2, sched, H2, BY, BX,
                       out_dtype=bf16)

    m3 = _matmul(y2, g3['W_nb'], out_dtype=bf16)
    y3 = _flash_layer3(y2, g3['W_self'].astype(bf16), adj, m3, cnt,
                       _emb_pad(g3['edge_emb']), g3['Wq'].astype(bf16), kv,
                       2 * (H1 + H2), 2 * (H1 + H2) + H3,
                       yb3, xb2, sched, H3, BY, BX)

    emb_d = y3.shape[1]
    n_rel = p['Wg'].shape[1]
    y_score = _matmul(y3, p['Wz'], bias=p['bz'])
    wg_pad = jnp.concatenate(
        [jnp.pad(p['Wg'][:emb_d], ((0, 0), (0, 16 - n_rel))),
         jnp.pad(p['Wg'][emb_d:], ((0, 0), (0, 16 - n_rel))),
         jnp.zeros((emb_d, 96), jnp.float32)], axis=1)
    bg_pad = jnp.pad(p['bg'], (0, 128 - n_rel))
    ab = _matmul(y3, wg_pad, bias=bg_pad, bn=128)
    er = _sc_edge_scores(ab, src, dst)
    y_edge_rel_score = lax.slice_in_dim(er, 0, n_rel, axis=1)

    return (y3, tgt_y_batch, tgt_edge_index, tgt_edge_type, y_score,
            y_edge_rel_score)

# --- scband reference (transcript-rebuilt; emitter-appended) ---
"""Pipeline reference for scband-decoder-56203942035661 (READ-ONLY COPY).

The authoritative reference and input builder live on the scoring server;
editing this copy changes nothing except your own understanding.
"""

import jax, jax.numpy as jnp
import numpy as np

N_X = 8192
F_SIZE = 512
N_Y = 2048
EMB = 256
H = 512
VOCAB = 512
N_EDGES = 6144
BATCH = 16
N_SLT_ETYPES = 4
N_SRT_ETYPES = 5


def _layer_params(key, in_d, out_d, f_size):
    ks = jax.random.split(key, 6)
    s = 0.02
    return {
        'W_self': jax.random.normal(ks[0], (in_d, out_d), jnp.float32) * s,
        'W_nb': jax.random.normal(ks[1], (in_d, out_d), jnp.float32) * s,
        'edge_emb': jax.random.normal(ks[2], (N_SLT_ETYPES, out_d), jnp.float32) * s,
        'Wq': jax.random.normal(ks[3], (out_d, out_d), jnp.float32) * s,
        'Wk': jax.random.normal(ks[4], (f_size, out_d), jnp.float32) * s,
        'Wv': jax.random.normal(ks[5], (f_size, out_d), jnp.float32) * s,
    }


def setup_inputs(seed: int = 0) -> dict:
    key = jax.random.key(seed)
    ks = jax.random.split(key, 14)
    x = jax.random.normal(ks[0], (N_X, F_SIZE), jnp.float32)
    x_batch = jnp.sort(jax.random.randint(ks[1], (N_X,), 0, BATCH, dtype=jnp.int32))
    tgt_y = jax.random.randint(ks[2], (N_Y,), 0, VOCAB, dtype=jnp.int32)
    tgt_edge_index = jax.random.randint(ks[3], (2, N_EDGES), 0, N_Y, dtype=jnp.int32)
    tgt_edge_type = jax.random.randint(ks[4], (N_EDGES,), 0, N_SLT_ETYPES, dtype=jnp.int32)
    tgt_y_batch = jnp.sort(jax.random.randint(ks[5], (N_Y,), 0, BATCH, dtype=jnp.int32))
    params = {
        'embed': jax.random.normal(ks[6], (VOCAB, EMB), jnp.float32) * 0.02,
        'gcn1': _layer_params(ks[7], EMB, H, F_SIZE),
        'gcn2': _layer_params(ks[8], H, H, F_SIZE),
        'gcn3': _layer_params(ks[9], H, EMB, F_SIZE),
        'Wz': jax.random.normal(ks[10], (EMB, VOCAB), jnp.float32) * 0.02,
        'bz': jnp.zeros((VOCAB,), jnp.float32),
        'Wg': jax.random.normal(ks[11], (2 * EMB, N_SRT_ETYPES), jnp.float32) * 0.02,
        'bg': jnp.zeros((N_SRT_ETYPES,), jnp.float32),
    }
    return {
        'x': x,
        'x_batch': x_batch,
        'tgt_y': tgt_y,
        'tgt_edge_index': tgt_edge_index,
        'tgt_edge_type': tgt_edge_type,
        'tgt_y_batch': tgt_y_batch,
        'params': params,
    }


def _gcn_dec_layer(x, y, edge_index, edge_type, x_batch, y_batch, lp):
    src = edge_index[0]
    dst = edge_index[1]
    # graph message passing over SLT edges (gather + scatter-add)
    msgs = jnp.take(y, src, axis=0) @ lp['W_nb'] + jnp.take(lp['edge_emb'], edge_type, axis=0)
    agg = jnp.zeros((y.shape[0], lp['W_nb'].shape[1]), y.dtype).at[dst].add(msgs)
    h = y @ lp['W_self'] + agg
    # cross-attention from decoded nodes to encoder features, masked per batch item
    q = h @ lp['Wq']
    k = x @ lp['Wk']
    v = x @ lp['Wv']
    scores = (q @ k.T) / jnp.sqrt(jnp.asarray(q.shape[1], q.dtype))
    mask = y_batch[:, None] == x_batch[None, :]
    scores = jnp.where(mask, scores, jnp.asarray(-1e9, scores.dtype))
    alpha = jax.nn.softmax(scores, axis=1)
    ctx = alpha @ v
    return jax.nn.relu(h + ctx)


def reference(x, x_batch, tgt_y, tgt_edge_index, tgt_edge_type, tgt_y_batch, params):
    # training branch of Decoder.forward
    y = jnp.take(params['embed'], tgt_y, axis=0)
    y = _gcn_dec_layer(x, y, tgt_edge_index, tgt_edge_type, x_batch, tgt_y_batch, params['gcn1'])
    y = _gcn_dec_layer(x, y, tgt_edge_index, tgt_edge_type, x_batch, tgt_y_batch, params['gcn2'])
    y = _gcn_dec_layer(x, y, tgt_edge_index, tgt_edge_type, x_batch, tgt_y_batch, params['gcn3'])
    y_score = y @ params['Wz'] + params['bz']
    # y[y_edge_index].permute(1,0,2).flatten(1)
    ef = jnp.take(y, tgt_edge_index, axis=0)          # [2, E, emb]
    ef = jnp.transpose(ef, (1, 0, 2)).reshape(ef.shape[1], -1)  # [E, 2*emb]
    y_edge_rel_score = ef @ params['Wg'] + params['bg']
    return (y, tgt_y_batch, tgt_edge_index, tgt_edge_type, y_score, y_edge_rel_score)


if False:  # reference __main__ guard neutralized (emitter)
    out = reference(**setup_inputs())
    print([getattr(o, 'shape', None) for o in out])

if __name__ == "__main__":
    import jax
    _d = setup_inputs()
    print(jax.jit(kernel)(*tuple(_d.values())))

</pallas_src>

<mosaic_0001>
#map = affine_map<(d0, d1) -> (0, 0)>
#map1 = affine_map<(d0, d1) -> (0)>
module attributes {stable_mosaic.version = 14 : i64} {
  func.func @k(%arg0: i32, %arg1: i32, %arg2: memref<2048x128xf32, #tpu.memory_space<hbm>>, %arg3: memref<6144xi32, #tpu.memory_space<hbm>>, %arg4: memref<6144xi32, #tpu.memory_space<hbm>>, %arg5: memref<6144x16xf32, #tpu.memory_space<hbm>>, %arg6: memref<96xi32, #tpu.memory_space<vmem>>, %arg7: memref<96xi32, #tpu.memory_space<vmem>>, %arg8: memref<96x128xf32, #tpu.memory_space<vmem>>, %arg9: memref<96x128xf32, #tpu.memory_space<vmem>>, %arg10: memref<96x16xf32, #tpu.memory_space<vmem>>, %arg11: memref<!tpu.dma_semaphore, #tpu.memory_space<semaphore_mem>>, %arg12: memref<!tpu.dma_semaphore, #tpu.memory_space<semaphore_mem>>) attributes {dimension_semantics = [#tpu.dimension_semantics<core_parallel>, #tpu.dimension_semantics<subcore_parallel>], iteration_bounds = array<i64: 2, 16>, scalar_prefetch = 0 : i64, scratch_operands = 7 : i64, tpu.core_type = #tpu.core_type<sc_vector_subcore>, window_params = [{transform_indices = #map}, {transform_indices = #map1}, {transform_indices = #map1}, {transform_indices = #map}]} {
    %mul3A = arith.constant 2 : i32
    %mul3A_0 = arith.muli %arg1, %mul3A : i32
    %add3A = arith.addi %mul3A_0, %arg0 : i32
    %mul3A_1 = arith.constant 192 : i32
    %mul3A_2 = arith.muli %add3A, %mul3A_1 : i32
    %iota3A = tpu.iota {dimensions = array<i32: 0>} : vector<16xi32>
    %scan3A = arith.constant 0 : i32
    %scan3A_3 = arith.constant 2 : i32
    %scan3A_4 = arith.addi %scan3A, %scan3A_3 : i32
    %scan3A_5 = arith.constant 1 : i32
    scf.for %scan3A_7 = %scan3A to %scan3A_4 step %scan3A_5  : i32 {
      %mul3A_8 = arith.constant 1 : i32
      %mul3A_9 = arith.muli %scan3A_7, %mul3A_8 : i32
      %add3A_10 = arith.constant 0 : i32
      %add3A_11 = arith.addi %add3A_10, %mul3A_9 : i32
      %mul3A_12 = arith.constant 96 : i32
      %mul3A_13 = arith.muli %add3A_11, %mul3A_12 : i32
      %add3A_14 = arith.addi %mul3A_2, %mul3A_13 : i32
      "tpu.region"() ({
        %run_scoped3A = tpu.sem_alloc : memref<!tpu.dma_semaphore, #tpu.memory_space<semaphore_mem>>
        %dma_start3A_30 = tpu.memref_slice %arg3[%add3A_14] : memref<6144xi32, #tpu.memory_space<hbm>> -> memref<96xi32, #tpu.memory_space<hbm>>
        %dma_start3A_31 = tpu.memref_slice %arg3[%add3A_14] : memref<6144xi32, #tpu.memory_space<hbm>> -> memref<96xi32, #tpu.memory_space<hbm>>
        tpu.enqueue_dma source(%dma_start3A_31 : memref<96xi32, #tpu.memory_space<hbm>>) target(%arg6 : memref<96xi32, #tpu.memory_space<vmem>>) target_semaphore(%run_scoped3A : memref<!tpu.dma_semaphore, #tpu.memory_space<semaphore_mem>>)
        %dma_wait3A_32 = tpu.memref_slice %arg3[%add3A_14] : memref<6144xi32, #tpu.memory_space<hbm>> -> memref<96xi32, #tpu.memory_space<hbm>>
        %dma_wait3A_33 = tpu.memref_slice %arg3[%add3A_14] : memref<6144xi32, #tpu.memory_space<hbm>> -> memref<96xi32, #tpu.memory_space<hbm>>
        tpu.wait_dma2 semaphore(%run_scoped3A : memref<!tpu.dma_semaphore, #tpu.memory_space<semaphore_mem>>) src(%dma_wait3A_33 : memref<96xi32, #tpu.memory_space<hbm>>) dst(%arg6 : memref<96xi32, #tpu.memory_space<vmem>>)
        tpu.yield
      }) : () -> ()
      "tpu.region"() ({
        %run_scoped3A = tpu.sem_alloc : memref<!tpu.dma_semaphore, #tpu.memory_space<semaphore_mem>>
        %dma_start3A_30 = tpu.memref_slice %arg4[%add3A_14] : memref<6144xi32, #tpu.memory_space<hbm>> -> memref<96xi32, #tpu.memory_space<hbm>>
        %dma_start3A_31 = tpu.memref_slice %arg4[%add3A_14] : memref<6144xi32, #tpu.memory_space<hbm>> -> memref<96xi32, #tpu.memory_space<hbm>>
        tpu.enqueue_dma source(%dma_start3A_31 : memref<96xi32, #tpu.memory_space<hbm>>) target(%arg7 : memref<96xi32, #tpu.memory_space<vmem>>) target_semaphore(%run_scoped3A : memref<!tpu.dma_semaphore, #tpu.memory_space<semaphore_mem>>)
        %dma_wait3A_32 = tpu.memref_slice %arg4[%add3A_14] : memref<6144xi32, #tpu.memory_space<hbm>> -> memref<96xi32, #tpu.memory_space<hbm>>
        %dma_wait3A_33 = tpu.memref_slice %arg4[%add3A_14] : memref<6144xi32, #tpu.memory_space<hbm>> -> memref<96xi32, #tpu.memory_space<hbm>>
        tpu.wait_dma2 semaphore(%run_scoped3A : memref<!tpu.dma_semaphore, #tpu.memory_space<semaphore_mem>>) src(%dma_wait3A_33 : memref<96xi32, #tpu.memory_space<hbm>>) dst(%arg7 : memref<96xi32, #tpu.memory_space<vmem>>)
        tpu.yield
      }) : () -> ()
      %dma_start3A = arith.constant 0 : i32
      %dma_start3A_15 = arith.constant 0 : i32
      %dma_start3A_16 = tpu.memref_slice %arg2[%dma_start3A, %dma_start3A_15] : memref<2048x128xf32, #tpu.memory_space<hbm>> -> memref<2048x128xf32, #tpu.memory_space<hbm>>
      tpu.enqueue_indirect_dma source(%dma_start3A_16 : memref<2048x128xf32, #tpu.memory_space<hbm>>) target(%arg8 : memref<96x128xf32, #tpu.memory_space<vmem>>) offsets(%arg6 : memref<96xi32, #tpu.memory_space<vmem>>) semaphore(%arg11 : memref<!tpu.dma_semaphore, #tpu.memory_space<semaphore_mem>>)
      %dma_start3A_17 = arith.constant 0 : i32
      %dma_start3A_18 = arith.constant 0 : i32
      %dma_start3A_19 = tpu.memref_slice %arg2[%dma_start3A_17, %dma_start3A_18] : memref<2048x128xf32, #tpu.memory_space<hbm>> -> memref<2048x128xf32, #tpu.memory_space<hbm>>
      tpu.enqueue_indirect_dma source(%dma_start3A_19 : memref<2048x128xf32, #tpu.memory_space<hbm>>) target(%arg9 : memref<96x128xf32, #tpu.memory_space<vmem>>) offsets(%arg7 : memref<96xi32, #tpu.memory_space<vmem>>) semaphore(%arg12 : memref<!tpu.dma_semaphore, #tpu.memory_space<semaphore_mem>>)
      %dma_wait3A = arith.constant 0 : i32
      %dma_wait3A_20 = arith.constant 0 : i32
      %dma_wait3A_21 = tpu.memref_slice %arg2[%dma_wait3A, %dma_wait3A_20] : memref<2048x128xf32, #tpu.memory_space<hbm>> -> memref<2048x128xf32, #tpu.memory_space<hbm>>
      tpu.wait_indirect_dma semaphore(%arg11 : memref<!tpu.dma_semaphore, #tpu.memory_space<semaphore_mem>>) src(%dma_wait3A_21 : memref<2048x128xf32, #tpu.memory_space<hbm>>) dst(%arg8 : memref<96x128xf32, #tpu.memory_space<vmem>>)
      %dma_wait3A_22 = arith.constant 0 : i32
      %dma_wait3A_23 = arith.constant 0 : i32
      %dma_wait3A_24 = tpu.memref_slice %arg2[%dma_wait3A_22, %dma_wait3A_23] : memref<2048x128xf32, #tpu.memory_space<hbm>> -> memref<2048x128xf32, #tpu.memory_space<hbm>>
      tpu.wait_indirect_dma semaphore(%arg12 : memref<!tpu.dma_semaphore, #tpu.memory_space<semaphore_mem>>) src(%dma_wait3A_24 : memref<2048x128xf32, #tpu.memory_space<hbm>>) dst(%arg9 : memref<96x128xf32, #tpu.memory_space<vmem>>)
      %scan3A_25 = arith.constant 0 : i32
      %scan3A_26 = arith.constant 96 : i32
      %scan3A_27 = arith.addi %scan3A_25, %scan3A_26 : i32
      %scan3A_28 = arith.constant 1 : i32
      scf.for %scan3A_30 = %scan3A_25 to %scan3A_27 step %scan3A_28  : i32 {
        %mul3A_31 = arith.constant 1 : i32
        %mul3A_32 = arith.muli %scan3A_30, %mul3A_31 : i32
        %add3A_33 = arith.constant 0 : i32
        %add3A_34 = arith.addi %add3A_33, %mul3A_32 : i32
        %broadcast_in_dim3A = arith.constant 0 : i32
        %broadcast_in_dim3A_35 = vector.broadcast %broadcast_in_dim3A : i32 to vector<16xi32>
        %add3A_36 = vector.broadcast %add3A_34 : i32 to vector<16xi32>
        %add3A_37 = arith.addi %broadcast_in_dim3A_35, %add3A_36 : vector<16xi32>
        %gather3A = tpu.vector_load_idx %arg8[%add3A_37, %iota3A] : memref<96x128xf32, #tpu.memory_space<vmem>>[vector<16xi32>, vector<16xi32>], vector<16xf32>,
        %add3A_38 = arith.constant 16 : i32
        %add3A_39 = vector.broadcast %add3A_38 : i32 to vector<16xi32>
        %add3A_40 = arith.addi %iota3A, %add3A_39 : vector<16xi32>
        %gather3A_41 = tpu.vector_load_idx %arg9[%add3A_37, %add3A_40] : memref<96x128xf32, #tpu.memory_space<vmem>>[vector<16xi32>, vector<16xi32>], vector<16xf32>,
        %add3A_42 = arith.addf %gather3A, %gather3A_41 : vector<16xf32>
        tpu.vector_store_idx %arg10[%add3A_37, %iota3A], %add3A_42 : memref<96x16xf32, #tpu.memory_space<vmem>>[vector<16xi32>, vector<16xi32>], vector<16xf32>,
      }
      %scan3A_29 = arith.constant 96 : i32
      "tpu.region"() ({
        %run_scoped3A = tpu.sem_alloc : memref<!tpu.dma_semaphore, #tpu.memory_space<semaphore_mem>>
        %dma_start3A_30 = arith.constant 0 : i32
        %dma_start3A_31 = tpu.memref_slice %arg5[%add3A_14, %dma_start3A_30] : memref<6144x16xf32, #tpu.memory_space<hbm>> -> memref<96x16xf32, #tpu.memory_space<hbm>>
        %dma_start3A_32 = arith.constant 0 : i32
        %dma_start3A_33 = tpu.memref_slice %arg5[%add3A_14, %dma_start3A_32] : memref<6144x16xf32, #tpu.memory_space<hbm>> -> memref<96x16xf32, #tpu.memory_space<hbm>>
        tpu.enqueue_dma source(%arg10 : memref<96x16xf32, #tpu.memory_space<vmem>>) target(%dma_start3A_33 : memref<96x16xf32, #tpu.memory_space<hbm>>) target_semaphore(%run_scoped3A : memref<!tpu.dma_semaphore, #tpu.memory_space<semaphore_mem>>)
        %dma_wait3A_34 = arith.constant 0 : i32
        %dma_wait3A_35 = tpu.memref_slice %arg5[%add3A_14, %dma_wait3A_34] : memref<6144x16xf32, #tpu.memory_space<hbm>> -> memref<96x16xf32, #tpu.memory_space<hbm>>
        %dma_wait3A_36 = arith.constant 0 : i32
        %dma_wait3A_37 = tpu.memref_slice %arg5[%add3A_14, %dma_wait3A_36] : memref<6144x16xf32, #tpu.memory_space<hbm>> -> memref<96x16xf32, #tpu.memory_space<hbm>>
        tpu.wait_dma2 semaphore(%run_scoped3A : memref<!tpu.dma_semaphore, #tpu.memory_space<semaphore_mem>>) src(%arg10 : memref<96x16xf32, #tpu.memory_space<vmem>>) dst(%dma_wait3A_37 : memref<96x16xf32, #tpu.memory_space<hbm>>)
        tpu.yield
      }) : () -> ()
    }
    %scan3A_6 = arith.constant 2 : i32
    return
  }
}

#map = affine_map<(d0, d1) -> (0)>
#map1 = affine_map<(d0, d1) -> (0, 0)>
module attributes {stable_mosaic.version = 14 : i64} {
  func.func @k(%arg0: i32, %arg1: i32, %arg2: memref<6144xi32, #tpu.memory_space<hbm>>, %arg3: memref<6144xi32, #tpu.memory_space<hbm>>, %arg4: memref<6144xi32, #tpu.memory_space<hbm>>, %arg5: memref<2048x2048xf32, #tpu.memory_space<hbm>>, %arg6: memref<2048x16xf32, #tpu.memory_space<hbm>>, %arg7: memref<6144xi32, #tpu.memory_space<vmem>>, %arg8: memref<6144xi32, #tpu.memory_space<vmem>>, %arg9: memref<6144xi32, #tpu.memory_space<vmem>>, %arg10: memref<6160xi32, #tpu.memory_space<vmem>>, %arg11: memref<6160xi32, #tpu.memory_space<vmem>>, %arg12: memref<6160xi32, #tpu.memory_space<vmem>>, %arg13: memref<32x2048xf32, #tpu.memory_space<vmem>>, %arg14: memref<64x16xf32, #tpu.memory_space<vmem>>) attributes {dimension_semantics = [#tpu.dimension_semantics<core_parallel>, #tpu.dimension_semantics<subcore_parallel>], iteration_bounds = array<i64: 2, 16>, scalar_prefetch = 0 : i64, scratch_operands = 8 : i64, tpu.core_type = #tpu.core_type<sc_vector_subcore>, window_params = [{transform_indices = #map}, {transform_indices = #map}, {transform_indices = #map}, {transform_indices = #map1}, {transform_indices = #map1}]} {
    %mul3A = arith.constant 2 : i32
    %mul3A_0 = arith.muli %arg1, %mul3A : i32
    %add3A = arith.addi %mul3A_0, %arg0 : i32
    %mul3A_1 = arith.constant 64 : i32
    %mul3A_2 = arith.muli %add3A, %mul3A_1 : i32
    "tpu.region"() ({
      %run_scoped3A = tpu.sem_alloc : memref<!tpu.dma_semaphore, #tpu.memory_space<semaphore_mem>>
      tpu.enqueue_dma source(%arg2 : memref<6144xi32, #tpu.memory_space<hbm>>) target(%arg7 : memref<6144xi32, #tpu.memory_space<vmem>>) target_semaphore(%run_scoped3A : memref<!tpu.dma_semaphore, #tpu.memory_space<semaphore_mem>>)
      tpu.wait_dma2 semaphore(%run_scoped3A : memref<!tpu.dma_semaphore, #tpu.memory_space<semaphore_mem>>) src(%arg2 : memref<6144xi32, #tpu.memory_space<hbm>>) dst(%arg7 : memref<6144xi32, #tpu.memory_space<vmem>>)
      tpu.yield
    }) : () -> ()
    "tpu.region"() ({
      %run_scoped3A = tpu.sem_alloc : memref<!tpu.dma_semaphore, #tpu.memory_space<semaphore_mem>>
      tpu.enqueue_dma source(%arg3 : memref<6144xi32, #tpu.memory_space<hbm>>) target(%arg8 : memref<6144xi32, #tpu.memory_space<vmem>>) target_semaphore(%run_scoped3A : memref<!tpu.dma_semaphore, #tpu.memory_space<semaphore_mem>>)
      tpu.wait_dma2 semaphore(%run_scoped3A : memref<!tpu.dma_semaphore, #tpu.memory_space<semaphore_mem>>) src(%arg3 : memref<6144xi32, #tpu.memory_space<hbm>>) dst(%arg8 : memref<6144xi32, #tpu.memory_space<vmem>>)
      tpu.yield
    }) : () -> ()
    "tpu.region"() ({
      %run_scoped3A = tpu.sem_alloc : memref<!tpu.dma_semaphore, #tpu.memory_space<semaphore_mem>>
      tpu.enqueue_dma source(%arg4 : memref<6144xi32, #tpu.memory_space<hbm>>) target(%arg9 : memref<6144xi32, #tpu.memory_space<vmem>>) target_semaphore(%run_scoped3A : memref<!tpu.dma_semaphore, #tpu.memory_space<semaphore_mem>>)
      tpu.wait_dma2 semaphore(%run_scoped3A : memref<!tpu.dma_semaphore, #tpu.memory_space<semaphore_mem>>) src(%arg4 : memref<6144xi32, #tpu.memory_space<hbm>>) dst(%arg9 : memref<6144xi32, #tpu.memory_space<vmem>>)
      tpu.yield
    }) : () -> ()
    %scan3A = arith.constant 0 : i32
    %scan3A_3 = arith.constant 64 : i32
    %scan3A_4 = arith.addi %scan3A, %scan3A_3 : i32
    %scan3A_5 = arith.constant 1 : i32
    scf.for %scan3A_82 = %scan3A to %scan3A_4 step %scan3A_5  : i32 {
      %mul3A_83 = arith.constant 1 : i32
      %mul3A_84 = arith.muli %scan3A_82, %mul3A_83 : i32
      %add3A_85 = arith.constant 0 : i32
      %add3A_86 = arith.addi %add3A_85, %mul3A_84 : i32
      %broadcast_in_dim3A_87 = arith.constant 0.000000e+00 : f32
      %broadcast_in_dim3A_88 = vector.broadcast %broadcast_in_dim3A_87 : f32 to vector<16xf32>
      %swap3A = arith.index_cast %add3A_86 : i32 to index
      %swap3A_89 = arith.constant 0 : index
      %swap3A_90 = tpu.vector_load %arg14[%swap3A, %swap3A_89] {strides = array<i32>} : memref<64x16xf32, #tpu.memory_space<vmem>>, vector<16xf32>,
      tpu.vector_store %arg14[%swap3A, %swap3A_89], %broadcast_in_dim3A_88 {strides = array<i32>} : memref<64x16xf32, #tpu.memory_space<vmem>>, vector<16xf32>,
    }
    %scan3A_6 = arith.constant 64 : i32
    %iota3A = tpu.iota {dimensions = array<i32: 0>} : vector<16xi32>
    %broadcast_in_dim3A = arith.constant 1.000000e+00 : f32
    %broadcast_in_dim3A_7 = vector.broadcast %broadcast_in_dim3A : f32 to vector<16xf32>
    %scan3A_8 = arith.constant 0 : i32
    %scan3A_9 = arith.constant 0 : i32
    %scan3A_10 = arith.constant 384 : i32
    %scan3A_11 = arith.addi %scan3A_9, %scan3A_10 : i32
    %scan3A_12 = arith.constant 1 : i32
    %scan3A_13 = scf.for %scan3A_82 = %scan3A_9 to %scan3A_11 step %scan3A_12 iter_args(%scan3A_83 = %scan3A_8) -> (i32)  : i32 {
      %mul3A_84 = arith.constant 16 : i32
      %mul3A_85 = arith.muli %scan3A_82, %mul3A_84 : i32
      %get3A = arith.index_cast %mul3A_85 : i32 to index
      %get3A_86 = tpu.vector_load %arg8[%get3A] {strides = array<i32>} : memref<6144xi32, #tpu.memory_space<vmem>>, vector<16xi32>,
      %ge3A = vector.broadcast %mul3A_2 : i32 to vector<16xi32>
      %ge3A_87 = arith.cmpi sge, %get3A_86, %ge3A : vector<16xi32>
      %add3A_88 = arith.constant 64 : i32
      %add3A_89 = arith.addi %mul3A_2, %add3A_88 : i32
      %lt3A = vector.broadcast %add3A_89 : i32 to vector<16xi32>
      %lt3A_90 = arith.cmpi slt, %get3A_86, %lt3A : vector<16xi32>
      %and3A_91 = arith.andi %ge3A_87, %lt3A_90 : vector<16xi1>
      %swap3A = arith.index_cast %scan3A_83 : i32 to index
      %swap3A_92 = tpu.vector_load %arg11[%swap3A] masked %and3A_91 {strides = array<i32>} : memref<6160xi32, #tpu.memory_space<vmem>>, vector<16xi32>, vector<16xi1>
      tpu.vector_store %arg11[%swap3A], %get3A_86 masked %and3A_91 {strides = array<i32>} : memref<6160xi32, #tpu.memory_space<vmem>>, vector<16xi32>, vector<16xi1>
      %get3A_93 = arith.index_cast %mul3A_85 : i32 to index
      %get3A_94 = tpu.vector_load %arg7[%get3A_93] {strides = array<i32>} : memref<6144xi32, #tpu.memory_space<vmem>>, vector<16xi32>,
      %swap3A_95 = arith.index_cast %scan3A_83 : i32 to index
      %swap3A_96 = tpu.vector_load %arg10[%swap3A_95] masked %and3A_91 {strides = array<i32>} : memref<6160xi32, #tpu.memory_space<vmem>>, vector<16xi32>, vector<16xi1>
      tpu.vector_store %arg10[%swap3A_95], %get3A_94 masked %and3A_91 {strides = array<i32>} : memref<6160xi32, #tpu.memory_space<vmem>>, vector<16xi32>, vector<16xi1>
      %get3A_97 = arith.index_cast %mul3A_85 : i32 to index
      %get3A_98 = tpu.vector_load %arg9[%get3A_97] {strides = array<i32>} : memref<6144xi32, #tpu.memory_space<vmem>>, vector<16xi32>,
      %swap3A_99 = arith.index_cast %scan3A_83 : i32 to index
      %swap3A_100 = tpu.vector_load %arg12[%swap3A_99] masked %and3A_91 {strides = array<i32>} : memref<6160xi32, #tpu.memory_space<vmem>>, vector<16xi32>, vector<16xi1>
      tpu.vector_store %arg12[%swap3A_99], %get3A_98 masked %and3A_91 {strides = array<i32>} : memref<6160xi32, #tpu.memory_space<vmem>>, vector<16xi32>, vector<16xi1>
      %convert_element_type3A = arith.extui %and3A_91 : vector<16xi1> to vector<16xi32>
      %reduce_sum3A = arith.constant true
      %reduce_sum3A_101 = vector.broadcast %reduce_sum3A : i1 to vector<16xi1>
      %reduce_sum3A_102 = tpu.scan <sum>, %convert_element_type3A masked %reduce_sum3A_101 : vector<16xi32>, vector<16xi1> -> vector<16xi32>
      %reduce_sum3A_103 = vector.extract %reduce_sum3A_102[15] : i32 from vector<16xi32>
      %add3A_104 = arith.addi %scan3A_83, %reduce_sum3A_103 : i32
      scf.yield %add3A_104 : i32
    }
    %scan3A_14 = arith.constant 384 : i32
    %add3A_15 = arith.constant 15 : i32
    %add3A_16 = arith.addi %scan3A_13, %add3A_15 : i32
    %jit3A = arith.constant 16 : i32
    %div3A = arith.divsi %add3A_16, %jit3A : i32
    %sign3A = arith.constant 0 : i32
    %sign3A_17 = arith.cmpi sgt, %add3A_16, %sign3A : i32
    %sign3A_18 = arith.extui %sign3A_17 : i1 to i32
    %sign3A_19 = arith.constant 0 : i32
    %sign3A_20 = arith.cmpi slt, %add3A_16, %sign3A_19 : i32
    %sign3A_21 = arith.extui %sign3A_20 : i1 to i32
    %sign3A_22 = arith.subi %sign3A_18, %sign3A_21 : i32
    %sign3A_23 = arith.constant 0 : i32
    %sign3A_24 = arith.cmpi sgt, %jit3A, %sign3A_23 : i32
    %sign3A_25 = arith.extui %sign3A_24 : i1 to i32
    %sign3A_26 = arith.constant 0 : i32
    %sign3A_27 = arith.cmpi slt, %jit3A, %sign3A_26 : i32
    %sign3A_28 = arith.extui %sign3A_27 : i1 to i32
    %sign3A_29 = arith.subi %sign3A_25, %sign3A_28 : i32
    %ne3A = arith.cmpi ne, %sign3A_22, %sign3A_29 : i32
    %rem3A = arith.remsi %add3A_16, %jit3A : i32
    %ne3A_30 = arith.constant 0 : i32
    %ne3A_31 = arith.cmpi ne, %rem3A, %ne3A_30 : i32
    %and3A = arith.andi %ne3A, %ne3A_31 : i1
    %sub3A = arith.constant 1 : i32
    %sub3A_32 = arith.subi %div3A, %sub3A : i32
    %select_n3A = arith.select %and3A, %sub3A_32, %div3A : i32
    %while3A = arith.constant 0 : i32
    %while3A_33 = arith.constant 0 : i32
    %while3A_34 = arith.subi %select_n3A, %while3A : i32
    %while3A_35 = arith.addi %while3A, %while3A_34 : i32
    %while3A_36 = arith.constant 1 : i32
    %while3A_37 = arith.divsi %while3A_34, %while3A_36 : i32
    %while3A_38 = arith.muli %while3A_37, %while3A_36 : i32
    %while3A_39 = arith.addi %while3A, %while3A_38 : i32
    %while3A_40 = arith.constant 1 : i32
    %while3A_41 = scf.for %while3A_82 = %while3A to %while3A_39 step %while3A_40 iter_args(%while3A_83 = %while3A_33) -> (i32)  : i32 {
      %mul3A_84 = arith.constant 16 : i32
      %mul3A_85 = arith.muli %while3A_82, %mul3A_84 : i32
      %sub3A_86 = arith.subi %scan3A_13, %mul3A_85 : i32
      %lt3A = vector.broadcast %sub3A_86 : i32 to vector<16xi32>
      %lt3A_87 = arith.cmpi slt, %iota3A, %lt3A : vector<16xi32>
      %get3A = arith.index_cast %mul3A_85 : i32 to index
      %get3A_88 = tpu.vector_load %arg11[%get3A] {strides = array<i32>} : memref<6160xi32, #tpu.memory_space<vmem>>, vector<16xi32>,
      %get3A_89 = arith.index_cast %mul3A_85 : i32 to index
      %get3A_90 = tpu.vector_load %arg12[%get3A_89] {strides = array<i32>} : memref<6160xi32, #tpu.memory_space<vmem>>, vector<16xi32>,
      %sub3A_91 = vector.broadcast %mul3A_2 : i32 to vector<16xi32>
      %sub3A_92 = arith.subi %get3A_88, %sub3A_91 : vector<16xi32>
      %jit3A_93 = arith.constant 0 : i32
      %jit3A_94 = arith.constant 63 : i32
      %max3A = vector.broadcast %jit3A_93 : i32 to vector<16xi32>
      %max3A_95 = arith.maxsi %max3A, %sub3A_92 : vector<16xi32>
      %min3A = vector.broadcast %jit3A_94 : i32 to vector<16xi32>
      %min3A_96 = arith.minsi %min3A, %max3A_95 : vector<16xi32>
      %eq3A = arith.constant 0 : i32
      %eq3A_97 = vector.broadcast %eq3A : i32 to vector<16xi32>
      %eq3A_98 = arith.cmpi eq, %iota3A, %eq3A_97 : vector<16xi32>
      %and3A_99 = arith.andi %lt3A_87, %eq3A_98 : vector<16xi1>
      tpu.vector_store_idx %arg14[%min3A_96, %get3A_90], %broadcast_in_dim3A_7 masked %and3A_99 {add = true} : memref<64x16xf32, #tpu.memory_space<vmem>>[vector<16xi32>, vector<16xi32>], vector<16xf32>, vector<16xi1>
      %eq3A_100 = arith.constant 1 : i32
      %eq3A_101 = vector.broadcast %eq3A_100 : i32 to vector<16xi32>
      %eq3A_102 = arith.cmpi eq, %iota3A, %eq3A_101 : vector<16xi32>
      %and3A_103 = arith.andi %lt3A_87, %eq3A_102 : vector<16xi1>
      tpu.vector_store_idx %arg14[%min3A_96, %get3A_90], %broadcast_in_dim3A_7 masked %and3A_103 {add = true} : memref<64x16xf32, #tpu.memory_space<vmem>>[vector<16xi32>, vector<16xi32>], vector<16xf32>, vector<16xi1>
      %eq3A_104 = arith.constant 2 : i32
      %eq3A_105 = vector.broadcast %eq3A_104 : i32 to vector<16xi32>
      %eq3A_106 = arith.cmpi eq, %iota3A, %eq3A_105 : vector<16xi32>
      %and3A_107 = arith.andi %lt3A_87, %eq3A_106 : vector<16xi1>
      tpu.vector_store_idx %arg14[%min3A_96, %get3A_90], %broadcast_in_dim3A_7 masked %and3A_107 {add = true} : memref<64x16xf32, #tpu.memory_space<vmem>>[vector<16xi32>, vector<16xi32>], vector<16xf32>, vector<16xi1>
      %eq3A_108 = arith.constant 3 : i32
      %eq3A_109 = vector.broadcast %eq3A_108 : i32 to vector<16xi32>
      %eq3A_110 = arith.cmpi eq, %iota3A, %eq3A_109 : vector<16xi32>
      %and3A_111 = arith.andi %lt3A_87, %eq3A_110 : vector<16xi1>
      tpu.vector_store_idx %arg14[%min3A_96, %get3A_90], %broadcast_in_dim3A_7 masked %and3A_111 {add = true} : memref<64x16xf32, #tpu.memory_space<vmem>>[vector<16xi32>, vector<16xi32>], vector<16xf32>, vector<16xi1>
      %eq3A_112 = arith.constant 4 : i32
      %eq3A_113 = vector.broadcast %eq3A_112 : i32 to vector<16xi32>
      %eq3A_114 = arith.cmpi eq, %iota3A, %eq3A_113 : vector<16xi32>
      %and3A_115 = arith.andi %lt3A_87, %eq3A_114 : vector<16xi1>
      tpu.vector_store_idx %arg14[%min3A_96, %get3A_90], %broadcast_in_dim3A_7 masked %and3A_115 {add = true} : memref<64x16xf32, #tpu.memory_space<vmem>>[vector<16xi32>, vector<16xi32>], vector<16xf32>, vector<16xi1>
      %eq3A_116 = arith.constant 5 : i32
      %eq3A_117 = vector.broadcast %eq3A_116 : i32 to vector<16xi32>
      %eq3A_118 = arith.cmpi eq, %iota3A, %eq3A_117 : vector<16xi32>
      %and3A_119 = arith.andi %lt3A_87, %eq3A_118 : vector<16xi1>
      tpu.vector_store_idx %arg14[%min3A_96, %get3A_90], %broadcast_in_dim3A_7 masked %and3A_119 {add = true} : memref<64x16xf32, #tpu.memory_space<vmem>>[vector<16xi32>, vector<16xi32>], vector<16xf32>, vector<16xi1>
      %eq3A_120 = arith.constant 6 : i32
      %eq3A_121 = vector.broadcast %eq3A_120 : i32 to vector<16xi32>
      %eq3A_122 = arith.cmpi eq, %iota3A, %eq3A_121 : vector<16xi32>
      %and3A_123 = arith.andi %lt3A_87, %eq3A_122 : vector<16xi1>
      tpu.vector_store_idx %arg14[%min3A_96, %get3A_90], %broadcast_in_dim3A_7 masked %and3A_123 {add = true} : memref<64x16xf32, #tpu.memory_space<vmem>>[vector<16xi32>, vector<16xi32>], vector<16xf32>, vector<16xi1>
      %eq3A_124 = arith.constant 7 : i32
      %eq3A_125 = vector.broadcast %eq3A_124 : i32 to vector<16xi32>
      %eq3A_126 = arith.cmpi eq, %iota3A, %eq3A_125 : vector<16xi32>
      %and3A_127 = arith.andi %lt3A_87, %eq3A_126 : vector<16xi1>
      tpu.vector_store_idx %arg14[%min3A_96, %get3A_90], %broadcast_in_dim3A_7 masked %and3A_127 {add = true} : memref<64x16xf32, #tpu.memory_space<vmem>>[vector<16xi32>, vector<16xi32>], vector<16xf32>, vector<16xi1>
      %eq3A_128 = arith.constant 8 : i32
      %eq3A_129 = vector.broadcast %eq3A_128 : i32 to vector<16xi32>
      %eq3A_130 = arith.cmpi eq, %iota3A, %eq3A_129 : vector<16xi32>
      %and3A_131 = arith.andi %lt3A_87, %eq3A_130 : vector<16xi1>
      tpu.vector_store_idx %arg14[%min3A_96, %get3A_90], %broadcast_in_dim3A_7 masked %and3A_131 {add = true} : memref<64x16xf32, #tpu.memory_space<vmem>>[vector<16xi32>, vector<16xi32>], vector<16xf32>, vector<16xi1>
      %eq3A_132 = arith.constant 9 : i32
      %eq3A_133 = vector.broadcast %eq3A_132 : i32 to vector<16xi32>
      %eq3A_134 = arith.cmpi eq, %iota3A, %eq3A_133 : vector<16xi32>
      %and3A_135 = arith.andi %lt3A_87, %eq3A_134 : vector<16xi1>
      tpu.vector_store_idx %arg14[%min3A_96, %get3A_90], %broadcast_in_dim3A_7 masked %and3A_135 {add = true} : memref<64x16xf32, #tpu.memory_space<vmem>>[vector<16xi32>, vector<16xi32>], vector<16xf32>, vector<16xi1>
      %eq3A_136 = arith.constant 10 : i32
      %eq3A_137 = vector.broadcast %eq3A_136 : i32 to vector<16xi32>
      %eq3A_138 = arith.cmpi eq, %iota3A, %eq3A_137 : vector<16xi32>
      %and3A_139 = arith.andi %lt3A_87, %eq3A_138 : vector<16xi1>
      tpu.vector_store_idx %arg14[%min3A_96, %get3A_90], %broadcast_in_dim3A_7 masked %and3A_139 {add = true} : memref<64x16xf32, #tpu.memory_space<vmem>>[vector<16xi32>, vector<16xi32>], vector<16xf32>, vector<16xi1>
      %eq3A_140 = arith.constant 11 : i32
      %eq3A_141 = vector.broadcast %eq3A_140 : i32 to vector<16xi32>
      %eq3A_142 = arith.cmpi eq, %iota3A, %eq3A_141 : vector<16xi32>
      %and3A_143 = arith.andi %lt3A_87, %eq3A_142 : vector<16xi1>
      tpu.vector_store_idx %arg14[%min3A_96, %get3A_90], %broadcast_in_dim3A_7 masked %and3A_143 {add = true} : memref<64x16xf32, #tpu.memory_space<vmem>>[vector<16xi32>, vector<16xi32>], vector<16xf32>, vector<16xi1>
      %eq3A_144 = arith.constant 12 : i32
      %eq3A_145 = vector.broadcast %eq3A_144 : i32 to vector<16xi32>
      %eq3A_146 = arith.cmpi eq, %iota3A, %eq3A_145 : vector<16xi32>
      %and3A_147 = arith.andi %lt3A_87, %eq3A_146 : vector<16xi1>
      tpu.vector_store_idx %arg14[%min3A_96, %get3A_90], %broadcast_in_dim3A_7 masked %and3A_147 {add = true} : memref<64x16xf32, #tpu.memory_space<vmem>>[vector<16xi32>, vector<16xi32>], vector<16xf32>, vector<16xi1>
      %eq3A_148 = arith.constant 13 : i32
      %eq3A_149 = vector.broadcast %eq3A_148 : i32 to vector<16xi32>
      %eq3A_150 = arith.cmpi eq, %iota3A, %eq3A_149 : vector<16xi32>
      %and3A_151 = arith.andi %lt3A_87, %eq3A_150 : vector<16xi1>
      tpu.vector_store_idx %arg14[%min3A_96, %get3A_90], %broadcast_in_dim3A_7 masked %and3A_151 {add = true} : memref<64x16xf32, #tpu.memory_space<vmem>>[vector<16xi32>, vector<16xi32>], vector<16xf32>, vector<16xi1>
      %eq3A_152 = arith.constant 14 : i32
      %eq3A_153 = vector.broadcast %eq3A_152 : i32 to vector<16xi32>
      %eq3A_154 = arith.cmpi eq, %iota3A, %eq3A_153 : vector<16xi32>
      %and3A_155 = arith.andi %lt3A_87, %eq3A_154 : vector<16xi1>
      tpu.vector_store_idx %arg14[%min3A_96, %get3A_90], %broadcast_in_dim3A_7 masked %and3A_155 {add = true} : memref<64x16xf32, #tpu.memory_space<vmem>>[vector<16xi32>, vector<16xi32>], vector<16xf32>, vector<16xi1>
      %eq3A_156 = arith.constant 15 : i32
      %eq3A_157 = vector.broadcast %eq3A_156 : i32 to vector<16xi32>
      %eq3A_158 = arith.cmpi eq, %iota3A, %eq3A_157 : vector<16xi32>
      %and3A_159 = arith.andi %lt3A_87, %eq3A_158 : vector<16xi1>
      tpu.vector_store_idx %arg14[%min3A_96, %get3A_90], %broadcast_in_dim3A_7 masked %and3A_159 {add = true} : memref<64x16xf32, #tpu.memory_space<vmem>>[vector<16xi32>, vector<16xi32>], vector<16xf32>, vector<16xi1>
      %while3A_160 = arith.constant 0 : i32
      scf.yield %while3A_160 : i32
    }
    %while3A_42 = arith.constant 1 : i32
    %while3A_43 = scf.for %while3A_82 = %while3A_39 to %while3A_35 step %while3A_42 iter_args(%while3A_83 = %while3A_41) -> (i32)  : i32 {
      %mul3A_84 = arith.constant 16 : i32
      %mul3A_85 = arith.muli %while3A_82, %mul3A_84 : i32
      %sub3A_86 = arith.subi %scan3A_13, %mul3A_85 : i32
      %lt3A = vector.broadcast %sub3A_86 : i32 to vector<16xi32>
      %lt3A_87 = arith.cmpi slt, %iota3A, %lt3A : vector<16xi32>
      %get3A = arith.index_cast %mul3A_85 : i32 to index
      %get3A_88 = tpu.vector_load %arg11[%get3A] {strides = array<i32>} : memref<6160xi32, #tpu.memory_space<vmem>>, vector<16xi32>,
      %get3A_89 = arith.index_cast %mul3A_85 : i32 to index
      %get3A_90 = tpu.vector_load %arg12[%get3A_89] {strides = array<i32>} : memref<6160xi32, #tpu.memory_space<vmem>>, vector<16xi32>,
      %sub3A_91 = vector.broadcast %mul3A_2 : i32 to vector<16xi32>
      %sub3A_92 = arith.subi %get3A_88, %sub3A_91 : vector<16xi32>
      %jit3A_93 = arith.constant 0 : i32
      %jit3A_94 = arith.constant 63 : i32
      %max3A = vector.broadcast %jit3A_93 : i32 to vector<16xi32>
      %max3A_95 = arith.maxsi %max3A, %sub3A_92 : vector<16xi32>
      %min3A = vector.broadcast %jit3A_94 : i32 to vector<16xi32>
      %min3A_96 = arith.minsi %min3A, %max3A_95 : vector<16xi32>
      %eq3A = arith.constant 0 : i32
      %eq3A_97 = vector.broadcast %eq3A : i32 to vector<16xi32>
      %eq3A_98 = arith.cmpi eq, %iota3A, %eq3A_97 : vector<16xi32>
      %and3A_99 = arith.andi %lt3A_87, %eq3A_98 : vector<16xi1>
      tpu.vector_store_idx %arg14[%min3A_96, %get3A_90], %broadcast_in_dim3A_7 masked %and3A_99 {add = true} : memref<64x16xf32, #tpu.memory_space<vmem>>[vector<16xi32>, vector<16xi32>], vector<16xf32>, vector<16xi1>
      %eq3A_100 = arith.constant 1 : i32
      %eq3A_101 = vector.broadcast %eq3A_100 : i32 to vector<16xi32>
      %eq3A_102 = arith.cmpi eq, %iota3A, %eq3A_101 : vector<16xi32>
      %and3A_103 = arith.andi %lt3A_87, %eq3A_102 : vector<16xi1>
      tpu.vector_store_idx %arg14[%min3A_96, %get3A_90], %broadcast_in_dim3A_7 masked %and3A_103 {add = true} : memref<64x16xf32, #tpu.memory_space<vmem>>[vector<16xi32>, vector<16xi32>], vector<16xf32>, vector<16xi1>
      %eq3A_104 = arith.constant 2 : i32
      %eq3A_105 = vector.broadcast %eq3A_104 : i32 to vector<16xi32>
      %eq3A_106 = arith.cmpi eq, %iota3A, %eq3A_105 : vector<16xi32>
      %and3A_107 = arith.andi %lt3A_87, %eq3A_106 : vector<16xi1>
      tpu.vector_store_idx %arg14[%min3A_96, %get3A_90], %broadcast_in_dim3A_7 masked %and3A_107 {add = true} : memref<64x16xf32, #tpu.memory_space<vmem>>[vector<16xi32>, vector<16xi32>], vector<16xf32>, vector<16xi1>
      %eq3A_108 = arith.constant 3 : i32
      %eq3A_109 = vector.broadcast %eq3A_108 : i32 to vector<16xi32>
      %eq3A_110 = arith.cmpi eq, %iota3A, %eq3A_109 : vector<16xi32>
      %and3A_111 = arith.andi %lt3A_87, %eq3A_110 : vector<16xi1>
      tpu.vector_store_idx %arg14[%min3A_96, %get3A_90], %broadcast_in_dim3A_7 masked %and3A_111 {add = true} : memref<64x16xf32, #tpu.memory_space<vmem>>[vector<16xi32>, vector<16xi32>], vector<16xf32>, vector<16xi1>
      %eq3A_112 = arith.constant 4 : i32
      %eq3A_113 = vector.broadcast %eq3A_112 : i32 to vector<16xi32>
      %eq3A_114 = arith.cmpi eq, %iota3A, %eq3A_113 : vector<16xi32>
      %and3A_115 = arith.andi %lt3A_87, %eq3A_114 : vector<16xi1>
      tpu.vector_store_idx %arg14[%min3A_96, %get3A_90], %broadcast_in_dim3A_7 masked %and3A_115 {add = true} : memref<64x16xf32, #tpu.memory_space<vmem>>[vector<16xi32>, vector<16xi32>], vector<16xf32>, vector<16xi1>
      %eq3A_116 = arith.constant 5 : i32
      %eq3A_117 = vector.broadcast %eq3A_116 : i32 to vector<16xi32>
      %eq3A_118 = arith.cmpi eq, %iota3A, %eq3A_117 : vector<16xi32>
      %and3A_119 = arith.andi %lt3A_87, %eq3A_118 : vector<16xi1>
      tpu.vector_store_idx %arg14[%min3A_96, %get3A_90], %broadcast_in_dim3A_7 masked %and3A_119 {add = true} : memref<64x16xf32, #tpu.memory_space<vmem>>[vector<16xi32>, vector<16xi32>], vector<16xf32>, vector<16xi1>
      %eq3A_120 = arith.constant 6 : i32
      %eq3A_121 = vector.broadcast %eq3A_120 : i32 to vector<16xi32>
      %eq3A_122 = arith.cmpi eq, %iota3A, %eq3A_121 : vector<16xi32>
      %and3A_123 = arith.andi %lt3A_87, %eq3A_122 : vector<16xi1>
      tpu.vector_store_idx %arg14[%min3A_96, %get3A_90], %broadcast_in_dim3A_7 masked %and3A_123 {add = true} : memref<64x16xf32, #tpu.memory_space<vmem>>[vector<16xi32>, vector<16xi32>], vector<16xf32>, vector<16xi1>
      %eq3A_124 = arith.constant 7 : i32
      %eq3A_125 = vector.broadcast %eq3A_124 : i32 to vector<16xi32>
      %eq3A_126 = arith.cmpi eq, %iota3A, %eq3A_125 : vector<16xi32>
      %and3A_127 = arith.andi %lt3A_87, %eq3A_126 : vector<16xi1>
      tpu.vector_store_idx %arg14[%min3A_96, %get3A_90], %broadcast_in_dim3A_7 masked %and3A_127 {add = true} : memref<64x16xf32, #tpu.memory_space<vmem>>[vector<16xi32>, vector<16xi32>], vector<16xf32>, vector<16xi1>
      %eq3A_128 = arith.constant 8 : i32
      %eq3A_129 = vector.broadcast %eq3A_128 : i32 to vector<16xi32>
      %eq3A_130 = arith.cmpi eq, %iota3A, %eq3A_129 : vector<16xi32>
      %and3A_131 = arith.andi %lt3A_87, %eq3A_130 : vector<16xi1>
      tpu.vector_store_idx %arg14[%min3A_96, %get3A_90], %broadcast_in_dim3A_7 masked %and3A_131 {add = true} : memref<64x16xf32, #tpu.memory_space<vmem>>[vector<16xi32>, vector<16xi32>], vector<16xf32>, vector<16xi1>
      %eq3A_132 = arith.constant 9 : i32
      %eq3A_133 = vector.broadcast %eq3A_132 : i32 to vector<16xi32>
      %eq3A_134 = arith.cmpi eq, %iota3A, %eq3A_133 : vector<16xi32>
      %and3A_135 = arith.andi %lt3A_87, %eq3A_134 : vector<16xi1>
      tpu.vector_store_idx %arg14[%min3A_96, %get3A_90], %broadcast_in_dim3A_7 masked %and3A_135 {add = true} : memref<64x16xf32, #tpu.memory_space<vmem>>[vector<16xi32>, vector<16xi32>], vector<16xf32>, vector<16xi1>
      %eq3A_136 = arith.constant 10 : i32
      %eq3A_137 = vector.broadcast %eq3A_136 : i32 to vector<16xi32>
      %eq3A_138 = arith.cmpi eq, %iota3A, %eq3A_137 : vector<16xi32>
      %and3A_139 = arith.andi %lt3A_87, %eq3A_138 : vector<16xi1>
      tpu.vector_store_idx %arg14[%min3A_96, %get3A_90], %broadcast_in_dim3A_7 masked %and3A_139 {add = true} : memref<64x16xf32, #tpu.memory_space<vmem>>[vector<16xi32>, vector<16xi32>], vector<16xf32>, vector<16xi1>
      %eq3A_140 = arith.constant 11 : i32
      %eq3A_141 = vector.broadcast %eq3A_140 : i32 to vector<16xi32>
      %eq3A_142 = arith.cmpi eq, %iota3A, %eq3A_141 : vector<16xi32>
      %and3A_143 = arith.andi %lt3A_87, %eq3A_142 : vector<16xi1>
      tpu.vector_store_idx %arg14[%min3A_96, %get3A_90], %broadcast_in_dim3A_7 masked %and3A_143 {add = true} : memref<64x16xf32, #tpu.memory_space<vmem>>[vector<16xi32>, vector<16xi32>], vector<16xf32>, vector<16xi1>
      %eq3A_144 = arith.constant 12 : i32
      %eq3A_145 = vector.broadcast %eq3A_144 : i32 to vector<16xi32>
      %eq3A_146 = arith.cmpi eq, %iota3A, %eq3A_145 : vector<16xi32>
      %and3A_147 = arith.andi %lt3A_87, %eq3A_146 : vector<16xi1>
      tpu.vector_store_idx %arg14[%min3A_96, %get3A_90], %broadcast_in_dim3A_7 masked %and3A_147 {add = true} : memref<64x16xf32, #tpu.memory_space<vmem>>[vector<16xi32>, vector<16xi32>], vector<16xf32>, vector<16xi1>
      %eq3A_148 = arith.constant 13 : i32
      %eq3A_149 = vector.broadcast %eq3A_148 : i32 to vector<16xi32>
      %eq3A_150 = arith.cmpi eq, %iota3A, %eq3A_149 : vector<16xi32>
      %and3A_151 = arith.andi %lt3A_87, %eq3A_150 : vector<16xi1>
      tpu.vector_store_idx %arg14[%min3A_96, %get3A_90], %broadcast_in_dim3A_7 masked %and3A_151 {add = true} : memref<64x16xf32, #tpu.memory_space<vmem>>[vector<16xi32>, vector<16xi32>], vector<16xf32>, vector<16xi1>
      %eq3A_152 = arith.constant 14 : i32
      %eq3A_153 = vector.broadcast %eq3A_152 : i32 to vector<16xi32>
      %eq3A_154 = arith.cmpi eq, %iota3A, %eq3A_153 : vector<16xi32>
      %and3A_155 = arith.andi %lt3A_87, %eq3A_154 : vector<16xi1>
      tpu.vector_store_idx %arg14[%min3A_96, %get3A_90], %broadcast_in_dim3A_7 masked %and3A_155 {add = true} : memref<64x16xf32, #tpu.memory_space<vmem>>[vector<16xi32>, vector<16xi32>], vector<16xf32>, vector<16xi1>
      %eq3A_156 = arith.constant 15 : i32
      %eq3A_157 = vector.broadcast %eq3A_156 : i32 to vector<16xi32>
      %eq3A_158 = arith.cmpi eq, %iota3A, %eq3A_157 : vector<16xi32>
      %and3A_159 = arith.andi %lt3A_87, %eq3A_158 : vector<16xi1>
      tpu.vector_store_idx %arg14[%min3A_96, %get3A_90], %broadcast_in_dim3A_7 masked %and3A_159 {add = true} : memref<64x16xf32, #tpu.memory_space<vmem>>[vector<16xi32>, vector<16xi32>], vector<16xf32>, vector<16xi1>
      %while3A_160 = arith.constant 0 : i32
      scf.yield %while3A_160 : i32
    }
    %add3A_44 = arith.constant 0 : i32
    %add3A_45 = arith.addi %mul3A_2, %add3A_44 : i32
    %scan3A_46 = arith.constant 0 : i32
    %scan3A_47 = arith.constant 32 : i32
    %scan3A_48 = arith.addi %scan3A_46, %scan3A_47 : i32
    %scan3A_49 = arith.constant 1 : i32
    scf.for %scan3A_82 = %scan3A_46 to %scan3A_48 step %scan3A_49  : i32 {
      %mul3A_83 = arith.constant 1 : i32
      %mul3A_84 = arith.muli %scan3A_82, %mul3A_83 : i32
      %add3A_85 = arith.constant 0 : i32
      %add3A_86 = arith.addi %add3A_85, %mul3A_84 : i32
      %scan3A_87 = arith.constant 0 : i32
      %scan3A_88 = arith.constant 128 : i32
      %scan3A_89 = arith.addi %scan3A_87, %scan3A_88 : i32
      %scan3A_90 = arith.constant 1 : i32
      scf.for %scan3A_92 = %scan3A_87 to %scan3A_89 step %scan3A_90  : i32 {
        %mul3A_93 = arith.constant 16 : i32
        %mul3A_94 = arith.muli %scan3A_92, %mul3A_93 : i32
        %add3A_95 = arith.constant 0 : i32
        %add3A_96 = arith.addi %add3A_95, %mul3A_94 : i32
        %broadcast_in_dim3A_97 = arith.constant 0.000000e+00 : f32
        %broadcast_in_dim3A_98 = vector.broadcast %broadcast_in_dim3A_97 : f32 to vector<16xf32>
        %swap3A = arith.index_cast %add3A_86 : i32 to index
        %swap3A_99 = arith.index_cast %add3A_96 : i32 to index
        %swap3A_100 = tpu.vector_load %arg13[%swap3A, %swap3A_99] {strides = array<i32>} : memref<32x2048xf32, #tpu.memory_space<vmem>>, vector<16xf32>,
        tpu.vector_store %arg13[%swap3A, %swap3A_99], %broadcast_in_dim3A_98 {strides = array<i32>} : memref<32x2048xf32, #tpu.memory_space<vmem>>, vector<16xf32>,
      }
      %scan3A_91 = arith.constant 128 : i32
    }
    %scan3A_50 = arith.constant 32 : i32
    %while3A_51 = arith.constant 0 : i32
    %while3A_52 = arith.constant 0 : i32
    %while3A_53 = arith.subi %select_n3A, %while3A_51 : i32
    %while3A_54 = arith.addi %while3A_51, %while3A_53 : i32
    %while3A_55 = arith.constant 1 : i32
    %while3A_56 = arith.divsi %while3A_53, %while3A_55 : i32
    %while3A_57 = arith.muli %while3A_56, %while3A_55 : i32
    %while3A_58 = arith.addi %while3A_51, %while3A_57 : i32
    %while3A_59 = arith.constant 1 : i32
    %while3A_60 = scf.for %while3A_82 = %while3A_51 to %while3A_58 step %while3A_59 iter_args(%while3A_83 = %while3A_52) -> (i32)  : i32 {
      %mul3A_84 = arith.constant 16 : i32
      %mul3A_85 = arith.muli %while3A_82, %mul3A_84 : i32
      %sub3A_86 = arith.subi %scan3A_13, %mul3A_85 : i32
      %lt3A = vector.broadcast %sub3A_86 : i32 to vector<16xi32>
      %lt3A_87 = arith.cmpi slt, %iota3A, %lt3A : vector<16xi32>
      %get3A = arith.index_cast %mul3A_85 : i32 to index
      %get3A_88 = tpu.vector_load %arg11[%get3A] {strides = array<i32>} : memref<6160xi32, #tpu.memory_space<vmem>>, vector<16xi32>,
      %get3A_89 = arith.index_cast %mul3A_85 : i32 to index
      %get3A_90 = tpu.vector_load %arg10[%get3A_89] {strides = array<i32>} : memref<6160xi32, #tpu.memory_space<vmem>>, vector<16xi32>,
      %ge3A = vector.broadcast %add3A_45 : i32 to vector<16xi32>
      %ge3A_91 = arith.cmpi sge, %get3A_88, %ge3A : vector<16xi32>
      %and3A_92 = arith.andi %lt3A_87, %ge3A_91 : vector<16xi1>
      %add3A_93 = arith.constant 32 : i32
      %add3A_94 = arith.addi %add3A_45, %add3A_93 : i32
      %lt3A_95 = vector.broadcast %add3A_94 : i32 to vector<16xi32>
      %lt3A_96 = arith.cmpi slt, %get3A_88, %lt3A_95 : vector<16xi32>
      %and3A_97 = arith.andi %and3A_92, %lt3A_96 : vector<16xi1>
      %sub3A_98 = vector.broadcast %add3A_45 : i32 to vector<16xi32>
      %sub3A_99 = arith.subi %get3A_88, %sub3A_98 : vector<16xi32>
      %jit3A_100 = arith.constant 0 : i32
      %jit3A_101 = arith.constant 31 : i32
      %max3A = vector.broadcast %jit3A_100 : i32 to vector<16xi32>
      %max3A_102 = arith.maxsi %max3A, %sub3A_99 : vector<16xi32>
      %min3A = vector.broadcast %jit3A_101 : i32 to vector<16xi32>
      %min3A_103 = arith.minsi %min3A, %max3A_102 : vector<16xi32>
      %eq3A = arith.constant 0 : i32
      %eq3A_104 = vector.broadcast %eq3A : i32 to vector<16xi32>
      %eq3A_105 = arith.cmpi eq, %iota3A, %eq3A_104 : vector<16xi32>
      %and3A_106 = arith.andi %and3A_97, %eq3A_105 : vector<16xi1>
      tpu.vector_store_idx %arg13[%min3A_103, %get3A_90], %broadcast_in_dim3A_7 masked %and3A_106 {add = true} : memref<32x2048xf32, #tpu.memory_space<vmem>>[vector<16xi32>, vector<16xi32>], vector<16xf32>, vector<16xi1>
      %eq3A_107 = arith.constant 1 : i32
      %eq3A_108 = vector.broadcast %eq3A_107 : i32 to vector<16xi32>
      %eq3A_109 = arith.cmpi eq, %iota3A, %eq3A_108 : vector<16xi32>
      %and3A_110 = arith.andi %and3A_97, %eq3A_109 : vector<16xi1>
      tpu.vector_store_idx %arg13[%min3A_103, %get3A_90], %broadcast_in_dim3A_7 masked %and3A_110 {add = true} : memref<32x2048xf32, #tpu.memory_space<vmem>>[vector<16xi32>, vector<16xi32>], vector<16xf32>, vector<16xi1>
      %eq3A_111 = arith.constant 2 : i32
      %eq3A_112 = vector.broadcast %eq3A_111 : i32 to vector<16xi32>
      %eq3A_113 = arith.cmpi eq, %iota3A, %eq3A_112 : vector<16xi32>
      %and3A_114 = arith.andi %and3A_97, %eq3A_113 : vector<16xi1>
      tpu.vector_store_idx %arg13[%min3A_103, %get3A_90], %broadcast_in_dim3A_7 masked %and3A_114 {add = true} : memref<32x2048xf32, #tpu.memory_space<vmem>>[vector<16xi32>, vector<16xi32>], vector<16xf32>, vector<16xi1>
      %eq3A_115 = arith.constant 3 : i32
      %eq3A_116 = vector.broadcast %eq3A_115 : i32 to vector<16xi32>
      %eq3A_117 = arith.cmpi eq, %iota3A, %eq3A_116 : vector<16xi32>
      %and3A_118 = arith.andi %and3A_97, %eq3A_117 : vector<16xi1>
      tpu.vector_store_idx %arg13[%min3A_103, %get3A_90], %broadcast_in_dim3A_7 masked %and3A_118 {add = true} : memref<32x2048xf32, #tpu.memory_space<vmem>>[vector<16xi32>, vector<16xi32>], vector<16xf32>, vector<16xi1>
      %eq3A_119 = arith.constant 4 : i32
      %eq3A_120 = vector.broadcast %eq3A_119 : i32 to vector<16xi32>
      %eq3A_121 = arith.cmpi eq, %iota3A, %eq3A_120 : vector<16xi32>
      %and3A_122 = arith.andi %and3A_97, %eq3A_121 : vector<16xi1>
      tpu.vector_store_idx %arg13[%min3A_103, %get3A_90], %broadcast_in_dim3A_7 masked %and3A_122 {add = true} : memref<32x2048xf32, #tpu.memory_space<vmem>>[vector<16xi32>, vector<16xi32>], vector<16xf32>, vector<16xi1>
      %eq3A_123 = arith.constant 5 : i32
      %eq3A_124 = vector.broadcast %eq3A_123 : i32 to vector<16xi32>
      %eq3A_125 = arith.cmpi eq, %iota3A, %eq3A_124 : vector<16xi32>
      %and3A_126 = arith.andi %and3A_97, %eq3A_125 : vector<16xi1>
      tpu.vector_store_idx %arg13[%min3A_103, %get3A_90], %broadcast_in_dim3A_7 masked %and3A_126 {add = true} : memref<32x2048xf32, #tpu.memory_space<vmem>>[vector<16xi32>, vector<16xi32>], vector<16xf32>, vector<16xi1>
      %eq3A_127 = arith.constant 6 : i32
      %eq3A_128 = vector.broadcast %eq3A_127 : i32 to vector<16xi32>
      %eq3A_129 = arith.cmpi eq, %iota3A, %eq3A_128 : vector<16xi32>
      %and3A_130 = arith.andi %and3A_97, %eq3A_129 : vector<16xi1>
      tpu.vector_store_idx %arg13[%min3A_103, %get3A_90], %broadcast_in_dim3A_7 masked %and3A_130 {add = true} : memref<32x2048xf32, #tpu.memory_space<vmem>>[vector<16xi32>, vector<16xi32>], vector<16xf32>, vector<16xi1>
      %eq3A_131 = arith.constant 7 : i32
      %eq3A_132 = vector.broadcast %eq3A_131 : i32 to vector<16xi32>
      %eq3A_133 = arith.cmpi eq, %iota3A, %eq3A_132 : vector<16xi32>
      %and3A_134 = arith.andi %and3A_97, %eq3A_133 : vector<16xi1>
      tpu.vector_store_idx %arg13[%min3A_103, %get3A_90], %broadcast_in_dim3A_7 masked %and3A_134 {add = true} : memref<32x2048xf32, #tpu.memory_space<vmem>>[vector<16xi32>, vector<16xi32>], vector<16xf32>, vector<16xi1>
      %eq3A_135 = arith.constant 8 : i32
      %eq3A_136 = vector.broadcast %eq3A_135 : i32 to vector<16xi32>
      %eq3A_137 = arith.cmpi eq, %iota3A, %eq3A_136 : vector<16xi32>
      %and3A_138 = arith.andi %and3A_97, %eq3A_137 : vector<16xi1>
      tpu.vector_store_idx %arg13[%min3A_103, %get3A_90], %broadcast_in_dim3A_7 masked %and3A_138 {add = true} : memref<32x2048xf32, #tpu.memory_space<vmem>>[vector<16xi32>, vector<16xi32>], vector<16xf32>, vector<16xi1>
      %eq3A_139 = arith.constant 9 : i32
      %eq3A_140 = vector.broadcast %eq3A_139 : i32 to vector<16xi32>
      %eq3A_141 = arith.cmpi eq, %iota3A, %eq3A_140 : vector<16xi32>
      %and3A_142 = arith.andi %and3A_97, %eq3A_141 : vector<16xi1>
      tpu.vector_store_idx %arg13[%min3A_103, %get3A_90], %broadcast_in_dim3A_7 masked %and3A_142 {add = true} : memref<32x2048xf32, #tpu.memory_space<vmem>>[vector<16xi32>, vector<16xi32>], vector<16xf32>, vector<16xi1>
      %eq3A_143 = arith.constant 10 : i32
      %eq3A_144 = vector.broadcast %eq3A_143 : i32 to vector<16xi32>
      %eq3A_145 = arith.cmpi eq, %iota3A, %eq3A_144 : vector<16xi32>
      %and3A_146 = arith.andi %and3A_97, %eq3A_145 : vector<16xi1>
      tpu.vector_store_idx %arg13[%min3A_103, %get3A_90], %broadcast_in_dim3A_7 masked %and3A_146 {add = true} : memref<32x2048xf32, #tpu.memory_space<vmem>>[vector<16xi32>, vector<16xi32>], vector<16xf32>, vector<16xi1>
      %eq3A_147 = arith.constant 11 : i32
      %eq3A_148 = vector.broadcast %eq3A_147 : i32 to vector<16xi32>
      %eq3A_149 = arith.cmpi eq, %iota3A, %eq3A_148 : vector<16xi32>
      %and3A_150 = arith.andi %and3A_97, %eq3A_149 : vector<16xi1>
      tpu.vector_store_idx %arg13[%min3A_103, %get3A_90], %broadcast_in_dim3A_7 masked %and3A_150 {add = true} : memref<32x2048xf32, #tpu.memory_space<vmem>>[vector<16xi32>, vector<16xi32>], vector<16xf32>, vector<16xi1>
      %eq3A_151 = arith.constant 12 : i32
      %eq3A_152 = vector.broadcast %eq3A_151 : i32 to vector<16xi32>
      %eq3A_153 = arith.cmpi eq, %iota3A, %eq3A_152 : vector<16xi32>
      %and3A_154 = arith.andi %and3A_97, %eq3A_153 : vector<16xi1>
      tpu.vector_store_idx %arg13[%min3A_103, %get3A_90], %broadcast_in_dim3A_7 masked %and3A_154 {add = true} : memref<32x2048xf32, #tpu.memory_space<vmem>>[vector<16xi32>, vector<16xi32>], vector<16xf32>, vector<16xi1>
      %eq3A_155 = arith.constant 13 : i32
      %eq3A_156 = vector.broadcast %eq3A_155 : i32 to vector<16xi32>
      %eq3A_157 = arith.cmpi eq, %iota3A, %eq3A_156 : vector<16xi32>
      %and3A_158 = arith.andi %and3A_97, %eq3A_157 : vector<16xi1>
      tpu.vector_store_idx %arg13[%min3A_103, %get3A_90], %broadcast_in_dim3A_7 masked %and3A_158 {add = true} : memref<32x2048xf32, #tpu.memory_space<vmem>>[vector<16xi32>, vector<16xi32>], vector<16xf32>, vector<16xi1>
      %eq3A_159 = arith.constant 14 : i32
      %eq3A_160 = vector.broadcast %eq3A_159 : i32 to vector<16xi32>
      %eq3A_161 = arith.cmpi eq, %iota3A, %eq3A_160 : vector<16xi32>
      %and3A_162 = arith.andi %and3A_97, %eq3A_161 : vector<16xi1>
      tpu.vector_store_idx %arg13[%min3A_103, %get3A_90], %broadcast_in_dim3A_7 masked %and3A_162 {add = true} : memref<32x2048xf32, #tpu.memory_space<vmem>>[vector<16xi32>, vector<16xi32>], vector<16xf32>, vector<16xi1>
      %eq3A_163 = arith.constant 15 : i32
      %eq3A_164 = vector.broadcast %eq3A_163 : i32 to vector<16xi32>
      %eq3A_165 = arith.cmpi eq, %iota3A, %eq3A_164 : vector<16xi32>
      %and3A_166 = arith.andi %and3A_97, %eq3A_165 : vector<16xi1>
      tpu.vector_store_idx %arg13[%min3A_103, %get3A_90], %broadcast_in_dim3A_7 masked %and3A_166 {add = true} : memref<32x2048xf32, #tpu.memory_space<vmem>>[vector<16xi32>, vector<16xi32>], vector<16xf32>, vector<16xi1>
      %while3A_167 = arith.constant 0 : i32
      scf.yield %while3A_167 : i32
    }
    %while3A_61 = arith.constant 1 : i32
    %while3A_62 = scf.for %while3A_82 = %while3A_58 to %while3A_54 step %while3A_61 iter_args(%while3A_83 = %while3A_60) -> (i32)  : i32 {
      %mul3A_84 = arith.constant 16 : i32
      %mul3A_85 = arith.muli %while3A_82, %mul3A_84 : i32
      %sub3A_86 = arith.subi %scan3A_13, %mul3A_85 : i32
      %lt3A = vector.broadcast %sub3A_86 : i32 to vector<16xi32>
      %lt3A_87 = arith.cmpi slt, %iota3A, %lt3A : vector<16xi32>
      %get3A = arith.index_cast %mul3A_85 : i32 to index
      %get3A_88 = tpu.vector_load %arg11[%get3A] {strides = array<i32>} : memref<6160xi32, #tpu.memory_space<vmem>>, vector<16xi32>,
      %get3A_89 = arith.index_cast %mul3A_85 : i32 to index
      %get3A_90 = tpu.vector_load %arg10[%get3A_89] {strides = array<i32>} : memref<6160xi32, #tpu.memory_space<vmem>>, vector<16xi32>,
      %ge3A = vector.broadcast %add3A_45 : i32 to vector<16xi32>
      %ge3A_91 = arith.cmpi sge, %get3A_88, %ge3A : vector<16xi32>
      %and3A_92 = arith.andi %lt3A_87, %ge3A_91 : vector<16xi1>
      %add3A_93 = arith.constant 32 : i32
      %add3A_94 = arith.addi %add3A_45, %add3A_93 : i32
      %lt3A_95 = vector.broadcast %add3A_94 : i32 to vector<16xi32>
      %lt3A_96 = arith.cmpi slt, %get3A_88, %lt3A_95 : vector<16xi32>
      %and3A_97 = arith.andi %and3A_92, %lt3A_96 : vector<16xi1>
      %sub3A_98 = vector.broadcast %add3A_45 : i32 to vector<16xi32>
      %sub3A_99 = arith.subi %get3A_88, %sub3A_98 : vector<16xi32>
      %jit3A_100 = arith.constant 0 : i32
      %jit3A_101 = arith.constant 31 : i32
      %max3A = vector.broadcast %jit3A_100 : i32 to vector<16xi32>
      %max3A_102 = arith.maxsi %max3A, %sub3A_99 : vector<16xi32>
      %min3A = vector.broadcast %jit3A_101 : i32 to vector<16xi32>
      %min3A_103 = arith.minsi %min3A, %max3A_102 : vector<16xi32>
      %eq3A = arith.constant 0 : i32
      %eq3A_104 = vector.broadcast %eq3A : i32 to vector<16xi32>
      %eq3A_105 = arith.cmpi eq, %iota3A, %eq3A_104 : vector<16xi32>
      %and3A_106 = arith.andi %and3A_97, %eq3A_105 : vector<16xi1>
      tpu.vector_store_idx %arg13[%min3A_103, %get3A_90], %broadcast_in_dim3A_7 masked %and3A_106 {add = true} : memref<32x2048xf32, #tpu.memory_space<vmem>>[vector<16xi32>, vector<16xi32>], vector<16xf32>, vector<16xi1>
      %eq3A_107 = arith.constant 1 : i32
      %eq3A_108 = vector.broadcast %eq3A_107 : i32 to vector<16xi32>
      %eq3A_109 = arith.cmpi eq, %iota3A, %eq3A_108 : vector<16xi32>
      %and3A_110 = arith.andi %and3A_97, %eq3A_109 : vector<16xi1>
      tpu.vector_store_idx %arg13[%min3A_103, %get3A_90], %broadcast_in_dim3A_7 masked %and3A_110 {add = true} : memref<32x2048xf32, #tpu.memory_space<vmem>>[vector<16xi32>, vector<16xi32>], vector<16xf32>, vector<16xi1>
      %eq3A_111 = arith.constant 2 : i32
      %eq3A_112 = vector.broadcast %eq3A_111 : i32 to vector<16xi32>
      %eq3A_113 = arith.cmpi eq, %iota3A, %eq3A_112 : vector<16xi32>
      %and3A_114 = arith.andi %and3A_97, %eq3A_113 : vector<16xi1>
      tpu.vector_store_idx %arg13[%min3A_103, %get3A_90], %broadcast_in_dim3A_7 masked %and3A_114 {add = true} : memref<32x2048xf32, #tpu.memory_space<vmem>>[vector<16xi32>, vector<16xi32>], vector<16xf32>, vector<16xi1>
      %eq3A_115 = arith.constant 3 : i32
      %eq3A_116 = vector.broadcast %eq3A_115 : i32 to vector<16xi32>
      %eq3A_117 = arith.cmpi eq, %iota3A, %eq3A_116 : vector<16xi32>
      %and3A_118 = arith.andi %and3A_97, %eq3A_117 : vector<16xi1>
      tpu.vector_store_idx %arg13[%min3A_103, %get3A_90], %broadcast_in_dim3A_7 masked %and3A_118 {add = true} : memref<32x2048xf32, #tpu.memory_space<vmem>>[vector<16xi32>, vector<16xi32>], vector<16xf32>, vector<16xi1>
      %eq3A_119 = arith.constant 4 : i32
      %eq3A_120 = vector.broadcast %eq3A_119 : i32 to vector<16xi32>
      %eq3A_121 = arith.cmpi eq, %iota3A, %eq3A_120 : vector<16xi32>
      %and3A_122 = arith.andi %and3A_97, %eq3A_121 : vector<16xi1>
      tpu.vector_store_idx %arg13[%min3A_103, %get3A_90], %broadcast_in_dim3A_7 masked %and3A_122 {add = true} : memref<32x2048xf32, #tpu.memory_space<vmem>>[vector<16xi32>, vector<16xi32>], vector<16xf32>, vector<16xi1>
      %eq3A_123 = arith.constant 5 : i32
      %eq3A_124 = vector.broadcast %eq3A_123 : i32 to vector<16xi32>
      %eq3A_125 = arith.cmpi eq, %iota3A, %eq3A_124 : vector<16xi32>
      %and3A_126 = arith.andi %and3A_97, %eq3A_125 : vector<16xi1>
      tpu.vector_store_idx %arg13[%min3A_103, %get3A_90], %broadcast_in_dim3A_7 masked %and3A_126 {add = true} : memref<32x2048xf32, #tpu.memory_space<vmem>>[vector<16xi32>, vector<16xi32>], vector<16xf32>, vector<16xi1>
      %eq3A_127 = arith.constant 6 : i32
      %eq3A_128 = vector.broadcast %eq3A_127 : i32 to vector<16xi32>
      %eq3A_129 = arith.cmpi eq, %iota3A, %eq3A_128 : vector<16xi32>
      %and3A_130 = arith.andi %and3A_97, %eq3A_129 : vector<16xi1>
      tpu.vector_store_idx %arg13[%min3A_103, %get3A_90], %broadcast_in_dim3A_7 masked %and3A_130 {add = true} : memref<32x2048xf32, #tpu.memory_space<vmem>>[vector<16xi32>, vector<16xi32>], vector<16xf32>, vector<16xi1>
      %eq3A_131 = arith.constant 7 : i32
      %eq3A_132 = vector.broadcast %eq3A_131 : i32 to vector<16xi32>
      %eq3A_133 = arith.cmpi eq, %iota3A, %eq3A_132 : vector<16xi32>
      %and3A_134 = arith.andi %and3A_97, %eq3A_133 : vector<16xi1>
      tpu.vector_store_idx %arg13[%min3A_103, %get3A_90], %broadcast_in_dim3A_7 masked %and3A_134 {add = true} : memref<32x2048xf32, #tpu.memory_space<vmem>>[vector<16xi32>, vector<16xi32>], vector<16xf32>, vector<16xi1>
      %eq3A_135 = arith.constant 8 : i32
      %eq3A_136 = vector.broadcast %eq3A_135 : i32 to vector<16xi32>
      %eq3A_137 = arith.cmpi eq, %iota3A, %eq3A_136 : vector<16xi32>
      %and3A_138 = arith.andi %and3A_97, %eq3A_137 : vector<16xi1>
      tpu.vector_store_idx %arg13[%min3A_103, %get3A_90], %broadcast_in_dim3A_7 masked %and3A_138 {add = true} : memref<32x2048xf32, #tpu.memory_space<vmem>>[vector<16xi32>, vector<16xi32>], vector<16xf32>, vector<16xi1>
      %eq3A_139 = arith.constant 9 : i32
      %eq3A_140 = vector.broadcast %eq3A_139 : i32 to vector<16xi32>
      %eq3A_141 = arith.cmpi eq, %iota3A, %eq3A_140 : vector<16xi32>
      %and3A_142 = arith.andi %and3A_97, %eq3A_141 : vector<16xi1>
      tpu.vector_store_idx %arg13[%min3A_103, %get3A_90], %broadcast_in_dim3A_7 masked %and3A_142 {add = true} : memref<32x2048xf32, #tpu.memory_space<vmem>>[vector<16xi32>, vector<16xi32>], vector<16xf32>, vector<16xi1>
      %eq3A_143 = arith.constant 10 : i32
      %eq3A_144 = vector.broadcast %eq3A_143 : i32 to vector<16xi32>
      %eq3A_145 = arith.cmpi eq, %iota3A, %eq3A_144 : vector<16xi32>
      %and3A_146 = arith.andi %and3A_97, %eq3A_145 : vector<16xi1>
      tpu.vector_store_idx %arg13[%min3A_103, %get3A_90], %broadcast_in_dim3A_7 masked %and3A_146 {add = true} : memref<32x2048xf32, #tpu.memory_space<vmem>>[vector<16xi32>, vector<16xi32>], vector<16xf32>, vector<16xi1>
      %eq3A_147 = arith.constant 11 : i32
      %eq3A_148 = vector.broadcast %eq3A_147 : i32 to vector<16xi32>
      %eq3A_149 = arith.cmpi eq, %iota3A, %eq3A_148 : vector<16xi32>
      %and3A_150 = arith.andi %and3A_97, %eq3A_149 : vector<16xi1>
      tpu.vector_store_idx %arg13[%min3A_103, %get3A_90], %broadcast_in_dim3A_7 masked %and3A_150 {add = true} : memref<32x2048xf32, #tpu.memory_space<vmem>>[vector<16xi32>, vector<16xi32>], vector<16xf32>, vector<16xi1>
      %eq3A_151 = arith.constant 12 : i32
      %eq3A_152 = vector.broadcast %eq3A_151 : i32 to vector<16xi32>
      %eq3A_153 = arith.cmpi eq, %iota3A, %eq3A_152 : vector<16xi32>
      %and3A_154 = arith.andi %and3A_97, %eq3A_153 : vector<16xi1>
      tpu.vector_store_idx %arg13[%min3A_103, %get3A_90], %broadcast_in_dim3A_7 masked %and3A_154 {add = true} : memref<32x2048xf32, #tpu.memory_space<vmem>>[vector<16xi32>, vector<16xi32>], vector<16xf32>, vector<16xi1>
      %eq3A_155 = arith.constant 13 : i32
      %eq3A_156 = vector.broadcast %eq3A_155 : i32 to vector<16xi32>
      %eq3A_157 = arith.cmpi eq, %iota3A, %eq3A_156 : vector<16xi32>
      %and3A_158 = arith.andi %and3A_97, %eq3A_157 : vector<16xi1>
      tpu.vector_store_idx %arg13[%min3A_103, %get3A_90], %broadcast_in_dim3A_7 masked %and3A_158 {add = true} : memref<32x2048xf32, #tpu.memory_space<vmem>>[vector<16xi32>, vector<16xi32>], vector<16xf32>, vector<16xi1>
      %eq3A_159 = arith.constant 14 : i32
      %eq3A_160 = vector.broadcast %eq3A_159 : i32 to vector<16xi32>
      %eq3A_161 = arith.cmpi eq, %iota3A, %eq3A_160 : vector<16xi32>
      %and3A_162 = arith.andi %and3A_97, %eq3A_161 : vector<16xi1>
      tpu.vector_store_idx %arg13[%min3A_103, %get3A_90], %broadcast_in_dim3A_7 masked %and3A_162 {add = true} : memref<32x2048xf32, #tpu.memory_space<vmem>>[vector<16xi32>, vector<16xi32>], vector<16xf32>, vector<16xi1>
      %eq3A_163 = arith.constant 15 : i32
      %eq3A_164 = vector.broadcast %eq3A_163 : i32 to vector<16xi32>
      %eq3A_165 = arith.cmpi eq, %iota3A, %eq3A_164 : vector<16xi32>
      %and3A_166 = arith.andi %and3A_97, %eq3A_165 : vector<16xi1>
      tpu.vector_store_idx %arg13[%min3A_103, %get3A_90], %broadcast_in_dim3A_7 masked %and3A_166 {add = true} : memref<32x2048xf32, #tpu.memory_space<vmem>>[vector<16xi32>, vector<16xi32>], vector<16xf32>, vector<16xi1>
      %while3A_167 = arith.constant 0 : i32
      scf.yield %while3A_167 : i32
    }
    "tpu.region"() ({
      %run_scoped3A = tpu.sem_alloc : memref<!tpu.dma_semaphore, #tpu.memory_space<semaphore_mem>>
      %dma_start3A = arith.constant 0 : i32
      %dma_start3A_82 = tpu.memref_slice %arg5[%add3A_45, %dma_start3A] : memref<2048x2048xf32, #tpu.memory_space<hbm>> -> memref<32x2048xf32, #tpu.memory_space<hbm>>
      %dma_start3A_83 = arith.constant 0 : i32
      %dma_start3A_84 = tpu.memref_slice %arg5[%add3A_45, %dma_start3A_83] : memref<2048x2048xf32, #tpu.memory_space<hbm>> -> memref<32x2048xf32, #tpu.memory_space<hbm>>
      tpu.enqueue_dma source(%arg13 : memref<32x2048xf32, #tpu.memory_space<vmem>>) target(%dma_start3A_84 : memref<32x2048xf32, #tpu.memory_space<hbm>>) target_semaphore(%run_scoped3A : memref<!tpu.dma_semaphore, #tpu.memory_space<semaphore_mem>>)
      %dma_wait3A = arith.constant 0 : i32
      %dma_wait3A_85 = tpu.memref_slice %arg5[%add3A_45, %dma_wait3A] : memref<2048x2048xf32, #tpu.memory_space<hbm>> -> memref<32x2048xf32, #tpu.memory_space<hbm>>
      %dma_wait3A_86 = arith.constant 0 : i32
      %dma_wait3A_87 = tpu.memref_slice %arg5[%add3A_45, %dma_wait3A_86] : memref<2048x2048xf32, #tpu.memory_space<hbm>> -> memref<32x2048xf32, #tpu.memory_space<hbm>>
      tpu.wait_dma2 semaphore(%run_scoped3A : memref<!tpu.dma_semaphore, #tpu.memory_space<semaphore_mem>>) src(%arg13 : memref<32x2048xf32, #tpu.memory_space<vmem>>) dst(%dma_wait3A_87 : memref<32x2048xf32, #tpu.memory_space<hbm>>)
      tpu.yield
    }) : () -> ()
    %add3A_63 = arith.constant 32 : i32
    %add3A_64 = arith.addi %mul3A_2, %add3A_63 : i32
    %scan3A_65 = arith.constant 0 : i32
    %scan3A_66 = arith.constant 32 : i32
    %scan3A_67 = arith.addi %scan3A_65, %scan3A_66 : i32
    %scan3A_68 = arith.constant 1 : i32
    scf.for %scan3A_82 = %scan3A_65 to %scan3A_67 step %scan3A_68  : i32 {
      %mul3A_83 = arith.constant 1 : i32
      %mul3A_84 = arith.muli %scan3A_82, %mul3A_83 : i32
      %add3A_85 = arith.constant 0 : i32
      %add3A_86 = arith.addi %add3A_85, %mul3A_84 : i32
      %scan3A_87 = arith.constant 0 : i32
      %scan3A_88 = arith.constant 128 : i32
      %scan3A_89 = arith.addi %scan3A_87, %scan3A_88 : i32
      %scan3A_90 = arith.constant 1 : i32
      scf.for %scan3A_92 = %scan3A_87 to %scan3A_89 step %scan3A_90  : i32 {
        %mul3A_93 = arith.constant 16 : i32
        %mul3A_94 = arith.muli %scan3A_92, %mul3A_93 : i32
        %add3A_95 = arith.constant 0 : i32
        %add3A_96 = arith.addi %add3A_95, %mul3A_94 : i32
        %broadcast_in_dim3A_97 = arith.constant 0.000000e+00 : f32
        %broadcast_in_dim3A_98 = vector.broadcast %broadcast_in_dim3A_97 : f32 to vector<16xf32>
        %swap3A = arith.index_cast %add3A_86 : i32 to index
        %swap3A_99 = arith.index_cast %add3A_96 : i32 to index
        %swap3A_100 = tpu.vector_load %arg13[%swap3A, %swap3A_99] {strides = array<i32>} : memref<32x2048xf32, #tpu.memory_space<vmem>>, vector<16xf32>,
        tpu.vector_store %arg13[%swap3A, %swap3A_99], %broadcast_in_dim3A_98 {strides = array<i32>} : memref<32x2048xf32, #tpu.memory_space<vmem>>, vector<16xf32>,
      }
      %scan3A_91 = arith.constant 128 : i32
    }
    %scan3A_69 = arith.constant 32 : i32
    %while3A_70 = arith.constant 0 : i32
    %while3A_71 = arith.constant 0 : i32
    %while3A_72 = arith.subi %select_n3A, %while3A_70 : i32
    %while3A_73 = arith.addi %while3A_70, %while3A_72 : i32
    %while3A_74 = arith.constant 1 : i32
    %while3A_75 = arith.divsi %while3A_72, %while3A_74 : i32
    %while3A_76 = arith.muli %while3A_75, %while3A_74 : i32
    %while3A_77 = arith.addi %while3A_70, %while3A_76 : i32
    %while3A_78 = arith.constant 1 : i32
    %while3A_79 = scf.for %while3A_82 = %while3A_70 to %while3A_77 step %while3A_78 iter_args(%while3A_83 = %while3A_71) -> (i32)  : i32 {
      %mul3A_84 = arith.constant 16 : i32
      %mul3A_85 = arith.muli %while3A_82, %mul3A_84 : i32
      %sub3A_86 = arith.subi %scan3A_13, %mul3A_85 : i32
      %lt3A = vector.broadcast %sub3A_86 : i32 to vector<16xi32>
      %lt3A_87 = arith.cmpi slt, %iota3A, %lt3A : vector<16xi32>
      %get3A = arith.index_cast %mul3A_85 : i32 to index
      %get3A_88 = tpu.vector_load %arg11[%get3A] {strides = array<i32>} : memref<6160xi32, #tpu.memory_space<vmem>>, vector<16xi32>,
      %get3A_89 = arith.index_cast %mul3A_85 : i32 to index
      %get3A_90 = tpu.vector_load %arg10[%get3A_89] {strides = array<i32>} : memref<6160xi32, #tpu.memory_space<vmem>>, vector<16xi32>,
      %ge3A = vector.broadcast %add3A_64 : i32 to vector<16xi32>
      %ge3A_91 = arith.cmpi sge, %get3A_88, %ge3A : vector<16xi32>
      %and3A_92 = arith.andi %lt3A_87, %ge3A_91 : vector<16xi1>
      %add3A_93 = arith.constant 32 : i32
      %add3A_94 = arith.addi %add3A_64, %add3A_93 : i32
      %lt3A_95 = vector.broadcast %add3A_94 : i32 to vector<16xi32>
      %lt3A_96 = arith.cmpi slt, %get3A_88, %lt3A_95 : vector<16xi32>
      %and3A_97 = arith.andi %and3A_92, %lt3A_96 : vector<16xi1>
      %sub3A_98 = vector.broadcast %add3A_64 : i32 to vector<16xi32>
      %sub3A_99 = arith.subi %get3A_88, %sub3A_98 : vector<16xi32>
      %jit3A_100 = arith.constant 0 : i32
      %jit3A_101 = arith.constant 31 : i32
      %max3A = vector.broadcast %jit3A_100 : i32 to vector<16xi32>
      %max3A_102 = arith.maxsi %max3A, %sub3A_99 : vector<16xi32>
      %min3A = vector.broadcast %jit3A_101 : i32 to vector<16xi32>
      %min3A_103 = arith.minsi %min3A, %max3A_102 : vector<16xi32>
      %eq3A = arith.constant 0 : i32
      %eq3A_104 = vector.broadcast %eq3A : i32 to vector<16xi32>
      %eq3A_105 = arith.cmpi eq, %iota3A, %eq3A_104 : vector<16xi32>
      %and3A_106 = arith.andi %and3A_97, %eq3A_105 : vector<16xi1>
      tpu.vector_store_idx %arg13[%min3A_103, %get3A_90], %broadcast_in_dim3A_7 masked %and3A_106 {add = true} : memref<32x2048xf32, #tpu.memory_space<vmem>>[vector<16xi32>, vector<16xi32>], vector<16xf32>, vector<16xi1>
      %eq3A_107 = arith.constant 1 : i32
      %eq3A_108 = vector.broadcast %eq3A_107 : i32 to vector<16xi32>
      %eq3A_109 = arith.cmpi eq, %iota3A, %eq3A_108 : vector<16xi32>
      %and3A_110 = arith.andi %and3A_97, %eq3A_109 : vector<16xi1>
      tpu.vector_store_idx %arg13[%min3A_103, %get3A_90], %broadcast_in_dim3A_7 masked %and3A_110 {add = true} : memref<32x2048xf32, #tpu.memory_space<vmem>>[vector<16xi32>, vector<16xi32>], vector<16xf32>, vector<16xi1>
      %eq3A_111 = arith.constant 2 : i32
      %eq3A_112 = vector.broadcast %eq3A_111 : i32 to vector<16xi32>
      %eq3A_113 = arith.cmpi eq, %iota3A, %eq3A_112 : vector<16xi32>
      %and3A_114 = arith.andi %and3A_97, %eq3A_113 : vector<16xi1>
      tpu.vector_store_idx %arg13[%min3A_103, %get3A_90], %broadcast_in_dim3A_7 masked %and3A_114 {add = true} : memref<32x2048xf32, #tpu.memory_space<vmem>>[vector<16xi32>, vector<16xi32>], vector<16xf32>, vector<16xi1>
      %eq3A_115 = arith.constant 3 : i32
      %eq3A_116 = vector.broadcast %eq3A_115 : i32 to vector<16xi32>
      %eq3A_117 = arith.cmpi eq, %iota3A, %eq3A_116 : vector<16xi32>
      %and3A_118 = arith.andi %and3A_97, %eq3A_117 : vector<16xi1>
      tpu.vector_store_idx %arg13[%min3A_103, %get3A_90], %broadcast_in_dim3A_7 masked %and3A_118 {add = true} : memref<32x2048xf32, #tpu.memory_space<vmem>>[vector<16xi32>, vector<16xi32>], vector<16xf32>, vector<16xi1>
      %eq3A_119 = arith.constant 4 : i32
      %eq3A_120 = vector.broadcast %eq3A_119 : i32 to vector<16xi32>
      %eq3A_121 = arith.cmpi eq, %iota3A, %eq3A_120 : vector<16xi32>
      %and3A_122 = arith.andi %and3A_97, %eq3A_121 : vector<16xi1>
      tpu.vector_store_idx %arg13[%min3A_103, %get3A_90], %broadcast_in_dim3A_7 masked %and3A_122 {add = true} : memref<32x2048xf32, #tpu.memory_space<vmem>>[vector<16xi32>, vector<16xi32>], vector<16xf32>, vector<16xi1>
      %eq3A_123 = arith.constant 5 : i32
      %eq3A_124 = vector.broadcast %eq3A_123 : i32 to vector<16xi32>
      %eq3A_125 = arith.cmpi eq, %iota3A, %eq3A_124 : vector<16xi32>
      %and3A_126 = arith.andi %and3A_97, %eq3A_125 : vector<16xi1>
      tpu.vector_store_idx %arg13[%min3A_103, %get3A_90], %broadcast_in_dim3A_7 masked %and3A_126 {add = true} : memref<32x2048xf32, #tpu.memory_space<vmem>>[vector<16xi32>, vector<16xi32>], vector<16xf32>, vector<16xi1>
      %eq3A_127 = arith.constant 6 : i32
      %eq3A_128 = vector.broadcast %eq3A_127 : i32 to vector<16xi32>
      %eq3A_129 = arith.cmpi eq, %iota3A, %eq3A_128 : vector<16xi32>
      %and3A_130 = arith.andi %and3A_97, %eq3A_129 : vector<16xi1>
      tpu.vector_store_idx %arg13[%min3A_103, %get3A_90], %broadcast_in_dim3A_7 masked %and3A_130 {add = true} : memref<32x2048xf32, #tpu.memory_space<vmem>>[vector<16xi32>, vector<16xi32>], vector<16xf32>, vector<16xi1>
      %eq3A_131 = arith.constant 7 : i32
      %eq3A_132 = vector.broadcast %eq3A_131 : i32 to vector<16xi32>
      %eq3A_133 = arith.cmpi eq, %iota3A, %eq3A_132 : vector<16xi32>
      %and3A_134 = arith.andi %and3A_97, %eq3A_133 : vector<16xi1>
      tpu.vector_store_idx %arg13[%min3A_103, %get3A_90], %broadcast_in_dim3A_7 masked %and3A_134 {add = true} : memref<32x2048xf32, #tpu.memory_space<vmem>>[vector<16xi32>, vector<16xi32>], vector<16xf32>, vector<16xi1>
      %eq3A_135 = arith.constant 8 : i32
      %eq3A_136 = vector.broadcast %eq3A_135 : i32 to vector<16xi32>
      %eq3A_137 = arith.cmpi eq, %iota3A, %eq3A_136 : vector<16xi32>
      %and3A_138 = arith.andi %and3A_97, %eq3A_137 : vector<16xi1>
      tpu.vector_store_idx %arg13[%min3A_103, %get3A_90], %broadcast_in_dim3A_7 masked %and3A_138 {add = true} : memref<32x2048xf32, #tpu.memory_space<vmem>>[vector<16xi32>, vector<16xi32>], vector<16xf32>, vector<16xi1>
      %eq3A_139 = arith.constant 9 : i32
      %eq3A_140 = vector.broadcast %eq3A_139 : i32 to vector<16xi32>
      %eq3A_141 = arith.cmpi eq, %iota3A, %eq3A_140 : vector<16xi32>
      %and3A_142 = arith.andi %and3A_97, %eq3A_141 : vector<16xi1>
      tpu.vector_store_idx %arg13[%min3A_103, %get3A_90], %broadcast_in_dim3A_7 masked %and3A_142 {add = true} : memref<32x2048xf32, #tpu.memory_space<vmem>>[vector<16xi32>, vector<16xi32>], vector<16xf32>, vector<16xi1>
      %eq3A_143 = arith.constant 10 : i32
      %eq3A_144 = vector.broadcast %eq3A_143 : i32 to vector<16xi32>
      %eq3A_145 = arith.cmpi eq, %iota3A, %eq3A_144 : vector<16xi32>
      %and3A_146 = arith.andi %and3A_97, %eq3A_145 : vector<16xi1>
      tpu.vector_store_idx %arg13[%min3A_103, %get3A_90], %broadcast_in_dim3A_7 masked %and3A_146 {add = true} : memref<32x2048xf32, #tpu.memory_space<vmem>>[vector<16xi32>, vector<16xi32>], vector<16xf32>, vector<16xi1>
      %eq3A_147 = arith.constant 11 : i32
      %eq3A_148 = vector.broadcast %eq3A_147 : i32 to vector<16xi32>
      %eq3A_149 = arith.cmpi eq, %iota3A, %eq3A_148 : vector<16xi32>
      %and3A_150 = arith.andi %and3A_97, %eq3A_149 : vector<16xi1>
      tpu.vector_store_idx %arg13[%min3A_103, %get3A_90], %broadcast_in_dim3A_7 masked %and3A_150 {add = true} : memref<32x2048xf32, #tpu.memory_space<vmem>>[vector<16xi32>, vector<16xi32>], vector<16xf32>, vector<16xi1>
      %eq3A_151 = arith.constant 12 : i32
      %eq3A_152 = vector.broadcast %eq3A_151 : i32 to vector<16xi32>
      %eq3A_153 = arith.cmpi eq, %iota3A, %eq3A_152 : vector<16xi32>
      %and3A_154 = arith.andi %and3A_97, %eq3A_153 : vector<16xi1>
      tpu.vector_store_idx %arg13[%min3A_103, %get3A_90], %broadcast_in_dim3A_7 masked %and3A_154 {add = true} : memref<32x2048xf32, #tpu.memory_space<vmem>>[vector<16xi32>, vector<16xi32>], vector<16xf32>, vector<16xi1>
      %eq3A_155 = arith.constant 13 : i32
      %eq3A_156 = vector.broadcast %eq3A_155 : i32 to vector<16xi32>
      %eq3A_157 = arith.cmpi eq, %iota3A, %eq3A_156 : vector<16xi32>
      %and3A_158 = arith.andi %and3A_97, %eq3A_157 : vector<16xi1>
      tpu.vector_store_idx %arg13[%min3A_103, %get3A_90], %broadcast_in_dim3A_7 masked %and3A_158 {add = true} : memref<32x2048xf32, #tpu.memory_space<vmem>>[vector<16xi32>, vector<16xi32>], vector<16xf32>, vector<16xi1>
      %eq3A_159 = arith.constant 14 : i32
      %eq3A_160 = vector.broadcast %eq3A_159 : i32 to vector<16xi32>
      %eq3A_161 = arith.cmpi eq, %iota3A, %eq3A_160 : vector<16xi32>
      %and3A_162 = arith.andi %and3A_97, %eq3A_161 : vector<16xi1>
      tpu.vector_store_idx %arg13[%min3A_103, %get3A_90], %broadcast_in_dim3A_7 masked %and3A_162 {add = true} : memref<32x2048xf32, #tpu.memory_space<vmem>>[vector<16xi32>, vector<16xi32>], vector<16xf32>, vector<16xi1>
      %eq3A_163 = arith.constant 15 : i32
      %eq3A_164 = vector.broadcast %eq3A_163 : i32 to vector<16xi32>
      %eq3A_165 = arith.cmpi eq, %iota3A, %eq3A_164 : vector<16xi32>
      %and3A_166 = arith.andi %and3A_97, %eq3A_165 : vector<16xi1>
      tpu.vector_store_idx %arg13[%min3A_103, %get3A_90], %broadcast_in_dim3A_7 masked %and3A_166 {add = true} : memref<32x2048xf32, #tpu.memory_space<vmem>>[vector<16xi32>, vector<16xi32>], vector<16xf32>, vector<16xi1>
      %while3A_167 = arith.constant 0 : i32
      scf.yield %while3A_167 : i32
    }
    %while3A_80 = arith.constant 1 : i32
    %while3A_81 = scf.for %while3A_82 = %while3A_77 to %while3A_73 step %while3A_80 iter_args(%while3A_83 = %while3A_79) -> (i32)  : i32 {
      %mul3A_84 = arith.constant 16 : i32
      %mul3A_85 = arith.muli %while3A_82, %mul3A_84 : i32
      %sub3A_86 = arith.subi %scan3A_13, %mul3A_85 : i32
      %lt3A = vector.broadcast %sub3A_86 : i32 to vector<16xi32>
      %lt3A_87 = arith.cmpi slt, %iota3A, %lt3A : vector<16xi32>
      %get3A = arith.index_cast %mul3A_85 : i32 to index
      %get3A_88 = tpu.vector_load %arg11[%get3A] {strides = array<i32>} : memref<6160xi32, #tpu.memory_space<vmem>>, vector<16xi32>,
      %get3A_89 = arith.index_cast %mul3A_85 : i32 to index
      %get3A_90 = tpu.vector_load %arg10[%get3A_89] {strides = array<i32>} : memref<6160xi32, #tpu.memory_space<vmem>>, vector<16xi32>,
      %ge3A = vector.broadcast %add3A_64 : i32 to vector<16xi32>
      %ge3A_91 = arith.cmpi sge, %get3A_88, %ge3A : vector<16xi32>
      %and3A_92 = arith.andi %lt3A_87, %ge3A_91 : vector<16xi1>
      %add3A_93 = arith.constant 32 : i32
      %add3A_94 = arith.addi %add3A_64, %add3A_93 : i32
      %lt3A_95 = vector.broadcast %add3A_94 : i32 to vector<16xi32>
      %lt3A_96 = arith.cmpi slt, %get3A_88, %lt3A_95 : vector<16xi32>
      %and3A_97 = arith.andi %and3A_92, %lt3A_96 : vector<16xi1>
      %sub3A_98 = vector.broadcast %add3A_64 : i32 to vector<16xi32>
      %sub3A_99 = arith.subi %get3A_88, %sub3A_98 : vector<16xi32>
      %jit3A_100 = arith.constant 0 : i32
      %jit3A_101 = arith.constant 31 : i32
      %max3A = vector.broadcast %jit3A_100 : i32 to vector<16xi32>
      %max3A_102 = arith.maxsi %max3A, %sub3A_99 : vector<16xi32>
      %min3A = vector.broadcast %jit3A_101 : i32 to vector<16xi32>
      %min3A_103 = arith.minsi %min3A, %max3A_102 : vector<16xi32>
      %eq3A = arith.constant 0 : i32
      %eq3A_104 = vector.broadcast %eq3A : i32 to vector<16xi32>
      %eq3A_105 = arith.cmpi eq, %iota3A, %eq3A_104 : vector<16xi32>
      %and3A_106 = arith.andi %and3A_97, %eq3A_105 : vector<16xi1>
      tpu.vector_store_idx %arg13[%min3A_103, %get3A_90], %broadcast_in_dim3A_7 masked %and3A_106 {add = true} : memref<32x2048xf32, #tpu.memory_space<vmem>>[vector<16xi32>, vector<16xi32>], vector<16xf32>, vector<16xi1>
      %eq3A_107 = arith.constant 1 : i32
      %eq3A_108 = vector.broadcast %eq3A_107 : i32 to vector<16xi32>
      %eq3A_109 = arith.cmpi eq, %iota3A, %eq3A_108 : vector<16xi32>
      %and3A_110 = arith.andi %and3A_97, %eq3A_109 : vector<16xi1>
      tpu.vector_store_idx %arg13[%min3A_103, %get3A_90], %broadcast_in_dim3A_7 masked %and3A_110 {add = true} : memref<32x2048xf32, #tpu.memory_space<vmem>>[vector<16xi32>, vector<16xi32>], vector<16xf32>, vector<16xi1>
      %eq3A_111 = arith.constant 2 : i32
      %eq3A_112 = vector.broadcast %eq3A_111 : i32 to vector<16xi32>
      %eq3A_113 = arith.cmpi eq, %iota3A, %eq3A_112 : vector<16xi32>
      %and3A_114 = arith.andi %and3A_97, %eq3A_113 : vector<16xi1>
      tpu.vector_store_idx %arg13[%min3A_103, %get3A_90], %broadcast_in_dim3A_7 masked %and3A_114 {add = true} : memref<32x2048xf32, #tpu.memory_space<vmem>>[vector<16xi32>, vector<16xi32>], vector<16xf32>, vector<16xi1>
      %eq3A_115 = arith.constant 3 : i32
      %eq3A_116 = vector.broadcast %eq3A_115 : i32 to vector<16xi32>
      %eq3A_117 = arith.cmpi eq, %iota3A, %eq3A_116 : vector<16xi32>
      %and3A_118 = arith.andi %and3A_97, %eq3A_117 : vector<16xi1>
      tpu.vector_store_idx %arg13[%min3A_103, %get3A_90], %broadcast_in_dim3A_7 masked %and3A_118 {add = true} : memref<32x2048xf32, #tpu.memory_space<vmem>>[vector<16xi32>, vector<16xi32>], vector<16xf32>, vector<16xi1>
      %eq3A_119 = arith.constant 4 : i32
      %eq3A_120 = vector.broadcast %eq3A_119 : i32 to vector<16xi32>
      %eq3A_121 = arith.cmpi eq, %iota3A, %eq3A_120 : vector<16xi32>
      %and3A_122 = arith.andi %and3A_97, %eq3A_121 : vector<16xi1>
      tpu.vector_store_idx %arg13[%min3A_103, %get3A_90], %broadcast_in_dim3A_7 masked %and3A_122 {add = true} : memref<32x2048xf32, #tpu.memory_space<vmem>>[vector<16xi32>, vector<16xi32>], vector<16xf32>, vector<16xi1>
      %eq3A_123 = arith.constant 5 : i32
      %eq3A_124 = vector.broadcast %eq3A_123 : i32 to vector<16xi32>
      %eq3A_125 = arith.cmpi eq, %iota3A, %eq3A_124 : vector<16xi32>
      %and3A_126 = arith.andi %and3A_97, %eq3A_125 : vector<16xi1>
      tpu.vector_store_idx %arg13[%min3A_103, %get3A_90], %broadcast_in_dim3A_7 masked %and3A_126 {add = true} : memref<32x2048xf32, #tpu.memory_space<vmem>>[vector<16xi32>, vector<16xi32>], vector<16xf32>, vector<16xi1>
      %eq3A_127 = arith.constant 6 : i32
      %eq3A_128 = vector.broadcast %eq3A_127 : i32 to vector<16xi32>
      %eq3A_129 = arith.cmpi eq, %iota3A, %eq3A_128 : vector<16xi32>
      %and3A_130 = arith.andi %and3A_97, %eq3A_129 : vector<16xi1>
      tpu.vector_store_idx %arg13[%min3A_103, %get3A_90], %broadcast_in_dim3A_7 masked %and3A_130 {add = true} : memref<32x2048xf32, #tpu.memory_space<vmem>>[vector<16xi32>, vector<16xi32>], vector<16xf32>, vector<16xi1>
      %eq3A_131 = arith.constant 7 : i32
      %eq3A_132 = vector.broadcast %eq3A_131 : i32 to vector<16xi32>
      %eq3A_133 = arith.cmpi eq, %iota3A, %eq3A_132 : vector<16xi32>
      %and3A_134 = arith.andi %and3A_97, %eq3A_133 : vector<16xi1>
      tpu.vector_store_idx %arg13[%min3A_103, %get3A_90], %broadcast_in_dim3A_7 masked %and3A_134 {add = true} : memref<32x2048xf32, #tpu.memory_space<vmem>>[vector<16xi32>, vector<16xi32>], vector<16xf32>, vector<16xi1>
      %eq3A_135 = arith.constant 8 : i32
      %eq3A_136 = vector.broadcast %eq3A_135 : i32 to vector<16xi32>
      %eq3A_137 = arith.cmpi eq, %iota3A, %eq3A_136 : vector<16xi32>
      %and3A_138 = arith.andi %and3A_97, %eq3A_137 : vector<16xi1>
      tpu.vector_store_idx %arg13[%min3A_103, %get3A_90], %broadcast_in_dim3A_7 masked %and3A_138 {add = true} : memref<32x2048xf32, #tpu.memory_space<vmem>>[vector<16xi32>, vector<16xi32>], vector<16xf32>, vector<16xi1>
      %eq3A_139 = arith.constant 9 : i32
      %eq3A_140 = vector.broadcast %eq3A_139 : i32 to vector<16xi32>
      %eq3A_141 = arith.cmpi eq, %iota3A, %eq3A_140 : vector<16xi32>
      %and3A_142 = arith.andi %and3A_97, %eq3A_141 : vector<16xi1>
      tpu.vector_store_idx %arg13[%min3A_103, %get3A_90], %broadcast_in_dim3A_7 masked %and3A_142 {add = true} : memref<32x2048xf32, #tpu.memory_space<vmem>>[vector<16xi32>, vector<16xi32>], vector<16xf32>, vector<16xi1>
      %eq3A_143 = arith.constant 10 : i32
      %eq3A_144 = vector.broadcast %eq3A_143 : i32 to vector<16xi32>
      %eq3A_145 = arith.cmpi eq, %iota3A, %eq3A_144 : vector<16xi32>
      %and3A_146 = arith.andi %and3A_97, %eq3A_145 : vector<16xi1>
      tpu.vector_store_idx %arg13[%min3A_103, %get3A_90], %broadcast_in_dim3A_7 masked %and3A_146 {add = true} : memref<32x2048xf32, #tpu.memory_space<vmem>>[vector<16xi32>, vector<16xi32>], vector<16xf32>, vector<16xi1>
      %eq3A_147 = arith.constant 11 : i32
      %eq3A_148 = vector.broadcast %eq3A_147 : i32 to vector<16xi32>
      %eq3A_149 = arith.cmpi eq, %iota3A, %eq3A_148 : vector<16xi32>
      %and3A_150 = arith.andi %and3A_97, %eq3A_149 : vector<16xi1>
      tpu.vector_store_idx %arg13[%min3A_103, %get3A_90], %broadcast_in_dim3A_7 masked %and3A_150 {add = true} : memref<32x2048xf32, #tpu.memory_space<vmem>>[vector<16xi32>, vector<16xi32>], vector<16xf32>, vector<16xi1>
      %eq3A_151 = arith.constant 12 : i32
      %eq3A_152 = vector.broadcast %eq3A_151 : i32 to vector<16xi32>
      %eq3A_153 = arith.cmpi eq, %iota3A, %eq3A_152 : vector<16xi32>
      %and3A_154 = arith.andi %and3A_97, %eq3A_153 : vector<16xi1>
      tpu.vector_store_idx %arg13[%min3A_103, %get3A_90], %broadcast_in_dim3A_7 masked %and3A_154 {add = true} : memref<32x2048xf32, #tpu.memory_space<vmem>>[vector<16xi32>, vector<16xi32>], vector<16xf32>, vector<16xi1>
      %eq3A_155 = arith.constant 13 : i32
      %eq3A_156 = vector.broadcast %eq3A_155 : i32 to vector<16xi32>
      %eq3A_157 = arith.cmpi eq, %iota3A, %eq3A_156 : vector<16xi32>
      %and3A_158 = arith.andi %and3A_97, %eq3A_157 : vector<16xi1>
      tpu.vector_store_idx %arg13[%min3A_103, %get3A_90], %broadcast_in_dim3A_7 masked %and3A_158 {add = true} : memref<32x2048xf32, #tpu.memory_space<vmem>>[vector<16xi32>, vector<16xi32>], vector<16xf32>, vector<16xi1>
      %eq3A_159 = arith.constant 14 : i32
      %eq3A_160 = vector.broadcast %eq3A_159 : i32 to vector<16xi32>
      %eq3A_161 = arith.cmpi eq, %iota3A, %eq3A_160 : vector<16xi32>
      %and3A_162 = arith.andi %and3A_97, %eq3A_161 : vector<16xi1>
      tpu.vector_store_idx %arg13[%min3A_103, %get3A_90], %broadcast_in_dim3A_7 masked %and3A_162 {add = true} : memref<32x2048xf32, #tpu.memory_space<vmem>>[vector<16xi32>, vector<16xi32>], vector<16xf32>, vector<16xi1>
      %eq3A_163 = arith.constant 15 : i32
      %eq3A_164 = vector.broadcast %eq3A_163 : i32 to vector<16xi32>
      %eq3A_165 = arith.cmpi eq, %iota3A, %eq3A_164 : vector<16xi32>
      %and3A_166 = arith.andi %and3A_97, %eq3A_165 : vector<16xi1>
      tpu.vector_store_idx %arg13[%min3A_103, %get3A_90], %broadcast_in_dim3A_7 masked %and3A_166 {add = true} : memref<32x2048xf32, #tpu.memory_space<vmem>>[vector<16xi32>, vector<16xi32>], vector<16xf32>, vector<16xi1>
      %while3A_167 = arith.constant 0 : i32
      scf.yield %while3A_167 : i32
    }
    "tpu.region"() ({
      %run_scoped3A = tpu.sem_alloc : memref<!tpu.dma_semaphore, #tpu.memory_space<semaphore_mem>>
      %dma_start3A = arith.constant 0 : i32
      %dma_start3A_82 = tpu.memref_slice %arg5[%add3A_64, %dma_start3A] : memref<2048x2048xf32, #tpu.memory_space<hbm>> -> memref<32x2048xf32, #tpu.memory_space<hbm>>
      %dma_start3A_83 = arith.constant 0 : i32
      %dma_start3A_84 = tpu.memref_slice %arg5[%add3A_64, %dma_start3A_83] : memref<2048x2048xf32, #tpu.memory_space<hbm>> -> memref<32x2048xf32, #tpu.memory_space<hbm>>
      tpu.enqueue_dma source(%arg13 : memref<32x2048xf32, #tpu.memory_space<vmem>>) target(%dma_start3A_84 : memref<32x2048xf32, #tpu.memory_space<hbm>>) target_semaphore(%run_scoped3A : memref<!tpu.dma_semaphore, #tpu.memory_space<semaphore_mem>>)
      %dma_wait3A = arith.constant 0 : i32
      %dma_wait3A_85 = tpu.memref_slice %arg5[%add3A_64, %dma_wait3A] : memref<2048x2048xf32, #tpu.memory_space<hbm>> -> memref<32x2048xf32, #tpu.memory_space<hbm>>
      %dma_wait3A_86 = arith.constant 0 : i32
      %dma_wait3A_87 = tpu.memref_slice %arg5[%add3A_64, %dma_wait3A_86] : memref<2048x2048xf32, #tpu.memory_space<hbm>> -> memref<32x2048xf32, #tpu.memory_space<hbm>>
      tpu.wait_dma2 semaphore(%run_scoped3A : memref<!tpu.dma_semaphore, #tpu.memory_space<semaphore_mem>>) src(%arg13 : memref<32x2048xf32, #tpu.memory_space<vmem>>) dst(%dma_wait3A_87 : memref<32x2048xf32, #tpu.memory_space<hbm>>)
      tpu.yield
    }) : () -> ()
    "tpu.region"() ({
      %run_scoped3A = tpu.sem_alloc : memref<!tpu.dma_semaphore, #tpu.memory_space<semaphore_mem>>
      %dma_start3A = arith.constant 0 : i32
      %dma_start3A_82 = tpu.memref_slice %arg6[%mul3A_2, %dma_start3A] : memref<2048x16xf32, #tpu.memory_space<hbm>> -> memref<64x16xf32, #tpu.memory_space<hbm>>
      %dma_start3A_83 = arith.constant 0 : i32
      %dma_start3A_84 = tpu.memref_slice %arg6[%mul3A_2, %dma_start3A_83] : memref<2048x16xf32, #tpu.memory_space<hbm>> -> memref<64x16xf32, #tpu.memory_space<hbm>>
      tpu.enqueue_dma source(%arg14 : memref<64x16xf32, #tpu.memory_space<vmem>>) target(%dma_start3A_84 : memref<64x16xf32, #tpu.memory_space<hbm>>) target_semaphore(%run_scoped3A : memref<!tpu.dma_semaphore, #tpu.memory_space<semaphore_mem>>)
      %dma_wait3A = arith.constant 0 : i32
      %dma_wait3A_85 = tpu.memref_slice %arg6[%mul3A_2, %dma_wait3A] : memref<2048x16xf32, #tpu.memory_space<hbm>> -> memref<64x16xf32, #tpu.memory_space<hbm>>
      %dma_wait3A_86 = arith.constant 0 : i32
      %dma_wait3A_87 = tpu.memref_slice %arg6[%mul3A_2, %dma_wait3A_86] : memref<2048x16xf32, #tpu.memory_space<hbm>> -> memref<64x16xf32, #tpu.memory_space<hbm>>
      tpu.wait_dma2 semaphore(%run_scoped3A : memref<!tpu.dma_semaphore, #tpu.memory_space<semaphore_mem>>) src(%arg14 : memref<64x16xf32, #tpu.memory_space<vmem>>) dst(%dma_wait3A_87 : memref<64x16xf32, #tpu.memory_space<hbm>>)
      tpu.yield
    }) : () -> ()
    return
  }
}

#map = affine_map<(d0, d1) -> (0, 0)>
#map1 = affine_map<(d0, d1) -> (0)>
module attributes {stable_mosaic.version = 14 : i64} {
  func.func @k(%arg0: i32, %arg1: i32, %arg2: memref<512x256xf32, #tpu.memory_space<hbm>>, %arg3: memref<2048xi32, #tpu.memory_space<hbm>>, %arg4: memref<2048x256xf32, #tpu.memory_space<hbm>>, %arg5: memref<64xi32, #tpu.memory_space<vmem>>, %arg6: memref<64x256xf32, #tpu.memory_space<vmem>>, %arg7: memref<!tpu.dma_semaphore, #tpu.memory_space<semaphore_mem>>) attributes {dimension_semantics = [#tpu.dimension_semantics<core_parallel>, #tpu.dimension_semantics<subcore_parallel>], iteration_bounds = array<i64: 2, 16>, scalar_prefetch = 0 : i64, scratch_operands = 3 : i64, tpu.core_type = #tpu.core_type<sc_vector_subcore>, window_params = [{transform_indices = #map}, {transform_indices = #map1}, {transform_indices = #map}]} {
    %mul3A = arith.constant 2 : i32
    %mul3A_0 = arith.muli %arg1, %mul3A : i32
    %add3A = arith.addi %mul3A_0, %arg0 : i32
    %mul3A_1 = arith.constant 64 : i32
    %mul3A_2 = arith.muli %add3A, %mul3A_1 : i32
    %scan3A = arith.constant 0 : i32
    %mul3A_3 = arith.constant 1 : i32
    %mul3A_4 = arith.muli %scan3A, %mul3A_3 : i32
    %add3A_5 = arith.constant 0 : i32
    %add3A_6 = arith.addi %add3A_5, %mul3A_4 : i32
    %mul3A_7 = arith.constant 64 : i32
    %mul3A_8 = arith.muli %add3A_6, %mul3A_7 : i32
    %add3A_9 = arith.addi %mul3A_2, %mul3A_8 : i32
    "tpu.region"() ({
      %run_scoped3A = tpu.sem_alloc : memref<!tpu.dma_semaphore, #tpu.memory_space<semaphore_mem>>
      %dma_start3A_15 = tpu.memref_slice %arg3[%add3A_9] : memref<2048xi32, #tpu.memory_space<hbm>> -> memref<64xi32, #tpu.memory_space<hbm>>
      %dma_start3A_16 = tpu.memref_slice %arg3[%add3A_9] : memref<2048xi32, #tpu.memory_space<hbm>> -> memref<64xi32, #tpu.memory_space<hbm>>
      tpu.enqueue_dma source(%dma_start3A_16 : memref<64xi32, #tpu.memory_space<hbm>>) target(%arg5 : memref<64xi32, #tpu.memory_space<vmem>>) target_semaphore(%run_scoped3A : memref<!tpu.dma_semaphore, #tpu.memory_space<semaphore_mem>>)
      %dma_wait3A_17 = tpu.memref_slice %arg3[%add3A_9] : memref<2048xi32, #tpu.memory_space<hbm>> -> memref<64xi32, #tpu.memory_space<hbm>>
      %dma_wait3A_18 = tpu.memref_slice %arg3[%add3A_9] : memref<2048xi32, #tpu.memory_space<hbm>> -> memref<64xi32, #tpu.memory_space<hbm>>
      tpu.wait_dma2 semaphore(%run_scoped3A : memref<!tpu.dma_semaphore, #tpu.memory_space<semaphore_mem>>) src(%dma_wait3A_18 : memref<64xi32, #tpu.memory_space<hbm>>) dst(%arg5 : memref<64xi32, #tpu.memory_space<vmem>>)
      tpu.yield
    }) : () -> ()
    %dma_start3A = arith.constant 0 : i32
    %dma_start3A_10 = arith.constant 0 : i32
    %dma_start3A_11 = tpu.memref_slice %arg2[%dma_start3A, %dma_start3A_10] : memref<512x256xf32, #tpu.memory_space<hbm>> -> memref<512x256xf32, #tpu.memory_space<hbm>>
    tpu.enqueue_indirect_dma source(%dma_start3A_11 : memref<512x256xf32, #tpu.memory_space<hbm>>) target(%arg6 : memref<64x256xf32, #tpu.memory_space<vmem>>) offsets(%arg5 : memref<64xi32, #tpu.memory_space<vmem>>) semaphore(%arg7 : memref<!tpu.dma_semaphore, #tpu.memory_space<semaphore_mem>>)
    %dma_wait3A = arith.constant 0 : i32
    %dma_wait3A_12 = arith.constant 0 : i32
    %dma_wait3A_13 = tpu.memref_slice %arg2[%dma_wait3A, %dma_wait3A_12] : memref<512x256xf32, #tpu.memory_space<hbm>> -> memref<512x256xf32, #tpu.memory_space<hbm>>
    tpu.wait_indirect_dma semaphore(%arg7 : memref<!tpu.dma_semaphore, #tpu.memory_space<semaphore_mem>>) src(%dma_wait3A_13 : memref<512x256xf32, #tpu.memory_space<hbm>>) dst(%arg6 : memref<64x256xf32, #tpu.memory_space<vmem>>)
    "tpu.region"() ({
      %run_scoped3A = tpu.sem_alloc : memref<!tpu.dma_semaphore, #tpu.memory_space<semaphore_mem>>
      %dma_start3A_15 = arith.constant 0 : i32
      %dma_start3A_16 = tpu.memref_slice %arg4[%add3A_9, %dma_start3A_15] : memref<2048x256xf32, #tpu.memory_space<hbm>> -> memref<64x256xf32, #tpu.memory_space<hbm>>
      %dma_start3A_17 = arith.constant 0 : i32
      %dma_start3A_18 = tpu.memref_slice %arg4[%add3A_9, %dma_start3A_17] : memref<2048x256xf32, #tpu.memory_space<hbm>> -> memref<64x256xf32, #tpu.memory_space<hbm>>
      tpu.enqueue_dma source(%arg6 : memref<64x256xf32, #tpu.memory_space<vmem>>) target(%dma_start3A_18 : memref<64x256xf32, #tpu.memory_space<hbm>>) target_semaphore(%run_scoped3A : memref<!tpu.dma_semaphore, #tpu.memory_space<semaphore_mem>>)
      %dma_wait3A_19 = arith.constant 0 : i32
      %dma_wait3A_20 = tpu.memref_slice %arg4[%add3A_9, %dma_wait3A_19] : memref<2048x256xf32, #tpu.memory_space<hbm>> -> memref<64x256xf32, #tpu.memory_space<hbm>>
      %dma_wait3A_21 = arith.constant 0 : i32
      %dma_wait3A_22 = tpu.memref_slice %arg4[%add3A_9, %dma_wait3A_21] : memref<2048x256xf32, #tpu.memory_space<hbm>> -> memref<64x256xf32, #tpu.memory_space<hbm>>
      tpu.wait_dma2 semaphore(%run_scoped3A : memref<!tpu.dma_semaphore, #tpu.memory_space<semaphore_mem>>) src(%arg6 : memref<64x256xf32, #tpu.memory_space<vmem>>) dst(%dma_wait3A_22 : memref<64x256xf32, #tpu.memory_space<hbm>>)
      tpu.yield
    }) : () -> ()
    %scan3A_14 = arith.constant 1 : i32
    return
  }
}

module attributes {stable_mosaic.version = 14 : i64} {
  func.func @_mm_body(%arg0: i32, %arg1: i32, %arg2: memref<2048x512xf32, #tpu.memory_space<vmem>>, %arg3: memref<512x2560xf32, #tpu.memory_space<vmem>>, %arg4: memref<2048x2560xbf16, #tpu.memory_space<vmem>>) attributes {dimension_semantics = [#tpu.dimension_semantics<parallel>, #tpu.dimension_semantics<parallel>], iteration_bounds = array<i64: 4, 1>, scalar_prefetch = 0 : i64, scratch_operands = 0 : i64, tpu.core_type = #tpu.core_type<tc>, window_params = [{transform_indices = @transform_0, window_bounds = array<i64: 2048, 512>}, {transform_indices = @transform_1, window_bounds = array<i64: 512, 2560>}, {transform_indices = @transform_2, window_bounds = array<i64: 2048, 2560>}]} {
    %get3A = arith.constant 0 : index
    %get3A_0 = arith.constant 0 : index
    %get3A_1 = vector.load %arg2[%get3A, %get3A_0] : memref<2048x512xf32, #tpu.memory_space<vmem>>, vector<2048x512xf32>
    %convert_element_type3A = arith.truncf %get3A_1 : vector<2048x512xf32> to vector<2048x512xbf16>
    %get3A_2 = arith.constant 0 : index
    %get3A_3 = arith.constant 0 : index
    %get3A_4 = vector.load %arg3[%get3A_2, %get3A_3] : memref<512x2560xf32, #tpu.memory_space<vmem>>, vector<512x2560xf32>
    %convert_element_type3A_5 = arith.truncf %get3A_4 : vector<512x2560xf32> to vector<512x2560xbf16>
    %dot_general3A = arith.constant dense<0.000000e+00> : vector<2048x2560xf32>
    %dot_general3A_6 = tpu.matmul %convert_element_type3A, %convert_element_type3A_5, %dot_general3A {dimension_numbers = #tpu.dot_dimension_numbers<[1], [0], [0], [1], [0, 0, 1, 1], [], []>, transpose_lhs_hint = false} : vector<2048x512xbf16>, vector<512x2560xbf16>, vector<2048x2560xf32> -> vector<2048x2560xf32>
    %convert_element_type3A_7 = arith.truncf %dot_general3A_6 : vector<2048x2560xf32> to vector<2048x2560xbf16>
    %swap3A = arith.constant 0 : index
    %swap3A_8 = arith.constant 0 : index
    %swap3A_9 = vector.load %arg4[%swap3A, %swap3A_8] : memref<2048x2560xbf16, #tpu.memory_space<vmem>>, vector<2048x2560xbf16>
    tpu.vector_store %arg4[%swap3A, %swap3A_8], %convert_element_type3A_7 {strides = array<i32>} : memref<2048x2560xbf16, #tpu.memory_space<vmem>>, vector<2048x2560xbf16>,
    return
  }
  func.func @transform_0(%arg0: i32, %arg1: i32) -> (i32, i32) {
    %c0_i32 = arith.constant 0 : i32
    %c0_i32_0 = arith.constant 0 : i32
    return %arg0, %c0_i32 : i32, i32
  }
  func.func @transform_1(%arg0: i32, %arg1: i32) -> (i32, i32) {
    %c0_i32 = arith.constant 0 : i32
    %c0_i32_0 = arith.constant 0 : i32
    return %c0_i32, %arg1 : i32, i32
  }
  func.func @transform_2(%arg0: i32, %arg1: i32) -> (i32, i32) {
    %c0_i32 = arith.constant 0 : i32
    return %arg0, %arg1 : i32, i32
  }
}

module attributes {stable_mosaic.version = 14 : i64} {
  func.func @body(%arg0: i32, %arg1: memref<2x4xi32, #tpu.memory_space<smem>>, %arg2: memref<512x256xf32, #tpu.memory_space<vmem>>, %arg3: memref<256x512xbf16, #tpu.memory_space<vmem>>, %arg4: memref<512x256xbf16, #tpu.memory_space<vmem>>, %arg5: memref<256x512xbf16, #tpu.memory_space<vmem>>, %arg6: memref<512x16xf32, #tpu.memory_space<vmem>>, %arg7: memref<16x512xbf16, #tpu.memory_space<vmem>>, %arg8: memref<512x512xbf16, #tpu.memory_space<vmem>>, %arg9: memref<8192x2560xbf16, #tpu.memory_space<any>>, %arg10: memref<1x512x1xi32, #tpu.memory_space<vmem>>, %arg11: memref<1x8192xi32, #tpu.memory_space<vmem>>, %arg12: memref<512x512xbf16, #tpu.memory_space<vmem>>, %arg13: memref<2x1024x512xbf16, #tpu.memory_space<vmem>>, %arg14: memref<2x1024x512xbf16, #tpu.memory_space<vmem>>, %arg15: memref<512x512xf32, #tpu.memory_space<vmem>>, %arg16: memref<512x1xf32, #tpu.memory_space<vmem>>, %arg17: memref<512x1xf32, #tpu.memory_space<vmem>>, %arg18: memref<2x!tpu.dma_semaphore, #tpu.memory_space<semaphore_mem>>, %arg19: memref<2x!tpu.dma_semaphore, #tpu.memory_space<semaphore_mem>>) attributes {dimension_semantics = [#tpu.dimension_semantics<parallel>], iteration_bounds = array<i64: 4>, scalar_prefetch = 1 : i64, scratch_operands = 7 : i64, tpu.core_type = #tpu.core_type<tc>, window_params = [{transform_indices = @transform_0, window_bounds = array<i64: 512, 256>}, {pipeline_mode = #tpu.pipeline_mode<synchronous>, transform_indices = @transform_1, window_bounds = array<i64: 256, 512>}, {transform_indices = @transform_2, window_bounds = array<i64: 512, 256>}, {pipeline_mode = #tpu.pipeline_mode<synchronous>, transform_indices = @transform_3, window_bounds = array<i64: 256, 512>}, {transform_indices = @transform_4, window_bounds = array<i64: 512, 16>}, {pipeline_mode = #tpu.pipeline_mode<synchronous>, transform_indices = @transform_5, window_bounds = array<i64: 16, 512>}, {pipeline_mode = #tpu.pipeline_mode<synchronous>, transform_indices = @transform_6, window_bounds = array<i64: 512, 512>}, {}, {transform_indices = @transform_8, window_bounds = array<i64: 1, 512, 1>}, {pipeline_mode = #tpu.pipeline_mode<synchronous>, transform_indices = @transform_9, window_bounds = array<i64: 1, 8192>}, {transform_indices = @transform_10, window_bounds = array<i64: 512, 512>}]} {
    %get3A = arith.constant 0 : index
    %get3A_0 = arith.index_cast %arg0 : i32 to index
    %get3A_1 = memref.load %arg1[%get3A, %get3A_0] : memref<2x4xi32, #tpu.memory_space<smem>>
    %get3A_2 = arith.constant 1 : index
    %get3A_3 = arith.index_cast %arg0 : i32 to index
    %get3A_4 = memref.load %arg1[%get3A_2, %get3A_3] : memref<2x4xi32, #tpu.memory_space<smem>>
    %mul3A = arith.constant 1024 : i32
    %mul3A_5 = arith.muli %get3A_1, %mul3A : i32
    %dma_start3A = arith.constant 0 : i32
    %dma_start3A_6 = arith.constant 0 : i32
    %dma_start3A_7 = tpu.memref_slice %arg18[%dma_start3A_6] : memref<2x!tpu.dma_semaphore, #tpu.memory_space<semaphore_mem>> -> memref<1x!tpu.dma_semaphore, #tpu.memory_space<semaphore_mem>>
    %dma_start3A_8 = tpu.memref_squeeze %dma_start3A_7 : memref<1x!tpu.dma_semaphore, #tpu.memory_space<semaphore_mem>> -> memref<!tpu.dma_semaphore, #tpu.memory_space<semaphore_mem>>
    %dma_start3A_9 = arith.constant 0 : i32
    %dma_start3A_10 = arith.constant 0 : i32
    %dma_start3A_11 = tpu.memref_slice %arg13[%dma_start3A, %dma_start3A_9, %dma_start3A_10] : memref<2x1024x512xbf16, #tpu.memory_space<vmem>> -> memref<1x1024x512xbf16, #tpu.memory_space<vmem>>
    %dma_start3A_12 = tpu.memref_squeeze %dma_start3A_11 : memref<1x1024x512xbf16, #tpu.memory_space<vmem>> -> memref<1024x512xbf16, #tpu.memory_space<vmem>>
    %dma_start3A_13 = arith.constant 0 : i32
    %dma_start3A_14 = tpu.memref_slice %arg9[%mul3A_5, %dma_start3A_13] : memref<8192x2560xbf16, #tpu.memory_space<any>> -> memref<1024x512xbf16, #tpu.memory_space<any>>
    tpu.enqueue_dma source(%dma_start3A_14 : memref<1024x512xbf16, #tpu.memory_space<any>>) target(%dma_start3A_12 : memref<1024x512xbf16, #tpu.memory_space<vmem>>) target_semaphore(%dma_start3A_8 : memref<!tpu.dma_semaphore, #tpu.memory_space<semaphore_mem>>)
    %mul3A_15 = arith.constant 1024 : i32
    %mul3A_16 = arith.muli %get3A_1, %mul3A_15 : i32
    %dma_start3A_17 = arith.constant 0 : i32
    %dma_start3A_18 = arith.constant 0 : i32
    %dma_start3A_19 = tpu.memref_slice %arg19[%dma_start3A_18] : memref<2x!tpu.dma_semaphore, #tpu.memory_space<semaphore_mem>> -> memref<1x!tpu.dma_semaphore, #tpu.memory_space<semaphore_mem>>
    %dma_start3A_20 = tpu.memref_squeeze %dma_start3A_19 : memref<1x!tpu.dma_semaphore, #tpu.memory_space<semaphore_mem>> -> memref<!tpu.dma_semaphore, #tpu.memory_space<semaphore_mem>>
    %dma_start3A_21 = arith.constant 0 : i32
    %dma_start3A_22 = arith.constant 0 : i32
    %dma_start3A_23 = tpu.memref_slice %arg14[%dma_start3A_17, %dma_start3A_21, %dma_start3A_22] : memref<2x1024x512xbf16, #tpu.memory_space<vmem>> -> memref<1x1024x512xbf16, #tpu.memory_space<vmem>>
    %dma_start3A_24 = tpu.memref_squeeze %dma_start3A_23 : memref<1x1024x512xbf16, #tpu.memory_space<vmem>> -> memref<1024x512xbf16, #tpu.memory_space<vmem>>
    %dma_start3A_25 = arith.constant 512 : i32
    %dma_start3A_26 = tpu.memref_slice %arg9[%mul3A_16, %dma_start3A_25] : memref<8192x2560xbf16, #tpu.memory_space<any>> -> memref<1024x512xbf16, #tpu.memory_space<any>>
    tpu.enqueue_dma source(%dma_start3A_26 : memref<1024x512xbf16, #tpu.memory_space<any>>) target(%dma_start3A_24 : memref<1024x512xbf16, #tpu.memory_space<vmem>>) target_semaphore(%dma_start3A_20 : memref<!tpu.dma_semaphore, #tpu.memory_space<semaphore_mem>>)
    %get3A_27 = arith.constant 0 : index
    %get3A_28 = arith.constant 0 : index
    %get3A_29 = vector.load %arg2[%get3A_27, %get3A_28] : memref<512x256xf32, #tpu.memory_space<vmem>>, vector<512x256xf32>
    %convert_element_type3A = arith.truncf %get3A_29 : vector<512x256xf32> to vector<512x256xbf16>
    %get3A_30 = arith.constant 0 : index
    %get3A_31 = arith.constant 0 : index
    %get3A_32 = vector.load %arg3[%get3A_30, %get3A_31] : memref<256x512xbf16, #tpu.memory_space<vmem>>, vector<256x512xbf16>
    %dot_general3A = arith.constant dense<0.000000e+00> : vector<512x512xf32>
    %dot_general3A_33 = tpu.matmul %convert_element_type3A, %get3A_32, %dot_general3A {dimension_numbers = #tpu.dot_dimension_numbers<[1], [0], [0], [1], [0, 0, 1, 1], [], []>, transpose_lhs_hint = false} : vector<512x256xbf16>, vector<256x512xbf16>, vector<512x512xf32> -> vector<512x512xf32>
    %get3A_34 = arith.constant 0 : index
    %get3A_35 = arith.constant 0 : index
    %get3A_36 = vector.load %arg4[%get3A_34, %get3A_35] : memref<512x256xbf16, #tpu.memory_space<vmem>>, vector<512x256xbf16>
    %get3A_37 = arith.constant 0 : index
    %get3A_38 = arith.constant 0 : index
    %get3A_39 = vector.load %arg5[%get3A_37, %get3A_38] : memref<256x512xbf16, #tpu.memory_space<vmem>>, vector<256x512xbf16>
    %dot_general3A_40 = arith.constant dense<0.000000e+00> : vector<512x512xf32>
    %dot_general3A_41 = tpu.matmul %get3A_36, %get3A_39, %dot_general3A_40 {dimension_numbers = #tpu.dot_dimension_numbers<[1], [0], [0], [1], [0, 0, 1, 1], [], []>, transpose_lhs_hint = false} : vector<512x256xbf16>, vector<256x512xbf16>, vector<512x512xf32> -> vector<512x512xf32>
    %add3A = arith.addf %dot_general3A_33, %dot_general3A_41 : vector<512x512xf32>
    %get3A_42 = arith.constant 0 : index
    %get3A_43 = arith.constant 0 : index
    %get3A_44 = vector.load %arg6[%get3A_42, %get3A_43] : memref<512x16xf32, #tpu.memory_space<vmem>>, vector<512x16xf32>
    %convert_element_type3A_45 = arith.truncf %get3A_44 : vector<512x16xf32> to vector<512x16xbf16>
    %get3A_46 = arith.constant 0 : index
    %get3A_47 = arith.constant 0 : index
    %get3A_48 = vector.load %arg7[%get3A_46, %get3A_47] : memref<16x512xbf16, #tpu.memory_space<vmem>>, vector<16x512xbf16>
    %dot_general3A_49 = arith.constant dense<0.000000e+00> : vector<512x512xf32>
    %dot_general3A_50 = tpu.matmul %convert_element_type3A_45, %get3A_48, %dot_general3A_49 {dimension_numbers = #tpu.dot_dimension_numbers<[1], [0], [0], [1], [0, 0, 1, 1], [], []>, transpose_lhs_hint = false} : vector<512x16xbf16>, vector<16x512xbf16>, vector<512x512xf32> -> vector<512x512xf32>
    %add3A_51 = arith.addf %add3A, %dot_general3A_50 : vector<512x512xf32>
    %convert_element_type3A_52 = arith.truncf %add3A_51 : vector<512x512xf32> to vector<512x512xbf16>
    %get3A_53 = arith.constant 0 : index
    %get3A_54 = arith.constant 0 : index
    %get3A_55 = vector.load %arg8[%get3A_53, %get3A_54] : memref<512x512xbf16, #tpu.memory_space<vmem>>, vector<512x512xbf16>
    %dot_general3A_56 = arith.constant dense<0.000000e+00> : vector<512x512xf32>
    %dot_general3A_57 = tpu.matmul %convert_element_type3A_52, %get3A_55, %dot_general3A_56 {dimension_numbers = #tpu.dot_dimension_numbers<[1], [0], [0], [1], [0, 0, 1, 1], [], []>, transpose_lhs_hint = false} : vector<512x512xbf16>, vector<512x512xbf16>, vector<512x512xf32> -> vector<512x512xf32>
    %mul3A_58 = arith.constant 0.0441941731 : f32
    %mul3A_59 = vector.broadcast %mul3A_58 : f32 to vector<512x512xf32>
    %mul3A_60 = arith.mulf %dot_general3A_57, %mul3A_59 : vector<512x512xf32>
    %convert_element_type3A_61 = arith.truncf %mul3A_60 : vector<512x512xf32> to vector<512x512xbf16>
    %get3A_62 = arith.constant 0 : index
    %get3A_63 = arith.constant 0 : index
    %get3A_64 = arith.constant 0 : index
    %get3A_65 = vector.load %arg10[%get3A_62, %get3A_63, %get3A_64] : memref<1x512x1xi32, #tpu.memory_space<vmem>>, vector<1x512x1xi32>
    %get3A_66 = vector.shape_cast %get3A_65 : vector<1x512x1xi32> to vector<512x1xi32>
    %broadcast_in_dim3A = arith.constant 0.000000e+00 : f32
    %broadcast_in_dim3A_67 = vector.broadcast %broadcast_in_dim3A : f32 to vector<512x512xf32>
    %swap3A = arith.constant 0 : index
    %swap3A_68 = arith.constant 0 : index
    %swap3A_69 = vector.load %arg15[%swap3A, %swap3A_68] : memref<512x512xf32, #tpu.memory_space<vmem>>, vector<512x512xf32>
    tpu.vector_store %arg15[%swap3A, %swap3A_68], %broadcast_in_dim3A_67 {strides = array<i32>} : memref<512x512xf32, #tpu.memory_space<vmem>>, vector<512x512xf32>,
    %broadcast_in_dim3A_70 = arith.constant 0xFF800000 : f32
    %broadcast_in_dim3A_71 = vector.broadcast %broadcast_in_dim3A_70 : f32 to vector<512x1xf32>
    %swap3A_72 = arith.constant 0 : index
    %swap3A_73 = arith.constant 0 : index
    %swap3A_74 = vector.load %arg16[%swap3A_72, %swap3A_73] : memref<512x1xf32, #tpu.memory_space<vmem>>, vector<512x1xf32>
    tpu.vector_store %arg16[%swap3A_72, %swap3A_73], %broadcast_in_dim3A_71 {strides = array<i32>} : memref<512x1xf32, #tpu.memory_space<vmem>>, vector<512x1xf32>,
    %broadcast_in_dim3A_75 = arith.constant 0.000000e+00 : f32
    %broadcast_in_dim3A_76 = vector.broadcast %broadcast_in_dim3A_75 : f32 to vector<512x1xf32>
    %swap3A_77 = arith.constant 0 : index
    %swap3A_78 = arith.constant 0 : index
    %swap3A_79 = vector.load %arg17[%swap3A_77, %swap3A_78] : memref<512x1xf32, #tpu.memory_space<vmem>>, vector<512x1xf32>
    tpu.vector_store %arg17[%swap3A_77, %swap3A_78], %broadcast_in_dim3A_76 {strides = array<i32>} : memref<512x1xf32, #tpu.memory_space<vmem>>, vector<512x1xf32>,
    %add3A_80 = arith.constant 1 : i32
    %add3A_81 = arith.addi %get3A_4, %add3A_80 : i32
    %while3A = arith.constant 0 : i32
    %while3A_82 = arith.subi %add3A_81, %get3A_1 : i32
    %while3A_83 = arith.addi %get3A_1, %while3A_82 : i32
    %while3A_84 = arith.constant 1 : i32
    %while3A_85 = arith.divsi %while3A_82, %while3A_84 : i32
    %while3A_86 = arith.muli %while3A_85, %while3A_84 : i32
    %while3A_87 = arith.addi %get3A_1, %while3A_86 : i32
    %while3A_88 = arith.constant 1 : i32
    %while3A_89 = scf.for %while3A_106 = %get3A_1 to %while3A_87 step %while3A_88 iter_args(%while3A_107 = %while3A) -> (i32)  : i32 {
      %lt3A = arith.cmpi slt, %while3A_106, %get3A_4 : i32
      %convert_element_type3A_108 = arith.extui %lt3A : i1 to i32
      %cond3A = arith.constant 0 : i32
      %cond3A_109 = arith.cmpi ne, %convert_element_type3A_108, %cond3A : i32
      scf.if %cond3A_109 {
        %add3A_185 = arith.constant 1 : i32
        %add3A_186 = arith.addi %while3A_106, %add3A_185 : i32
        %sub3A_187 = arith.constant 1 : i32
        %sub3A_188 = arith.subi %sub3A_187, %while3A_107 : i32
        %mul3A_189 = arith.constant 1024 : i32
        %mul3A_190 = arith.muli %add3A_186, %mul3A_189 : i32
        %dma_start3A_191 = tpu.memref_slice %arg18[%sub3A_188] : memref<2x!tpu.dma_semaphore, #tpu.memory_space<semaphore_mem>> -> memref<1x!tpu.dma_semaphore, #tpu.memory_space<semaphore_mem>>
        %dma_start3A_192 = tpu.memref_squeeze %dma_start3A_191 : memref<1x!tpu.dma_semaphore, #tpu.memory_space<semaphore_mem>> -> memref<!tpu.dma_semaphore, #tpu.memory_space<semaphore_mem>>
        %dma_start3A_193 = arith.constant 0 : i32
        %dma_start3A_194 = arith.constant 0 : i32
        %dma_start3A_195 = tpu.memref_slice %arg13[%sub3A_188, %dma_start3A_193, %dma_start3A_194] : memref<2x1024x512xbf16, #tpu.memory_space<vmem>> -> memref<1x1024x512xbf16, #tpu.memory_space<vmem>>
        %dma_start3A_196 = tpu.memref_squeeze %dma_start3A_195 : memref<1x1024x512xbf16, #tpu.memory_space<vmem>> -> memref<1024x512xbf16, #tpu.memory_space<vmem>>
        %dma_start3A_197 = arith.constant 0 : i32
        %dma_start3A_198 = tpu.memref_slice %arg9[%mul3A_190, %dma_start3A_197] : memref<8192x2560xbf16, #tpu.memory_space<any>> -> memref<1024x512xbf16, #tpu.memory_space<any>>
        tpu.enqueue_dma source(%dma_start3A_198 : memref<1024x512xbf16, #tpu.memory_space<any>>) target(%dma_start3A_196 : memref<1024x512xbf16, #tpu.memory_space<vmem>>) target_semaphore(%dma_start3A_192 : memref<!tpu.dma_semaphore, #tpu.memory_space<semaphore_mem>>)
        %mul3A_199 = arith.constant 1024 : i32
        %mul3A_200 = arith.muli %add3A_186, %mul3A_199 : i32
        %dma_start3A_201 = tpu.memref_slice %arg19[%sub3A_188] : memref<2x!tpu.dma_semaphore, #tpu.memory_space<semaphore_mem>> -> memref<1x!tpu.dma_semaphore, #tpu.memory_space<semaphore_mem>>
        %dma_start3A_202 = tpu.memref_squeeze %dma_start3A_201 : memref<1x!tpu.dma_semaphore, #tpu.memory_space<semaphore_mem>> -> memref<!tpu.dma_semaphore, #tpu.memory_space<semaphore_mem>>
        %dma_start3A_203 = arith.constant 0 : i32
        %dma_start3A_204 = arith.constant 0 : i32
        %dma_start3A_205 = tpu.memref_slice %arg14[%sub3A_188, %dma_start3A_203, %dma_start3A_204] : memref<2x1024x512xbf16, #tpu.memory_space<vmem>> -> memref<1x1024x512xbf16, #tpu.memory_space<vmem>>
        %dma_start3A_206 = tpu.memref_squeeze %dma_start3A_205 : memref<1x1024x512xbf16, #tpu.memory_space<vmem>> -> memref<1024x512xbf16, #tpu.memory_space<vmem>>
        %dma_start3A_207 = arith.constant 512 : i32
        %dma_start3A_208 = tpu.memref_slice %arg9[%mul3A_200, %dma_start3A_207] : memref<8192x2560xbf16, #tpu.memory_space<any>> -> memref<1024x512xbf16, #tpu.memory_space<any>>
        tpu.enqueue_dma source(%dma_start3A_208 : memref<1024x512xbf16, #tpu.memory_space<any>>) target(%dma_start3A_206 : memref<1024x512xbf16, #tpu.memory_space<vmem>>) target_semaphore(%dma_start3A_202 : memref<!tpu.dma_semaphore, #tpu.memory_space<semaphore_mem>>)
      } else {
      }
      %mul3A_110 = arith.constant 1024 : i32
      %mul3A_111 = arith.muli %while3A_106, %mul3A_110 : i32
      %dma_wait3A = tpu.memref_slice %arg18[%while3A_107] : memref<2x!tpu.dma_semaphore, #tpu.memory_space<semaphore_mem>> -> memref<1x!tpu.dma_semaphore, #tpu.memory_space<semaphore_mem>>
      %dma_wait3A_112 = tpu.memref_squeeze %dma_wait3A : memref<1x!tpu.dma_semaphore, #tpu.memory_space<semaphore_mem>> -> memref<!tpu.dma_semaphore, #tpu.memory_space<semaphore_mem>>
      %dma_wait3A_113 = arith.constant 0 : i32
      %dma_wait3A_114 = arith.constant 0 : i32
      %dma_wait3A_115 = tpu.memref_slice %arg13[%while3A_107, %dma_wait3A_113, %dma_wait3A_114] : memref<2x1024x512xbf16, #tpu.memory_space<vmem>> -> memref<1x1024x512xbf16, #tpu.memory_space<vmem>>
      %dma_wait3A_116 = tpu.memref_squeeze %dma_wait3A_115 : memref<1x1024x512xbf16, #tpu.memory_space<vmem>> -> memref<1024x512xbf16, #tpu.memory_space<vmem>>
      %dma_wait3A_117 = arith.constant 0 : i32
      %dma_wait3A_118 = tpu.memref_slice %arg9[%mul3A_111, %dma_wait3A_117] : memref<8192x2560xbf16, #tpu.memory_space<any>> -> memref<1024x512xbf16, #tpu.memory_space<any>>
      tpu.wait_dma2 semaphore(%dma_wait3A_112 : memref<!tpu.dma_semaphore, #tpu.memory_space<semaphore_mem>>) src(%dma_wait3A_118 : memref<1024x512xbf16, #tpu.memory_space<any>>) dst(%dma_wait3A_116 : memref<1024x512xbf16, #tpu.memory_space<vmem>>)
      %mul3A_119 = arith.constant 1024 : i32
      %mul3A_120 = arith.muli %while3A_106, %mul3A_119 : i32
      %dma_wait3A_121 = tpu.memref_slice %arg19[%while3A_107] : memref<2x!tpu.dma_semaphore, #tpu.memory_space<semaphore_mem>> -> memref<1x!tpu.dma_semaphore, #tpu.memory_space<semaphore_mem>>
      %dma_wait3A_122 = tpu.memref_squeeze %dma_wait3A_121 : memref<1x!tpu.dma_semaphore, #tpu.memory_space<semaphore_mem>> -> memref<!tpu.dma_semaphore, #tpu.memory_space<semaphore_mem>>
      %dma_wait3A_123 = arith.constant 0 : i32
      %dma_wait3A_124 = arith.constant 0 : i32
      %dma_wait3A_125 = tpu.memref_slice %arg14[%while3A_107, %dma_wait3A_123, %dma_wait3A_124] : memref<2x1024x512xbf16, #tpu.memory_space<vmem>> -> memref<1x1024x512xbf16, #tpu.memory_space<vmem>>
      %dma_wait3A_126 = tpu.memref_squeeze %dma_wait3A_125 : memref<1x1024x512xbf16, #tpu.memory_space<vmem>> -> memref<1024x512xbf16, #tpu.memory_space<vmem>>
      %dma_wait3A_127 = arith.constant 512 : i32
      %dma_wait3A_128 = tpu.memref_slice %arg9[%mul3A_120, %dma_wait3A_127] : memref<8192x2560xbf16, #tpu.memory_space<any>> -> memref<1024x512xbf16, #tpu.memory_space<any>>
      tpu.wait_dma2 semaphore(%dma_wait3A_122 : memref<!tpu.dma_semaphore, #tpu.memory_space<semaphore_mem>>) src(%dma_wait3A_128 : memref<1024x512xbf16, #tpu.memory_space<any>>) dst(%dma_wait3A_126 : memref<1024x512xbf16, #tpu.memory_space<vmem>>)
      %get3A_129 = arith.index_cast %while3A_107 : i32 to index
      %get3A_130 = arith.constant 0 : index
      %get3A_131 = arith.constant 0 : index
      %get3A_132 = vector.load %arg13[%get3A_129, %get3A_130, %get3A_131] : memref<2x1024x512xbf16, #tpu.memory_space<vmem>>, vector<1x1024x512xbf16>
      %get3A_133 = vector.shape_cast %get3A_132 : vector<1x1024x512xbf16> to vector<1024x512xbf16>
      %dot_general3A_134 = arith.constant dense<0.000000e+00> : vector<512x1024xf32>
      %dot_general3A_135 = tpu.matmul %convert_element_type3A_61, %get3A_133, %dot_general3A_134 {dimension_numbers = #tpu.dot_dimension_numbers<[1], [1], [0], [0], [0, 0, 1, 0], [], []>, transpose_lhs_hint = false} : vector<512x512xbf16>, vector<1024x512xbf16>, vector<512x1024xf32> -> vector<512x1024xf32>
      %mul3A_136 = arith.constant 1024 : i32
      %mul3A_137 = arith.muli %while3A_106, %mul3A_136 : i32
      %get3A_138 = arith.constant 0 : index
      %get3A_139 = arith.index_cast %mul3A_137 : i32 to index
      %get3A_140 = vector.load %arg11[%get3A_138, %get3A_139] : memref<1x8192xi32, #tpu.memory_space<vmem>>, vector<1x1024xi32>
      %eq3A = vector.broadcast %get3A_66 : vector<512x1xi32> to vector<512x1024xi32>
      %eq3A_141 = vector.broadcast %get3A_140 : vector<1x1024xi32> to vector<512x1024xi32>
      %eq3A_142 = arith.cmpi eq, %eq3A, %eq3A_141 : vector<512x1024xi32>
      %jit3A = arith.constant -1.000000e+09 : f32
      %broadcast_in_dim3A_143 = vector.broadcast %jit3A : f32 to vector<512x1024xf32>
      %select_n3A = arith.select %eq3A_142, %dot_general3A_135, %broadcast_in_dim3A_143 : vector<512x1024xi1>, vector<512x1024xf32>
      %get3A_144 = arith.constant 0 : index
      %get3A_145 = arith.constant 0 : index
      %get3A_146 = vector.load %arg16[%get3A_144, %get3A_145] : memref<512x1xf32, #tpu.memory_space<vmem>>, vector<512x1xf32>
      %reduce_max3A = arith.constant dense<0xFF800000> : vector<512xf32>
      %reduce_max3A_147 = vector.multi_reduction <maximumf>, %select_n3A, %reduce_max3A [1] : vector<512x1024xf32> to vector<512xf32>
      %broadcast_in_dim3A_148 = vector.shape_cast %reduce_max3A_147 : vector<512xf32> to vector<512x1xf32>
      %max3A_149 = arith.maximumf %get3A_146, %broadcast_in_dim3A_148 : vector<512x1xf32>
      %sub3A = vector.broadcast %max3A_149 : vector<512x1xf32> to vector<512x1024xf32>
      %sub3A_150 = arith.subf %select_n3A, %sub3A : vector<512x1024xf32>
      %exp3A = math.exp %sub3A_150 : vector<512x1024xf32>
      %sub3A_151 = arith.subf %get3A_146, %max3A_149 : vector<512x1xf32>
      %exp3A_152 = math.exp %sub3A_151 : vector<512x1xf32>
      %get3A_153 = arith.constant 0 : index
      %get3A_154 = arith.constant 0 : index
      %get3A_155 = vector.load %arg17[%get3A_153, %get3A_154] : memref<512x1xf32, #tpu.memory_space<vmem>>, vector<512x1xf32>
      %mul3A_156 = arith.mulf %get3A_155, %exp3A_152 : vector<512x1xf32>
      %reduce_sum3A = arith.constant dense<0.000000e+00> : vector<512xf32>
      %reduce_sum3A_157 = vector.multi_reduction <add>, %exp3A, %reduce_sum3A [1] : vector<512x1024xf32> to vector<512xf32>
      %broadcast_in_dim3A_158 = vector.shape_cast %reduce_sum3A_157 : vector<512xf32> to vector<512x1xf32>
      %add3A_159 = arith.addf %mul3A_156, %broadcast_in_dim3A_158 : vector<512x1xf32>
      %swap3A_160 = arith.constant 0 : index
      %swap3A_161 = arith.constant 0 : index
      %swap3A_162 = vector.load %arg17[%swap3A_160, %swap3A_161] : memref<512x1xf32, #tpu.memory_space<vmem>>, vector<512x1xf32>
      tpu.vector_store %arg17[%swap3A_160, %swap3A_161], %add3A_159 {strides = array<i32>} : memref<512x1xf32, #tpu.memory_space<vmem>>, vector<512x1xf32>,
      %swap3A_163 = arith.constant 0 : index
      %swap3A_164 = arith.constant 0 : index
      %swap3A_165 = vector.load %arg16[%swap3A_163, %swap3A_164] : memref<512x1xf32, #tpu.memory_space<vmem>>, vector<512x1xf32>
      tpu.vector_store %arg16[%swap3A_163, %swap3A_164], %max3A_149 {strides = array<i32>} : memref<512x1xf32, #tpu.memory_space<vmem>>, vector<512x1xf32>,
      %get3A_166 = arith.constant 0 : index
      %get3A_167 = arith.constant 0 : index
      %get3A_168 = vector.load %arg15[%get3A_166, %get3A_167] : memref<512x512xf32, #tpu.memory_space<vmem>>, vector<512x512xf32>
      %mul3A_169 = vector.broadcast %exp3A_152 : vector<512x1xf32> to vector<512x512xf32>
      %mul3A_170 = arith.mulf %get3A_168, %mul3A_169 : vector<512x512xf32>
      %convert_element_type3A_171 = arith.truncf %exp3A : vector<512x1024xf32> to vector<512x1024xbf16>
      %get3A_172 = arith.index_cast %while3A_107 : i32 to index
      %get3A_173 = arith.constant 0 : index
      %get3A_174 = arith.constant 0 : index
      %get3A_175 = vector.load %arg14[%get3A_172, %get3A_173, %get3A_174] : memref<2x1024x512xbf16, #tpu.memory_space<vmem>>, vector<1x1024x512xbf16>
      %get3A_176 = vector.shape_cast %get3A_175 : vector<1x1024x512xbf16> to vector<1024x512xbf16>
      %dot_general3A_177 = arith.constant dense<0.000000e+00> : vector<512x512xf32>
      %dot_general3A_178 = tpu.matmul %convert_element_type3A_171, %get3A_176, %dot_general3A_177 {dimension_numbers = #tpu.dot_dimension_numbers<[1], [0], [0], [1], [0, 0, 1, 1], [], []>, transpose_lhs_hint = false} : vector<512x1024xbf16>, vector<1024x512xbf16>, vector<512x512xf32> -> vector<512x512xf32>
      %add3A_179 = arith.addf %mul3A_170, %dot_general3A_178 : vector<512x512xf32>
      %swap3A_180 = arith.constant 0 : index
      %swap3A_181 = arith.constant 0 : index
      %swap3A_182 = vector.load %arg15[%swap3A_180, %swap3A_181] : memref<512x512xf32, #tpu.memory_space<vmem>>, vector<512x512xf32>
      tpu.vector_store %arg15[%swap3A_180, %swap3A_181], %add3A_179 {strides = array<i32>} : memref<512x512xf32, #tpu.memory_space<vmem>>, vector<512x512xf32>,
      %sub3A_183 = arith.constant 1 : i32
      %sub3A_184 = arith.subi %sub3A_183, %while3A_107 : i32
      scf.yield %sub3A_184 : i32
    }
    %while3A_90 = arith.constant 1 : i32
    %while3A_91 = scf.for %while3A_106 = %while3A_87 to %while3A_83 step %while3A_90 iter_args(%while3A_107 = %while3A_89) -> (i32)  : i32 {
      %lt3A = arith.cmpi slt, %while3A_106, %get3A_4 : i32
      %convert_element_type3A_108 = arith.extui %lt3A : i1 to i32
      %cond3A = arith.constant 0 : i32
      %cond3A_109 = arith.cmpi ne, %convert_element_type3A_108, %cond3A : i32
      scf.if %cond3A_109 {
        %add3A_185 = arith.constant 1 : i32
        %add3A_186 = arith.addi %while3A_106, %add3A_185 : i32
        %sub3A_187 = arith.constant 1 : i32
        %sub3A_188 = arith.subi %sub3A_187, %while3A_107 : i32
        %mul3A_189 = arith.constant 1024 : i32
        %mul3A_190 = arith.muli %add3A_186, %mul3A_189 : i32
        %dma_start3A_191 = tpu.memref_slice %arg18[%sub3A_188] : memref<2x!tpu.dma_semaphore, #tpu.memory_space<semaphore_mem>> -> memref<1x!tpu.dma_semaphore, #tpu.memory_space<semaphore_mem>>
        %dma_start3A_192 = tpu.memref_squeeze %dma_start3A_191 : memref<1x!tpu.dma_semaphore, #tpu.memory_space<semaphore_mem>> -> memref<!tpu.dma_semaphore, #tpu.memory_space<semaphore_mem>>
        %dma_start3A_193 = arith.constant 0 : i32
        %dma_start3A_194 = arith.constant 0 : i32
        %dma_start3A_195 = tpu.memref_slice %arg13[%sub3A_188, %dma_start3A_193, %dma_start3A_194] : memref<2x1024x512xbf16, #tpu.memory_space<vmem>> -> memref<1x1024x512xbf16, #tpu.memory_space<vmem>>
        %dma_start3A_196 = tpu.memref_squeeze %dma_start3A_195 : memref<1x1024x512xbf16, #tpu.memory_space<vmem>> -> memref<1024x512xbf16, #tpu.memory_space<vmem>>
        %dma_start3A_197 = arith.constant 0 : i32
        %dma_start3A_198 = tpu.memref_slice %arg9[%mul3A_190, %dma_start3A_197] : memref<8192x2560xbf16, #tpu.memory_space<any>> -> memref<1024x512xbf16, #tpu.memory_space<any>>
        tpu.enqueue_dma source(%dma_start3A_198 : memref<1024x512xbf16, #tpu.memory_space<any>>) target(%dma_start3A_196 : memref<1024x512xbf16, #tpu.memory_space<vmem>>) target_semaphore(%dma_start3A_192 : memref<!tpu.dma_semaphore, #tpu.memory_space<semaphore_mem>>)
        %mul3A_199 = arith.constant 1024 : i32
        %mul3A_200 = arith.muli %add3A_186, %mul3A_199 : i32
        %dma_start3A_201 = tpu.memref_slice %arg19[%sub3A_188] : memref<2x!tpu.dma_semaphore, #tpu.memory_space<semaphore_mem>> -> memref<1x!tpu.dma_semaphore, #tpu.memory_space<semaphore_mem>>
        %dma_start3A_202 = tpu.memref_squeeze %dma_start3A_201 : memref<1x!tpu.dma_semaphore, #tpu.memory_space<semaphore_mem>> -> memref<!tpu.dma_semaphore, #tpu.memory_space<semaphore_mem>>
        %dma_start3A_203 = arith.constant 0 : i32
        %dma_start3A_204 = arith.constant 0 : i32
        %dma_start3A_205 = tpu.memref_slice %arg14[%sub3A_188, %dma_start3A_203, %dma_start3A_204] : memref<2x1024x512xbf16, #tpu.memory_space<vmem>> -> memref<1x1024x512xbf16, #tpu.memory_space<vmem>>
        %dma_start3A_206 = tpu.memref_squeeze %dma_start3A_205 : memref<1x1024x512xbf16, #tpu.memory_space<vmem>> -> memref<1024x512xbf16, #tpu.memory_space<vmem>>
        %dma_start3A_207 = arith.constant 512 : i32
        %dma_start3A_208 = tpu.memref_slice %arg9[%mul3A_200, %dma_start3A_207] : memref<8192x2560xbf16, #tpu.memory_space<any>> -> memref<1024x512xbf16, #tpu.memory_space<any>>
        tpu.enqueue_dma source(%dma_start3A_208 : memref<1024x512xbf16, #tpu.memory_space<any>>) target(%dma_start3A_206 : memref<1024x512xbf16, #tpu.memory_space<vmem>>) target_semaphore(%dma_start3A_202 : memref<!tpu.dma_semaphore, #tpu.memory_space<semaphore_mem>>)
      } else {
      }
      %mul3A_110 = arith.constant 1024 : i32
      %mul3A_111 = arith.muli %while3A_106, %mul3A_110 : i32
      %dma_wait3A = tpu.memref_slice %arg18[%while3A_107] : memref<2x!tpu.dma_semaphore, #tpu.memory_space<semaphore_mem>> -> memref<1x!tpu.dma_semaphore, #tpu.memory_space<semaphore_mem>>
      %dma_wait3A_112 = tpu.memref_squeeze %dma_wait3A : memref<1x!tpu.dma_semaphore, #tpu.memory_space<semaphore_mem>> -> memref<!tpu.dma_semaphore, #tpu.memory_space<semaphore_mem>>
      %dma_wait3A_113 = arith.constant 0 : i32
      %dma_wait3A_114 = arith.constant 0 : i32
      %dma_wait3A_115 = tpu.memref_slice %arg13[%while3A_107, %dma_wait3A_113, %dma_wait3A_114] : memref<2x1024x512xbf16, #tpu.memory_space<vmem>> -> memref<1x1024x512xbf16, #tpu.memory_space<vmem>>
      %dma_wait3A_116 = tpu.memref_squeeze %dma_wait3A_115 : memref<1x1024x512xbf16, #tpu.memory_space<vmem>> -> memref<1024x512xbf16, #tpu.memory_space<vmem>>
      %dma_wait3A_117 = arith.constant 0 : i32
      %dma_wait3A_118 = tpu.memref_slice %arg9[%mul3A_111, %dma_wait3A_117] : memref<8192x2560xbf16, #tpu.memory_space<any>> -> memref<1024x512xbf16, #tpu.memory_space<any>>
      tpu.wait_dma2 semaphore(%dma_wait3A_112 : memref<!tpu.dma_semaphore, #tpu.memory_space<semaphore_mem>>) src(%dma_wait3A_118 : memref<1024x512xbf16, #tpu.memory_space<any>>) dst(%dma_wait3A_116 : memref<1024x512xbf16, #tpu.memory_space<vmem>>)
      %mul3A_119 = arith.constant 1024 : i32
      %mul3A_120 = arith.muli %while3A_106, %mul3A_119 : i32
      %dma_wait3A_121 = tpu.memref_slice %arg19[%while3A_107] : memref<2x!tpu.dma_semaphore, #tpu.memory_space<semaphore_mem>> -> memref<1x!tpu.dma_semaphore, #tpu.memory_space<semaphore_mem>>
      %dma_wait3A_122 = tpu.memref_squeeze %dma_wait3A_121 : memref<1x!tpu.dma_semaphore, #tpu.memory_space<semaphore_mem>> -> memref<!tpu.dma_semaphore, #tpu.memory_space<semaphore_mem>>
      %dma_wait3A_123 = arith.constant 0 : i32
      %dma_wait3A_124 = arith.constant 0 : i32
      %dma_wait3A_125 = tpu.memref_slice %arg14[%while3A_107, %dma_wait3A_123, %dma_wait3A_124] : memref<2x1024x512xbf16, #tpu.memory_space<vmem>> -> memref<1x1024x512xbf16, #tpu.memory_space<vmem>>
      %dma_wait3A_126 = tpu.memref_squeeze %dma_wait3A_125 : memref<1x1024x512xbf16, #tpu.memory_space<vmem>> -> memref<1024x512xbf16, #tpu.memory_space<vmem>>
      %dma_wait3A_127 = arith.constant 512 : i32
      %dma_wait3A_128 = tpu.memref_slice %arg9[%mul3A_120, %dma_wait3A_127] : memref<8192x2560xbf16, #tpu.memory_space<any>> -> memref<1024x512xbf16, #tpu.memory_space<any>>
      tpu.wait_dma2 semaphore(%dma_wait3A_122 : memref<!tpu.dma_semaphore, #tpu.memory_space<semaphore_mem>>) src(%dma_wait3A_128 : memref<1024x512xbf16, #tpu.memory_space<any>>) dst(%dma_wait3A_126 : memref<1024x512xbf16, #tpu.memory_space<vmem>>)
      %get3A_129 = arith.index_cast %while3A_107 : i32 to index
      %get3A_130 = arith.constant 0 : index
      %get3A_131 = arith.constant 0 : index
      %get3A_132 = vector.load %arg13[%get3A_129, %get3A_130, %get3A_131] : memref<2x1024x512xbf16, #tpu.memory_space<vmem>>, vector<1x1024x512xbf16>
      %get3A_133 = vector.shape_cast %get3A_132 : vector<1x1024x512xbf16> to vector<1024x512xbf16>
      %dot_general3A_134 = arith.constant dense<0.000000e+00> : vector<512x1024xf32>
      %dot_general3A_135 = tpu.matmul %convert_element_type3A_61, %get3A_133, %dot_general3A_134 {dimension_numbers = #tpu.dot_dimension_numbers<[1], [1], [0], [0], [0, 0, 1, 0], [], []>, transpose_lhs_hint = false} : vector<512x512xbf16>, vector<1024x512xbf16>, vector<512x1024xf32> -> vector<512x1024xf32>
      %mul3A_136 = arith.constant 1024 : i32
      %mul3A_137 = arith.muli %while3A_106, %mul3A_136 : i32
      %get3A_138 = arith.constant 0 : index
      %get3A_139 = arith.index_cast %mul3A_137 : i32 to index
      %get3A_140 = vector.load %arg11[%get3A_138, %get3A_139] : memref<1x8192xi32, #tpu.memory_space<vmem>>, vector<1x1024xi32>
      %eq3A = vector.broadcast %get3A_66 : vector<512x1xi32> to vector<512x1024xi32>
      %eq3A_141 = vector.broadcast %get3A_140 : vector<1x1024xi32> to vector<512x1024xi32>
      %eq3A_142 = arith.cmpi eq, %eq3A, %eq3A_141 : vector<512x1024xi32>
      %jit3A = arith.constant -1.000000e+09 : f32
      %broadcast_in_dim3A_143 = vector.broadcast %jit3A : f32 to vector<512x1024xf32>
      %select_n3A = arith.select %eq3A_142, %dot_general3A_135, %broadcast_in_dim3A_143 : vector<512x1024xi1>, vector<512x1024xf32>
      %get3A_144 = arith.constant 0 : index
      %get3A_145 = arith.constant 0 : index
      %get3A_146 = vector.load %arg16[%get3A_144, %get3A_145] : memref<512x1xf32, #tpu.memory_space<vmem>>, vector<512x1xf32>
      %reduce_max3A = arith.constant dense<0xFF800000> : vector<512xf32>
      %reduce_max3A_147 = vector.multi_reduction <maximumf>, %select_n3A, %reduce_max3A [1] : vector<512x1024xf32> to vector<512xf32>
      %broadcast_in_dim3A_148 = vector.shape_cast %reduce_max3A_147 : vector<512xf32> to vector<512x1xf32>
      %max3A_149 = arith.maximumf %get3A_146, %broadcast_in_dim3A_148 : vector<512x1xf32>
      %sub3A = vector.broadcast %max3A_149 : vector<512x1xf32> to vector<512x1024xf32>
      %sub3A_150 = arith.subf %select_n3A, %sub3A : vector<512x1024xf32>
      %exp3A = math.exp %sub3A_150 : vector<512x1024xf32>
      %sub3A_151 = arith.subf %get3A_146, %max3A_149 : vector<512x1xf32>
      %exp3A_152 = math.exp %sub3A_151 : vector<512x1xf32>
      %get3A_153 = arith.constant 0 : index
      %get3A_154 = arith.constant 0 : index
      %get3A_155 = vector.load %arg17[%get3A_153, %get3A_154] : memref<512x1xf32, #tpu.memory_space<vmem>>, vector<512x1xf32>
      %mul3A_156 = arith.mulf %get3A_155, %exp3A_152 : vector<512x1xf32>
      %reduce_sum3A = arith.constant dense<0.000000e+00> : vector<512xf32>
      %reduce_sum3A_157 = vector.multi_reduction <add>, %exp3A, %reduce_sum3A [1] : vector<512x1024xf32> to vector<512xf32>
      %broadcast_in_dim3A_158 = vector.shape_cast %reduce_sum3A_157 : vector<512xf32> to vector<512x1xf32>
      %add3A_159 = arith.addf %mul3A_156, %broadcast_in_dim3A_158 : vector<512x1xf32>
      %swap3A_160 = arith.constant 0 : index
      %swap3A_161 = arith.constant 0 : index
      %swap3A_162 = vector.load %arg17[%swap3A_160, %swap3A_161] : memref<512x1xf32, #tpu.memory_space<vmem>>, vector<512x1xf32>
      tpu.vector_store %arg17[%swap3A_160, %swap3A_161], %add3A_159 {strides = array<i32>} : memref<512x1xf32, #tpu.memory_space<vmem>>, vector<512x1xf32>,
      %swap3A_163 = arith.constant 0 : index
      %swap3A_164 = arith.constant 0 : index
      %swap3A_165 = vector.load %arg16[%swap3A_163, %swap3A_164] : memref<512x1xf32, #tpu.memory_space<vmem>>, vector<512x1xf32>
      tpu.vector_store %arg16[%swap3A_163, %swap3A_164], %max3A_149 {strides = array<i32>} : memref<512x1xf32, #tpu.memory_space<vmem>>, vector<512x1xf32>,
      %get3A_166 = arith.constant 0 : index
      %get3A_167 = arith.constant 0 : index
      %get3A_168 = vector.load %arg15[%get3A_166, %get3A_167] : memref<512x512xf32, #tpu.memory_space<vmem>>, vector<512x512xf32>
      %mul3A_169 = vector.broadcast %exp3A_152 : vector<512x1xf32> to vector<512x512xf32>
      %mul3A_170 = arith.mulf %get3A_168, %mul3A_169 : vector<512x512xf32>
      %convert_element_type3A_171 = arith.truncf %exp3A : vector<512x1024xf32> to vector<512x1024xbf16>
      %get3A_172 = arith.index_cast %while3A_107 : i32 to index
      %get3A_173 = arith.constant 0 : index
      %get3A_174 = arith.constant 0 : index
      %get3A_175 = vector.load %arg14[%get3A_172, %get3A_173, %get3A_174] : memref<2x1024x512xbf16, #tpu.memory_space<vmem>>, vector<1x1024x512xbf16>
      %get3A_176 = vector.shape_cast %get3A_175 : vector<1x1024x512xbf16> to vector<1024x512xbf16>
      %dot_general3A_177 = arith.constant dense<0.000000e+00> : vector<512x512xf32>
      %dot_general3A_178 = tpu.matmul %convert_element_type3A_171, %get3A_176, %dot_general3A_177 {dimension_numbers = #tpu.dot_dimension_numbers<[1], [0], [0], [1], [0, 0, 1, 1], [], []>, transpose_lhs_hint = false} : vector<512x1024xbf16>, vector<1024x512xbf16>, vector<512x512xf32> -> vector<512x512xf32>
      %add3A_179 = arith.addf %mul3A_170, %dot_general3A_178 : vector<512x512xf32>
      %swap3A_180 = arith.constant 0 : index
      %swap3A_181 = arith.constant 0 : index
      %swap3A_182 = vector.load %arg15[%swap3A_180, %swap3A_181] : memref<512x512xf32, #tpu.memory_space<vmem>>, vector<512x512xf32>
      tpu.vector_store %arg15[%swap3A_180, %swap3A_181], %add3A_179 {strides = array<i32>} : memref<512x512xf32, #tpu.memory_space<vmem>>, vector<512x512xf32>,
      %sub3A_183 = arith.constant 1 : i32
      %sub3A_184 = arith.subi %sub3A_183, %while3A_107 : i32
      scf.yield %sub3A_184 : i32
    }
    %get3A_92 = arith.constant 0 : index
    %get3A_93 = arith.constant 0 : index
    %get3A_94 = vector.load %arg15[%get3A_92, %get3A_93] : memref<512x512xf32, #tpu.memory_space<vmem>>, vector<512x512xf32>
    %get3A_95 = arith.constant 0 : index
    %get3A_96 = arith.constant 0 : index
    %get3A_97 = vector.load %arg17[%get3A_95, %get3A_96] : memref<512x1xf32, #tpu.memory_space<vmem>>, vector<512x1xf32>
    %div3A = vector.broadcast %get3A_97 : vector<512x1xf32> to vector<512x512xf32>
    %div3A_98 = arith.divf %get3A_94, %div3A : vector<512x512xf32>
    %add3A_99 = arith.addf %add3A_51, %div3A_98 : vector<512x512xf32>
    %max3A = arith.constant 0.000000e+00 : f32
    %max3A_100 = vector.broadcast %max3A : f32 to vector<512x512xf32>
    %max3A_101 = arith.maximumf %add3A_99, %max3A_100 : vector<512x512xf32>
    %convert_element_type3A_102 = arith.truncf %max3A_101 : vector<512x512xf32> to vector<512x512xbf16>
    %swap3A_103 = arith.constant 0 : index
    %swap3A_104 = arith.constant 0 : index
    %swap3A_105 = vector.load %arg12[%swap3A_103, %swap3A_104] : memref<512x512xbf16, #tpu.memory_space<vmem>>, vector<512x512xbf16>
    tpu.vector_store %arg12[%swap3A_103, %swap3A_104], %convert_element_type3A_102 {strides = array<i32>} : memref<512x512xbf16, #tpu.memory_space<vmem>>, vector<512x512xbf16>,
    return
  }
  func.func @transform_0(%arg0: i32, %arg1: memref<2x4xi32, #tpu.memory_space<smem>>) -> (i32, i32) {
    %c0_i32 = arith.constant 0 : i32
    %c0_i32_0 = arith.constant 0 : i32
    return %arg0, %c0_i32 : i32, i32
  }
  func.func @transform_1(%arg0: i32, %arg1: memref<2x4xi32, #tpu.memory_space<smem>>) -> (i32, i32) {
    %c0_i32 = arith.constant 0 : i32
    %c0_i32_0 = arith.constant 0 : i32
    %c0_i32_1 = arith.constant 0 : i32
    return %c0_i32, %c0_i32_0 : i32, i32
  }
  func.func @transform_2(%arg0: i32, %arg1: memref<2x4xi32, #tpu.memory_space<smem>>) -> (i32, i32) {
    %c0_i32 = arith.constant 0 : i32
    %c0_i32_0 = arith.constant 0 : i32
    return %arg0, %c0_i32 : i32, i32
  }
  func.func @transform_3(%arg0: i32, %arg1: memref<2x4xi32, #tpu.memory_space<smem>>) -> (i32, i32) {
    %c0_i32 = arith.constant 0 : i32
    %c0_i32_0 = arith.constant 0 : i32
    %c0_i32_1 = arith.constant 0 : i32
    return %c0_i32, %c0_i32_0 : i32, i32
  }
  func.func @transform_4(%arg0: i32, %arg1: memref<2x4xi32, #tpu.memory_space<smem>>) -> (i32, i32) {
    %c0_i32 = arith.constant 0 : i32
    %c0_i32_0 = arith.constant 0 : i32
    return %arg0, %c0_i32 : i32, i32
  }
  func.func @transform_5(%arg0: i32, %arg1: memref<2x4xi32, #tpu.memory_space<smem>>) -> (i32, i32) {
    %c0_i32 = arith.constant 0 : i32
    %c0_i32_0 = arith.constant 0 : i32
    %c0_i32_1 = arith.constant 0 : i32
    return %c0_i32, %c0_i32_0 : i32, i32
  }
  func.func @transform_6(%arg0: i32, %arg1: memref<2x4xi32, #tpu.memory_space<smem>>) -> (i32, i32) {
    %c0_i32 = arith.constant 0 : i32
    %c0_i32_0 = arith.constant 0 : i32
    %c0_i32_1 = arith.constant 0 : i32
    return %c0_i32, %c0_i32_0 : i32, i32
  }
  func.func @transform_8(%arg0: i32, %arg1: memref<2x4xi32, #tpu.memory_space<smem>>) -> (i32, i32, i32) {
    %c0_i32 = arith.constant 0 : i32
    %c0_i32_0 = arith.constant 0 : i32
    %c0_i32_1 = arith.constant 0 : i32
    return %arg0, %c0_i32, %c0_i32_0 : i32, i32, i32
  }
  func.func @transform_9(%arg0: i32, %arg1: memref<2x4xi32, #tpu.memory_space<smem>>) -> (i32, i32) {
    %c0_i32 = arith.constant 0 : i32
    %c0_i32_0 = arith.constant 0 : i32
    %c0_i32_1 = arith.constant 0 : i32
    return %c0_i32, %c0_i32_0 : i32, i32
  }
  func.func @transform_10(%arg0: i32, %arg1: memref<2x4xi32, #tpu.memory_space<smem>>) -> (i32, i32) {
    %c0_i32 = arith.constant 0 : i32
    %c0_i32_0 = arith.constant 0 : i32
    return %arg0, %c0_i32 : i32, i32
  }
}

module attributes {stable_mosaic.version = 14 : i64} {
  func.func @_mm_body(%arg0: i32, %arg1: i32, %arg2: memref<512x2048xf32, #tpu.memory_space<vmem>>, %arg3: memref<2048x256xf32, #tpu.memory_space<vmem>>, %arg4: memref<512x256xbf16, #tpu.memory_space<vmem>>) attributes {dimension_semantics = [#tpu.dimension_semantics<parallel>, #tpu.dimension_semantics<parallel>], iteration_bounds = array<i64: 4, 1>, scalar_prefetch = 0 : i64, scratch_operands = 0 : i64, tpu.core_type = #tpu.core_type<tc>, window_params = [{transform_indices = @transform_0, window_bounds = array<i64: 512, 2048>}, {transform_indices = @transform_1, window_bounds = array<i64: 2048, 256>}, {transform_indices = @transform_2, window_bounds = array<i64: 512, 256>}]} {
    %get3A = arith.constant 0 : index
    %get3A_0 = arith.constant 0 : index
    %get3A_1 = vector.load %arg2[%get3A, %get3A_0] : memref<512x2048xf32, #tpu.memory_space<vmem>>, vector<512x2048xf32>
    %convert_element_type3A = arith.truncf %get3A_1 : vector<512x2048xf32> to vector<512x2048xbf16>
    %get3A_2 = arith.constant 0 : index
    %get3A_3 = arith.constant 0 : index
    %get3A_4 = vector.load %arg3[%get3A_2, %get3A_3] : memref<2048x256xf32, #tpu.memory_space<vmem>>, vector<2048x256xf32>
    %convert_element_type3A_5 = arith.truncf %get3A_4 : vector<2048x256xf32> to vector<2048x256xbf16>
    %dot_general3A = arith.constant dense<0.000000e+00> : vector<512x256xf32>
    %dot_general3A_6 = tpu.matmul %convert_element_type3A, %convert_element_type3A_5, %dot_general3A {dimension_numbers = #tpu.dot_dimension_numbers<[1], [0], [0], [1], [0, 0, 1, 1], [], []>, transpose_lhs_hint = false} : vector<512x2048xbf16>, vector<2048x256xbf16>, vector<512x256xf32> -> vector<512x256xf32>
    %convert_element_type3A_7 = arith.truncf %dot_general3A_6 : vector<512x256xf32> to vector<512x256xbf16>
    %swap3A = arith.constant 0 : index
    %swap3A_8 = arith.constant 0 : index
    %swap3A_9 = vector.load %arg4[%swap3A, %swap3A_8] : memref<512x256xbf16, #tpu.memory_space<vmem>>, vector<512x256xbf16>
    tpu.vector_store %arg4[%swap3A, %swap3A_8], %convert_element_type3A_7 {strides = array<i32>} : memref<512x256xbf16, #tpu.memory_space<vmem>>, vector<512x256xbf16>,
    return
  }
  func.func @transform_0(%arg0: i32, %arg1: i32) -> (i32, i32) {
    %c0_i32 = arith.constant 0 : i32
    %c0_i32_0 = arith.constant 0 : i32
    return %arg0, %c0_i32 : i32, i32
  }
  func.func @transform_1(%arg0: i32, %arg1: i32) -> (i32, i32) {
    %c0_i32 = arith.constant 0 : i32
    %c0_i32_0 = arith.constant 0 : i32
    return %c0_i32, %arg1 : i32, i32
  }
  func.func @transform_2(%arg0: i32, %arg1: i32) -> (i32, i32) {
    %c0_i32 = arith.constant 0 : i32
    return %arg0, %arg1 : i32, i32
  }
}

module attributes {stable_mosaic.version = 14 : i64} {
  func.func @_mm_body(%arg0: i32, %arg1: i32, %arg2: memref<512x512xbf16, #tpu.memory_space<vmem>>, %arg3: memref<512x512xf32, #tpu.memory_space<vmem>>, %arg4: memref<512x512xbf16, #tpu.memory_space<vmem>>) attributes {dimension_semantics = [#tpu.dimension_semantics<parallel>, #tpu.dimension_semantics<parallel>], iteration_bounds = array<i64: 4, 1>, scalar_prefetch = 0 : i64, scratch_operands = 0 : i64, tpu.core_type = #tpu.core_type<tc>, window_params = [{transform_indices = @transform_0, window_bounds = array<i64: 512, 512>}, {transform_indices = @transform_1, window_bounds = array<i64: 512, 512>}, {transform_indices = @transform_2, window_bounds = array<i64: 512, 512>}]} {
    %get3A = arith.constant 0 : index
    %get3A_0 = arith.constant 0 : index
    %get3A_1 = vector.load %arg2[%get3A, %get3A_0] : memref<512x512xbf16, #tpu.memory_space<vmem>>, vector<512x512xbf16>
    %get3A_2 = arith.constant 0 : index
    %get3A_3 = arith.constant 0 : index
    %get3A_4 = vector.load %arg3[%get3A_2, %get3A_3] : memref<512x512xf32, #tpu.memory_space<vmem>>, vector<512x512xf32>
    %convert_element_type3A = arith.truncf %get3A_4 : vector<512x512xf32> to vector<512x512xbf16>
    %dot_general3A = arith.constant dense<0.000000e+00> : vector<512x512xf32>
    %dot_general3A_5 = tpu.matmul %get3A_1, %convert_element_type3A, %dot_general3A {dimension_numbers = #tpu.dot_dimension_numbers<[1], [0], [0], [1], [0, 0, 1, 1], [], []>, transpose_lhs_hint = false} : vector<512x512xbf16>, vector<512x512xbf16>, vector<512x512xf32> -> vector<512x512xf32>
    %convert_element_type3A_6 = arith.truncf %dot_general3A_5 : vector<512x512xf32> to vector<512x512xbf16>
    %swap3A = arith.constant 0 : index
    %swap3A_7 = arith.constant 0 : index
    %swap3A_8 = vector.load %arg4[%swap3A, %swap3A_7] : memref<512x512xbf16, #tpu.memory_space<vmem>>, vector<512x512xbf16>
    tpu.vector_store %arg4[%swap3A, %swap3A_7], %convert_element_type3A_6 {strides = array<i32>} : memref<512x512xbf16, #tpu.memory_space<vmem>>, vector<512x512xbf16>,
    return
  }
  func.func @transform_0(%arg0: i32, %arg1: i32) -> (i32, i32) {
    %c0_i32 = arith.constant 0 : i32
    %c0_i32_0 = arith.constant 0 : i32
    return %arg0, %c0_i32 : i32, i32
  }
  func.func @transform_1(%arg0: i32, %arg1: i32) -> (i32, i32) {
    %c0_i32 = arith.constant 0 : i32
    %c0_i32_0 = arith.constant 0 : i32
    return %c0_i32, %arg1 : i32, i32
  }
  func.func @transform_2(%arg0: i32, %arg1: i32) -> (i32, i32) {
    %c0_i32 = arith.constant 0 : i32
    return %arg0, %arg1 : i32, i32
  }
}

module attributes {stable_mosaic.version = 14 : i64} {
  func.func @body(%arg0: i32, %arg1: memref<2x4xi32, #tpu.memory_space<smem>>, %arg2: memref<512x512xbf16, #tpu.memory_space<vmem>>, %arg3: memref<512x512xbf16, #tpu.memory_space<vmem>>, %arg4: memref<512x2048xf32, #tpu.memory_space<vmem>>, %arg5: memref<2048x512xbf16, #tpu.memory_space<vmem>>, %arg6: memref<512x16xf32, #tpu.memory_space<vmem>>, %arg7: memref<16x512xbf16, #tpu.memory_space<vmem>>, %arg8: memref<512x512xbf16, #tpu.memory_space<vmem>>, %arg9: memref<8192x2560xbf16, #tpu.memory_space<any>>, %arg10: memref<1x512x1xi32, #tpu.memory_space<vmem>>, %arg11: memref<1x8192xi32, #tpu.memory_space<vmem>>, %arg12: memref<512x512xbf16, #tpu.memory_space<vmem>>, %arg13: memref<2x1024x512xbf16, #tpu.memory_space<vmem>>, %arg14: memref<2x1024x512xbf16, #tpu.memory_space<vmem>>, %arg15: memref<512x512xf32, #tpu.memory_space<vmem>>, %arg16: memref<512x1xf32, #tpu.memory_space<vmem>>, %arg17: memref<512x1xf32, #tpu.memory_space<vmem>>, %arg18: memref<2x!tpu.dma_semaphore, #tpu.memory_space<semaphore_mem>>, %arg19: memref<2x!tpu.dma_semaphore, #tpu.memory_space<semaphore_mem>>) attributes {dimension_semantics = [#tpu.dimension_semantics<parallel>], iteration_bounds = array<i64: 4>, scalar_prefetch = 1 : i64, scratch_operands = 7 : i64, tpu.core_type = #tpu.core_type<tc>, window_params = [{transform_indices = @transform_0, window_bounds = array<i64: 512, 512>}, {pipeline_mode = #tpu.pipeline_mode<synchronous>, transform_indices = @transform_1, window_bounds = array<i64: 512, 512>}, {transform_indices = @transform_2, window_bounds = array<i64: 512, 2048>}, {pipeline_mode = #tpu.pipeline_mode<synchronous>, transform_indices = @transform_3, window_bounds = array<i64: 2048, 512>}, {transform_indices = @transform_4, window_bounds = array<i64: 512, 16>}, {pipeline_mode = #tpu.pipeline_mode<synchronous>, transform_indices = @transform_5, window_bounds = array<i64: 16, 512>}, {pipeline_mode = #tpu.pipeline_mode<synchronous>, transform_indices = @transform_6, window_bounds = array<i64: 512, 512>}, {}, {transform_indices = @transform_8, window_bounds = array<i64: 1, 512, 1>}, {pipeline_mode = #tpu.pipeline_mode<synchronous>, transform_indices = @transform_9, window_bounds = array<i64: 1, 8192>}, {transform_indices = @transform_10, window_bounds = array<i64: 512, 512>}]} {
    %get3A = arith.constant 0 : index
    %get3A_0 = arith.index_cast %arg0 : i32 to index
    %get3A_1 = memref.load %arg1[%get3A, %get3A_0] : memref<2x4xi32, #tpu.memory_space<smem>>
    %get3A_2 = arith.constant 1 : index
    %get3A_3 = arith.index_cast %arg0 : i32 to index
    %get3A_4 = memref.load %arg1[%get3A_2, %get3A_3] : memref<2x4xi32, #tpu.memory_space<smem>>
    %mul3A = arith.constant 1024 : i32
    %mul3A_5 = arith.muli %get3A_1, %mul3A : i32
    %dma_start3A = arith.constant 0 : i32
    %dma_start3A_6 = arith.constant 0 : i32
    %dma_start3A_7 = tpu.memref_slice %arg18[%dma_start3A_6] : memref<2x!tpu.dma_semaphore, #tpu.memory_space<semaphore_mem>> -> memref<1x!tpu.dma_semaphore, #tpu.memory_space<semaphore_mem>>
    %dma_start3A_8 = tpu.memref_squeeze %dma_start3A_7 : memref<1x!tpu.dma_semaphore, #tpu.memory_space<semaphore_mem>> -> memref<!tpu.dma_semaphore, #tpu.memory_space<semaphore_mem>>
    %dma_start3A_9 = arith.constant 0 : i32
    %dma_start3A_10 = arith.constant 0 : i32
    %dma_start3A_11 = tpu.memref_slice %arg13[%dma_start3A, %dma_start3A_9, %dma_start3A_10] : memref<2x1024x512xbf16, #tpu.memory_space<vmem>> -> memref<1x1024x512xbf16, #tpu.memory_space<vmem>>
    %dma_start3A_12 = tpu.memref_squeeze %dma_start3A_11 : memref<1x1024x512xbf16, #tpu.memory_space<vmem>> -> memref<1024x512xbf16, #tpu.memory_space<vmem>>
    %dma_start3A_13 = arith.constant 1024 : i32
    %dma_start3A_14 = tpu.memref_slice %arg9[%mul3A_5, %dma_start3A_13] : memref<8192x2560xbf16, #tpu.memory_space<any>> -> memref<1024x512xbf16, #tpu.memory_space<any>>
    tpu.enqueue_dma source(%dma_start3A_14 : memref<1024x512xbf16, #tpu.memory_space<any>>) target(%dma_start3A_12 : memref<1024x512xbf16, #tpu.memory_space<vmem>>) target_semaphore(%dma_start3A_8 : memref<!tpu.dma_semaphore, #tpu.memory_space<semaphore_mem>>)
    %mul3A_15 = arith.constant 1024 : i32
    %mul3A_16 = arith.muli %get3A_1, %mul3A_15 : i32
    %dma_start3A_17 = arith.constant 0 : i32
    %dma_start3A_18 = arith.constant 0 : i32
    %dma_start3A_19 = tpu.memref_slice %arg19[%dma_start3A_18] : memref<2x!tpu.dma_semaphore, #tpu.memory_space<semaphore_mem>> -> memref<1x!tpu.dma_semaphore, #tpu.memory_space<semaphore_mem>>
    %dma_start3A_20 = tpu.memref_squeeze %dma_start3A_19 : memref<1x!tpu.dma_semaphore, #tpu.memory_space<semaphore_mem>> -> memref<!tpu.dma_semaphore, #tpu.memory_space<semaphore_mem>>
    %dma_start3A_21 = arith.constant 0 : i32
    %dma_start3A_22 = arith.constant 0 : i32
    %dma_start3A_23 = tpu.memref_slice %arg14[%dma_start3A_17, %dma_start3A_21, %dma_start3A_22] : memref<2x1024x512xbf16, #tpu.memory_space<vmem>> -> memref<1x1024x512xbf16, #tpu.memory_space<vmem>>
    %dma_start3A_24 = tpu.memref_squeeze %dma_start3A_23 : memref<1x1024x512xbf16, #tpu.memory_space<vmem>> -> memref<1024x512xbf16, #tpu.memory_space<vmem>>
    %dma_start3A_25 = arith.constant 1536 : i32
    %dma_start3A_26 = tpu.memref_slice %arg9[%mul3A_16, %dma_start3A_25] : memref<8192x2560xbf16, #tpu.memory_space<any>> -> memref<1024x512xbf16, #tpu.memory_space<any>>
    tpu.enqueue_dma source(%dma_start3A_26 : memref<1024x512xbf16, #tpu.memory_space<any>>) target(%dma_start3A_24 : memref<1024x512xbf16, #tpu.memory_space<vmem>>) target_semaphore(%dma_start3A_20 : memref<!tpu.dma_semaphore, #tpu.memory_space<semaphore_mem>>)
    %get3A_27 = arith.constant 0 : index
    %get3A_28 = arith.constant 0 : index
    %get3A_29 = vector.load %arg2[%get3A_27, %get3A_28] : memref<512x512xbf16, #tpu.memory_space<vmem>>, vector<512x512xbf16>
    %get3A_30 = arith.constant 0 : index
    %get3A_31 = arith.constant 0 : index
    %get3A_32 = vector.load %arg3[%get3A_30, %get3A_31] : memref<512x512xbf16, #tpu.memory_space<vmem>>, vector<512x512xbf16>
    %dot_general3A = arith.constant dense<0.000000e+00> : vector<512x512xf32>
    %dot_general3A_33 = tpu.matmul %get3A_29, %get3A_32, %dot_general3A {dimension_numbers = #tpu.dot_dimension_numbers<[1], [0], [0], [1], [0, 0, 1, 1], [], []>, transpose_lhs_hint = false} : vector<512x512xbf16>, vector<512x512xbf16>, vector<512x512xf32> -> vector<512x512xf32>
    %get3A_34 = arith.constant 0 : index
    %get3A_35 = arith.constant 0 : index
    %get3A_36 = vector.load %arg4[%get3A_34, %get3A_35] : memref<512x2048xf32, #tpu.memory_space<vmem>>, vector<512x2048xf32>
    %convert_element_type3A = arith.truncf %get3A_36 : vector<512x2048xf32> to vector<512x2048xbf16>
    %get3A_37 = arith.constant 0 : index
    %get3A_38 = arith.constant 0 : index
    %get3A_39 = vector.load %arg5[%get3A_37, %get3A_38] : memref<2048x512xbf16, #tpu.memory_space<vmem>>, vector<2048x512xbf16>
    %dot_general3A_40 = arith.constant dense<0.000000e+00> : vector<512x512xf32>
    %dot_general3A_41 = tpu.matmul %convert_element_type3A, %get3A_39, %dot_general3A_40 {dimension_numbers = #tpu.dot_dimension_numbers<[1], [0], [0], [1], [0, 0, 1, 1], [], []>, transpose_lhs_hint = false} : vector<512x2048xbf16>, vector<2048x512xbf16>, vector<512x512xf32> -> vector<512x512xf32>
    %add3A = arith.addf %dot_general3A_33, %dot_general3A_41 : vector<512x512xf32>
    %get3A_42 = arith.constant 0 : index
    %get3A_43 = arith.constant 0 : index
    %get3A_44 = vector.load %arg6[%get3A_42, %get3A_43] : memref<512x16xf32, #tpu.memory_space<vmem>>, vector<512x16xf32>
    %convert_element_type3A_45 = arith.truncf %get3A_44 : vector<512x16xf32> to vector<512x16xbf16>
    %get3A_46 = arith.constant 0 : index
    %get3A_47 = arith.constant 0 : index
    %get3A_48 = vector.load %arg7[%get3A_46, %get3A_47] : memref<16x512xbf16, #tpu.memory_space<vmem>>, vector<16x512xbf16>
    %dot_general3A_49 = arith.constant dense<0.000000e+00> : vector<512x512xf32>
    %dot_general3A_50 = tpu.matmul %convert_element_type3A_45, %get3A_48, %dot_general3A_49 {dimension_numbers = #tpu.dot_dimension_numbers<[1], [0], [0], [1], [0, 0, 1, 1], [], []>, transpose_lhs_hint = false} : vector<512x16xbf16>, vector<16x512xbf16>, vector<512x512xf32> -> vector<512x512xf32>
    %add3A_51 = arith.addf %add3A, %dot_general3A_50 : vector<512x512xf32>
    %convert_element_type3A_52 = arith.truncf %add3A_51 : vector<512x512xf32> to vector<512x512xbf16>
    %get3A_53 = arith.constant 0 : index
    %get3A_54 = arith.constant 0 : index
    %get3A_55 = vector.load %arg8[%get3A_53, %get3A_54] : memref<512x512xbf16, #tpu.memory_space<vmem>>, vector<512x512xbf16>
    %dot_general3A_56 = arith.constant dense<0.000000e+00> : vector<512x512xf32>
    %dot_general3A_57 = tpu.matmul %convert_element_type3A_52, %get3A_55, %dot_general3A_56 {dimension_numbers = #tpu.dot_dimension_numbers<[1], [0], [0], [1], [0, 0, 1, 1], [], []>, transpose_lhs_hint = false} : vector<512x512xbf16>, vector<512x512xbf16>, vector<512x512xf32> -> vector<512x512xf32>
    %mul3A_58 = arith.constant 0.0441941731 : f32
    %mul3A_59 = vector.broadcast %mul3A_58 : f32 to vector<512x512xf32>
    %mul3A_60 = arith.mulf %dot_general3A_57, %mul3A_59 : vector<512x512xf32>
    %convert_element_type3A_61 = arith.truncf %mul3A_60 : vector<512x512xf32> to vector<512x512xbf16>
    %get3A_62 = arith.constant 0 : index
    %get3A_63 = arith.constant 0 : index
    %get3A_64 = arith.constant 0 : index
    %get3A_65 = vector.load %arg10[%get3A_62, %get3A_63, %get3A_64] : memref<1x512x1xi32, #tpu.memory_space<vmem>>, vector<1x512x1xi32>
    %get3A_66 = vector.shape_cast %get3A_65 : vector<1x512x1xi32> to vector<512x1xi32>
    %broadcast_in_dim3A = arith.constant 0.000000e+00 : f32
    %broadcast_in_dim3A_67 = vector.broadcast %broadcast_in_dim3A : f32 to vector<512x512xf32>
    %swap3A = arith.constant 0 : index
    %swap3A_68 = arith.constant 0 : index
    %swap3A_69 = vector.load %arg15[%swap3A, %swap3A_68] : memref<512x512xf32, #tpu.memory_space<vmem>>, vector<512x512xf32>
    tpu.vector_store %arg15[%swap3A, %swap3A_68], %broadcast_in_dim3A_67 {strides = array<i32>} : memref<512x512xf32, #tpu.memory_space<vmem>>, vector<512x512xf32>,
    %broadcast_in_dim3A_70 = arith.constant 0xFF800000 : f32
    %broadcast_in_dim3A_71 = vector.broadcast %broadcast_in_dim3A_70 : f32 to vector<512x1xf32>
    %swap3A_72 = arith.constant 0 : index
    %swap3A_73 = arith.constant 0 : index
    %swap3A_74 = vector.load %arg16[%swap3A_72, %swap3A_73] : memref<512x1xf32, #tpu.memory_space<vmem>>, vector<512x1xf32>
    tpu.vector_store %arg16[%swap3A_72, %swap3A_73], %broadcast_in_dim3A_71 {strides = array<i32>} : memref<512x1xf32, #tpu.memory_space<vmem>>, vector<512x1xf32>,
    %broadcast_in_dim3A_75 = arith.constant 0.000000e+00 : f32
    %broadcast_in_dim3A_76 = vector.broadcast %broadcast_in_dim3A_75 : f32 to vector<512x1xf32>
    %swap3A_77 = arith.constant 0 : index
    %swap3A_78 = arith.constant 0 : index
    %swap3A_79 = vector.load %arg17[%swap3A_77, %swap3A_78] : memref<512x1xf32, #tpu.memory_space<vmem>>, vector<512x1xf32>
    tpu.vector_store %arg17[%swap3A_77, %swap3A_78], %broadcast_in_dim3A_76 {strides = array<i32>} : memref<512x1xf32, #tpu.memory_space<vmem>>, vector<512x1xf32>,
    %add3A_80 = arith.constant 1 : i32
    %add3A_81 = arith.addi %get3A_4, %add3A_80 : i32
    %while3A = arith.constant 0 : i32
    %while3A_82 = arith.subi %add3A_81, %get3A_1 : i32
    %while3A_83 = arith.addi %get3A_1, %while3A_82 : i32
    %while3A_84 = arith.constant 1 : i32
    %while3A_85 = arith.divsi %while3A_82, %while3A_84 : i32
    %while3A_86 = arith.muli %while3A_85, %while3A_84 : i32
    %while3A_87 = arith.addi %get3A_1, %while3A_86 : i32
    %while3A_88 = arith.constant 1 : i32
    %while3A_89 = scf.for %while3A_106 = %get3A_1 to %while3A_87 step %while3A_88 iter_args(%while3A_107 = %while3A) -> (i32)  : i32 {
      %lt3A = arith.cmpi slt, %while3A_106, %get3A_4 : i32
      %convert_element_type3A_108 = arith.extui %lt3A : i1 to i32
      %cond3A = arith.constant 0 : i32
      %cond3A_109 = arith.cmpi ne, %convert_element_type3A_108, %cond3A : i32
      scf.if %cond3A_109 {
        %add3A_185 = arith.constant 1 : i32
        %add3A_186 = arith.addi %while3A_106, %add3A_185 : i32
        %sub3A_187 = arith.constant 1 : i32
        %sub3A_188 = arith.subi %sub3A_187, %while3A_107 : i32
        %mul3A_189 = arith.constant 1024 : i32
        %mul3A_190 = arith.muli %add3A_186, %mul3A_189 : i32
        %dma_start3A_191 = tpu.memref_slice %arg18[%sub3A_188] : memref<2x!tpu.dma_semaphore, #tpu.memory_space<semaphore_mem>> -> memref<1x!tpu.dma_semaphore, #tpu.memory_space<semaphore_mem>>
        %dma_start3A_192 = tpu.memref_squeeze %dma_start3A_191 : memref<1x!tpu.dma_semaphore, #tpu.memory_space<semaphore_mem>> -> memref<!tpu.dma_semaphore, #tpu.memory_space<semaphore_mem>>
        %dma_start3A_193 = arith.constant 0 : i32
        %dma_start3A_194 = arith.constant 0 : i32
        %dma_start3A_195 = tpu.memref_slice %arg13[%sub3A_188, %dma_start3A_193, %dma_start3A_194] : memref<2x1024x512xbf16, #tpu.memory_space<vmem>> -> memref<1x1024x512xbf16, #tpu.memory_space<vmem>>
        %dma_start3A_196 = tpu.memref_squeeze %dma_start3A_195 : memref<1x1024x512xbf16, #tpu.memory_space<vmem>> -> memref<1024x512xbf16, #tpu.memory_space<vmem>>
        %dma_start3A_197 = arith.constant 1024 : i32
        %dma_start3A_198 = tpu.memref_slice %arg9[%mul3A_190, %dma_start3A_197] : memref<8192x2560xbf16, #tpu.memory_space<any>> -> memref<1024x512xbf16, #tpu.memory_space<any>>
        tpu.enqueue_dma source(%dma_start3A_198 : memref<1024x512xbf16, #tpu.memory_space<any>>) target(%dma_start3A_196 : memref<1024x512xbf16, #tpu.memory_space<vmem>>) target_semaphore(%dma_start3A_192 : memref<!tpu.dma_semaphore, #tpu.memory_space<semaphore_mem>>)
        %mul3A_199 = arith.constant 1024 : i32
        %mul3A_200 = arith.muli %add3A_186, %mul3A_199 : i32
        %dma_start3A_201 = tpu.memref_slice %arg19[%sub3A_188] : memref<2x!tpu.dma_semaphore, #tpu.memory_space<semaphore_mem>> -> memref<1x!tpu.dma_semaphore, #tpu.memory_space<semaphore_mem>>
        %dma_start3A_202 = tpu.memref_squeeze %dma_start3A_201 : memref<1x!tpu.dma_semaphore, #tpu.memory_space<semaphore_mem>> -> memref<!tpu.dma_semaphore, #tpu.memory_space<semaphore_mem>>
        %dma_start3A_203 = arith.constant 0 : i32
        %dma_start3A_204 = arith.constant 0 : i32
        %dma_start3A_205 = tpu.memref_slice %arg14[%sub3A_188, %dma_start3A_203, %dma_start3A_204] : memref<2x1024x512xbf16, #tpu.memory_space<vmem>> -> memref<1x1024x512xbf16, #tpu.memory_space<vmem>>
        %dma_start3A_206 = tpu.memref_squeeze %dma_start3A_205 : memref<1x1024x512xbf16, #tpu.memory_space<vmem>> -> memref<1024x512xbf16, #tpu.memory_space<vmem>>
        %dma_start3A_207 = arith.constant 1536 : i32
        %dma_start3A_208 = tpu.memref_slice %arg9[%mul3A_200, %dma_start3A_207] : memref<8192x2560xbf16, #tpu.memory_space<any>> -> memref<1024x512xbf16, #tpu.memory_space<any>>
        tpu.enqueue_dma source(%dma_start3A_208 : memref<1024x512xbf16, #tpu.memory_space<any>>) target(%dma_start3A_206 : memref<1024x512xbf16, #tpu.memory_space<vmem>>) target_semaphore(%dma_start3A_202 : memref<!tpu.dma_semaphore, #tpu.memory_space<semaphore_mem>>)
      } else {
      }
      %mul3A_110 = arith.constant 1024 : i32
      %mul3A_111 = arith.muli %while3A_106, %mul3A_110 : i32
      %dma_wait3A = tpu.memref_slice %arg18[%while3A_107] : memref<2x!tpu.dma_semaphore, #tpu.memory_space<semaphore_mem>> -> memref<1x!tpu.dma_semaphore, #tpu.memory_space<semaphore_mem>>
      %dma_wait3A_112 = tpu.memref_squeeze %dma_wait3A : memref<1x!tpu.dma_semaphore, #tpu.memory_space<semaphore_mem>> -> memref<!tpu.dma_semaphore, #tpu.memory_space<semaphore_mem>>
      %dma_wait3A_113 = arith.constant 0 : i32
      %dma_wait3A_114 = arith.constant 0 : i32
      %dma_wait3A_115 = tpu.memref_slice %arg13[%while3A_107, %dma_wait3A_113, %dma_wait3A_114] : memref<2x1024x512xbf16, #tpu.memory_space<vmem>> -> memref<1x1024x512xbf16, #tpu.memory_space<vmem>>
      %dma_wait3A_116 = tpu.memref_squeeze %dma_wait3A_115 : memref<1x1024x512xbf16, #tpu.memory_space<vmem>> -> memref<1024x512xbf16, #tpu.memory_space<vmem>>
      %dma_wait3A_117 = arith.constant 1024 : i32
      %dma_wait3A_118 = tpu.memref_slice %arg9[%mul3A_111, %dma_wait3A_117] : memref<8192x2560xbf16, #tpu.memory_space<any>> -> memref<1024x512xbf16, #tpu.memory_space<any>>
      tpu.wait_dma2 semaphore(%dma_wait3A_112 : memref<!tpu.dma_semaphore, #tpu.memory_space<semaphore_mem>>) src(%dma_wait3A_118 : memref<1024x512xbf16, #tpu.memory_space<any>>) dst(%dma_wait3A_116 : memref<1024x512xbf16, #tpu.memory_space<vmem>>)
      %mul3A_119 = arith.constant 1024 : i32
      %mul3A_120 = arith.muli %while3A_106, %mul3A_119 : i32
      %dma_wait3A_121 = tpu.memref_slice %arg19[%while3A_107] : memref<2x!tpu.dma_semaphore, #tpu.memory_space<semaphore_mem>> -> memref<1x!tpu.dma_semaphore, #tpu.memory_space<semaphore_mem>>
      %dma_wait3A_122 = tpu.memref_squeeze %dma_wait3A_121 : memref<1x!tpu.dma_semaphore, #tpu.memory_space<semaphore_mem>> -> memref<!tpu.dma_semaphore, #tpu.memory_space<semaphore_mem>>
      %dma_wait3A_123 = arith.constant 0 : i32
      %dma_wait3A_124 = arith.constant 0 : i32
      %dma_wait3A_125 = tpu.memref_slice %arg14[%while3A_107, %dma_wait3A_123, %dma_wait3A_124] : memref<2x1024x512xbf16, #tpu.memory_space<vmem>> -> memref<1x1024x512xbf16, #tpu.memory_space<vmem>>
      %dma_wait3A_126 = tpu.memref_squeeze %dma_wait3A_125 : memref<1x1024x512xbf16, #tpu.memory_space<vmem>> -> memref<1024x512xbf16, #tpu.memory_space<vmem>>
      %dma_wait3A_127 = arith.constant 1536 : i32
      %dma_wait3A_128 = tpu.memref_slice %arg9[%mul3A_120, %dma_wait3A_127] : memref<8192x2560xbf16, #tpu.memory_space<any>> -> memref<1024x512xbf16, #tpu.memory_space<any>>
      tpu.wait_dma2 semaphore(%dma_wait3A_122 : memref<!tpu.dma_semaphore, #tpu.memory_space<semaphore_mem>>) src(%dma_wait3A_128 : memref<1024x512xbf16, #tpu.memory_space<any>>) dst(%dma_wait3A_126 : memref<1024x512xbf16, #tpu.memory_space<vmem>>)
      %get3A_129 = arith.index_cast %while3A_107 : i32 to index
      %get3A_130 = arith.constant 0 : index
      %get3A_131 = arith.constant 0 : index
      %get3A_132 = vector.load %arg13[%get3A_129, %get3A_130, %get3A_131] : memref<2x1024x512xbf16, #tpu.memory_space<vmem>>, vector<1x1024x512xbf16>
      %get3A_133 = vector.shape_cast %get3A_132 : vector<1x1024x512xbf16> to vector<1024x512xbf16>
      %dot_general3A_134 = arith.constant dense<0.000000e+00> : vector<512x1024xf32>
      %dot_general3A_135 = tpu.matmul %convert_element_type3A_61, %get3A_133, %dot_general3A_134 {dimension_numbers = #tpu.dot_dimension_numbers<[1], [1], [0], [0], [0, 0, 1, 0], [], []>, transpose_lhs_hint = false} : vector<512x512xbf16>, vector<1024x512xbf16>, vector<512x1024xf32> -> vector<512x1024xf32>
      %mul3A_136 = arith.constant 1024 : i32
      %mul3A_137 = arith.muli %while3A_106, %mul3A_136 : i32
      %get3A_138 = arith.constant 0 : index
      %get3A_139 = arith.index_cast %mul3A_137 : i32 to index
      %get3A_140 = vector.load %arg11[%get3A_138, %get3A_139] : memref<1x8192xi32, #tpu.memory_space<vmem>>, vector<1x1024xi32>
      %eq3A = vector.broadcast %get3A_66 : vector<512x1xi32> to vector<512x1024xi32>
      %eq3A_141 = vector.broadcast %get3A_140 : vector<1x1024xi32> to vector<512x1024xi32>
      %eq3A_142 = arith.cmpi eq, %eq3A, %eq3A_141 : vector<512x1024xi32>
      %jit3A = arith.constant -1.000000e+09 : f32
      %broadcast_in_dim3A_143 = vector.broadcast %jit3A : f32 to vector<512x1024xf32>
      %select_n3A = arith.select %eq3A_142, %dot_general3A_135, %broadcast_in_dim3A_143 : vector<512x1024xi1>, vector<512x1024xf32>
      %get3A_144 = arith.constant 0 : index
      %get3A_145 = arith.constant 0 : index
      %get3A_146 = vector.load %arg16[%get3A_144, %get3A_145] : memref<512x1xf32, #tpu.memory_space<vmem>>, vector<512x1xf32>
      %reduce_max3A = arith.constant dense<0xFF800000> : vector<512xf32>
      %reduce_max3A_147 = vector.multi_reduction <maximumf>, %select_n3A, %reduce_max3A [1] : vector<512x1024xf32> to vector<512xf32>
      %broadcast_in_dim3A_148 = vector.shape_cast %reduce_max3A_147 : vector<512xf32> to vector<512x1xf32>
      %max3A_149 = arith.maximumf %get3A_146, %broadcast_in_dim3A_148 : vector<512x1xf32>
      %sub3A = vector.broadcast %max3A_149 : vector<512x1xf32> to vector<512x1024xf32>
      %sub3A_150 = arith.subf %select_n3A, %sub3A : vector<512x1024xf32>
      %exp3A = math.exp %sub3A_150 : vector<512x1024xf32>
      %sub3A_151 = arith.subf %get3A_146, %max3A_149 : vector<512x1xf32>
      %exp3A_152 = math.exp %sub3A_151 : vector<512x1xf32>
      %get3A_153 = arith.constant 0 : index
      %get3A_154 = arith.constant 0 : index
      %get3A_155 = vector.load %arg17[%get3A_153, %get3A_154] : memref<512x1xf32, #tpu.memory_space<vmem>>, vector<512x1xf32>
      %mul3A_156 = arith.mulf %get3A_155, %exp3A_152 : vector<512x1xf32>
      %reduce_sum3A = arith.constant dense<0.000000e+00> : vector<512xf32>
      %reduce_sum3A_157 = vector.multi_reduction <add>, %exp3A, %reduce_sum3A [1] : vector<512x1024xf32> to vector<512xf32>
      %broadcast_in_dim3A_158 = vector.shape_cast %reduce_sum3A_157 : vector<512xf32> to vector<512x1xf32>
      %add3A_159 = arith.addf %mul3A_156, %broadcast_in_dim3A_158 : vector<512x1xf32>
      %swap3A_160 = arith.constant 0 : index
      %swap3A_161 = arith.constant 0 : index
      %swap3A_162 = vector.load %arg17[%swap3A_160, %swap3A_161] : memref<512x1xf32, #tpu.memory_space<vmem>>, vector<512x1xf32>
      tpu.vector_store %arg17[%swap3A_160, %swap3A_161], %add3A_159 {strides = array<i32>} : memref<512x1xf32, #tpu.memory_space<vmem>>, vector<512x1xf32>,
      %swap3A_163 = arith.constant 0 : index
      %swap3A_164 = arith.constant 0 : index
      %swap3A_165 = vector.load %arg16[%swap3A_163, %swap3A_164] : memref<512x1xf32, #tpu.memory_space<vmem>>, vector<512x1xf32>
      tpu.vector_store %arg16[%swap3A_163, %swap3A_164], %max3A_149 {strides = array<i32>} : memref<512x1xf32, #tpu.memory_space<vmem>>, vector<512x1xf32>,
      %get3A_166 = arith.constant 0 : index
      %get3A_167 = arith.constant 0 : index
      %get3A_168 = vector.load %arg15[%get3A_166, %get3A_167] : memref<512x512xf32, #tpu.memory_space<vmem>>, vector<512x512xf32>
      %mul3A_169 = vector.broadcast %exp3A_152 : vector<512x1xf32> to vector<512x512xf32>
      %mul3A_170 = arith.mulf %get3A_168, %mul3A_169 : vector<512x512xf32>
      %convert_element_type3A_171 = arith.truncf %exp3A : vector<512x1024xf32> to vector<512x1024xbf16>
      %get3A_172 = arith.index_cast %while3A_107 : i32 to index
      %get3A_173 = arith.constant 0 : index
      %get3A_174 = arith.constant 0 : index
      %get3A_175 = vector.load %arg14[%get3A_172, %get3A_173, %get3A_174] : memref<2x1024x512xbf16, #tpu.memory_space<vmem>>, vector<1x1024x512xbf16>
      %get3A_176 = vector.shape_cast %get3A_175 : vector<1x1024x512xbf16> to vector<1024x512xbf16>
      %dot_general3A_177 = arith.constant dense<0.000000e+00> : vector<512x512xf32>
      %dot_general3A_178 = tpu.matmul %convert_element_type3A_171, %get3A_176, %dot_general3A_177 {dimension_numbers = #tpu.dot_dimension_numbers<[1], [0], [0], [1], [0, 0, 1, 1], [], []>, transpose_lhs_hint = false} : vector<512x1024xbf16>, vector<1024x512xbf16>, vector<512x512xf32> -> vector<512x512xf32>
      %add3A_179 = arith.addf %mul3A_170, %dot_general3A_178 : vector<512x512xf32>
      %swap3A_180 = arith.constant 0 : index
      %swap3A_181 = arith.constant 0 : index
      %swap3A_182 = vector.load %arg15[%swap3A_180, %swap3A_181] : memref<512x512xf32, #tpu.memory_space<vmem>>, vector<512x512xf32>
      tpu.vector_store %arg15[%swap3A_180, %swap3A_181], %add3A_179 {strides = array<i32>} : memref<512x512xf32, #tpu.memory_space<vmem>>, vector<512x512xf32>,
      %sub3A_183 = arith.constant 1 : i32
      %sub3A_184 = arith.subi %sub3A_183, %while3A_107 : i32
      scf.yield %sub3A_184 : i32
    }
    %while3A_90 = arith.constant 1 : i32
    %while3A_91 = scf.for %while3A_106 = %while3A_87 to %while3A_83 step %while3A_90 iter_args(%while3A_107 = %while3A_89) -> (i32)  : i32 {
      %lt3A = arith.cmpi slt, %while3A_106, %get3A_4 : i32
      %convert_element_type3A_108 = arith.extui %lt3A : i1 to i32
      %cond3A = arith.constant 0 : i32
      %cond3A_109 = arith.cmpi ne, %convert_element_type3A_108, %cond3A : i32
      scf.if %cond3A_109 {
        %add3A_185 = arith.constant 1 : i32
        %add3A_186 = arith.addi %while3A_106, %add3A_185 : i32
        %sub3A_187 = arith.constant 1 : i32
        %sub3A_188 = arith.subi %sub3A_187, %while3A_107 : i32
        %mul3A_189 = arith.constant 1024 : i32
        %mul3A_190 = arith.muli %add3A_186, %mul3A_189 : i32
        %dma_start3A_191 = tpu.memref_slice %arg18[%sub3A_188] : memref<2x!tpu.dma_semaphore, #tpu.memory_space<semaphore_mem>> -> memref<1x!tpu.dma_semaphore, #tpu.memory_space<semaphore_mem>>
        %dma_start3A_192 = tpu.memref_squeeze %dma_start3A_191 : memref<1x!tpu.dma_semaphore, #tpu.memory_space<semaphore_mem>> -> memref<!tpu.dma_semaphore, #tpu.memory_space<semaphore_mem>>
        %dma_start3A_193 = arith.constant 0 : i32
        %dma_start3A_194 = arith.constant 0 : i32
        %dma_start3A_195 = tpu.memref_slice %arg13[%sub3A_188, %dma_start3A_193, %dma_start3A_194] : memref<2x1024x512xbf16, #tpu.memory_space<vmem>> -> memref<1x1024x512xbf16, #tpu.memory_space<vmem>>
        %dma_start3A_196 = tpu.memref_squeeze %dma_start3A_195 : memref<1x1024x512xbf16, #tpu.memory_space<vmem>> -> memref<1024x512xbf16, #tpu.memory_space<vmem>>
        %dma_start3A_197 = arith.constant 1024 : i32
        %dma_start3A_198 = tpu.memref_slice %arg9[%mul3A_190, %dma_start3A_197] : memref<8192x2560xbf16, #tpu.memory_space<any>> -> memref<1024x512xbf16, #tpu.memory_space<any>>
        tpu.enqueue_dma source(%dma_start3A_198 : memref<1024x512xbf16, #tpu.memory_space<any>>) target(%dma_start3A_196 : memref<1024x512xbf16, #tpu.memory_space<vmem>>) target_semaphore(%dma_start3A_192 : memref<!tpu.dma_semaphore, #tpu.memory_space<semaphore_mem>>)
        %mul3A_199 = arith.constant 1024 : i32
        %mul3A_200 = arith.muli %add3A_186, %mul3A_199 : i32
        %dma_start3A_201 = tpu.memref_slice %arg19[%sub3A_188] : memref<2x!tpu.dma_semaphore, #tpu.memory_space<semaphore_mem>> -> memref<1x!tpu.dma_semaphore, #tpu.memory_space<semaphore_mem>>
        %dma_start3A_202 = tpu.memref_squeeze %dma_start3A_201 : memref<1x!tpu.dma_semaphore, #tpu.memory_space<semaphore_mem>> -> memref<!tpu.dma_semaphore, #tpu.memory_space<semaphore_mem>>
        %dma_start3A_203 = arith.constant 0 : i32
        %dma_start3A_204 = arith.constant 0 : i32
        %dma_start3A_205 = tpu.memref_slice %arg14[%sub3A_188, %dma_start3A_203, %dma_start3A_204] : memref<2x1024x512xbf16, #tpu.memory_space<vmem>> -> memref<1x1024x512xbf16, #tpu.memory_space<vmem>>
        %dma_start3A_206 = tpu.memref_squeeze %dma_start3A_205 : memref<1x1024x512xbf16, #tpu.memory_space<vmem>> -> memref<1024x512xbf16, #tpu.memory_space<vmem>>
        %dma_start3A_207 = arith.constant 1536 : i32
        %dma_start3A_208 = tpu.memref_slice %arg9[%mul3A_200, %dma_start3A_207] : memref<8192x2560xbf16, #tpu.memory_space<any>> -> memref<1024x512xbf16, #tpu.memory_space<any>>
        tpu.enqueue_dma source(%dma_start3A_208 : memref<1024x512xbf16, #tpu.memory_space<any>>) target(%dma_start3A_206 : memref<1024x512xbf16, #tpu.memory_space<vmem>>) target_semaphore(%dma_start3A_202 : memref<!tpu.dma_semaphore, #tpu.memory_space<semaphore_mem>>)
      } else {
      }
      %mul3A_110 = arith.constant 1024 : i32
      %mul3A_111 = arith.muli %while3A_106, %mul3A_110 : i32
      %dma_wait3A = tpu.memref_slice %arg18[%while3A_107] : memref<2x!tpu.dma_semaphore, #tpu.memory_space<semaphore_mem>> -> memref<1x!tpu.dma_semaphore, #tpu.memory_space<semaphore_mem>>
      %dma_wait3A_112 = tpu.memref_squeeze %dma_wait3A : memref<1x!tpu.dma_semaphore, #tpu.memory_space<semaphore_mem>> -> memref<!tpu.dma_semaphore, #tpu.memory_space<semaphore_mem>>
      %dma_wait3A_113 = arith.constant 0 : i32
      %dma_wait3A_114 = arith.constant 0 : i32
      %dma_wait3A_115 = tpu.memref_slice %arg13[%while3A_107, %dma_wait3A_113, %dma_wait3A_114] : memref<2x1024x512xbf16, #tpu.memory_space<vmem>> -> memref<1x1024x512xbf16, #tpu.memory_space<vmem>>
      %dma_wait3A_116 = tpu.memref_squeeze %dma_wait3A_115 : memref<1x1024x512xbf16, #tpu.memory_space<vmem>> -> memref<1024x512xbf16, #tpu.memory_space<vmem>>
      %dma_wait3A_117 = arith.constant 1024 : i32
      %dma_wait3A_118 = tpu.memref_slice %arg9[%mul3A_111, %dma_wait3A_117] : memref<8192x2560xbf16, #tpu.memory_space<any>> -> memref<1024x512xbf16, #tpu.memory_space<any>>
      tpu.wait_dma2 semaphore(%dma_wait3A_112 : memref<!tpu.dma_semaphore, #tpu.memory_space<semaphore_mem>>) src(%dma_wait3A_118 : memref<1024x512xbf16, #tpu.memory_space<any>>) dst(%dma_wait3A_116 : memref<1024x512xbf16, #tpu.memory_space<vmem>>)
      %mul3A_119 = arith.constant 1024 : i32
      %mul3A_120 = arith.muli %while3A_106, %mul3A_119 : i32
      %dma_wait3A_121 = tpu.memref_slice %arg19[%while3A_107] : memref<2x!tpu.dma_semaphore, #tpu.memory_space<semaphore_mem>> -> memref<1x!tpu.dma_semaphore, #tpu.memory_space<semaphore_mem>>
      %dma_wait3A_122 = tpu.memref_squeeze %dma_wait3A_121 : memref<1x!tpu.dma_semaphore, #tpu.memory_space<semaphore_mem>> -> memref<!tpu.dma_semaphore, #tpu.memory_space<semaphore_mem>>
      %dma_wait3A_123 = arith.constant 0 : i32
      %dma_wait3A_124 = arith.constant 0 : i32
      %dma_wait3A_125 = tpu.memref_slice %arg14[%while3A_107, %dma_wait3A_123, %dma_wait3A_124] : memref<2x1024x512xbf16, #tpu.memory_space<vmem>> -> memref<1x1024x512xbf16, #tpu.memory_space<vmem>>
      %dma_wait3A_126 = tpu.memref_squeeze %dma_wait3A_125 : memref<1x1024x512xbf16, #tpu.memory_space<vmem>> -> memref<1024x512xbf16, #tpu.memory_space<vmem>>
      %dma_wait3A_127 = arith.constant 1536 : i32
      %dma_wait3A_128 = tpu.memref_slice %arg9[%mul3A_120, %dma_wait3A_127] : memref<8192x2560xbf16, #tpu.memory_space<any>> -> memref<1024x512xbf16, #tpu.memory_space<any>>
      tpu.wait_dma2 semaphore(%dma_wait3A_122 : memref<!tpu.dma_semaphore, #tpu.memory_space<semaphore_mem>>) src(%dma_wait3A_128 : memref<1024x512xbf16, #tpu.memory_space<any>>) dst(%dma_wait3A_126 : memref<1024x512xbf16, #tpu.memory_space<vmem>>)
      %get3A_129 = arith.index_cast %while3A_107 : i32 to index
      %get3A_130 = arith.constant 0 : index
      %get3A_131 = arith.constant 0 : index
      %get3A_132 = vector.load %arg13[%get3A_129, %get3A_130, %get3A_131] : memref<2x1024x512xbf16, #tpu.memory_space<vmem>>, vector<1x1024x512xbf16>
      %get3A_133 = vector.shape_cast %get3A_132 : vector<1x1024x512xbf16> to vector<1024x512xbf16>
      %dot_general3A_134 = arith.constant dense<0.000000e+00> : vector<512x1024xf32>
      %dot_general3A_135 = tpu.matmul %convert_element_type3A_61, %get3A_133, %dot_general3A_134 {dimension_numbers = #tpu.dot_dimension_numbers<[1], [1], [0], [0], [0, 0, 1, 0], [], []>, transpose_lhs_hint = false} : vector<512x512xbf16>, vector<1024x512xbf16>, vector<512x1024xf32> -> vector<512x1024xf32>
      %mul3A_136 = arith.constant 1024 : i32
      %mul3A_137 = arith.muli %while3A_106, %mul3A_136 : i32
      %get3A_138 = arith.constant 0 : index
      %get3A_139 = arith.index_cast %mul3A_137 : i32 to index
      %get3A_140 = vector.load %arg11[%get3A_138, %get3A_139] : memref<1x8192xi32, #tpu.memory_space<vmem>>, vector<1x1024xi32>
      %eq3A = vector.broadcast %get3A_66 : vector<512x1xi32> to vector<512x1024xi32>
      %eq3A_141 = vector.broadcast %get3A_140 : vector<1x1024xi32> to vector<512x1024xi32>
      %eq3A_142 = arith.cmpi eq, %eq3A, %eq3A_141 : vector<512x1024xi32>
      %jit3A = arith.constant -1.000000e+09 : f32
      %broadcast_in_dim3A_143 = vector.broadcast %jit3A : f32 to vector<512x1024xf32>
      %select_n3A = arith.select %eq3A_142, %dot_general3A_135, %broadcast_in_dim3A_143 : vector<512x1024xi1>, vector<512x1024xf32>
      %get3A_144 = arith.constant 0 : index
      %get3A_145 = arith.constant 0 : index
      %get3A_146 = vector.load %arg16[%get3A_144, %get3A_145] : memref<512x1xf32, #tpu.memory_space<vmem>>, vector<512x1xf32>
      %reduce_max3A = arith.constant dense<0xFF800000> : vector<512xf32>
      %reduce_max3A_147 = vector.multi_reduction <maximumf>, %select_n3A, %reduce_max3A [1] : vector<512x1024xf32> to vector<512xf32>
      %broadcast_in_dim3A_148 = vector.shape_cast %reduce_max3A_147 : vector<512xf32> to vector<512x1xf32>
      %max3A_149 = arith.maximumf %get3A_146, %broadcast_in_dim3A_148 : vector<512x1xf32>
      %sub3A = vector.broadcast %max3A_149 : vector<512x1xf32> to vector<512x1024xf32>
      %sub3A_150 = arith.subf %select_n3A, %sub3A : vector<512x1024xf32>
      %exp3A = math.exp %sub3A_150 : vector<512x1024xf32>
      %sub3A_151 = arith.subf %get3A_146, %max3A_149 : vector<512x1xf32>
      %exp3A_152 = math.exp %sub3A_151 : vector<512x1xf32>
      %get3A_153 = arith.constant 0 : index
      %get3A_154 = arith.constant 0 : index
      %get3A_155 = vector.load %arg17[%get3A_153, %get3A_154] : memref<512x1xf32, #tpu.memory_space<vmem>>, vector<512x1xf32>
      %mul3A_156 = arith.mulf %get3A_155, %exp3A_152 : vector<512x1xf32>
      %reduce_sum3A = arith.constant dense<0.000000e+00> : vector<512xf32>
      %reduce_sum3A_157 = vector.multi_reduction <add>, %exp3A, %reduce_sum3A [1] : vector<512x1024xf32> to vector<512xf32>
      %broadcast_in_dim3A_158 = vector.shape_cast %reduce_sum3A_157 : vector<512xf32> to vector<512x1xf32>
      %add3A_159 = arith.addf %mul3A_156, %broadcast_in_dim3A_158 : vector<512x1xf32>
      %swap3A_160 = arith.constant 0 : index
      %swap3A_161 = arith.constant 0 : index
      %swap3A_162 = vector.load %arg17[%swap3A_160, %swap3A_161] : memref<512x1xf32, #tpu.memory_space<vmem>>, vector<512x1xf32>
      tpu.vector_store %arg17[%swap3A_160, %swap3A_161], %add3A_159 {strides = array<i32>} : memref<512x1xf32, #tpu.memory_space<vmem>>, vector<512x1xf32>,
      %swap3A_163 = arith.constant 0 : index
      %swap3A_164 = arith.constant 0 : index
      %swap3A_165 = vector.load %arg16[%swap3A_163, %swap3A_164] : memref<512x1xf32, #tpu.memory_space<vmem>>, vector<512x1xf32>
      tpu.vector_store %arg16[%swap3A_163, %swap3A_164], %max3A_149 {strides = array<i32>} : memref<512x1xf32, #tpu.memory_space<vmem>>, vector<512x1xf32>,
      %get3A_166 = arith.constant 0 : index
      %get3A_167 = arith.constant 0 : index
      %get3A_168 = vector.load %arg15[%get3A_166, %get3A_167] : memref<512x512xf32, #tpu.memory_space<vmem>>, vector<512x512xf32>
      %mul3A_169 = vector.broadcast %exp3A_152 : vector<512x1xf32> to vector<512x512xf32>
      %mul3A_170 = arith.mulf %get3A_168, %mul3A_169 : vector<512x512xf32>
      %convert_element_type3A_171 = arith.truncf %exp3A : vector<512x1024xf32> to vector<512x1024xbf16>
      %get3A_172 = arith.index_cast %while3A_107 : i32 to index
      %get3A_173 = arith.constant 0 : index
      %get3A_174 = arith.constant 0 : index
      %get3A_175 = vector.load %arg14[%get3A_172, %get3A_173, %get3A_174] : memref<2x1024x512xbf16, #tpu.memory_space<vmem>>, vector<1x1024x512xbf16>
      %get3A_176 = vector.shape_cast %get3A_175 : vector<1x1024x512xbf16> to vector<1024x512xbf16>
      %dot_general3A_177 = arith.constant dense<0.000000e+00> : vector<512x512xf32>
      %dot_general3A_178 = tpu.matmul %convert_element_type3A_171, %get3A_176, %dot_general3A_177 {dimension_numbers = #tpu.dot_dimension_numbers<[1], [0], [0], [1], [0, 0, 1, 1], [], []>, transpose_lhs_hint = false} : vector<512x1024xbf16>, vector<1024x512xbf16>, vector<512x512xf32> -> vector<512x512xf32>
      %add3A_179 = arith.addf %mul3A_170, %dot_general3A_178 : vector<512x512xf32>
      %swap3A_180 = arith.constant 0 : index
      %swap3A_181 = arith.constant 0 : index
      %swap3A_182 = vector.load %arg15[%swap3A_180, %swap3A_181] : memref<512x512xf32, #tpu.memory_space<vmem>>, vector<512x512xf32>
      tpu.vector_store %arg15[%swap3A_180, %swap3A_181], %add3A_179 {strides = array<i32>} : memref<512x512xf32, #tpu.memory_space<vmem>>, vector<512x512xf32>,
      %sub3A_183 = arith.constant 1 : i32
      %sub3A_184 = arith.subi %sub3A_183, %while3A_107 : i32
      scf.yield %sub3A_184 : i32
    }
    %get3A_92 = arith.constant 0 : index
    %get3A_93 = arith.constant 0 : index
    %get3A_94 = vector.load %arg15[%get3A_92, %get3A_93] : memref<512x512xf32, #tpu.memory_space<vmem>>, vector<512x512xf32>
    %get3A_95 = arith.constant 0 : index
    %get3A_96 = arith.constant 0 : index
    %get3A_97 = vector.load %arg17[%get3A_95, %get3A_96] : memref<512x1xf32, #tpu.memory_space<vmem>>, vector<512x1xf32>
    %div3A = vector.broadcast %get3A_97 : vector<512x1xf32> to vector<512x512xf32>
    %div3A_98 = arith.divf %get3A_94, %div3A : vector<512x512xf32>
    %add3A_99 = arith.addf %add3A_51, %div3A_98 : vector<512x512xf32>
    %max3A = arith.constant 0.000000e+00 : f32
    %max3A_100 = vector.broadcast %max3A : f32 to vector<512x512xf32>
    %max3A_101 = arith.maximumf %add3A_99, %max3A_100 : vector<512x512xf32>
    %convert_element_type3A_102 = arith.truncf %max3A_101 : vector<512x512xf32> to vector<512x512xbf16>
    %swap3A_103 = arith.constant 0 : index
    %swap3A_104 = arith.constant 0 : index
    %swap3A_105 = vector.load %arg12[%swap3A_103, %swap3A_104] : memref<512x512xbf16, #tpu.memory_space<vmem>>, vector<512x512xbf16>
    tpu.vector_store %arg12[%swap3A_103, %swap3A_104], %convert_element_type3A_102 {strides = array<i32>} : memref<512x512xbf16, #tpu.memory_space<vmem>>, vector<512x512xbf16>,
    return
  }
  func.func @transform_0(%arg0: i32, %arg1: memref<2x4xi32, #tpu.memory_space<smem>>) -> (i32, i32) {
    %c0_i32 = arith.constant 0 : i32
    %c0_i32_0 = arith.constant 0 : i32
    return %arg0, %c0_i32 : i32, i32
  }
  func.func @transform_1(%arg0: i32, %arg1: memref<2x4xi32, #tpu.memory_space<smem>>) -> (i32, i32) {
    %c0_i32 = arith.constant 0 : i32
    %c0_i32_0 = arith.constant 0 : i32
    %c0_i32_1 = arith.constant 0 : i32
    return %c0_i32, %c0_i32_0 : i32, i32
  }
  func.func @transform_2(%arg0: i32, %arg1: memref<2x4xi32, #tpu.memory_space<smem>>) -> (i32, i32) {
    %c0_i32 = arith.constant 0 : i32
    %c0_i32_0 = arith.constant 0 : i32
    return %arg0, %c0_i32 : i32, i32
  }
  func.func @transform_3(%arg0: i32, %arg1: memref<2x4xi32, #tpu.memory_space<smem>>) -> (i32, i32) {
    %c0_i32 = arith.constant 0 : i32
    %c0_i32_0 = arith.constant 0 : i32
    %c0_i32_1 = arith.constant 0 : i32
    return %c0_i32, %c0_i32_0 : i32, i32
  }
  func.func @transform_4(%arg0: i32, %arg1: memref<2x4xi32, #tpu.memory_space<smem>>) -> (i32, i32) {
    %c0_i32 = arith.constant 0 : i32
    %c0_i32_0 = arith.constant 0 : i32
    return %arg0, %c0_i32 : i32, i32
  }
  func.func @transform_5(%arg0: i32, %arg1: memref<2x4xi32, #tpu.memory_space<smem>>) -> (i32, i32) {
    %c0_i32 = arith.constant 0 : i32
    %c0_i32_0 = arith.constant 0 : i32
    %c0_i32_1 = arith.constant 0 : i32
    return %c0_i32, %c0_i32_0 : i32, i32
  }
  func.func @transform_6(%arg0: i32, %arg1: memref<2x4xi32, #tpu.memory_space<smem>>) -> (i32, i32) {
    %c0_i32 = arith.constant 0 : i32
    %c0_i32_0 = arith.constant 0 : i32
    %c0_i32_1 = arith.constant 0 : i32
    return %c0_i32, %c0_i32_0 : i32, i32
  }
  func.func @transform_8(%arg0: i32, %arg1: memref<2x4xi32, #tpu.memory_space<smem>>) -> (i32, i32, i32) {
    %c0_i32 = arith.constant 0 : i32
    %c0_i32_0 = arith.constant 0 : i32
    %c0_i32_1 = arith.constant 0 : i32
    return %arg0, %c0_i32, %c0_i32_0 : i32, i32, i32
  }
  func.func @transform_9(%arg0: i32, %arg1: memref<2x4xi32, #tpu.memory_space<smem>>) -> (i32, i32) {
    %c0_i32 = arith.constant 0 : i32
    %c0_i32_0 = arith.constant 0 : i32
    %c0_i32_1 = arith.constant 0 : i32
    return %c0_i32, %c0_i32_0 : i32, i32
  }
  func.func @transform_10(%arg0: i32, %arg1: memref<2x4xi32, #tpu.memory_space<smem>>) -> (i32, i32) {
    %c0_i32 = arith.constant 0 : i32
    %c0_i32_0 = arith.constant 0 : i32
    return %arg0, %c0_i32 : i32, i32
  }
}

module attributes {stable_mosaic.version = 14 : i64} {
  func.func @_mm_body(%arg0: i32, %arg1: i32, %arg2: memref<512x512xbf16, #tpu.memory_space<vmem>>, %arg3: memref<512x256xf32, #tpu.memory_space<vmem>>, %arg4: memref<512x256xbf16, #tpu.memory_space<vmem>>) attributes {dimension_semantics = [#tpu.dimension_semantics<parallel>, #tpu.dimension_semantics<parallel>], iteration_bounds = array<i64: 4, 1>, scalar_prefetch = 0 : i64, scratch_operands = 0 : i64, tpu.core_type = #tpu.core_type<tc>, window_params = [{transform_indices = @transform_0, window_bounds = array<i64: 512, 512>}, {transform_indices = @transform_1, window_bounds = array<i64: 512, 256>}, {transform_indices = @transform_2, window_bounds = array<i64: 512, 256>}]} {
    %get3A = arith.constant 0 : index
    %get3A_0 = arith.constant 0 : index
    %get3A_1 = vector.load %arg2[%get3A, %get3A_0] : memref<512x512xbf16, #tpu.memory_space<vmem>>, vector<512x512xbf16>
    %get3A_2 = arith.constant 0 : index
    %get3A_3 = arith.constant 0 : index
    %get3A_4 = vector.load %arg3[%get3A_2, %get3A_3] : memref<512x256xf32, #tpu.memory_space<vmem>>, vector<512x256xf32>
    %convert_element_type3A = arith.truncf %get3A_4 : vector<512x256xf32> to vector<512x256xbf16>
    %dot_general3A = arith.constant dense<0.000000e+00> : vector<512x256xf32>
    %dot_general3A_5 = tpu.matmul %get3A_1, %convert_element_type3A, %dot_general3A {dimension_numbers = #tpu.dot_dimension_numbers<[1], [0], [0], [1], [0, 0, 1, 1], [], []>, transpose_lhs_hint = false} : vector<512x512xbf16>, vector<512x256xbf16>, vector<512x256xf32> -> vector<512x256xf32>
    %convert_element_type3A_6 = arith.truncf %dot_general3A_5 : vector<512x256xf32> to vector<512x256xbf16>
    %swap3A = arith.constant 0 : index
    %swap3A_7 = arith.constant 0 : index
    %swap3A_8 = vector.load %arg4[%swap3A, %swap3A_7] : memref<512x256xbf16, #tpu.memory_space<vmem>>, vector<512x256xbf16>
    tpu.vector_store %arg4[%swap3A, %swap3A_7], %convert_element_type3A_6 {strides = array<i32>} : memref<512x256xbf16, #tpu.memory_space<vmem>>, vector<512x256xbf16>,
    return
  }
  func.func @transform_0(%arg0: i32, %arg1: i32) -> (i32, i32) {
    %c0_i32 = arith.constant 0 : i32
    %c0_i32_0 = arith.constant 0 : i32
    return %arg0, %c0_i32 : i32, i32
  }
  func.func @transform_1(%arg0: i32, %arg1: i32) -> (i32, i32) {
    %c0_i32 = arith.constant 0 : i32
    %c0_i32_0 = arith.constant 0 : i32
    return %c0_i32, %arg1 : i32, i32
  }
  func.func @transform_2(%arg0: i32, %arg1: i32) -> (i32, i32) {
    %c0_i32 = arith.constant 0 : i32
    return %arg0, %arg1 : i32, i32
  }
}

module attributes {stable_mosaic.version = 14 : i64} {
  func.func @body(%arg0: i32, %arg1: memref<2x4xi32, #tpu.memory_space<smem>>, %arg2: memref<512x512xbf16, #tpu.memory_space<vmem>>, %arg3: memref<512x256xbf16, #tpu.memory_space<vmem>>, %arg4: memref<512x2048xf32, #tpu.memory_space<vmem>>, %arg5: memref<2048x256xbf16, #tpu.memory_space<vmem>>, %arg6: memref<512x16xf32, #tpu.memory_space<vmem>>, %arg7: memref<16x256xbf16, #tpu.memory_space<vmem>>, %arg8: memref<256x256xbf16, #tpu.memory_space<vmem>>, %arg9: memref<8192x2560xbf16, #tpu.memory_space<any>>, %arg10: memref<1x512x1xi32, #tpu.memory_space<vmem>>, %arg11: memref<1x8192xi32, #tpu.memory_space<vmem>>, %arg12: memref<512x256xf32, #tpu.memory_space<vmem>>, %arg13: memref<2x1024x256xbf16, #tpu.memory_space<vmem>>, %arg14: memref<2x1024x256xbf16, #tpu.memory_space<vmem>>, %arg15: memref<512x256xf32, #tpu.memory_space<vmem>>, %arg16: memref<512x1xf32, #tpu.memory_space<vmem>>, %arg17: memref<512x1xf32, #tpu.memory_space<vmem>>, %arg18: memref<2x!tpu.dma_semaphore, #tpu.memory_space<semaphore_mem>>, %arg19: memref<2x!tpu.dma_semaphore, #tpu.memory_space<semaphore_mem>>) attributes {dimension_semantics = [#tpu.dimension_semantics<parallel>], iteration_bounds = array<i64: 4>, scalar_prefetch = 1 : i64, scratch_operands = 7 : i64, tpu.core_type = #tpu.core_type<tc>, window_params = [{transform_indices = @transform_0, window_bounds = array<i64: 512, 512>}, {pipeline_mode = #tpu.pipeline_mode<synchronous>, transform_indices = @transform_1, window_bounds = array<i64: 512, 256>}, {transform_indices = @transform_2, window_bounds = array<i64: 512, 2048>}, {pipeline_mode = #tpu.pipeline_mode<synchronous>, transform_indices = @transform_3, window_bounds = array<i64: 2048, 256>}, {transform_indices = @transform_4, window_bounds = array<i64: 512, 16>}, {pipeline_mode = #tpu.pipeline_mode<synchronous>, transform_indices = @transform_5, window_bounds = array<i64: 16, 256>}, {pipeline_mode = #tpu.pipeline_mode<synchronous>, transform_indices = @transform_6, window_bounds = array<i64: 256, 256>}, {}, {transform_indices = @transform_8, window_bounds = array<i64: 1, 512, 1>}, {pipeline_mode = #tpu.pipeline_mode<synchronous>, transform_indices = @transform_9, window_bounds = array<i64: 1, 8192>}, {transform_indices = @transform_10, window_bounds = array<i64: 512, 256>}]} {
    %get3A = arith.constant 0 : index
    %get3A_0 = arith.index_cast %arg0 : i32 to index
    %get3A_1 = memref.load %arg1[%get3A, %get3A_0] : memref<2x4xi32, #tpu.memory_space<smem>>
    %get3A_2 = arith.constant 1 : index
    %get3A_3 = arith.index_cast %arg0 : i32 to index
    %get3A_4 = memref.load %arg1[%get3A_2, %get3A_3] : memref<2x4xi32, #tpu.memory_space<smem>>
    %mul3A = arith.constant 1024 : i32
    %mul3A_5 = arith.muli %get3A_1, %mul3A : i32
    %dma_start3A = arith.constant 0 : i32
    %dma_start3A_6 = arith.constant 0 : i32
    %dma_start3A_7 = tpu.memref_slice %arg18[%dma_start3A_6] : memref<2x!tpu.dma_semaphore, #tpu.memory_space<semaphore_mem>> -> memref<1x!tpu.dma_semaphore, #tpu.memory_space<semaphore_mem>>
    %dma_start3A_8 = tpu.memref_squeeze %dma_start3A_7 : memref<1x!tpu.dma_semaphore, #tpu.memory_space<semaphore_mem>> -> memref<!tpu.dma_semaphore, #tpu.memory_space<semaphore_mem>>
    %dma_start3A_9 = arith.constant 0 : i32
    %dma_start3A_10 = arith.constant 0 : i32
    %dma_start3A_11 = tpu.memref_slice %arg13[%dma_start3A, %dma_start3A_9, %dma_start3A_10] : memref<2x1024x256xbf16, #tpu.memory_space<vmem>> -> memref<1x1024x256xbf16, #tpu.memory_space<vmem>>
    %dma_start3A_12 = tpu.memref_squeeze %dma_start3A_11 : memref<1x1024x256xbf16, #tpu.memory_space<vmem>> -> memref<1024x256xbf16, #tpu.memory_space<vmem>>
    %dma_start3A_13 = arith.constant 2048 : i32
    %dma_start3A_14 = tpu.memref_slice %arg9[%mul3A_5, %dma_start3A_13] : memref<8192x2560xbf16, #tpu.memory_space<any>> -> memref<1024x256xbf16, #tpu.memory_space<any>>
    tpu.enqueue_dma source(%dma_start3A_14 : memref<1024x256xbf16, #tpu.memory_space<any>>) target(%dma_start3A_12 : memref<1024x256xbf16, #tpu.memory_space<vmem>>) target_semaphore(%dma_start3A_8 : memref<!tpu.dma_semaphore, #tpu.memory_space<semaphore_mem>>)
    %mul3A_15 = arith.constant 1024 : i32
    %mul3A_16 = arith.muli %get3A_1, %mul3A_15 : i32
    %dma_start3A_17 = arith.constant 0 : i32
    %dma_start3A_18 = arith.constant 0 : i32
    %dma_start3A_19 = tpu.memref_slice %arg19[%dma_start3A_18] : memref<2x!tpu.dma_semaphore, #tpu.memory_space<semaphore_mem>> -> memref<1x!tpu.dma_semaphore, #tpu.memory_space<semaphore_mem>>
    %dma_start3A_20 = tpu.memref_squeeze %dma_start3A_19 : memref<1x!tpu.dma_semaphore, #tpu.memory_space<semaphore_mem>> -> memref<!tpu.dma_semaphore, #tpu.memory_space<semaphore_mem>>
    %dma_start3A_21 = arith.constant 0 : i32
    %dma_start3A_22 = arith.constant 0 : i32
    %dma_start3A_23 = tpu.memref_slice %arg14[%dma_start3A_17, %dma_start3A_21, %dma_start3A_22] : memref<2x1024x256xbf16, #tpu.memory_space<vmem>> -> memref<1x1024x256xbf16, #tpu.memory_space<vmem>>
    %dma_start3A_24 = tpu.memref_squeeze %dma_start3A_23 : memref<1x1024x256xbf16, #tpu.memory_space<vmem>> -> memref<1024x256xbf16, #tpu.memory_space<vmem>>
    %dma_start3A_25 = arith.constant 2304 : i32
    %dma_start3A_26 = tpu.memref_slice %arg9[%mul3A_16, %dma_start3A_25] : memref<8192x2560xbf16, #tpu.memory_space<any>> -> memref<1024x256xbf16, #tpu.memory_space<any>>
    tpu.enqueue_dma source(%dma_start3A_26 : memref<1024x256xbf16, #tpu.memory_space<any>>) target(%dma_start3A_24 : memref<1024x256xbf16, #tpu.memory_space<vmem>>) target_semaphore(%dma_start3A_20 : memref<!tpu.dma_semaphore, #tpu.memory_space<semaphore_mem>>)
    %get3A_27 = arith.constant 0 : index
    %get3A_28 = arith.constant 0 : index
    %get3A_29 = vector.load %arg2[%get3A_27, %get3A_28] : memref<512x512xbf16, #tpu.memory_space<vmem>>, vector<512x512xbf16>
    %get3A_30 = arith.constant 0 : index
    %get3A_31 = arith.constant 0 : index
    %get3A_32 = vector.load %arg3[%get3A_30, %get3A_31] : memref<512x256xbf16, #tpu.memory_space<vmem>>, vector<512x256xbf16>
    %dot_general3A = arith.constant dense<0.000000e+00> : vector<512x256xf32>
    %dot_general3A_33 = tpu.matmul %get3A_29, %get3A_32, %dot_general3A {dimension_numbers = #tpu.dot_dimension_numbers<[1], [0], [0], [1], [0, 0, 1, 1], [], []>, transpose_lhs_hint = false} : vector<512x512xbf16>, vector<512x256xbf16>, vector<512x256xf32> -> vector<512x256xf32>
    %get3A_34 = arith.constant 0 : index
    %get3A_35 = arith.constant 0 : index
    %get3A_36 = vector.load %arg4[%get3A_34, %get3A_35] : memref<512x2048xf32, #tpu.memory_space<vmem>>, vector<512x2048xf32>
    %convert_element_type3A = arith.truncf %get3A_36 : vector<512x2048xf32> to vector<512x2048xbf16>
    %get3A_37 = arith.constant 0 : index
    %get3A_38 = arith.constant 0 : index
    %get3A_39 = vector.load %arg5[%get3A_37, %get3A_38] : memref<2048x256xbf16, #tpu.memory_space<vmem>>, vector<2048x256xbf16>
    %dot_general3A_40 = arith.constant dense<0.000000e+00> : vector<512x256xf32>
    %dot_general3A_41 = tpu.matmul %convert_element_type3A, %get3A_39, %dot_general3A_40 {dimension_numbers = #tpu.dot_dimension_numbers<[1], [0], [0], [1], [0, 0, 1, 1], [], []>, transpose_lhs_hint = false} : vector<512x2048xbf16>, vector<2048x256xbf16>, vector<512x256xf32> -> vector<512x256xf32>
    %add3A = arith.addf %dot_general3A_33, %dot_general3A_41 : vector<512x256xf32>
    %get3A_42 = arith.constant 0 : index
    %get3A_43 = arith.constant 0 : index
    %get3A_44 = vector.load %arg6[%get3A_42, %get3A_43] : memref<512x16xf32, #tpu.memory_space<vmem>>, vector<512x16xf32>
    %convert_element_type3A_45 = arith.truncf %get3A_44 : vector<512x16xf32> to vector<512x16xbf16>
    %get3A_46 = arith.constant 0 : index
    %get3A_47 = arith.constant 0 : index
    %get3A_48 = vector.load %arg7[%get3A_46, %get3A_47] : memref<16x256xbf16, #tpu.memory_space<vmem>>, vector<16x256xbf16>
    %dot_general3A_49 = arith.constant dense<0.000000e+00> : vector<512x256xf32>
    %dot_general3A_50 = tpu.matmul %convert_element_type3A_45, %get3A_48, %dot_general3A_49 {dimension_numbers = #tpu.dot_dimension_numbers<[1], [0], [0], [1], [0, 0, 1, 1], [], []>, transpose_lhs_hint = false} : vector<512x16xbf16>, vector<16x256xbf16>, vector<512x256xf32> -> vector<512x256xf32>
    %add3A_51 = arith.addf %add3A, %dot_general3A_50 : vector<512x256xf32>
    %convert_element_type3A_52 = arith.truncf %add3A_51 : vector<512x256xf32> to vector<512x256xbf16>
    %get3A_53 = arith.constant 0 : index
    %get3A_54 = arith.constant 0 : index
    %get3A_55 = vector.load %arg8[%get3A_53, %get3A_54] : memref<256x256xbf16, #tpu.memory_space<vmem>>, vector<256x256xbf16>
    %dot_general3A_56 = arith.constant dense<0.000000e+00> : vector<512x256xf32>
    %dot_general3A_57 = tpu.matmul %convert_element_type3A_52, %get3A_55, %dot_general3A_56 {dimension_numbers = #tpu.dot_dimension_numbers<[1], [0], [0], [1], [0, 0, 1, 1], [], []>, transpose_lhs_hint = false} : vector<512x256xbf16>, vector<256x256xbf16>, vector<512x256xf32> -> vector<512x256xf32>
    %mul3A_58 = arith.constant 6.250000e-02 : f32
    %mul3A_59 = vector.broadcast %mul3A_58 : f32 to vector<512x256xf32>
    %mul3A_60 = arith.mulf %dot_general3A_57, %mul3A_59 : vector<512x256xf32>
    %convert_element_type3A_61 = arith.truncf %mul3A_60 : vector<512x256xf32> to vector<512x256xbf16>
    %get3A_62 = arith.constant 0 : index
    %get3A_63 = arith.constant 0 : index
    %get3A_64 = arith.constant 0 : index
    %get3A_65 = vector.load %arg10[%get3A_62, %get3A_63, %get3A_64] : memref<1x512x1xi32, #tpu.memory_space<vmem>>, vector<1x512x1xi32>
    %get3A_66 = vector.shape_cast %get3A_65 : vector<1x512x1xi32> to vector<512x1xi32>
    %broadcast_in_dim3A = arith.constant 0.000000e+00 : f32
    %broadcast_in_dim3A_67 = vector.broadcast %broadcast_in_dim3A : f32 to vector<512x256xf32>
    %swap3A = arith.constant 0 : index
    %swap3A_68 = arith.constant 0 : index
    %swap3A_69 = vector.load %arg15[%swap3A, %swap3A_68] : memref<512x256xf32, #tpu.memory_space<vmem>>, vector<512x256xf32>
    tpu.vector_store %arg15[%swap3A, %swap3A_68], %broadcast_in_dim3A_67 {strides = array<i32>} : memref<512x256xf32, #tpu.memory_space<vmem>>, vector<512x256xf32>,
    %broadcast_in_dim3A_70 = arith.constant 0xFF800000 : f32
    %broadcast_in_dim3A_71 = vector.broadcast %broadcast_in_dim3A_70 : f32 to vector<512x1xf32>
    %swap3A_72 = arith.constant 0 : index
    %swap3A_73 = arith.constant 0 : index
    %swap3A_74 = vector.load %arg16[%swap3A_72, %swap3A_73] : memref<512x1xf32, #tpu.memory_space<vmem>>, vector<512x1xf32>
    tpu.vector_store %arg16[%swap3A_72, %swap3A_73], %broadcast_in_dim3A_71 {strides = array<i32>} : memref<512x1xf32, #tpu.memory_space<vmem>>, vector<512x1xf32>,
    %broadcast_in_dim3A_75 = arith.constant 0.000000e+00 : f32
    %broadcast_in_dim3A_76 = vector.broadcast %broadcast_in_dim3A_75 : f32 to vector<512x1xf32>
    %swap3A_77 = arith.constant 0 : index
    %swap3A_78 = arith.constant 0 : index
    %swap3A_79 = vector.load %arg17[%swap3A_77, %swap3A_78] : memref<512x1xf32, #tpu.memory_space<vmem>>, vector<512x1xf32>
    tpu.vector_store %arg17[%swap3A_77, %swap3A_78], %broadcast_in_dim3A_76 {strides = array<i32>} : memref<512x1xf32, #tpu.memory_space<vmem>>, vector<512x1xf32>,
    %add3A_80 = arith.constant 1 : i32
    %add3A_81 = arith.addi %get3A_4, %add3A_80 : i32
    %while3A = arith.constant 0 : i32
    %while3A_82 = arith.subi %add3A_81, %get3A_1 : i32
    %while3A_83 = arith.addi %get3A_1, %while3A_82 : i32
    %while3A_84 = arith.constant 1 : i32
    %while3A_85 = arith.divsi %while3A_82, %while3A_84 : i32
    %while3A_86 = arith.muli %while3A_85, %while3A_84 : i32
    %while3A_87 = arith.addi %get3A_1, %while3A_86 : i32
    %while3A_88 = arith.constant 1 : i32
    %while3A_89 = scf.for %while3A_105 = %get3A_1 to %while3A_87 step %while3A_88 iter_args(%while3A_106 = %while3A) -> (i32)  : i32 {
      %lt3A = arith.cmpi slt, %while3A_105, %get3A_4 : i32
      %convert_element_type3A_107 = arith.extui %lt3A : i1 to i32
      %cond3A = arith.constant 0 : i32
      %cond3A_108 = arith.cmpi ne, %convert_element_type3A_107, %cond3A : i32
      scf.if %cond3A_108 {
        %add3A_184 = arith.constant 1 : i32
        %add3A_185 = arith.addi %while3A_105, %add3A_184 : i32
        %sub3A_186 = arith.constant 1 : i32
        %sub3A_187 = arith.subi %sub3A_186, %while3A_106 : i32
        %mul3A_188 = arith.constant 1024 : i32
        %mul3A_189 = arith.muli %add3A_185, %mul3A_188 : i32
        %dma_start3A_190 = tpu.memref_slice %arg18[%sub3A_187] : memref<2x!tpu.dma_semaphore, #tpu.memory_space<semaphore_mem>> -> memref<1x!tpu.dma_semaphore, #tpu.memory_space<semaphore_mem>>
        %dma_start3A_191 = tpu.memref_squeeze %dma_start3A_190 : memref<1x!tpu.dma_semaphore, #tpu.memory_space<semaphore_mem>> -> memref<!tpu.dma_semaphore, #tpu.memory_space<semaphore_mem>>
        %dma_start3A_192 = arith.constant 0 : i32
        %dma_start3A_193 = arith.constant 0 : i32
        %dma_start3A_194 = tpu.memref_slice %arg13[%sub3A_187, %dma_start3A_192, %dma_start3A_193] : memref<2x1024x256xbf16, #tpu.memory_space<vmem>> -> memref<1x1024x256xbf16, #tpu.memory_space<vmem>>
        %dma_start3A_195 = tpu.memref_squeeze %dma_start3A_194 : memref<1x1024x256xbf16, #tpu.memory_space<vmem>> -> memref<1024x256xbf16, #tpu.memory_space<vmem>>
        %dma_start3A_196 = arith.constant 2048 : i32
        %dma_start3A_197 = tpu.memref_slice %arg9[%mul3A_189, %dma_start3A_196] : memref<8192x2560xbf16, #tpu.memory_space<any>> -> memref<1024x256xbf16, #tpu.memory_space<any>>
        tpu.enqueue_dma source(%dma_start3A_197 : memref<1024x256xbf16, #tpu.memory_space<any>>) target(%dma_start3A_195 : memref<1024x256xbf16, #tpu.memory_space<vmem>>) target_semaphore(%dma_start3A_191 : memref<!tpu.dma_semaphore, #tpu.memory_space<semaphore_mem>>)
        %mul3A_198 = arith.constant 1024 : i32
        %mul3A_199 = arith.muli %add3A_185, %mul3A_198 : i32
        %dma_start3A_200 = tpu.memref_slice %arg19[%sub3A_187] : memref<2x!tpu.dma_semaphore, #tpu.memory_space<semaphore_mem>> -> memref<1x!tpu.dma_semaphore, #tpu.memory_space<semaphore_mem>>
        %dma_start3A_201 = tpu.memref_squeeze %dma_start3A_200 : memref<1x!tpu.dma_semaphore, #tpu.memory_space<semaphore_mem>> -> memref<!tpu.dma_semaphore, #tpu.memory_space<semaphore_mem>>
        %dma_start3A_202 = arith.constant 0 : i32
        %dma_start3A_203 = arith.constant 0 : i32
        %dma_start3A_204 = tpu.memref_slice %arg14[%sub3A_187, %dma_start3A_202, %dma_start3A_203] : memref<2x1024x256xbf16, #tpu.memory_space<vmem>> -> memref<1x1024x256xbf16, #tpu.memory_space<vmem>>
        %dma_start3A_205 = tpu.memref_squeeze %dma_start3A_204 : memref<1x1024x256xbf16, #tpu.memory_space<vmem>> -> memref<1024x256xbf16, #tpu.memory_space<vmem>>
        %dma_start3A_206 = arith.constant 2304 : i32
        %dma_start3A_207 = tpu.memref_slice %arg9[%mul3A_199, %dma_start3A_206] : memref<8192x2560xbf16, #tpu.memory_space<any>> -> memref<1024x256xbf16, #tpu.memory_space<any>>
        tpu.enqueue_dma source(%dma_start3A_207 : memref<1024x256xbf16, #tpu.memory_space<any>>) target(%dma_start3A_205 : memref<1024x256xbf16, #tpu.memory_space<vmem>>) target_semaphore(%dma_start3A_201 : memref<!tpu.dma_semaphore, #tpu.memory_space<semaphore_mem>>)
      } else {
      }
      %mul3A_109 = arith.constant 1024 : i32
      %mul3A_110 = arith.muli %while3A_105, %mul3A_109 : i32
      %dma_wait3A = tpu.memref_slice %arg18[%while3A_106] : memref<2x!tpu.dma_semaphore, #tpu.memory_space<semaphore_mem>> -> memref<1x!tpu.dma_semaphore, #tpu.memory_space<semaphore_mem>>
      %dma_wait3A_111 = tpu.memref_squeeze %dma_wait3A : memref<1x!tpu.dma_semaphore, #tpu.memory_space<semaphore_mem>> -> memref<!tpu.dma_semaphore, #tpu.memory_space<semaphore_mem>>
      %dma_wait3A_112 = arith.constant 0 : i32
      %dma_wait3A_113 = arith.constant 0 : i32
      %dma_wait3A_114 = tpu.memref_slice %arg13[%while3A_106, %dma_wait3A_112, %dma_wait3A_113] : memref<2x1024x256xbf16, #tpu.memory_space<vmem>> -> memref<1x1024x256xbf16, #tpu.memory_space<vmem>>
      %dma_wait3A_115 = tpu.memref_squeeze %dma_wait3A_114 : memref<1x1024x256xbf16, #tpu.memory_space<vmem>> -> memref<1024x256xbf16, #tpu.memory_space<vmem>>
      %dma_wait3A_116 = arith.constant 2048 : i32
      %dma_wait3A_117 = tpu.memref_slice %arg9[%mul3A_110, %dma_wait3A_116] : memref<8192x2560xbf16, #tpu.memory_space<any>> -> memref<1024x256xbf16, #tpu.memory_space<any>>
      tpu.wait_dma2 semaphore(%dma_wait3A_111 : memref<!tpu.dma_semaphore, #tpu.memory_space<semaphore_mem>>) src(%dma_wait3A_117 : memref<1024x256xbf16, #tpu.memory_space<any>>) dst(%dma_wait3A_115 : memref<1024x256xbf16, #tpu.memory_space<vmem>>)
      %mul3A_118 = arith.constant 1024 : i32
      %mul3A_119 = arith.muli %while3A_105, %mul3A_118 : i32
      %dma_wait3A_120 = tpu.memref_slice %arg19[%while3A_106] : memref<2x!tpu.dma_semaphore, #tpu.memory_space<semaphore_mem>> -> memref<1x!tpu.dma_semaphore, #tpu.memory_space<semaphore_mem>>
      %dma_wait3A_121 = tpu.memref_squeeze %dma_wait3A_120 : memref<1x!tpu.dma_semaphore, #tpu.memory_space<semaphore_mem>> -> memref<!tpu.dma_semaphore, #tpu.memory_space<semaphore_mem>>
      %dma_wait3A_122 = arith.constant 0 : i32
      %dma_wait3A_123 = arith.constant 0 : i32
      %dma_wait3A_124 = tpu.memref_slice %arg14[%while3A_106, %dma_wait3A_122, %dma_wait3A_123] : memref<2x1024x256xbf16, #tpu.memory_space<vmem>> -> memref<1x1024x256xbf16, #tpu.memory_space<vmem>>
      %dma_wait3A_125 = tpu.memref_squeeze %dma_wait3A_124 : memref<1x1024x256xbf16, #tpu.memory_space<vmem>> -> memref<1024x256xbf16, #tpu.memory_space<vmem>>
      %dma_wait3A_126 = arith.constant 2304 : i32
      %dma_wait3A_127 = tpu.memref_slice %arg9[%mul3A_119, %dma_wait3A_126] : memref<8192x2560xbf16, #tpu.memory_space<any>> -> memref<1024x256xbf16, #tpu.memory_space<any>>
      tpu.wait_dma2 semaphore(%dma_wait3A_121 : memref<!tpu.dma_semaphore, #tpu.memory_space<semaphore_mem>>) src(%dma_wait3A_127 : memref<1024x256xbf16, #tpu.memory_space<any>>) dst(%dma_wait3A_125 : memref<1024x256xbf16, #tpu.memory_space<vmem>>)
      %get3A_128 = arith.index_cast %while3A_106 : i32 to index
      %get3A_129 = arith.constant 0 : index
      %get3A_130 = arith.constant 0 : index
      %get3A_131 = vector.load %arg13[%get3A_128, %get3A_129, %get3A_130] : memref<2x1024x256xbf16, #tpu.memory_space<vmem>>, vector<1x1024x256xbf16>
      %get3A_132 = vector.shape_cast %get3A_131 : vector<1x1024x256xbf16> to vector<1024x256xbf16>
      %dot_general3A_133 = arith.constant dense<0.000000e+00> : vector<512x1024xf32>
      %dot_general3A_134 = tpu.matmul %convert_element_type3A_61, %get3A_132, %dot_general3A_133 {dimension_numbers = #tpu.dot_dimension_numbers<[1], [1], [0], [0], [0, 0, 1, 0], [], []>, transpose_lhs_hint = false} : vector<512x256xbf16>, vector<1024x256xbf16>, vector<512x1024xf32> -> vector<512x1024xf32>
      %mul3A_135 = arith.constant 1024 : i32
      %mul3A_136 = arith.muli %while3A_105, %mul3A_135 : i32
      %get3A_137 = arith.constant 0 : index
      %get3A_138 = arith.index_cast %mul3A_136 : i32 to index
      %get3A_139 = vector.load %arg11[%get3A_137, %get3A_138] : memref<1x8192xi32, #tpu.memory_space<vmem>>, vector<1x1024xi32>
      %eq3A = vector.broadcast %get3A_66 : vector<512x1xi32> to vector<512x1024xi32>
      %eq3A_140 = vector.broadcast %get3A_139 : vector<1x1024xi32> to vector<512x1024xi32>
      %eq3A_141 = arith.cmpi eq, %eq3A, %eq3A_140 : vector<512x1024xi32>
      %jit3A = arith.constant -1.000000e+09 : f32
      %broadcast_in_dim3A_142 = vector.broadcast %jit3A : f32 to vector<512x1024xf32>
      %select_n3A = arith.select %eq3A_141, %dot_general3A_134, %broadcast_in_dim3A_142 : vector<512x1024xi1>, vector<512x1024xf32>
      %get3A_143 = arith.constant 0 : index
      %get3A_144 = arith.constant 0 : index
      %get3A_145 = vector.load %arg16[%get3A_143, %get3A_144] : memref<512x1xf32, #tpu.memory_space<vmem>>, vector<512x1xf32>
      %reduce_max3A = arith.constant dense<0xFF800000> : vector<512xf32>
      %reduce_max3A_146 = vector.multi_reduction <maximumf>, %select_n3A, %reduce_max3A [1] : vector<512x1024xf32> to vector<512xf32>
      %broadcast_in_dim3A_147 = vector.shape_cast %reduce_max3A_146 : vector<512xf32> to vector<512x1xf32>
      %max3A_148 = arith.maximumf %get3A_145, %broadcast_in_dim3A_147 : vector<512x1xf32>
      %sub3A = vector.broadcast %max3A_148 : vector<512x1xf32> to vector<512x1024xf32>
      %sub3A_149 = arith.subf %select_n3A, %sub3A : vector<512x1024xf32>
      %exp3A = math.exp %sub3A_149 : vector<512x1024xf32>
      %sub3A_150 = arith.subf %get3A_145, %max3A_148 : vector<512x1xf32>
      %exp3A_151 = math.exp %sub3A_150 : vector<512x1xf32>
      %get3A_152 = arith.constant 0 : index
      %get3A_153 = arith.constant 0 : index
      %get3A_154 = vector.load %arg17[%get3A_152, %get3A_153] : memref<512x1xf32, #tpu.memory_space<vmem>>, vector<512x1xf32>
      %mul3A_155 = arith.mulf %get3A_154, %exp3A_151 : vector<512x1xf32>
      %reduce_sum3A = arith.constant dense<0.000000e+00> : vector<512xf32>
      %reduce_sum3A_156 = vector.multi_reduction <add>, %exp3A, %reduce_sum3A [1] : vector<512x1024xf32> to vector<512xf32>
      %broadcast_in_dim3A_157 = vector.shape_cast %reduce_sum3A_156 : vector<512xf32> to vector<512x1xf32>
      %add3A_158 = arith.addf %mul3A_155, %broadcast_in_dim3A_157 : vector<512x1xf32>
      %swap3A_159 = arith.constant 0 : index
      %swap3A_160 = arith.constant 0 : index
      %swap3A_161 = vector.load %arg17[%swap3A_159, %swap3A_160] : memref<512x1xf32, #tpu.memory_space<vmem>>, vector<512x1xf32>
      tpu.vector_store %arg17[%swap3A_159, %swap3A_160], %add3A_158 {strides = array<i32>} : memref<512x1xf32, #tpu.memory_space<vmem>>, vector<512x1xf32>,
      %swap3A_162 = arith.constant 0 : index
      %swap3A_163 = arith.constant 0 : index
      %swap3A_164 = vector.load %arg16[%swap3A_162, %swap3A_163] : memref<512x1xf32, #tpu.memory_space<vmem>>, vector<512x1xf32>
      tpu.vector_store %arg16[%swap3A_162, %swap3A_163], %max3A_148 {strides = array<i32>} : memref<512x1xf32, #tpu.memory_space<vmem>>, vector<512x1xf32>,
      %get3A_165 = arith.constant 0 : index
      %get3A_166 = arith.constant 0 : index
      %get3A_167 = vector.load %arg15[%get3A_165, %get3A_166] : memref<512x256xf32, #tpu.memory_space<vmem>>, vector<512x256xf32>
      %mul3A_168 = vector.broadcast %exp3A_151 : vector<512x1xf32> to vector<512x256xf32>
      %mul3A_169 = arith.mulf %get3A_167, %mul3A_168 : vector<512x256xf32>
      %convert_element_type3A_170 = arith.truncf %exp3A : vector<512x1024xf32> to vector<512x1024xbf16>
      %get3A_171 = arith.index_cast %while3A_106 : i32 to index
      %get3A_172 = arith.constant 0 : index
      %get3A_173 = arith.constant 0 : index
      %get3A_174 = vector.load %arg14[%get3A_171, %get3A_172, %get3A_173] : memref<2x1024x256xbf16, #tpu.memory_space<vmem>>, vector<1x1024x256xbf16>
      %get3A_175 = vector.shape_cast %get3A_174 : vector<1x1024x256xbf16> to vector<1024x256xbf16>
      %dot_general3A_176 = arith.constant dense<0.000000e+00> : vector<512x256xf32>
      %dot_general3A_177 = tpu.matmul %convert_element_type3A_170, %get3A_175, %dot_general3A_176 {dimension_numbers = #tpu.dot_dimension_numbers<[1], [0], [0], [1], [0, 0, 1, 1], [], []>, transpose_lhs_hint = false} : vector<512x1024xbf16>, vector<1024x256xbf16>, vector<512x256xf32> -> vector<512x256xf32>
      %add3A_178 = arith.addf %mul3A_169, %dot_general3A_177 : vector<512x256xf32>
      %swap3A_179 = arith.constant 0 : index
      %swap3A_180 = arith.constant 0 : index
      %swap3A_181 = vector.load %arg15[%swap3A_179, %swap3A_180] : memref<512x256xf32, #tpu.memory_space<vmem>>, vector<512x256xf32>
      tpu.vector_store %arg15[%swap3A_179, %swap3A_180], %add3A_178 {strides = array<i32>} : memref<512x256xf32, #tpu.memory_space<vmem>>, vector<512x256xf32>,
      %sub3A_182 = arith.constant 1 : i32
      %sub3A_183 = arith.subi %sub3A_182, %while3A_106 : i32
      scf.yield %sub3A_183 : i32
    }
    %while3A_90 = arith.constant 1 : i32
    %while3A_91 = scf.for %while3A_105 = %while3A_87 to %while3A_83 step %while3A_90 iter_args(%while3A_106 = %while3A_89) -> (i32)  : i32 {
      %lt3A = arith.cmpi slt, %while3A_105, %get3A_4 : i32
      %convert_element_type3A_107 = arith.extui %lt3A : i1 to i32
      %cond3A = arith.constant 0 : i32
      %cond3A_108 = arith.cmpi ne, %convert_element_type3A_107, %cond3A : i32
      scf.if %cond3A_108 {
        %add3A_184 = arith.constant 1 : i32
        %add3A_185 = arith.addi %while3A_105, %add3A_184 : i32
        %sub3A_186 = arith.constant 1 : i32
        %sub3A_187 = arith.subi %sub3A_186, %while3A_106 : i32
        %mul3A_188 = arith.constant 1024 : i32
        %mul3A_189 = arith.muli %add3A_185, %mul3A_188 : i32
        %dma_start3A_190 = tpu.memref_slice %arg18[%sub3A_187] : memref<2x!tpu.dma_semaphore, #tpu.memory_space<semaphore_mem>> -> memref<1x!tpu.dma_semaphore, #tpu.memory_space<semaphore_mem>>
        %dma_start3A_191 = tpu.memref_squeeze %dma_start3A_190 : memref<1x!tpu.dma_semaphore, #tpu.memory_space<semaphore_mem>> -> memref<!tpu.dma_semaphore, #tpu.memory_space<semaphore_mem>>
        %dma_start3A_192 = arith.constant 0 : i32
        %dma_start3A_193 = arith.constant 0 : i32
        %dma_start3A_194 = tpu.memref_slice %arg13[%sub3A_187, %dma_start3A_192, %dma_start3A_193] : memref<2x1024x256xbf16, #tpu.memory_space<vmem>> -> memref<1x1024x256xbf16, #tpu.memory_space<vmem>>
        %dma_start3A_195 = tpu.memref_squeeze %dma_start3A_194 : memref<1x1024x256xbf16, #tpu.memory_space<vmem>> -> memref<1024x256xbf16, #tpu.memory_space<vmem>>
        %dma_start3A_196 = arith.constant 2048 : i32
        %dma_start3A_197 = tpu.memref_slice %arg9[%mul3A_189, %dma_start3A_196] : memref<8192x2560xbf16, #tpu.memory_space<any>> -> memref<1024x256xbf16, #tpu.memory_space<any>>
        tpu.enqueue_dma source(%dma_start3A_197 : memref<1024x256xbf16, #tpu.memory_space<any>>) target(%dma_start3A_195 : memref<1024x256xbf16, #tpu.memory_space<vmem>>) target_semaphore(%dma_start3A_191 : memref<!tpu.dma_semaphore, #tpu.memory_space<semaphore_mem>>)
        %mul3A_198 = arith.constant 1024 : i32
        %mul3A_199 = arith.muli %add3A_185, %mul3A_198 : i32
        %dma_start3A_200 = tpu.memref_slice %arg19[%sub3A_187] : memref<2x!tpu.dma_semaphore, #tpu.memory_space<semaphore_mem>> -> memref<1x!tpu.dma_semaphore, #tpu.memory_space<semaphore_mem>>
        %dma_start3A_201 = tpu.memref_squeeze %dma_start3A_200 : memref<1x!tpu.dma_semaphore, #tpu.memory_space<semaphore_mem>> -> memref<!tpu.dma_semaphore, #tpu.memory_space<semaphore_mem>>
        %dma_start3A_202 = arith.constant 0 : i32
        %dma_start3A_203 = arith.constant 0 : i32
        %dma_start3A_204 = tpu.memref_slice %arg14[%sub3A_187, %dma_start3A_202, %dma_start3A_203] : memref<2x1024x256xbf16, #tpu.memory_space<vmem>> -> memref<1x1024x256xbf16, #tpu.memory_space<vmem>>
        %dma_start3A_205 = tpu.memref_squeeze %dma_start3A_204 : memref<1x1024x256xbf16, #tpu.memory_space<vmem>> -> memref<1024x256xbf16, #tpu.memory_space<vmem>>
        %dma_start3A_206 = arith.constant 2304 : i32
        %dma_start3A_207 = tpu.memref_slice %arg9[%mul3A_199, %dma_start3A_206] : memref<8192x2560xbf16, #tpu.memory_space<any>> -> memref<1024x256xbf16, #tpu.memory_space<any>>
        tpu.enqueue_dma source(%dma_start3A_207 : memref<1024x256xbf16, #tpu.memory_space<any>>) target(%dma_start3A_205 : memref<1024x256xbf16, #tpu.memory_space<vmem>>) target_semaphore(%dma_start3A_201 : memref<!tpu.dma_semaphore, #tpu.memory_space<semaphore_mem>>)
      } else {
      }
      %mul3A_109 = arith.constant 1024 : i32
      %mul3A_110 = arith.muli %while3A_105, %mul3A_109 : i32
      %dma_wait3A = tpu.memref_slice %arg18[%while3A_106] : memref<2x!tpu.dma_semaphore, #tpu.memory_space<semaphore_mem>> -> memref<1x!tpu.dma_semaphore, #tpu.memory_space<semaphore_mem>>
      %dma_wait3A_111 = tpu.memref_squeeze %dma_wait3A : memref<1x!tpu.dma_semaphore, #tpu.memory_space<semaphore_mem>> -> memref<!tpu.dma_semaphore, #tpu.memory_space<semaphore_mem>>
      %dma_wait3A_112 = arith.constant 0 : i32
      %dma_wait3A_113 = arith.constant 0 : i32
      %dma_wait3A_114 = tpu.memref_slice %arg13[%while3A_106, %dma_wait3A_112, %dma_wait3A_113] : memref<2x1024x256xbf16, #tpu.memory_space<vmem>> -> memref<1x1024x256xbf16, #tpu.memory_space<vmem>>
      %dma_wait3A_115 = tpu.memref_squeeze %dma_wait3A_114 : memref<1x1024x256xbf16, #tpu.memory_space<vmem>> -> memref<1024x256xbf16, #tpu.memory_space<vmem>>
      %dma_wait3A_116 = arith.constant 2048 : i32
      %dma_wait3A_117 = tpu.memref_slice %arg9[%mul3A_110, %dma_wait3A_116] : memref<8192x2560xbf16, #tpu.memory_space<any>> -> memref<1024x256xbf16, #tpu.memory_space<any>>
      tpu.wait_dma2 semaphore(%dma_wait3A_111 : memref<!tpu.dma_semaphore, #tpu.memory_space<semaphore_mem>>) src(%dma_wait3A_117 : memref<1024x256xbf16, #tpu.memory_space<any>>) dst(%dma_wait3A_115 : memref<1024x256xbf16, #tpu.memory_space<vmem>>)
      %mul3A_118 = arith.constant 1024 : i32
      %mul3A_119 = arith.muli %while3A_105, %mul3A_118 : i32
      %dma_wait3A_120 = tpu.memref_slice %arg19[%while3A_106] : memref<2x!tpu.dma_semaphore, #tpu.memory_space<semaphore_mem>> -> memref<1x!tpu.dma_semaphore, #tpu.memory_space<semaphore_mem>>
      %dma_wait3A_121 = tpu.memref_squeeze %dma_wait3A_120 : memref<1x!tpu.dma_semaphore, #tpu.memory_space<semaphore_mem>> -> memref<!tpu.dma_semaphore, #tpu.memory_space<semaphore_mem>>
      %dma_wait3A_122 = arith.constant 0 : i32
      %dma_wait3A_123 = arith.constant 0 : i32
      %dma_wait3A_124 = tpu.memref_slice %arg14[%while3A_106, %dma_wait3A_122, %dma_wait3A_123] : memref<2x1024x256xbf16, #tpu.memory_space<vmem>> -> memref<1x1024x256xbf16, #tpu.memory_space<vmem>>
      %dma_wait3A_125 = tpu.memref_squeeze %dma_wait3A_124 : memref<1x1024x256xbf16, #tpu.memory_space<vmem>> -> memref<1024x256xbf16, #tpu.memory_space<vmem>>
      %dma_wait3A_126 = arith.constant 2304 : i32
      %dma_wait3A_127 = tpu.memref_slice %arg9[%mul3A_119, %dma_wait3A_126] : memref<8192x2560xbf16, #tpu.memory_space<any>> -> memref<1024x256xbf16, #tpu.memory_space<any>>
      tpu.wait_dma2 semaphore(%dma_wait3A_121 : memref<!tpu.dma_semaphore, #tpu.memory_space<semaphore_mem>>) src(%dma_wait3A_127 : memref<1024x256xbf16, #tpu.memory_space<any>>) dst(%dma_wait3A_125 : memref<1024x256xbf16, #tpu.memory_space<vmem>>)
      %get3A_128 = arith.index_cast %while3A_106 : i32 to index
      %get3A_129 = arith.constant 0 : index
      %get3A_130 = arith.constant 0 : index
      %get3A_131 = vector.load %arg13[%get3A_128, %get3A_129, %get3A_130] : memref<2x1024x256xbf16, #tpu.memory_space<vmem>>, vector<1x1024x256xbf16>
      %get3A_132 = vector.shape_cast %get3A_131 : vector<1x1024x256xbf16> to vector<1024x256xbf16>
      %dot_general3A_133 = arith.constant dense<0.000000e+00> : vector<512x1024xf32>
      %dot_general3A_134 = tpu.matmul %convert_element_type3A_61, %get3A_132, %dot_general3A_133 {dimension_numbers = #tpu.dot_dimension_numbers<[1], [1], [0], [0], [0, 0, 1, 0], [], []>, transpose_lhs_hint = false} : vector<512x256xbf16>, vector<1024x256xbf16>, vector<512x1024xf32> -> vector<512x1024xf32>
      %mul3A_135 = arith.constant 1024 : i32
      %mul3A_136 = arith.muli %while3A_105, %mul3A_135 : i32
      %get3A_137 = arith.constant 0 : index
      %get3A_138 = arith.index_cast %mul3A_136 : i32 to index
      %get3A_139 = vector.load %arg11[%get3A_137, %get3A_138] : memref<1x8192xi32, #tpu.memory_space<vmem>>, vector<1x1024xi32>
      %eq3A = vector.broadcast %get3A_66 : vector<512x1xi32> to vector<512x1024xi32>
      %eq3A_140 = vector.broadcast %get3A_139 : vector<1x1024xi32> to vector<512x1024xi32>
      %eq3A_141 = arith.cmpi eq, %eq3A, %eq3A_140 : vector<512x1024xi32>
      %jit3A = arith.constant -1.000000e+09 : f32
      %broadcast_in_dim3A_142 = vector.broadcast %jit3A : f32 to vector<512x1024xf32>
      %select_n3A = arith.select %eq3A_141, %dot_general3A_134, %broadcast_in_dim3A_142 : vector<512x1024xi1>, vector<512x1024xf32>
      %get3A_143 = arith.constant 0 : index
      %get3A_144 = arith.constant 0 : index
      %get3A_145 = vector.load %arg16[%get3A_143, %get3A_144] : memref<512x1xf32, #tpu.memory_space<vmem>>, vector<512x1xf32>
      %reduce_max3A = arith.constant dense<0xFF800000> : vector<512xf32>
      %reduce_max3A_146 = vector.multi_reduction <maximumf>, %select_n3A, %reduce_max3A [1] : vector<512x1024xf32> to vector<512xf32>
      %broadcast_in_dim3A_147 = vector.shape_cast %reduce_max3A_146 : vector<512xf32> to vector<512x1xf32>
      %max3A_148 = arith.maximumf %get3A_145, %broadcast_in_dim3A_147 : vector<512x1xf32>
      %sub3A = vector.broadcast %max3A_148 : vector<512x1xf32> to vector<512x1024xf32>
      %sub3A_149 = arith.subf %select_n3A, %sub3A : vector<512x1024xf32>
      %exp3A = math.exp %sub3A_149 : vector<512x1024xf32>
      %sub3A_150 = arith.subf %get3A_145, %max3A_148 : vector<512x1xf32>
      %exp3A_151 = math.exp %sub3A_150 : vector<512x1xf32>
      %get3A_152 = arith.constant 0 : index
      %get3A_153 = arith.constant 0 : index
      %get3A_154 = vector.load %arg17[%get3A_152, %get3A_153] : memref<512x1xf32, #tpu.memory_space<vmem>>, vector<512x1xf32>
      %mul3A_155 = arith.mulf %get3A_154, %exp3A_151 : vector<512x1xf32>
      %reduce_sum3A = arith.constant dense<0.000000e+00> : vector<512xf32>
      %reduce_sum3A_156 = vector.multi_reduction <add>, %exp3A, %reduce_sum3A [1] : vector<512x1024xf32> to vector<512xf32>
      %broadcast_in_dim3A_157 = vector.shape_cast %reduce_sum3A_156 : vector<512xf32> to vector<512x1xf32>
      %add3A_158 = arith.addf %mul3A_155, %broadcast_in_dim3A_157 : vector<512x1xf32>
      %swap3A_159 = arith.constant 0 : index
      %swap3A_160 = arith.constant 0 : index
      %swap3A_161 = vector.load %arg17[%swap3A_159, %swap3A_160] : memref<512x1xf32, #tpu.memory_space<vmem>>, vector<512x1xf32>
      tpu.vector_store %arg17[%swap3A_159, %swap3A_160], %add3A_158 {strides = array<i32>} : memref<512x1xf32, #tpu.memory_space<vmem>>, vector<512x1xf32>,
      %swap3A_162 = arith.constant 0 : index
      %swap3A_163 = arith.constant 0 : index
      %swap3A_164 = vector.load %arg16[%swap3A_162, %swap3A_163] : memref<512x1xf32, #tpu.memory_space<vmem>>, vector<512x1xf32>
      tpu.vector_store %arg16[%swap3A_162, %swap3A_163], %max3A_148 {strides = array<i32>} : memref<512x1xf32, #tpu.memory_space<vmem>>, vector<512x1xf32>,
      %get3A_165 = arith.constant 0 : index
      %get3A_166 = arith.constant 0 : index
      %get3A_167 = vector.load %arg15[%get3A_165, %get3A_166] : memref<512x256xf32, #tpu.memory_space<vmem>>, vector<512x256xf32>
      %mul3A_168 = vector.broadcast %exp3A_151 : vector<512x1xf32> to vector<512x256xf32>
      %mul3A_169 = arith.mulf %get3A_167, %mul3A_168 : vector<512x256xf32>
      %convert_element_type3A_170 = arith.truncf %exp3A : vector<512x1024xf32> to vector<512x1024xbf16>
      %get3A_171 = arith.index_cast %while3A_106 : i32 to index
      %get3A_172 = arith.constant 0 : index
      %get3A_173 = arith.constant 0 : index
      %get3A_174 = vector.load %arg14[%get3A_171, %get3A_172, %get3A_173] : memref<2x1024x256xbf16, #tpu.memory_space<vmem>>, vector<1x1024x256xbf16>
      %get3A_175 = vector.shape_cast %get3A_174 : vector<1x1024x256xbf16> to vector<1024x256xbf16>
      %dot_general3A_176 = arith.constant dense<0.000000e+00> : vector<512x256xf32>
      %dot_general3A_177 = tpu.matmul %convert_element_type3A_170, %get3A_175, %dot_general3A_176 {dimension_numbers = #tpu.dot_dimension_numbers<[1], [0], [0], [1], [0, 0, 1, 1], [], []>, transpose_lhs_hint = false} : vector<512x1024xbf16>, vector<1024x256xbf16>, vector<512x256xf32> -> vector<512x256xf32>
      %add3A_178 = arith.addf %mul3A_169, %dot_general3A_177 : vector<512x256xf32>
      %swap3A_179 = arith.constant 0 : index
      %swap3A_180 = arith.constant 0 : index
      %swap3A_181 = vector.load %arg15[%swap3A_179, %swap3A_180] : memref<512x256xf32, #tpu.memory_space<vmem>>, vector<512x256xf32>
      tpu.vector_store %arg15[%swap3A_179, %swap3A_180], %add3A_178 {strides = array<i32>} : memref<512x256xf32, #tpu.memory_space<vmem>>, vector<512x256xf32>,
      %sub3A_182 = arith.constant 1 : i32
      %sub3A_183 = arith.subi %sub3A_182, %while3A_106 : i32
      scf.yield %sub3A_183 : i32
    }
    %get3A_92 = arith.constant 0 : index
    %get3A_93 = arith.constant 0 : index
    %get3A_94 = vector.load %arg15[%get3A_92, %get3A_93] : memref<512x256xf32, #tpu.memory_space<vmem>>, vector<512x256xf32>
    %get3A_95 = arith.constant 0 : index
    %get3A_96 = arith.constant 0 : index
    %get3A_97 = vector.load %arg17[%get3A_95, %get3A_96] : memref<512x1xf32, #tpu.memory_space<vmem>>, vector<512x1xf32>
    %div3A = vector.broadcast %get3A_97 : vector<512x1xf32> to vector<512x256xf32>
    %div3A_98 = arith.divf %get3A_94, %div3A : vector<512x256xf32>
    %add3A_99 = arith.addf %add3A_51, %div3A_98 : vector<512x256xf32>
    %max3A = arith.constant 0.000000e+00 : f32
    %max3A_100 = vector.broadcast %max3A : f32 to vector<512x256xf32>
    %max3A_101 = arith.maximumf %add3A_99, %max3A_100 : vector<512x256xf32>
    %swap3A_102 = arith.constant 0 : index
    %swap3A_103 = arith.constant 0 : index
    %swap3A_104 = vector.load %arg12[%swap3A_102, %swap3A_103] : memref<512x256xf32, #tpu.memory_space<vmem>>, vector<512x256xf32>
    tpu.vector_store %arg12[%swap3A_102, %swap3A_103], %max3A_101 {strides = array<i32>} : memref<512x256xf32, #tpu.memory_space<vmem>>, vector<512x256xf32>,
    return
  }
  func.func @transform_0(%arg0: i32, %arg1: memref<2x4xi32, #tpu.memory_space<smem>>) -> (i32, i32) {
    %c0_i32 = arith.constant 0 : i32
    %c0_i32_0 = arith.constant 0 : i32
    return %arg0, %c0_i32 : i32, i32
  }
  func.func @transform_1(%arg0: i32, %arg1: memref<2x4xi32, #tpu.memory_space<smem>>) -> (i32, i32) {
    %c0_i32 = arith.constant 0 : i32
    %c0_i32_0 = arith.constant 0 : i32
    %c0_i32_1 = arith.constant 0 : i32
    return %c0_i32, %c0_i32_0 : i32, i32
  }
  func.func @transform_2(%arg0: i32, %arg1: memref<2x4xi32, #tpu.memory_space<smem>>) -> (i32, i32) {
    %c0_i32 = arith.constant 0 : i32
    %c0_i32_0 = arith.constant 0 : i32
    return %arg0, %c0_i32 : i32, i32
  }
  func.func @transform_3(%arg0: i32, %arg1: memref<2x4xi32, #tpu.memory_space<smem>>) -> (i32, i32) {
    %c0_i32 = arith.constant 0 : i32
    %c0_i32_0 = arith.constant 0 : i32
    %c0_i32_1 = arith.constant 0 : i32
    return %c0_i32, %c0_i32_0 : i32, i32
  }
  func.func @transform_4(%arg0: i32, %arg1: memref<2x4xi32, #tpu.memory_space<smem>>) -> (i32, i32) {
    %c0_i32 = arith.constant 0 : i32
    %c0_i32_0 = arith.constant 0 : i32
    return %arg0, %c0_i32 : i32, i32
  }
  func.func @transform_5(%arg0: i32, %arg1: memref<2x4xi32, #tpu.memory_space<smem>>) -> (i32, i32) {
    %c0_i32 = arith.constant 0 : i32
    %c0_i32_0 = arith.constant 0 : i32
    %c0_i32_1 = arith.constant 0 : i32
    return %c0_i32, %c0_i32_0 : i32, i32
  }
  func.func @transform_6(%arg0: i32, %arg1: memref<2x4xi32, #tpu.memory_space<smem>>) -> (i32, i32) {
    %c0_i32 = arith.constant 0 : i32
    %c0_i32_0 = arith.constant 0 : i32
    %c0_i32_1 = arith.constant 0 : i32
    return %c0_i32, %c0_i32_0 : i32, i32
  }
  func.func @transform_8(%arg0: i32, %arg1: memref<2x4xi32, #tpu.memory_space<smem>>) -> (i32, i32, i32) {
    %c0_i32 = arith.constant 0 : i32
    %c0_i32_0 = arith.constant 0 : i32
    %c0_i32_1 = arith.constant 0 : i32
    return %arg0, %c0_i32, %c0_i32_0 : i32, i32, i32
  }
  func.func @transform_9(%arg0: i32, %arg1: memref<2x4xi32, #tpu.memory_space<smem>>) -> (i32, i32) {
    %c0_i32 = arith.constant 0 : i32
    %c0_i32_0 = arith.constant 0 : i32
    %c0_i32_1 = arith.constant 0 : i32
    return %c0_i32, %c0_i32_0 : i32, i32
  }
  func.func @transform_10(%arg0: i32, %arg1: memref<2x4xi32, #tpu.memory_space<smem>>) -> (i32, i32) {
    %c0_i32 = arith.constant 0 : i32
    %c0_i32_0 = arith.constant 0 : i32
    return %arg0, %c0_i32 : i32, i32
  }
}

module attributes {stable_mosaic.version = 14 : i64} {
  func.func @_mm_bias_body(%arg0: i32, %arg1: i32, %arg2: memref<512x256xf32, #tpu.memory_space<vmem>>, %arg3: memref<256x128xf32, #tpu.memory_space<vmem>>, %arg4: memref<1x128xf32, #tpu.memory_space<vmem>>, %arg5: memref<512x128xf32, #tpu.memory_space<vmem>>) attributes {dimension_semantics = [#tpu.dimension_semantics<parallel>, #tpu.dimension_semantics<parallel>], iteration_bounds = array<i64: 4, 1>, scalar_prefetch = 0 : i64, scratch_operands = 0 : i64, tpu.core_type = #tpu.core_type<tc>, window_params = [{transform_indices = @transform_0, window_bounds = array<i64: 512, 256>}, {transform_indices = @transform_1, window_bounds = array<i64: 256, 128>}, {transform_indices = @transform_2, window_bounds = array<i64: 1, 128>}, {transform_indices = @transform_3, window_bounds = array<i64: 512, 128>}]} {
    %get3A = arith.constant 0 : index
    %get3A_0 = arith.constant 0 : index
    %get3A_1 = vector.load %arg2[%get3A, %get3A_0] : memref<512x256xf32, #tpu.memory_space<vmem>>, vector<512x256xf32>
    %convert_element_type3A = arith.truncf %get3A_1 : vector<512x256xf32> to vector<512x256xbf16>
    %get3A_2 = arith.constant 0 : index
    %get3A_3 = arith.constant 0 : index
    %get3A_4 = vector.load %arg3[%get3A_2, %get3A_3] : memref<256x128xf32, #tpu.memory_space<vmem>>, vector<256x128xf32>
    %convert_element_type3A_5 = arith.truncf %get3A_4 : vector<256x128xf32> to vector<256x128xbf16>
    %dot_general3A = arith.constant dense<0.000000e+00> : vector<512x128xf32>
    %dot_general3A_6 = tpu.matmul %convert_element_type3A, %convert_element_type3A_5, %dot_general3A {dimension_numbers = #tpu.dot_dimension_numbers<[1], [0], [0], [1], [0, 0, 1, 1], [], []>, transpose_lhs_hint = false} : vector<512x256xbf16>, vector<256x128xbf16>, vector<512x128xf32> -> vector<512x128xf32>
    %get3A_7 = arith.constant 0 : index
    %get3A_8 = arith.constant 0 : index
    %get3A_9 = vector.load %arg4[%get3A_7, %get3A_8] : memref<1x128xf32, #tpu.memory_space<vmem>>, vector<1x128xf32>
    %add3A = vector.broadcast %get3A_9 : vector<1x128xf32> to vector<512x128xf32>
    %add3A_10 = arith.addf %dot_general3A_6, %add3A : vector<512x128xf32>
    %swap3A = arith.constant 0 : index
    %swap3A_11 = arith.constant 0 : index
    %swap3A_12 = vector.load %arg5[%swap3A, %swap3A_11] : memref<512x128xf32, #tpu.memory_space<vmem>>, vector<512x128xf32>
    tpu.vector_store %arg5[%swap3A, %swap3A_11], %add3A_10 {strides = array<i32>} : memref<512x128xf32, #tpu.memory_space<vmem>>, vector<512x128xf32>,
    return
  }
  func.func @transform_0(%arg0: i32, %arg1: i32) -> (i32, i32) {
    %c0_i32 = arith.constant 0 : i32
    %c0_i32_0 = arith.constant 0 : i32
    return %arg0, %c0_i32 : i32, i32
  }
  func.func @transform_1(%arg0: i32, %arg1: i32) -> (i32, i32) {
    %c0_i32 = arith.constant 0 : i32
    %c0_i32_0 = arith.constant 0 : i32
    return %c0_i32, %arg1 : i32, i32
  }
  func.func @transform_2(%arg0: i32, %arg1: i32) -> (i32, i32) {
    %c0_i32 = arith.constant 0 : i32
    %c0_i32_0 = arith.constant 0 : i32
    return %c0_i32, %arg1 : i32, i32
  }
  func.func @transform_3(%arg0: i32, %arg1: i32) -> (i32, i32) {
    %c0_i32 = arith.constant 0 : i32
    return %arg0, %arg1 : i32, i32
  }
}

module attributes {stable_mosaic.version = 14 : i64} {
  func.func @_mm_bias_body(%arg0: i32, %arg1: i32, %arg2: memref<512x256xf32, #tpu.memory_space<vmem>>, %arg3: memref<256x512xf32, #tpu.memory_space<vmem>>, %arg4: memref<1x512xf32, #tpu.memory_space<vmem>>, %arg5: memref<512x512xf32, #tpu.memory_space<vmem>>) attributes {dimension_semantics = [#tpu.dimension_semantics<parallel>, #tpu.dimension_semantics<parallel>], iteration_bounds = array<i64: 4, 1>, scalar_prefetch = 0 : i64, scratch_operands = 0 : i64, tpu.core_type = #tpu.core_type<tc>, window_params = [{transform_indices = @transform_0, window_bounds = array<i64: 512, 256>}, {transform_indices = @transform_1, window_bounds = array<i64: 256, 512>}, {transform_indices = @transform_2, window_bounds = array<i64: 1, 512>}, {transform_indices = @transform_3, window_bounds = array<i64: 512, 512>}]} {
    %get3A = arith.constant 0 : index
    %get3A_0 = arith.constant 0 : index
    %get3A_1 = vector.load %arg2[%get3A, %get3A_0] : memref<512x256xf32, #tpu.memory_space<vmem>>, vector<512x256xf32>
    %convert_element_type3A = arith.truncf %get3A_1 : vector<512x256xf32> to vector<512x256xbf16>
    %get3A_2 = arith.constant 0 : index
    %get3A_3 = arith.constant 0 : index
    %get3A_4 = vector.load %arg3[%get3A_2, %get3A_3] : memref<256x512xf32, #tpu.memory_space<vmem>>, vector<256x512xf32>
    %convert_element_type3A_5 = arith.truncf %get3A_4 : vector<256x512xf32> to vector<256x512xbf16>
    %dot_general3A = arith.constant dense<0.000000e+00> : vector<512x512xf32>
    %dot_general3A_6 = tpu.matmul %convert_element_type3A, %convert_element_type3A_5, %dot_general3A {dimension_numbers = #tpu.dot_dimension_numbers<[1], [0], [0], [1], [0, 0, 1, 1], [], []>, transpose_lhs_hint = false} : vector<512x256xbf16>, vector<256x512xbf16>, vector<512x512xf32> -> vector<512x512xf32>
    %get3A_7 = arith.constant 0 : index
    %get3A_8 = arith.constant 0 : index
    %get3A_9 = vector.load %arg4[%get3A_7, %get3A_8] : memref<1x512xf32, #tpu.memory_space<vmem>>, vector<1x512xf32>
    %add3A = vector.broadcast %get3A_9 : vector<1x512xf32> to vector<512x512xf32>
    %add3A_10 = arith.addf %dot_general3A_6, %add3A : vector<512x512xf32>
    %swap3A = arith.constant 0 : index
    %swap3A_11 = arith.constant 0 : index
    %swap3A_12 = vector.load %arg5[%swap3A, %swap3A_11] : memref<512x512xf32, #tpu.memory_space<vmem>>, vector<512x512xf32>
    tpu.vector_store %arg5[%swap3A, %swap3A_11], %add3A_10 {strides = array<i32>} : memref<512x512xf32, #tpu.memory_space<vmem>>, vector<512x512xf32>,
    return
  }
  func.func @transform_0(%arg0: i32, %arg1: i32) -> (i32, i32) {
    %c0_i32 = arith.constant 0 : i32
    %c0_i32_0 = arith.constant 0 : i32
    return %arg0, %c0_i32 : i32, i32
  }
  func.func @transform_1(%arg0: i32, %arg1: i32) -> (i32, i32) {
    %c0_i32 = arith.constant 0 : i32
    %c0_i32_0 = arith.constant 0 : i32
    return %c0_i32, %arg1 : i32, i32
  }
  func.func @transform_2(%arg0: i32, %arg1: i32) -> (i32, i32) {
    %c0_i32 = arith.constant 0 : i32
    %c0_i32_0 = arith.constant 0 : i32
    return %c0_i32, %arg1 : i32, i32
  }
  func.func @transform_3(%arg0: i32, %arg1: i32) -> (i32, i32) {
    %c0_i32 = arith.constant 0 : i32
    return %arg0, %arg1 : i32, i32
  }
}

</mosaic_0001>

<sc_bundles>
// kernel: kernel.14.cloned.1.call-start
scs
__scs_entry_jumppad:
0x0: {  	(pc) =	sbr.rel $0x88, $3  }
0x1: {  	(tag) =	ssettag $0x0;
	lr =	simm.s32 $0x1  }
0x2: {  	[smem:$0x3F84] =	sst lr;
	_ =	strace $0xD0000000  }
0x3: {  	_ = 	snop  }
0x4: {  	_ = 	snop  }
0x5: {  	_ = 	snop  }
0x6: {  	_ = 	snop  }
0x7: {  	_ = 	snop  }
__scs_overlays_trampoline_lowered:
0x8: {  	[smem:$0x3F93] =	sst s0  }
0x9: {  	[smem:$0x3F94] =	sst s1  }
0xa: {  	[smem:$0x3F95] =	sst s2  }
0xb: {  	[smem:$0x3F96] =	sst s3  }
0xc: {  	[smem:$0x3F97] =	sst s4  }
0xd: {  	[smem:$0x3F98] =	sst s5  }
0xe: {  	[smem:$0x3F99] =	sst s6  }
0xf: {  	[smem:$0x3F9A] =	sst s7  }
0x10: {  	[smem:$0x3F9B] =	sst s8  }
0x11: {  	[smem:$0x3F9C] =	sst s9;
	s0 =	simm.s32 @!p0 $0x0  }
0x12: {  	s1 =	sld [smem:$0x3F82];
	s0 =	simm.s32 @p0 $0x1  }
0x13: {  	[smem:$0x3F9D] =	sst s0;
	s0 =	simm.s32 @!p1 $0x0  }
0x14: {  	s2 =	sld [smem:$0x3F81];
	s0 =	simm.s32 @p1 $0x1  }
0x15: {  	[smem:$0x3F9E] =	sst s0;
	s0 =	simm.s32 @!p2 $0x0  }
0x16: {  	s3 =	sld [smem:$0x3FDB];
	s0 =	simm.s32 @p2 $0x1  }
0x17: {  	s4 =	simm.s32 $0x1BF5;
	[smem:$0x3FA0] =	sst s0  }
0x18: {  	s0 =	sld [smem:$0x3F83];
	_ =	swait.ge [sflag:s4], $0x0  }
0x19: {  	s7 =	sld [smem:$0x3F84]  }
0x1a: {  	s8 =	sadd.s32 $0xFFFFE003, lr  }
0x1b: {  	s9 =	sadd.s32 $0xFFFFFEF7, lr;
	s5 =	simm.s32 $0xFFFFFFFF;
	p2 =	slt.u32 s8, $0xFFFFF086  }
0x1c: {  	p1 =	slt.u32 s9, $0xF7A;
	s5 =	simm.s32 @!p2 $0x0  }
0x1d: {  	s5 =	simm.s32 @p1 $0x1;
	p0 =	seq.s32 s7, s2  }
0x1e: {  	s7 =	smul.u32 @!p0 $0xF7A, s2;
	p2 =	seq.s32 @!p0 s5, $0x0  }
0x1f: {  	s9 =	smul.u32 $0xF7A, s1;
	s8 =	simm.s32 @!p0 $0x1BF5;
	p2 =	por !p2, p0  }
0x20: {  	[sflag:s8] =	ssyncset.s32 @!p0 $0xFFFFF086;
	s6 =	sadd.s32 @!p0 s3, s7;
	s7 =	simm.s32 @!p0 $0x108  }
0x21: {  	s3 =	sadd.s32 s3, s9;
	s6 =	sadd.s32 @!p0 $0x88, s6;
	s7 =	simm.s32 @p2 $0x1082  }
0x22: {  	[simem:s7], [sflag:s8] =	dma.local @!p0 [hbm:s6], $0xF7A  }
0x23: {  	s9 =	sor.u32 $0xD0000000, s2;
	s6 =	simm.s32 $0x108;
	_ =	swait.ge @!p0 [sflag:s8], $0x0  }
0x24: {  	s3 =	sadd.s32 $0x88, s3;
	s6 =	simm.s32 @!p1 $0x1082;
	[sflag:s4] =	ssyncset.s32 $0xFFFFF086  }
0x25: {  	[simem:s6], [sflag:s4] =	dma.local [hbm:s3], $0xF7A  }
0x26: {  	[smem:$0x3F84] =	sst s1;
	(tag) =	ssettag s2;
	_ =	strace s9  }
0x27: {  	s1 =	sld [smem:$0x3F94]  }
0x28: {  	s2 =	sld [smem:$0x3F95]  }
0x29: {  	s4 =	sld [smem:$0x3F97]  }
0x2a: {  	p0 =	seq.s32 s5, $0x0;
	s5 =	sld [smem:$0x3F98]  }
0x2b: {  	s6 =	sld [smem:$0x3F99]  }
0x2c: {  	s7 =	sld [smem:$0x3F9A]  }
0x2d: {  	s3 =	simm.s32 $0x108;
	s8 =	sld [smem:$0x3F9B]  }
0x2e: {  	s3 =	simm.s32 @!p0 $0x1082;
	s9 =	sld [smem:$0x3F9C]  }
0x2f: {  	lr =	sadd.s32 s0, s3;
	s0 =	sld [smem:$0x3F93]  }
0x30: {  	s3 =	sld [smem:$0x3F96]  }
0x31: {  	[smem:$0x3F9F] =	sst s10  }
0x32: {  	s10 =	sld [smem:$0x3F9D];
	_ =	sdelay $0x3  }
0x33: {  	p0 =	seq.s32 s10, $0x1;
	s10 =	sld [smem:$0x3F9F];
	_ =	sdelay $0x3  }
0x34: {  	[smem:$0x3F9F] =	sst s10  }
0x35: {  	s10 =	sld [smem:$0x3F9E];
	_ =	sdelay $0x3  }
0x36: {  	p1 =	seq.s32 s10, $0x1;
	s10 =	sld [smem:$0x3F9F];
	_ =	sdelay $0x3  }
0x37: {  	[smem:$0x3F9F] =	sst s10  }
0x38: {  	s10 =	sld [smem:$0x3FA0]  }
0x39: {  	_ = 	snop;
	(pc) =	sbr.ind lr, $3  }
0x3a: {  	_ = 	snop  }
0x3b: {  	_ = 	snop  }
0x3c: {  	p2 =	seq.s32 s10, $0x1;
	s10 =	sld [smem:$0x3F9F]  }
0x3d: {  	_ =	shalt  }
0x3e: {  	_ =	shalt  }
0x3f: {  	_ =	shalt  }
0x40: {  	_ =	shalt  }
0x41: {  	_ =	shalt  }
0x42: {  	_ =	shalt  }
0x43: {  	_ =	shalt  }
0x44: {  	_ =	shalt  }
0x45: {  	_ =	shalt  }
0x46: {  	_ =	shalt  }
0x47: {  	_ =	shalt  }
0x48: {  	_ =	shalt  }
0x49: {  	_ =	shalt  }
0x4a: {  	_ =	shalt  }
0x4b: {  	_ =	shalt  }
0x4c: {  	_ =	shalt  }
0x4d: {  	_ =	shalt  }
0x4e: {  	_ =	shalt  }
0x4f: {  	_ =	shalt  }
0x50: {  	_ =	shalt  }
0x51: {  	_ =	shalt  }
0x52: {  	_ =	shalt  }
0x53: {  	_ =	shalt  }
0x54: {  	_ =	shalt  }
0x55: {  	_ =	shalt  }
0x56: {  	_ =	shalt  }
0x57: {  	_ =	shalt  }
0x58: {  	_ =	shalt  }
0x59: {  	_ =	shalt  }
0x5a: {  	_ =	shalt  }
0x5b: {  	_ =	shalt  }
0x5c: {  	_ =	shalt  }
0x5d: {  	_ =	shalt  }
0x5e: {  	_ =	shalt  }
0x5f: {  	_ =	shalt  }
0x60: {  	_ =	shalt  }
0x61: {  	_ =	shalt  }
0x62: {  	_ =	shalt  }
0x63: {  	_ =	shalt  }
0x64: {  	_ =	shalt  }
0x65: {  	_ =	shalt  }
0x66: {  	_ =	shalt  }
0x67: {  	_ =	shalt  }
0x68: {  	_ =	shalt  }
0x69: {  	_ =	shalt  }
0x6a: {  	_ =	shalt  }
0x6b: {  	_ =	shalt  }
0x6c: {  	_ =	shalt  }
0x6d: {  	_ =	shalt  }
0x6e: {  	_ =	shalt  }
0x6f: {  	_ =	shalt  }
0x70: {  	_ =	shalt  }
0x71: {  	_ =	shalt  }
0x72: {  	_ =	shalt  }
0x73: {  	_ =	shalt  }
0x74: {  	_ =	shalt  }
0x75: {  	_ =	shalt  }
0x76: {  	_ =	shalt  }
0x77: {  	_ =	shalt  }
0x78: {  	_ =	shalt  }
0x79: {  	_ =	shalt  }
0x7a: {  	_ =	shalt  }
0x7b: {  	_ =	shalt  }
0x7c: {  	_ =	shalt  }
0x7d: {  	_ =	shalt  }
0x7e: {  	_ =	shalt  }
0x7f: {  	_ =	shalt  }
0x80: {  	_ =	shalt  }
0x81: {  	_ =	shalt  }
0x82: {  	_ =	shalt  }
0x83: {  	_ =	shalt  }
0x84: {  	_ =	shalt  }
0x85: {  	_ =	shalt  }
0x86: {  	_ =	shalt  }
0x87: {  	_ =	shalt  }
.Lfunc_end0:
.L_simem_size_0:
called_computation_lowered:
.L_overlay_start_0:
0x88: {  	s2 =	sld [smem:$0x3FD9]  }
0x89: {  	s3 =	sld [smem:$0x3FFE];
	_ =	sdelay $0x1  }
0x8a: {  	s1 =	srdreg.scid  }
0x8b: {  	s0 =	sand.u32 $0x1, s1  }
0x8c: {  	s14 =	sshll.u32 s0, $0xA;
	s2 =	sadd.s32 s3, s2  }
0x8d: {  	s2 =	sadd.s32 s2, s14  }
0x8e: {  	[smem:$0x3FAB] =	sst s2  }
0x8f: {  	_ = 	snop  }
0x90: {  	s2 =	sld [smem:$0x3FD0];
	_ =	sdelay $0x2  }
0x91: {  	s4 =	simm.s32 $0xB;
	s5 =	simm.s32 $0x10;
	s15 =	sld [smem:$0x3FC5]  }
0x92: {  	[smem:s5], [sflag:s4] =	dma.local [hbm:s2], $0x1  }
0x93: {  	_ =	swait.eq [sflag:s4], $0x1  }
0x94: {  	s16 =	sld [smem:$0x12];
	[sflag:s4] =	ssyncset.done $0x0  }
0x95: {  	s17 =	sld [smem:$0x13];
	[sflag:s4] =	ssyncadd.s32 $0xFFFFFFFF  }
0x96: {  	s18 =	sld [smem:$0x14];
	(tm) =	ssettm $0x1  }
0x97: {  	s6 =	sld [smem:$0x3FFB];
	_ =	sdelay $0x3  }
0x98: {  	_ =	strace s6  }
0x99: {  	s6 =	sld [smem:$0x3FFC];
	_ =	sdelay $0x3  }
0x9a: {  	_ =	strace s6  }
0x9b: {  	s6 =	sld [smem:$0x3FFD];
	_ =	sdelay $0x3  }
0x9c: {  	_ =	strace s6  }
0x9d: {  	_ =	strace $0x8FFFFFFF  }
0x9e: {  	s19 =	sld [smem:$0x3FDB];
	_ =	sdelay $0x1  }
0x9f: {  	s7 =	simm.s32 $_scs_section_size  }
0xa0: {  	s8 =	simm.s32 $_size__tile_overlayer_lowered;
	s9 =	simm.s32 $_tile_overlayer_lowered  }
0xa1: {  	s22 =	simm.s32 $0x1BFF;
	s21 =	sshll.u32 s9, $0x1;
	s6 =	sadd.s32 s7, s19  }
0xa2: {  	s10 =	simm.s32 $0x0;
	s20 =	sshll.u32 s8, $0x1;
	s8 =	sadd.s32 s21, s6  }
0xa3: {  	[timem:s10], [sflag:s22] =	dma.local [hbm:s8], s20  }
0xa4: {  	_ =	swait.ge [sflag:s22], s20  }
0xa5: {  	s7 =	ssub.s32 $0x0, s20;
	[sflag:s22] =	ssyncset.done $0x0  }
0xa6: {  	[sflag:s22] =	ssyncadd.s32 s7;
	_ =	sdelay $0x1  }
0xa7: {  	s23 =	simm.s32 $0x1B8B  }
0xa8: {  	_ =	swait.ge [sflag:s23], $0x1  }
0xa9: {  	[sflag:s23] =	ssyncset.done $0x0  }
0xaa: {  	s25 =	simm.s32 $0x1B8E;
	s24 =	sld [smem:$0x3FFE];
	[sflag:s23] =	ssyncadd.s32 $0xFFFFFFFF  }
0xab: {  	s26 =	simm.s32 $execute0_lowered;
	[smem:$0x3FD2] =	sst s25  }
0xac: {  	s8 =	sshll.u32 s26, $0x1;
	_ =	strace $0x80000046;
	[dreg:$0x1] =	wrdreg $0xFFFFFFFF  }
0xad: {  	s28 =	simm.s32 $_size_execute0_lowered;
	s6 =	sadd.s32 s6, s8;
	[dreg:$0x0] =	wrdreg $0x0  }
0xae: {  	s8 =	sshll.u32 s28, $0x1;
	[dreg:$0x2] =	wrdreg s6  }
0xaf: {  	[dreg:$0x3] =	wrdreg s8  }
0xb0: {  	[dreg:$0x4] =	wrdreg $0xC0  }
0xb1: {  	_ =	task [dreg:s10], $0x5FFFF  }
0xb2: {  	[dreg:$0x1] =	wrdreg $0xFFFFFFFF  }
0xb3: {  	[dreg:$0x0] =	wrdreg $0x60  }
0xb4: {  	[dreg:$0x2] =	wrdreg s16  }
0xb5: {  	[dreg:$0x3] =	wrdreg s17  }
0xb6: {  	[dreg:$0x4] =	wrdreg s15  }
0xb7: {  	[dreg:$0x5] =	wrdreg s24  }
0xb8: {  	[dreg:$0x6] =	wrdreg s18  }
0xb9: {  	[dreg:$0x7] =	wrdreg $0x9  }
0xba: {  	_ =	task.clear_ibuf [dreg:s10], $0x8FFFF;
	_ =	strace $0x90000046  }
0xbb: {  	s29 =	simm.s32 $0x9;
	_ =	strace $0x80000048  }
0xbc: {  	_ =	swait.ge [sflag:s29], $0x1  }
0xbd: {  	[sflag:s29] =	ssyncadd.s32 $0xFFFFFFFF  }
0xbe: {  	_ =	strace $0x90000048  }
0xbf: {  	_ =	sfence  }
0xc0: {  	s30 =	sld [smem:$0x0];
	_ =	sdelay $0x2  }
0xc1: {  	s31 =	sshll.u32 s1, $0xD;
	s1 =	sshrl.u32 s1, $0x2  }
0xc2: {  	s3 =	sand.u32 $0x4000, s31;
	s1 =	sadd.s32 s1, s30  }
0xc3: {  	s0 =	sor.u32 s3, s0;
	s1 =	sshll.u32 s1, $0x11  }
0xc4: {  	s0 =	sor.u32 s1, s0  }
0xc5: {  	s0 =	sadd.s32 $0x8F2B, s0  }
0xc6: {  	[sflag:s0] =	ssyncadd.remote.s32 $0x1  }
0xc7: {  	_ =	sfence.sel $0xFFFF  }
0xc8: {  	[dreg:$0x0] =	wrdreg $0xFFFFFFFF;
	(pc) =	sbr.abs _section_cstart, $3  }
0xc9: {  	[dreg:$0x1] =	wrdreg $0xFFFFFFFF  }
0xca: {  	_ =	task.clear_ibuf [dreg:s10], $0x2FFFF;
	_ =	strace $0x9FFFFFFF  }
0xcb: {  	(tm) =	ssettm $0x7FFFFFFF  }
tec
execute0_lowered:
.L_overlay_start_1:
0x0: {  	(tag) =	ssettag $0x1  }
0x1: {  	s1 =	rddreg [dreg:$0x0]  }
0x2: {  	s3 =	srdreg.scid;
	s2 =	rddreg [dreg:$0x1]  }
0x3: {  	s0 =	stileid.u32;
	s7 =	rddreg [dreg:$0x3]  }
0x4: {  	s9 =	rddreg [dreg:$0x4];
	s12 =	simm.s32 $0x3000;
	s13 =	simm.s32 $0x19180  }
0x5: {  	s14 =	simm.s32 $0x9180;
	s15 =	simm.s32 $0x0;
	s6 =	sand.u32 $0x1, s3  }
0x6: {  	s3 =	rddreg [dreg:$0x2];
	s4 =	sshll.u32 s0, $0x7;
	s5 =	sshll.u32 s6, $0x6  }
0x7: {  	v3 =	vimm.f32 $0.0e+00;
	s7 =	sadd.s32 $0x5A00, s7;
	s6 =	ssub.s32 $0x2, s6;
	s8 =	sor.u32 s5, s4  }
0x8: {  	v4 =	vimm.s32 $0x0;
	v5 =	vlaneseq.u32;
	vm8 =	vmmov $0x1;
	s4 =	rddreg [dreg:$0x5];
	s5 =	simm.s32 $0x0;
	s11 =	sshrl.u32 s6, $0x1  }
.Ltmp0:
0x9: {  	v6 =	vimm.f32 $1.000000000e+00;
	vm4 =	vcmask $0x704;
	vm5 =	vcmask $0xB08;
	s10 =	sadd.s32 $0x40, s8;
	s30 =	sor.u32 $0x20, s8;
	(pc) =	sbr.rel .LBB2_1-.Ltmp0, $4  }
0xa: {  	vm6 =	vcmask $0xF0C;
	vm7 =	vcmask $0x1310;
	vm9 =	vcmask $0x1F1C;
	[smem:$0x7FF] =	sst s5;
	s11 =	ssub.s32 s6, s11;
	s31 =	sshll.u32 s8, $0x8  }
0xb: {  	vm11 =	vcmask $0x2724;
	v7 =	vimm.s32 $0x0;
	v0 =	vmov s8;
	s8 =	sshll.u32 s8, $0x4;
	_ =	strace $0x80000047;
	s6 =	sadd.s32 s7, s31  }
0xc: {  	vm10 =	vcmask $0x2F2C;
	v7 =	vsel vm8, $0xFFFFFFFF, v7;
	v1 =	vmov s10;
	s10 =	sshll.u32 s30, $0x8;
	s8 =	sadd.s32 s9, s8;
	s9 =	smax.u32 s11, $0x1  }
0xd: {  	vm13 =	vcmask $0x3330;
	vm14 =	vcmask $0x3734;
	v2 =	vmov s30;
	s11 =	simm.s32 $0x1800;
	[tilespmem:$0x1FFF0] =	vst v7;
	s7 =	sadd.s32 s7, s10;
	s10 =	simm.s32 $0x1  }
.LBB2_24:
0xe: {  	_ =	sdelay $0x2  }
0xf: {  	vm4 =	vcmask $0x704  }
0x10: {  	vm5 =	vmmov vm9;
	vm6 =	vmmov vm10;
	vm7 =	vmmov vm11  }
0x11: {  	[tilespmem:v7+s14+$0x0] =	vst.idx.add.f32.msk vm1, v6;
	vm9 =	vcmask $0x1F1C;
	vm11 =	vcmask $0x2724;
	vm10 =	vmmov vm0  }
.LBB2_25:
0x12: {  	[hbm4b:s7+s5] =	stream.linear.scatter [tilespmem:s14], [sflag:$0x1], $0x10000, $0x38;
	[tilespmem:$0x1B180] =	vst v63  }
0x13: {  	s15 =	sadd.s32 $0x1, s15;
	_ =	swait.ge [sflag:s10], $0x10000  }
0x14: {  	p0 =	sne.s32 s15, s9;
	[sflag:s10] =	ssyncset.done $0x0  }
.Ltmp1:
0x15: {  	[sflag:s10] =	ssyncadd.s32 $0xFFFF0000;
	(pc) =	sbr.rel @!p0 .LBB2_26-.Ltmp1, $4  }
0x16: {  	[hbm4b:s8+s5] =	stream.linear.scatter [tilespmem:s13], [sflag:$0x1], $0x2000, $0x38;
	[tilespmem:$0x1B180] =	vst v63  }
0x17: {  	_ =	swait.ge [sflag:s10], $0x2000  }
0x18: {  	[sflag:s10] =	ssyncset.done $0x0  }
0x19: {  	[sflag:s10] =	ssyncadd.s32 $0xFFFFE000  }
.LBB2_1:
0x1a: {  	[tilespmem:s5], [sflag:$0x1] =	stream.linear.gather [hbm4b:s1+s5], $0x1800, $0x38;
	[tilespmem:$0x1B180] =	vst v63  }
0x1b: {  	_ =	swait.ge [sflag:s10], $0x1800  }
0x1c: {  	[sflag:s10] =	ssyncset.done $0x0  }
0x1d: {  	[sflag:s10] =	ssyncadd.s32 $0xFFFFE800  }
0x1e: {  	[tilespmem:s11], [sflag:$0x1] =	stream.linear.gather [hbm4b:s2+s5], $0x1800, $0x38;
	[tilespmem:$0x1B180] =	vst v63  }
0x1f: {  	_ =	swait.ge [sflag:s10], $0x1800  }
0x20: {  	[sflag:s10] =	ssyncset.done $0x0  }
0x21: {  	[sflag:s10] =	ssyncadd.s32 $0xFFFFE800  }
0x22: {  	[tilespmem:s12], [sflag:$0x1] =	stream.linear.gather [hbm4b:s3+s5], $0x1800, $0x38;
	[tilespmem:$0x1B180] =	vst v63  }
0x23: {  	_ =	swait.ge [sflag:s10], $0x1800  }
0x24: {  	[sflag:s10] =	ssyncset.done $0x0  }
0x25: {  	s16 =	simm.s32 $0x0;
	[sflag:s10] =	ssyncadd.s32 $0xFFFFE800  }
.LBB2_2:
0x26: {  	p0 =	sne.s32 s16, $0x7E00  }
.Ltmp2:
0x27: {  	_ = 	snop;
	(pc) =	sbr.rel @p0 .LBB2_2-.Ltmp2, $3  }
0x28: {  	_ =	sdelay $0x1  }
0x29: {  	s17 =	sshra.s32 s16, $0x2  }
0x2a: {  	s16 =	sadd.s32 $0x200, s16;
	[tilespmem:s17+$0x19180] =	vst v3  }
0x2b: {  	s17 =	simm.s32 $0x0  }
0x2c: {  	v7 =	vld [tilespmem:s17+$0x1800];
	_ =	sdelay $0x4  }
0x2d: {  	vm0 =	vge.s32 v7, v0;
	vm1 =	vlt.s32 v7, v1  }
0x2e: {  	vm1 =	vmand vm0, vm1  }
0x2f: {  	v8 =	vsel vm1, $0x1, v4  }
0x30: {  	(xrf0) =	vadd.scan.msk.s32 $0xffff, v8  }
0x31: {  	s16 =	simm.s32 $0x0  }
0x32: {  	[tilespmem:s16+$0x6080] =	vst.msk vm1, v7  }
0x33: {  	v7 =	vld [tilespmem:s17+$0x0];
	_ =	sdelay $0x2  }
0x34: {  	v8, _, _ =	vpop (xrf0)  }
0x35: {  	(v2sf) =	vpush v8, $0xF  }
0x36: {  	[tilespmem:s16+$0x4800] =	vst.msk vm1, v7  }
0x37: {  	v7 =	vld [tilespmem:s17+$0x3000];
	_ =	sdelay $0x4  }
0x38: {  	s18 =	simm.s32 $0x80;
	s17 =	simm.s32 $0x10;
	[tilespmem:s16+$0x7900] =	vst.msk vm1, v7  }
.LBB2_4:
0x39: {  	p0 =	sne.s32 s18, $0x5FC0;
	v7 =	vld [tilespmem:s17+$0x1800];
	_ =	sdelay $0x4  }
0x3a: {  	vm1 =	vge.s32 v7, v0;
	vm2 =	vlt.s32 v7, v1  }
0x3b: {  	vm1 =	vmand vm1, vm2  }
0x3c: {  	v8 =	vsel vm1, $0x1, v4;
	s19 =	spop (v2sf)  }
0x3d: {  	(xrf0) =	vadd.scan.msk.s32 $0xffff, v8;
	s16 =	sadd.s32 s16, s19  }
0x3e: {  	[tilespmem:s16+$0x6080] =	vst.msk vm1, v7  }
0x3f: {  	v7 =	vld [tilespmem:s17+$0x0];
	_ =	sdelay $0x3  }
0x40: {  	v8, _, _ =	vpop (xrf0)  }
0x41: {  	[tilespmem:s16+$0x4800] =	vst.msk vm1, v7;
	(v2sf) =	vpush v8, $0xF  }
0x42: {  	v7 =	vld [tilespmem:s17+$0x3000];
	_ =	sdelay $0x1  }
.Ltmp3:
0x43: {  	(pc) =	sbr.rel @p0 .LBB2_4-.Ltmp3, $3  }
0x44: {  	_ =	sdelay $0x1  }
0x45: {  	[tilespmem:s16+$0x7900] =	vst.msk vm1, v7  }
0x46: {  	s17 =	sshra.s32 s18, $0x2;
	s18 =	sadd.s32 $0x40, s18  }
0x47: {  	v7 =	vld [tilespmem:s17+$0x1800];
	_ =	sdelay $0x4  }
0x48: {  	vm1 =	vge.s32 v7, v0;
	vm2 =	vlt.s32 v7, v1  }
0x49: {  	vm1 =	vmand vm1, vm2  }
0x4a: {  	v8 =	vsel vm1, $0x1, v4  }
0x4b: {  	(xrf0) =	vadd.scan.msk.s32 $0xffff, v8;
	_ =	sdelay $0x5  }
0x4c: {  	v8, _, _ =	vpop (xrf0)  }
0x4d: {  	(v2sf) =	vpush v8, $0xF;
	_ =	sdelay $0xb  }
0x4e: {  	s18 =	spop (v2sf)  }
0x4f: {  	s18 =	sadd.s32 s16, s18  }
0x50: {  	[tilespmem:s18+$0x6080] =	vst.msk vm1, v7  }
0x51: {  	v7 =	vld [tilespmem:s17+$0x0];
	s19 =	spop (v2sf)  }
0x52: {  	s16 =	sadd.s32 s18, s19  }
0x53: {  	s16 =	sadd.s32 $0xF, s16  }
0x54: {  	s20 =	sand.u32 $0xF, s16  }
0x55: {  	s30 =	sshra.s32 s16, $0x1F;
	p1 =	slt.s32 s16, $0x1;
	p0 =	sne.s32 s20, $0x0  }
0x56: {  	[tilespmem:s18+$0x4800] =	vst.msk vm1, v7;
	s31 =	sshrl.u32 s30, $0x1C;
	p0 =	por !p1, !p0  }
0x57: {  	v7 =	vld [tilespmem:s17+$0x3000];
	s17 =	simm.s32 $0x1;
	s16 =	sadd.s32 s31, s16;
	p0 =	por !p0, !p0  }
0x58: {  	s16 =	sshra.s32 s16, $0x4;
	s17 =	simm.s32 @!p0 $0x0  }
0x59: {  	s17 =	ssub.s32 s16, s17  }
0x5a: {  	p0 =	slt.s32 s17, $0x1  }
.Ltmp4:
0x5b: {  	_ = 	snop;
	(pc) =	sbr.rel @p0 .LBB2_9-.Ltmp4, $2  }
0x5c: {  	_ =	sdelay $0x2  }
0x5d: {  	[tilespmem:s18+$0x7900] =	vst.msk vm1, v7;
	s16 =	sadd.s32 s18, s19  }
0x5e: {  	s21 =	simm.s32 $0x6080  }
0x5f: {  	v7 =	vld [tilespmem:s21+$0x0];
	_ =	sdelay $0x2  }
0x60: {  	s22 =	simm.s32 $0x7900  }
0x61: {  	v8 =	vld [tilespmem:s22+$0x0]  }
0x62: {  	v7 =	vsub.s32 v7, v0  }
0x63: {  	vm1 =	vgt.s32 v7, $0x0  }
0x64: {  	s20 =	sadd.s32 s18, s19;
	vm12 =	vmmov vm8;
	v7 =	vnsel vm1, $0x0, v7  }
0x65: {  	vm8 =	vmmov vm11;
	v9 =	vmov s20;
	v7 =	vmin.u32 v7, $0x3F  }
0x66: {  	v63 =	vand.u32 $0xFFFFFF80, v8;
	vm1 =	vgt.s32 v9, v5;
	v7 =	vshll.u32 v7, $0x7  }
0x67: {  	v8 =	vand.u32 $0x7F, v8;
	vm11 =	vmand vm1, vm12;
	v7 =	vadd.s32 v63, v7  }
0x68: {  	vm3 =	vmand vm1, vm5;
	v7 =	vor.u32 v8, v7;
	v8 =	vimm.s32 $0x0  }
0x69: {  	vm2 =	vmand vm1, vm4;
	v8 =	vsel vm3, $0xFFFFFFFF, v8  }
0x6a: {  	vm3 =	vmand vm1, vm6;
	[tilespmem:$0x1FF90] =	vst v8;
	v8 =	vimm.s32 $0x0  }
0x6b: {  	v8 =	vsel vm3, $0xFFFFFFFF, v8  }
0x6c: {  	vm3 =	vmand vm1, vm7;
	[tilespmem:$0x1FFA0] =	vst v8;
	v8 =	vimm.s32 $0x0  }
0x6d: {  	v8 =	vsel vm3, $0xFFFFFFFF, v8;
	[tilespmem:v7+s13+$0x0] =	vst.idx.add.f32.msk vm11, v6  }
0x6e: {  	vm0 =	vmmov vm14;
	vm14 =	vmmov vm9;
	[tilespmem:$0x1FFB0] =	vst v8  }
0x6f: {  	[tilespmem:v7+s13+$0x0] =	vst.idx.add.f32.msk vm2, v6;
	vm2 =	vmand vm1, vm14;
	v8 =	vimm.s32 $0x0  }
0x70: {  	v8 =	vsel vm2, $0xFFFFFFFF, v8  }
0x71: {  	[tilespmem:$0x1FFC0] =	vst v8;
	v8 =	vld [tilespmem:$0x1FF90];
	_ =	sdelay $0x4  }
0x72: {  	vm2 =	vnez.u8 v8;
	_ =	sdelay $0x4  }
0x73: {  	vm11 =	vcmask $0x2320  }
0x74: {  	v8 =	vimm.s32 $0x0;
	[tilespmem:v7+s13+$0x0] =	vst.idx.add.f32.msk vm2, v6;
	vm2 =	vmand vm1, vm11  }
0x75: {  	v8 =	vsel vm2, $0xFFFFFFFF, v8  }
0x76: {  	[tilespmem:$0x1FFD0] =	vst v8;
	v8 =	vld [tilespmem:$0x1FFA0];
	_ =	sdelay $0x4  }
0x77: {  	vm2 =	vnez.u8 v8  }
0x78: {  	v8 =	vld [tilespmem:$0x1FFB0];
	_ =	sdelay $0x4  }
0x79: {  	[tilespmem:v7+s13+$0x0] =	vst.idx.add.f32.msk vm2, v6;
	vm2 =	vnez.u8 v8;
	_ =	sdelay $0x5  }
0x7a: {  	[tilespmem:v7+s13+$0x0] =	vst.idx.add.f32.msk vm2, v6;
	vm2 =	vcmask $0x2B28  }
0x7b: {  	v8 =	vimm.s32 $0x0;
	vm2 =	vmand vm1, vm2  }
0x7c: {  	v8 =	vsel vm2, $0xFFFFFFFF, v8  }
0x7d: {  	[tilespmem:$0x1FFE0] =	vst v8;
	v8 =	vld [tilespmem:$0x1FFC0];
	_ =	sdelay $0x1  }
0x7e: {  	vm12 =	vcmask $0x1714  }
0x7f: {  	vm15 =	vmmov vm13;
	vm13 =	vcmask $0x1B18;
	vm9 =	vmand vm1, vm12  }
0x80: {  	vm3 =	vmand vm1, vm13  }
0x81: {  	vm2 =	vnez.u8 v8  }
0x82: {  	v8 =	vld [tilespmem:$0x1FFD0];
	_ =	sdelay $0x2  }
0x83: {  	[tilespmem:v7+s13+$0x0] =	vst.idx.add.f32.msk vm9, v6  }
0x84: {  	[tilespmem:v7+s13+$0x0] =	vst.idx.add.f32.msk vm3, v6  }
0x85: {  	[tilespmem:v7+s13+$0x0] =	vst.idx.add.f32.msk vm2, v6;
	vm2 =	vnez.u8 v8;
	_ =	sdelay $0x1  }
0x86: {  	v8 =	vld [tilespmem:$0x1FFE0];
	_ =	sdelay $0x3  }
0x87: {  	vm8 =	vmand vm1, vm8;
	[tilespmem:v7+s13+$0x0] =	vst.idx.add.f32.msk vm2, v6;
	vm2 =	vcmask $0x3B38  }
0x88: {  	vm3 =	vmand vm1, vm2;
	vm2 =	vnez.u8 v8  }
0x89: {  	vm9 =	vmand vm1, vm10  }
0x8a: {  	vm10 =	vmand vm1, vm15  }
0x8b: {  	vm0 =	vmand vm1, vm0;
	_ =	sdelay $0x1  }
0x8c: {  	[tilespmem:v7+s13+$0x0] =	vst.idx.add.f32.msk vm8, v6  }
0x8d: {  	p1 =	seq.s32 s17, $0x1;
	[tilespmem:v7+s13+$0x0] =	vst.idx.add.f32.msk vm2, v6  }
.Ltmp5:
0x8e: {  	[tilespmem:v7+s13+$0x0] =	vst.idx.add.f32.msk vm9, v6;
	(pc) =	sbr.rel @p1 .LBB2_8-.Ltmp5, $4  }
0x8f: {  	[tilespmem:v7+s13+$0x0] =	vst.idx.add.f32.msk vm10, v6  }
0x90: {  	[tilespmem:v7+s13+$0x0] =	vst.idx.add.f32.msk vm0, v6;
	vm0 =	vcmask $0x3F3C  }
0x91: {  	vm1 =	vmand vm1, vm0  }
0x92: {  	s23 =	sadd.s32 $0xFFFFFFFF, s17;
	vm15 =	vmmov vm11;
	[tilespmem:v7+s13+$0x0] =	vst.idx.add.f32.msk vm3, v6  }
.LBB2_7:
0x93: {  	_ =	sdelay $0x3  }
0x94: {  	[tilespmem:v7+s13+$0x0] =	vst.idx.add.f32.msk vm1, v6;
	s21 =	sadd.s32 $0x10, s21  }
0x95: {  	v7 =	vld [tilespmem:s21+$0x0];
	_ =	sdelay $0x2  }
0x96: {  	s22 =	sadd.s32 $0x10, s22;
	v10 =	vld [tilespmem:$0x1FFF0]  }
0x97: {  	v8 =	vld [tilespmem:s22+$0x0]  }
0x98: {  	v7 =	vsub.s32 v7, v0  }
0x99: {  	vm1 =	vgt.s32 v7, $0x0  }
0x9a: {  	s20 =	sadd.s32 $0xFFFFFFF0, s20;
	v7 =	vnsel vm1, $0x0, v7  }
0x9b: {  	v9 =	vmov s20;
	vm2 =	vnez.u8 v10;
	v7 =	vmin.u32 v7, $0x3F  }
0x9c: {  	v63 =	vand.u32 $0xFFFFFF80, v8;
	vm1 =	vgt.s32 v9, v5;
	v7 =	vshll.u32 v7, $0x7  }
0x9d: {  	v8 =	vand.u32 $0x7F, v8;
	vm2 =	vmand vm1, vm2;
	v7 =	vadd.s32 v63, v7  }
0x9e: {  	vm3 =	vmand vm1, vm4;
	v7 =	vor.u32 v8, v7  }
0x9f: {  	vm8 =	vmmov vm4;
	vm4 =	vmand vm1, vm5  }
0xa0: {  	vm9 =	vmmov vm5;
	vm5 =	vmand vm1, vm6  }
0xa1: {  	vm10 =	vmmov vm6;
	vm6 =	vmand vm1, vm7  }
0xa2: {  	vm11 =	vmmov vm7;
	vm7 =	vmand vm1, vm12  }
0xa3: {  	[tilespmem:v7+s13+$0x0] =	vst.idx.add.f32.msk vm2, v6;
	vm2 =	vmand vm1, vm13  }
0xa4: {  	[tilespmem:v7+s13+$0x0] =	vst.idx.add.f32.msk vm3, v6;
	vm3 =	vmand vm1, vm14  }
0xa5: {  	[tilespmem:v7+s13+$0x0] =	vst.idx.add.f32.msk vm4, v6;
	vm4 =	vmand vm1, vm15  }
0xa6: {  	[tilespmem:v7+s13+$0x0] =	vst.idx.add.f32.msk vm5, v6;
	vm5 =	vcmask $0x2724  }
0xa7: {  	vm5 =	vmand vm1, vm5;
	[tilespmem:v7+s13+$0x0] =	vst.idx.add.f32.msk vm6, v6;
	vm6 =	vcmask $0x2B28  }
0xa8: {  	vm6 =	vmand vm1, vm6;
	[tilespmem:v7+s13+$0x0] =	vst.idx.add.f32.msk vm7, v6;
	vm7 =	vcmask $0x2F2C  }
0xa9: {  	vm7 =	vmand vm1, vm7;
	[tilespmem:v7+s13+$0x0] =	vst.idx.add.f32.msk vm2, v6;
	vm2 =	vcmask $0x3330  }
0xaa: {  	vm2 =	vmand vm1, vm2;
	[tilespmem:v7+s13+$0x0] =	vst.idx.add.f32.msk vm3, v6;
	vm3 =	vcmask $0x3734  }
0xab: {  	vm3 =	vmand vm1, vm3;
	[tilespmem:v7+s13+$0x0] =	vst.idx.add.f32.msk vm4, v6;
	vm4 =	vcmask $0x3B38  }
0xac: {  	vm4 =	vmand vm1, vm4  }
0xad: {  	p1 =	seq.s32 s23, $0x1;
	[tilespmem:v7+s13+$0x0] =	vst.idx.add.f32.msk vm5, v6  }
.Ltmp6:
0xae: {  	[tilespmem:v7+s13+$0x0] =	vst.idx.add.f32.msk vm6, v6;
	(pc) =	sbr.rel @!p1 .LBB2_7-.Ltmp6, $4  }
0xaf: {  	[tilespmem:v7+s13+$0x0] =	vst.idx.add.f32.msk vm7, v6  }
0xb0: {  	[tilespmem:v7+s13+$0x0] =	vst.idx.add.f32.msk vm2, v6  }
0xb1: {  	vm1 =	vmand vm1, vm0;
	vm5 =	vmmov vm9;
	[tilespmem:v7+s13+$0x0] =	vst.idx.add.f32.msk vm3, v6  }
0xb2: {  	s23 =	sadd.s32 $0xFFFFFFFF, s23;
	vm6 =	vmmov vm10;
	vm7 =	vmmov vm11;
	[tilespmem:v7+s13+$0x0] =	vst.idx.add.f32.msk vm4, v6;
	vm4 =	vmmov vm8  }
.LBB2_8:
0xb3: {  	_ =	sdelay $0x4  }
0xb4: {  	[tilespmem:v7+s13+$0x0] =	vst.idx.add.f32.msk vm1, v6  }
0xb5: {  	v7 =	vld [tilespmem:$0x1FFF0];
	_ =	sdelay $0x3  }
0xb6: {  	vm9 =	vmmov vm14;
	vm11 =	vcmask $0x2724;
	vm10 =	vcmask $0x2F2C  }
0xb7: {  	vm13 =	vcmask $0x3330;
	vm14 =	vcmask $0x3734;
	vm8 =	vnez.u8 v7  }
.LBB2_9:
0xb8: {  	s20 =	simm.s32 $0x0;
	s21 =	simm.s32 $0x0  }
.LBB2_10:
0xb9: {  	s22 =	sshll.u32 s21, $0xB;
	s23 =	sshll.u32 s21, $0x7  }
0xba: {  	s22 =	sand.u32 $0xC000, s22;
	s23 =	sand.u32 $0x380, s23  }
0xbb: {  	s22 =	sor.u32 s23, s22  }
0xbc: {  	s31 =	sand.u32 $0x3C00, s20;
	s22 =	sadd.s32 $0x9180, s22  }
0xbd: {  	s24 =	sand.u32 $0x70, s20;
	s25 =	sadd.s32 s31, s22  }
0xbe: {  	s23 =	simm.s32 $0x10;
	s25 =	sadd.s32 s24, s25;
	s24 =	simm.s32 $0x0  }
.LBB2_11:
0xbf: {  	p1 =	sne.s32 s23, $0x7F0  }
0xc0: {  	[tilespmem:s25+$0x0] =	vst v3;
	s24 =	sadd.s32 $0x80, s24;
	s25 =	smov.u32 s23;
	s23 =	sadd.s32 $0x10, s23  }
.Ltmp7:
0xc1: {  	(pc) =	sbr.rel @p1 .LBB2_11-.Ltmp7, $4  }
0xc2: {  	_ = 	snop  }
0xc3: {  	s26 =	sand.u32 $0x3C00, s24  }
0xc4: {  	s25 =	sand.u32 $0x70, s25;
	s26 =	sadd.s32 s26, s22  }
0xc5: {  	s25 =	sadd.s32 s25, s26  }
0xc6: {  	s21 =	sadd.s32 $0x1, s21  }
0xc7: {  	p1 =	seq.s32 s21, $0x20  }
.Ltmp8:
0xc8: {  	_ = 	snop;
	(pc) =	sbr.rel @!p1 .LBB2_10-.Ltmp8, $2  }
0xc9: {  	_ =	sdelay $0x2  }
0xca: {  	[tilespmem:s25+$0x0] =	vst v3  }
.Ltmp9:
0xcb: {  	(pc) =	sbr.rel @p0 .LBB2_17-.Ltmp9, $1  }
0xcc: {  	_ =	sdelay $0x3  }
0xcd: {  	s18 =	sadd.s32 s18, s19;
	s19 =	simm.s32 $0x6080  }
0xce: {  	v7 =	vld [tilespmem:s19+$0x0];
	_ =	sdelay $0x1  }
0xcf: {  	s20 =	simm.s32 $0x4800  }
0xd0: {  	v8 =	vld [tilespmem:s20+$0x0];
	_ =	sdelay $0x1  }
0xd1: {  	v9 =	vsub.s32 v7, v0  }
0xd2: {  	v10 =	vmov s18;
	vm1 =	vgt.s32 v9, $0x0  }
0xd3: {  	vm2 =	vgt.s32 v10, v5;
	v9 =	vnsel vm1, $0x0, v9  }
0xd4: {  	vm3 =	vge.s32 v7, v0;
	v63 =	vshll.u32 v8, $0x3;
	v9 =	vmin.u32 v9, $0x1F  }
0xd5: {  	vm1 =	vmand vm2, vm3;
	vm2 =	vlt.s32 v7, v2;
	v7 =	vshll.u32 v9, $0xB  }
0xd6: {  	v10 =	vand.u32 $0xFFFFFC00, v63;
	v9 =	vshll.u32 v9, $0x7;
	v7 =	vand.u32 $0xC000, v7  }
0xd7: {  	vm1 =	vmand vm2, vm1;
	v9 =	vand.u32 $0x380, v9;
	v7 =	vadd.s32 v10, v7  }
0xd8: {  	v8 =	vand.u32 $0x7F, v8;
	vm2 =	vmand vm1, vm8;
	v7 =	vor.u32 v9, v7  }
0xd9: {  	vm3 =	vmand vm1, vm4;
	v7 =	vor.u32 v8, v7  }
0xda: {  	vm4 =	vmand vm1, vm5  }
0xdb: {  	vm9 =	vmmov vm5;
	vm5 =	vmand vm1, vm6  }
0xdc: {  	vm10 =	vmmov vm6;
	vm12 =	vcmask $0x1714;
	vm6 =	vmand vm1, vm7  }
0xdd: {  	vm11 =	vmmov vm7;
	vm13 =	vcmask $0x1B18;
	vm7 =	vmand vm1, vm12  }
0xde: {  	vm14 =	vcmask $0x1F1C;
	[tilespmem:v7+s14+$0x0] =	vst.idx.add.f32.msk vm2, v6;
	vm2 =	vmand vm1, vm13  }
0xdf: {  	vm15 =	vcmask $0x2320;
	[tilespmem:v7+s14+$0x0] =	vst.idx.add.f32.msk vm3, v6;
	vm3 =	vmand vm1, vm14  }
0xe0: {  	vm12 =	vcmask $0x2724;
	[tilespmem:v7+s14+$0x0] =	vst.idx.add.f32.msk vm4, v6;
	vm4 =	vmand vm1, vm15  }
0xe1: {  	[tilespmem:v7+s14+$0x0] =	vst.idx.add.f32.msk vm5, v6;
	vm5 =	vmand vm1, vm12;
	vm12 =	vcmask $0x2B28  }
0xe2: {  	vm0 =	vcmask $0x2F2C;
	[tilespmem:v7+s14+$0x0] =	vst.idx.add.f32.msk vm6, v6;
	vm6 =	vmand vm1, vm12  }
0xe3: {  	vm13 =	vcmask $0x3330;
	[tilespmem:v7+s14+$0x0] =	vst.idx.add.f32.msk vm7, v6;
	vm7 =	vmand vm1, vm0  }
0xe4: {  	vm14 =	vcmask $0x3734;
	[tilespmem:v7+s14+$0x0] =	vst.idx.add.f32.msk vm2, v6;
	vm2 =	vmand vm1, vm13  }
0xe5: {  	vm15 =	vcmask $0x3B38;
	[tilespmem:v7+s14+$0x0] =	vst.idx.add.f32.msk vm3, v6;
	vm3 =	vmand vm1, vm14  }
0xe6: {  	vm12 =	vcmask $0x3F3C;
	[tilespmem:v7+s14+$0x0] =	vst.idx.add.f32.msk vm4, v6;
	vm4 =	vmand vm1, vm15  }
0xe7: {  	p1 =	sne.s32 s17, $0x1;
	vm1 =	vmand vm1, vm12;
	[tilespmem:v7+s14+$0x0] =	vst.idx.add.f32.msk vm5, v6  }
.Ltmp10:
0xe8: {  	[tilespmem:v7+s14+$0x0] =	vst.idx.add.f32.msk vm6, v6;
	(pc) =	sbr.rel @!p1 .LBB2_16-.Ltmp10, $4  }
0xe9: {  	[tilespmem:v7+s14+$0x0] =	vst.idx.add.f32.msk vm7, v6  }
0xea: {  	[tilespmem:v7+s14+$0x0] =	vst.idx.add.f32.msk vm2, v6  }
0xeb: {  	[tilespmem:v7+s14+$0x0] =	vst.idx.add.f32.msk vm3, v6  }
0xec: {  	s21 =	sadd.s32 $0xFFFFFFFF, s17;
	[tilespmem:v7+s14+$0x0] =	vst.idx.add.f32.msk vm4, v6  }
.LBB2_15:
0xed: {  	[tilespmem:v7+s14+$0x0] =	vst.idx.add.f32.msk vm1, v6;
	s19 =	sadd.s32 $0x10, s19;
	s20 =	sadd.s32 $0x10, s20;
	s18 =	sadd.s32 $0xFFFFFFF0, s18  }
0xee: {  	p1 =	sne.s32 s21, $0x1;
	s21 =	sadd.s32 $0xFFFFFFFF, s21;
	v7 =	vld [tilespmem:s19+$0x0];
	_ =	sdelay $0x3  }
0xef: {  	v8 =	vmov s18;
	v9 =	vld [tilespmem:s20+$0x0]  }
0xf0: {  	vm1 =	vgt.s32 v8, v5;
	vm2 =	vge.s32 v7, v0;
	v8 =	vsub.s32 v7, v0  }
0xf1: {  	vm1 =	vmand vm1, vm2;
	vm2 =	vlt.s32 v7, v2;
	vm3 =	vgt.s32 v8, $0x0  }
0xf2: {  	vm1 =	vmand vm2, vm1;
	v7 =	vnsel vm3, $0x0, v8  }
0xf3: {  	v7 =	vmin.u32 v7, $0x1F  }
0xf4: {  	v8 =	vshll.u32 v7, $0xB;
	v10 =	vshll.u32 v9, $0x3;
	v7 =	vshll.u32 v7, $0x7  }
0xf5: {  	v8 =	vand.u32 $0xC000, v8;
	v10 =	vand.u32 $0xFFFFFC00, v10  }
0xf6: {  	vm3 =	vcmask $0x704;
	v7 =	vand.u32 $0x380, v7;
	v8 =	vadd.s32 v10, v8  }
0xf7: {  	vm2 =	vmand vm1, vm8;
	v9 =	vand.u32 $0x7F, v9;
	v7 =	vor.u32 v7, v8  }
0xf8: {  	vm3 =	vmand vm1, vm3;
	v7 =	vor.u32 v9, v7  }
0xf9: {  	vm4 =	vmand vm1, vm9  }
0xfa: {  	vm5 =	vmand vm1, vm10  }
0xfb: {  	vm7 =	vcmask $0x1714;
	vm6 =	vmand vm1, vm11  }
0xfc: {  	vm7 =	vmand vm1, vm7  }
0xfd: {  	[tilespmem:v7+s14+$0x0] =	vst.idx.add.f32.msk vm2, v6;
	vm2 =	vcmask $0x1B18  }
0xfe: {  	vm2 =	vmand vm1, vm2  }
0xff: {  	[tilespmem:v7+s14+$0x0] =	vst.idx.add.f32.msk vm3, v6;
	vm3 =	vcmask $0x1F1C  }
0x100: {  	vm3 =	vmand vm1, vm3  }
0x101: {  	[tilespmem:v7+s14+$0x0] =	vst.idx.add.f32.msk vm4, v6;
	vm4 =	vcmask $0x2320  }
0x102: {  	vm4 =	vmand vm1, vm4  }
0x103: {  	[tilespmem:v7+s14+$0x0] =	vst.idx.add.f32.msk vm5, v6;
	vm5 =	vcmask $0x2724  }
0x104: {  	vm5 =	vmand vm1, vm5  }
0x105: {  	[tilespmem:v7+s14+$0x0] =	vst.idx.add.f32.msk vm6, v6;
	vm6 =	vcmask $0x2B28  }
0x106: {  	vm6 =	vmand vm1, vm6  }
0x107: {  	[tilespmem:v7+s14+$0x0] =	vst.idx.add.f32.msk vm7, v6;
	vm7 =	vmand vm1, vm0  }
0x108: {  	[tilespmem:v7+s14+$0x0] =	vst.idx.add.f32.msk vm2, v6;
	vm2 =	vmand vm1, vm13  }
0x109: {  	[tilespmem:v7+s14+$0x0] =	vst.idx.add.f32.msk vm3, v6;
	vm3 =	vmand vm1, vm14  }
0x10a: {  	[tilespmem:v7+s14+$0x0] =	vst.idx.add.f32.msk vm4, v6;
	vm4 =	vmand vm1, vm15  }
0x10b: {  	vm1 =	vmand vm1, vm12;
	[tilespmem:v7+s14+$0x0] =	vst.idx.add.f32.msk vm5, v6  }
.Ltmp11:
0x10c: {  	[tilespmem:v7+s14+$0x0] =	vst.idx.add.f32.msk vm6, v6;
	(pc) =	sbr.rel @p1 .LBB2_15-.Ltmp11, $4  }
0x10d: {  	[tilespmem:v7+s14+$0x0] =	vst.idx.add.f32.msk vm7, v6  }
0x10e: {  	[tilespmem:v7+s14+$0x0] =	vst.idx.add.f32.msk vm2, v6  }
0x10f: {  	[tilespmem:v7+s14+$0x0] =	vst.idx.add.f32.msk vm3, v6  }
0x110: {  	[tilespmem:v7+s14+$0x0] =	vst.idx.add.f32.msk vm4, v6  }
.LBB2_16:
0x111: {  	_ =	sdelay $0x2  }
0x112: {  	vm4 =	vcmask $0x704  }
0x113: {  	vm5 =	vmmov vm9;
	vm6 =	vmmov vm10;
	vm7 =	vmmov vm11  }
0x114: {  	[tilespmem:v7+s14+$0x0] =	vst.idx.add.f32.msk vm1, v6;
	vm9 =	vcmask $0x1F1C;
	vm11 =	vcmask $0x2724;
	vm10 =	vmmov vm0  }
.LBB2_17:
0x115: {  	s18 =	simm.s32 $0x0  }
0x116: {  	[hbm4b:s6+s18] =	stream.linear.scatter [tilespmem:s14], [sflag:$0x1], $0x10000, $0x38;
	[tilespmem:$0x1B180] =	vst v63  }
0x117: {  	_ =	swait.ge [sflag:s10], $0x10000  }
0x118: {  	[sflag:s10] =	ssyncset.done $0x0  }
0x119: {  	s19 =	simm.s32 $0x0;
	[sflag:s10] =	ssyncadd.s32 $0xFFFF0000  }
.LBB2_18:
0x11a: {  	s20 =	sshll.u32 s19, $0xB;
	s21 =	sshll.u32 s19, $0x7  }
0x11b: {  	s20 =	sand.u32 $0xC000, s20;
	s21 =	sand.u32 $0x380, s21  }
0x11c: {  	s20 =	sor.u32 s21, s20  }
0x11d: {  	s31 =	sand.u32 $0x3C00, s18;
	s20 =	sadd.s32 $0x9180, s20  }
0x11e: {  	s22 =	sand.u32 $0x70, s18;
	s23 =	sadd.s32 s31, s20  }
0x11f: {  	s21 =	simm.s32 $0x10;
	s23 =	sadd.s32 s22, s23;
	s22 =	simm.s32 $0x0  }
.LBB2_19:
0x120: {  	p1 =	sne.s32 s21, $0x7F0  }
0x121: {  	[tilespmem:s23+$0x0] =	vst v3;
	s22 =	sadd.s32 $0x80, s22;
	s23 =	smov.u32 s21;
	s21 =	sadd.s32 $0x10, s21  }
.Ltmp12:
0x122: {  	(pc) =	sbr.rel @p1 .LBB2_19-.Ltmp12, $4  }
0x123: {  	_ = 	snop  }
0x124: {  	s24 =	sand.u32 $0x3C00, s22  }
0x125: {  	s23 =	sand.u32 $0x70, s23;
	s24 =	sadd.s32 s24, s20  }
0x126: {  	s23 =	sadd.s32 s23, s24  }
0x127: {  	s19 =	sadd.s32 $0x1, s19  }
0x128: {  	p1 =	seq.s32 s19, $0x20  }
.Ltmp13:
0x129: {  	_ = 	snop;
	(pc) =	sbr.rel @!p1 .LBB2_18-.Ltmp13, $2  }
0x12a: {  	_ =	sdelay $0x2  }
0x12b: {  	[tilespmem:s23+$0x0] =	vst v3  }
.Ltmp14:
0x12c: {  	(pc) =	sbr.rel @p0 .LBB2_25-.Ltmp14, $1  }
0x12d: {  	_ =	sdelay $0x3  }
0x12e: {  	s18 =	simm.s32 $0x6080  }
0x12f: {  	v7 =	vld [tilespmem:s18+$0x0];
	_ =	sdelay $0x1  }
0x130: {  	s19 =	simm.s32 $0x4800  }
0x131: {  	v8 =	vld [tilespmem:s19+$0x0];
	_ =	sdelay $0x1  }
0x132: {  	v9 =	vsub.s32 v7, v2  }
0x133: {  	v10 =	vmov s16;
	vm1 =	vgt.s32 v9, $0x0  }
0x134: {  	vm2 =	vgt.s32 v10, v5;
	v9 =	vnsel vm1, $0x0, v9  }
0x135: {  	vm3 =	vge.s32 v7, v2;
	v63 =	vshll.u32 v8, $0x3;
	v9 =	vmin.u32 v9, $0x1F  }
0x136: {  	vm1 =	vmand vm2, vm3;
	vm2 =	vlt.s32 v7, v1;
	v7 =	vshll.u32 v9, $0xB  }
0x137: {  	v10 =	vand.u32 $0xFFFFFC00, v63;
	v9 =	vshll.u32 v9, $0x7;
	v7 =	vand.u32 $0xC000, v7  }
0x138: {  	vm1 =	vmand vm2, vm1;
	v9 =	vand.u32 $0x380, v9;
	v7 =	vadd.s32 v10, v7  }
0x139: {  	v8 =	vand.u32 $0x7F, v8;
	vm2 =	vmand vm1, vm8;
	v7 =	vor.u32 v9, v7  }
0x13a: {  	vm3 =	vmand vm1, vm4;
	v7 =	vor.u32 v8, v7  }
0x13b: {  	vm4 =	vmand vm1, vm5  }
0x13c: {  	vm9 =	vmmov vm5;
	vm5 =	vmand vm1, vm6  }
0x13d: {  	vm10 =	vmmov vm6;
	vm12 =	vcmask $0x1714;
	vm6 =	vmand vm1, vm7  }
0x13e: {  	vm11 =	vmmov vm7;
	vm13 =	vcmask $0x1B18;
	vm7 =	vmand vm1, vm12  }
0x13f: {  	vm14 =	vcmask $0x1F1C;
	[tilespmem:v7+s14+$0x0] =	vst.idx.add.f32.msk vm2, v6;
	vm2 =	vmand vm1, vm13  }
0x140: {  	vm15 =	vcmask $0x2320;
	[tilespmem:v7+s14+$0x0] =	vst.idx.add.f32.msk vm3, v6;
	vm3 =	vmand vm1, vm14  }
0x141: {  	vm12 =	vcmask $0x2724;
	[tilespmem:v7+s14+$0x0] =	vst.idx.add.f32.msk vm4, v6;
	vm4 =	vmand vm1, vm15  }
0x142: {  	vm0 =	vcmask $0x2B28;
	[tilespmem:v7+s14+$0x0] =	vst.idx.add.f32.msk vm5, v6;
	vm5 =	vmand vm1, vm12  }
0x143: {  	[tilespmem:v7+s14+$0x0] =	vst.idx.add.f32.msk vm6, v6;
	vm6 =	vmand vm1, vm0;
	vm0 =	vcmask $0x2F2C  }
0x144: {  	vm13 =	vcmask $0x3330;
	[tilespmem:v7+s14+$0x0] =	vst.idx.add.f32.msk vm7, v6;
	vm7 =	vmand vm1, vm0  }
0x145: {  	vm14 =	vcmask $0x3734;
	[tilespmem:v7+s14+$0x0] =	vst.idx.add.f32.msk vm2, v6;
	vm2 =	vmand vm1, vm13  }
0x146: {  	vm15 =	vcmask $0x3B38;
	[tilespmem:v7+s14+$0x0] =	vst.idx.add.f32.msk vm3, v6;
	vm3 =	vmand vm1, vm14  }
0x147: {  	vm12 =	vcmask $0x3F3C;
	[tilespmem:v7+s14+$0x0] =	vst.idx.add.f32.msk vm4, v6;
	vm4 =	vmand vm1, vm15  }
0x148: {  	p0 =	sne.s32 s17, $0x1;
	vm1 =	vmand vm1, vm12;
	[tilespmem:v7+s14+$0x0] =	vst.idx.add.f32.msk vm5, v6  }
.Ltmp15:
0x149: {  	[tilespmem:v7+s14+$0x0] =	vst.idx.add.f32.msk vm6, v6;
	(pc) =	sbr.rel @!p0 .LBB2_24-.Ltmp15, $4  }
0x14a: {  	[tilespmem:v7+s14+$0x0] =	vst.idx.add.f32.msk vm7, v6  }
0x14b: {  	[tilespmem:v7+s14+$0x0] =	vst.idx.add.f32.msk vm2, v6  }
0x14c: {  	[tilespmem:v7+s14+$0x0] =	vst.idx.add.f32.msk vm3, v6  }
0x14d: {  	s17 =	sadd.s32 $0xFFFFFFFF, s17;
	[tilespmem:v7+s14+$0x0] =	vst.idx.add.f32.msk vm4, v6  }
.LBB2_23:
0x14e: {  	[tilespmem:v7+s14+$0x0] =	vst.idx.add.f32.msk vm1, v6;
	s18 =	sadd.s32 $0x10, s18;
	s19 =	sadd.s32 $0x10, s19;
	s16 =	sadd.s32 $0xFFFFFFF0, s16  }
0x14f: {  	p0 =	sne.s32 s17, $0x1;
	s17 =	sadd.s32 $0xFFFFFFFF, s17;
	v7 =	vld [tilespmem:s18+$0x0];
	_ =	sdelay $0x3  }
0x150: {  	v8 =	vmov s16;
	v9 =	vld [tilespmem:s19+$0x0]  }
0x151: {  	vm1 =	vgt.s32 v8, v5;
	vm2 =	vge.s32 v7, v2;
	v8 =	vsub.s32 v7, v2  }
0x152: {  	vm1 =	vmand vm1, vm2;
	vm2 =	vlt.s32 v7, v1;
	vm3 =	vgt.s32 v8, $0x0  }
0x153: {  	vm1 =	vmand vm2, vm1;
	v7 =	vnsel vm3, $0x0, v8  }
0x154: {  	v7 =	vmin.u32 v7, $0x1F  }
0x155: {  	v8 =	vshll.u32 v7, $0xB;
	v10 =	vshll.u32 v9, $0x3;
	v7 =	vshll.u32 v7, $0x7  }
0x156: {  	v8 =	vand.u32 $0xC000, v8;
	v10 =	vand.u32 $0xFFFFFC00, v10  }
0x157: {  	vm3 =	vcmask $0x704;
	v7 =	vand.u32 $0x380, v7;
	v8 =	vadd.s32 v10, v8  }
0x158: {  	vm2 =	vmand vm1, vm8;
	v9 =	vand.u32 $0x7F, v9;
	v7 =	vor.u32 v7, v8  }
0x159: {  	vm3 =	vmand vm1, vm3;
	v7 =	vor.u32 v9, v7  }
0x15a: {  	vm4 =	vmand vm1, vm9  }
0x15b: {  	vm5 =	vmand vm1, vm10  }
0x15c: {  	vm7 =	vcmask $0x1714;
	vm6 =	vmand vm1, vm11  }
0x15d: {  	vm7 =	vmand vm1, vm7  }
0x15e: {  	[tilespmem:v7+s14+$0x0] =	vst.idx.add.f32.msk vm2, v6;
	vm2 =	vcmask $0x1B18  }
0x15f: {  	vm2 =	vmand vm1, vm2  }
0x160: {  	[tilespmem:v7+s14+$0x0] =	vst.idx.add.f32.msk vm3, v6;
	vm3 =	vcmask $0x1F1C  }
0x161: {  	vm3 =	vmand vm1, vm3  }
0x162: {  	[tilespmem:v7+s14+$0x0] =	vst.idx.add.f32.msk vm4, v6;
	vm4 =	vcmask $0x2320  }
0x163: {  	vm4 =	vmand vm1, vm4  }
0x164: {  	[tilespmem:v7+s14+$0x0] =	vst.idx.add.f32.msk vm5, v6;
	vm5 =	vcmask $0x2724  }
0x165: {  	vm5 =	vmand vm1, vm5  }
0x166: {  	[tilespmem:v7+s14+$0x0] =	vst.idx.add.f32.msk vm6, v6;
	vm6 =	vcmask $0x2B28  }
0x167: {  	vm6 =	vmand vm1, vm6  }
0x168: {  	[tilespmem:v7+s14+$0x0] =	vst.idx.add.f32.msk vm7, v6;
	vm7 =	vmand vm1, vm0  }
0x169: {  	[tilespmem:v7+s14+$0x0] =	vst.idx.add.f32.msk vm2, v6;
	vm2 =	vmand vm1, vm13  }
0x16a: {  	[tilespmem:v7+s14+$0x0] =	vst.idx.add.f32.msk vm3, v6;
	vm3 =	vmand vm1, vm14  }
0x16b: {  	[tilespmem:v7+s14+$0x0] =	vst.idx.add.f32.msk vm4, v6;
	vm4 =	vmand vm1, vm15  }
0x16c: {  	vm1 =	vmand vm1, vm12;
	[tilespmem:v7+s14+$0x0] =	vst.idx.add.f32.msk vm5, v6  }
.Ltmp16:
0x16d: {  	[tilespmem:v7+s14+$0x0] =	vst.idx.add.f32.msk vm6, v6;
	(pc) =	sbr.rel @p0 .LBB2_23-.Ltmp16, $4  }
0x16e: {  	[tilespmem:v7+s14+$0x0] =	vst.idx.add.f32.msk vm7, v6  }
0x16f: {  	[tilespmem:v7+s14+$0x0] =	vst.idx.add.f32.msk vm2, v6  }
0x170: {  	[tilespmem:v7+s14+$0x0] =	vst.idx.add.f32.msk vm3, v6  }
0x171: {  	[tilespmem:v7+s14+$0x0] =	vst.idx.add.f32.msk vm4, v6  }
.Ltmp17:
0x172: {  	_ = 	snop;
	(pc) =	sbr.rel .LBB2_24-.Ltmp17, $1  }
0x173: {  	_ =	sdelay $0x3  }
.LBB2_26:
0x174: {  	_ =	sfence.sel $0x180000  }
0x175: {  	[bflag:$0x0] =	sbarrier.arrive $0xFFFF  }
0x176: {  	p0 =	sne.s32 s0, $0x0;
	_ =	strace $0x90000047  }
0x177: {  	s0 =	sadd.s32 @!p0 $0x100000, s4;
	[bflag:$0x2] =	sbarrier.arrive $0xFFFF  }
0x178: {  	[sflag:s0] =	ssyncadd.tile.s32 @!p0 $0x1;
	_ =	shalt  }
.Lfunc_end2:
_tile_overlayer_lowered:
.L_overlay_start_2:
0x179: {  	(tag) =	ssettag $0x2  }
0x17a: {  	s0 =	rddreg [dreg:$0x0];
	s2 =	stileid.u32  }
0x17b: {  	s1 =	rddreg [dreg:$0x1];
	p0 =	sne.s32 s2, $0x0  }
0x17c: {  	s3 =	rddreg [dreg:$0x2];
	[bflag:$0x3] =	sbarrier.arrive $0xFFFF;
	s2 =	simm.s32 @!p0 $0x1C01  }
0x17d: {  	[timem:s3], [sflag:s2] =	dma.local @!p0 [hbm:s0], s1  }
0x17e: {  	s0 =	simm.s32 @!p0 $0x1  }
0x17f: {  	_ =	swait.ge @!p0 [sflag:s0], s1  }
0x180: {  	s1 =	ssub.s32 @!p0 $0x0, s1;
	[sflag:s0] =	ssyncset.done @!p0 $0x0  }
0x181: {  	[sflag:s0] =	ssyncadd.s32 @!p0 s1  }
0x182: {  	[bflag:$0x3] =	sbarrier.arrive $0xFFFF  }
0x183: {  	_ =	shalt  }

// kernel: kernel.17.cloned.1.call-start
scs
__scs_entry_jumppad:
0x0: {  	(pc) =	sbr.rel $0x88, $3  }
0x1: {  	(tag) =	ssettag $0x0;
	lr =	simm.s32 $0x1  }
0x2: {  	[smem:$0x3F84] =	sst lr;
	_ =	strace $0xD0000000  }
0x3: {  	_ = 	snop  }
0x4: {  	_ = 	snop  }
0x5: {  	_ = 	snop  }
0x6: {  	_ = 	snop  }
0x7: {  	_ = 	snop  }
__scs_overlays_trampoline_lowered:
0x8: {  	[smem:$0x3F93] =	sst s0  }
0x9: {  	[smem:$0x3F94] =	sst s1  }
0xa: {  	[smem:$0x3F95] =	sst s2  }
0xb: {  	[smem:$0x3F96] =	sst s3  }
0xc: {  	[smem:$0x3F97] =	sst s4  }
0xd: {  	[smem:$0x3F98] =	sst s5  }
0xe: {  	[smem:$0x3F99] =	sst s6  }
0xf: {  	[smem:$0x3F9A] =	sst s7  }
0x10: {  	[smem:$0x3F9B] =	sst s8  }
0x11: {  	[smem:$0x3F9C] =	sst s9;
	s0 =	simm.s32 @!p0 $0x0  }
0x12: {  	s1 =	sld [smem:$0x3F82];
	s0 =	simm.s32 @p0 $0x1  }
0x13: {  	[smem:$0x3F9D] =	sst s0;
	s0 =	simm.s32 @!p1 $0x0  }
0x14: {  	s2 =	sld [smem:$0x3F81];
	s0 =	simm.s32 @p1 $0x1  }
0x15: {  	[smem:$0x3F9E] =	sst s0;
	s0 =	simm.s32 @!p2 $0x0  }
0x16: {  	s3 =	sld [smem:$0x3FDB];
	s0 =	simm.s32 @p2 $0x1  }
0x17: {  	s4 =	simm.s32 $0x1BF5;
	[smem:$0x3FA0] =	sst s0  }
0x18: {  	s0 =	sld [smem:$0x3F83];
	_ =	swait.ge [sflag:s4], $0x0  }
0x19: {  	s7 =	sld [smem:$0x3F84]  }
0x1a: {  	s8 =	sadd.s32 $0xFFFFE003, lr  }
0x1b: {  	s9 =	sadd.s32 $0xFFFFFEF7, lr;
	s5 =	simm.s32 $0xFFFFFFFF;
	p2 =	slt.u32 s8, $0xFFFFF086  }
0x1c: {  	p1 =	slt.u32 s9, $0xF7A;
	s5 =	simm.s32 @!p2 $0x0  }
0x1d: {  	s5 =	simm.s32 @p1 $0x1;
	p0 =	seq.s32 s7, s2  }
0x1e: {  	s7 =	smul.u32 @!p0 $0xF7A, s2;
	p2 =	seq.s32 @!p0 s5, $0x0  }
0x1f: {  	s9 =	smul.u32 $0xF7A, s1;
	s8 =	simm.s32 @!p0 $0x1BF5;
	p2 =	por !p2, p0  }
0x20: {  	[sflag:s8] =	ssyncset.s32 @!p0 $0xFFFFF086;
	s6 =	sadd.s32 @!p0 s3, s7;
	s7 =	simm.s32 @!p0 $0x108  }
0x21: {  	s3 =	sadd.s32 s3, s9;
	s6 =	sadd.s32 @!p0 $0x88, s6;
	s7 =	simm.s32 @p2 $0x1082  }
0x22: {  	[simem:s7], [sflag:s8] =	dma.local @!p0 [hbm:s6], $0xF7A  }
0x23: {  	s9 =	sor.u32 $0xD0000000, s2;
	s6 =	simm.s32 $0x108;
	_ =	swait.ge @!p0 [sflag:s8], $0x0  }
0x24: {  	s3 =	sadd.s32 $0x88, s3;
	s6 =	simm.s32 @!p1 $0x1082;
	[sflag:s4] =	ssyncset.s32 $0xFFFFF086  }
0x25: {  	[simem:s6], [sflag:s4] =	dma.local [hbm:s3], $0xF7A  }
0x26: {  	[smem:$0x3F84] =	sst s1;
	(tag) =	ssettag s2;
	_ =	strace s9  }
0x27: {  	s1 =	sld [smem:$0x3F94]  }
0x28: {  	s2 =	sld [smem:$0x3F95]  }
0x29: {  	s4 =	sld [smem:$0x3F97]  }
0x2a: {  	p0 =	seq.s32 s5, $0x0;
	s5 =	sld [smem:$0x3F98]  }
0x2b: {  	s6 =	sld [smem:$0x3F99]  }
0x2c: {  	s7 =	sld [smem:$0x3F9A]  }
0x2d: {  	s3 =	simm.s32 $0x108;
	s8 =	sld [smem:$0x3F9B]  }
0x2e: {  	s3 =	simm.s32 @!p0 $0x1082;
	s9 =	sld [smem:$0x3F9C]  }
0x2f: {  	lr =	sadd.s32 s0, s3;
	s0 =	sld [smem:$0x3F93]  }
0x30: {  	s3 =	sld [smem:$0x3F96]  }
0x31: {  	[smem:$0x3F9F] =	sst s10  }
0x32: {  	s10 =	sld [smem:$0x3F9D];
	_ =	sdelay $0x3  }
0x33: {  	p0 =	seq.s32 s10, $0x1;
	s10 =	sld [smem:$0x3F9F];
	_ =	sdelay $0x3  }
0x34: {  	[smem:$0x3F9F] =	sst s10  }
0x35: {  	s10 =	sld [smem:$0x3F9E];
	_ =	sdelay $0x3  }
0x36: {  	p1 =	seq.s32 s10, $0x1;
	s10 =	sld [smem:$0x3F9F];
	_ =	sdelay $0x3  }
0x37: {  	[smem:$0x3F9F] =	sst s10  }
0x38: {  	s10 =	sld [smem:$0x3FA0]  }
0x39: {  	_ = 	snop;
	(pc) =	sbr.ind lr, $3  }
0x3a: {  	_ = 	snop  }
0x3b: {  	_ = 	snop  }
0x3c: {  	p2 =	seq.s32 s10, $0x1;
	s10 =	sld [smem:$0x3F9F]  }
0x3d: {  	_ =	shalt  }
0x3e: {  	_ =	shalt  }
0x3f: {  	_ =	shalt  }
0x40: {  	_ =	shalt  }
0x41: {  	_ =	shalt  }
0x42: {  	_ =	shalt  }
0x43: {  	_ =	shalt  }
0x44: {  	_ =	shalt  }
0x45: {  	_ =	shalt  }
0x46: {  	_ =	shalt  }
0x47: {  	_ =	shalt  }
0x48: {  	_ =	shalt  }
0x49: {  	_ =	shalt  }
0x4a: {  	_ =	shalt  }
0x4b: {  	_ =	shalt  }
0x4c: {  	_ =	shalt  }
0x4d: {  	_ =	shalt  }
0x4e: {  	_ =	shalt  }
0x4f: {  	_ =	shalt  }
0x50: {  	_ =	shalt  }
0x51: {  	_ =	shalt  }
0x52: {  	_ =	shalt  }
0x53: {  	_ =	shalt  }
0x54: {  	_ =	shalt  }
0x55: {  	_ =	shalt  }
0x56: {  	_ =	shalt  }
0x57: {  	_ =	shalt  }
0x58: {  	_ =	shalt  }
0x59: {  	_ =	shalt  }
0x5a: {  	_ =	shalt  }
0x5b: {  	_ =	shalt  }
0x5c: {  	_ =	shalt  }
0x5d: {  	_ =	shalt  }
0x5e: {  	_ =	shalt  }
0x5f: {  	_ =	shalt  }
0x60: {  	_ =	shalt  }
0x61: {  	_ =	shalt  }
0x62: {  	_ =	shalt  }
0x63: {  	_ =	shalt  }
0x64: {  	_ =	shalt  }
0x65: {  	_ =	shalt  }
0x66: {  	_ =	shalt  }
0x67: {  	_ =	shalt  }
0x68: {  	_ =	shalt  }
0x69: {  	_ =	shalt  }
0x6a: {  	_ =	shalt  }
0x6b: {  	_ =	shalt  }
0x6c: {  	_ =	shalt  }
0x6d: {  	_ =	shalt  }
0x6e: {  	_ =	shalt  }
0x6f: {  	_ =	shalt  }
0x70: {  	_ =	shalt  }
0x71: {  	_ =	shalt  }
0x72: {  	_ =	shalt  }
0x73: {  	_ =	shalt  }
0x74: {  	_ =	shalt  }
0x75: {  	_ =	shalt  }
0x76: {  	_ =	shalt  }
0x77: {  	_ =	shalt  }
0x78: {  	_ =	shalt  }
0x79: {  	_ =	shalt  }
0x7a: {  	_ =	shalt  }
0x7b: {  	_ =	shalt  }
0x7c: {  	_ =	shalt  }
0x7d: {  	_ =	shalt  }
0x7e: {  	_ =	shalt  }
0x7f: {  	_ =	shalt  }
0x80: {  	_ =	shalt  }
0x81: {  	_ =	shalt  }
0x82: {  	_ =	shalt  }
0x83: {  	_ =	shalt  }
0x84: {  	_ =	shalt  }
0x85: {  	_ =	shalt  }
0x86: {  	_ =	shalt  }
0x87: {  	_ =	shalt  }
.Lfunc_end0:
.L_simem_size_0:
called_computation.1_lowered:
.L_overlay_start_0:
0x88: {  	s2 =	sld [smem:$0x3FD9]  }
0x89: {  	s3 =	sld [smem:$0x3FFE];
	_ =	sdelay $0x1  }
0x8a: {  	s1 =	srdreg.scid  }
0x8b: {  	s0 =	sand.u32 $0x1, s1  }
0x8c: {  	s16 =	sshll.u32 s0, $0xA;
	s2 =	sadd.s32 s3, s2  }
0x8d: {  	s2 =	sadd.s32 s2, s16  }
0x8e: {  	[smem:$0x3FAB] =	sst s2  }
0x8f: {  	_ = 	snop  }
0x90: {  	s4 =	sld [smem:$0x3FD0];
	_ =	sdelay $0x1  }
0x91: {  	s2 =	sld [smem:$0x3FC7]  }
0x92: {  	s5 =	simm.s32 $0xB;
	s6 =	simm.s32 $0x10;
	s17 =	sld [smem:$0x3FBF]  }
0x93: {  	[smem:s6], [sflag:s5] =	dma.local [hbm:s4], $0x1  }
0x94: {  	_ =	swait.eq [sflag:s5], $0x1  }
0x95: {  	[sflag:s5] =	ssyncset.done $0x0  }
0x96: {  	[sflag:s5] =	ssyncadd.s32 $0xFFFFFFFF  }
0x97: {  	s18 =	sld [smem:$0x10];
	(tm) =	ssettm $0x1  }
0x98: {  	s19 =	sld [smem:$0x3FFB];
	_ =	sdelay $0x3  }
0x99: {  	_ =	strace s19  }
0x9a: {  	s4 =	sld [smem:$0x3FFC];
	_ =	sdelay $0x3  }
0x9b: {  	_ =	strace s4  }
0x9c: {  	s4 =	sld [smem:$0x3FFD];
	_ =	sdelay $0x3  }
0x9d: {  	_ =	strace s4  }
0x9e: {  	_ =	strace $0x8FFFFFFF  }
0x9f: {  	s20 =	sld [smem:$0x3FDB];
	_ =	sdelay $0x1  }
0xa0: {  	s21 =	simm.s32 $_scs_section_size  }
0xa1: {  	s7 =	simm.s32 $_size__tile_overlayer_lowered;
	s8 =	simm.s32 $_tile_overlayer_lowered  }
0xa2: {  	s9 =	simm.s32 $0x1BFF;
	s22 =	sshll.u32 s8, $0x1;
	s6 =	sadd.s32 s21, s20  }
0xa3: {  	s23 =	simm.s32 $0x0;
	s7 =	sshll.u32 s7, $0x1;
	s8 =	sadd.s32 s22, s6  }
0xa4: {  	[timem:s23], [sflag:s9] =	dma.local [hbm:s8], s7  }
0xa5: {  	_ =	swait.ge [sflag:s9], s7  }
0xa6: {  	s7 =	ssub.s32 $0x0, s7;
	[sflag:s9] =	ssyncset.done $0x0  }
0xa7: {  	[sflag:s9] =	ssyncadd.s32 s7;
	_ =	sdelay $0x1  }
0xa8: {  	s24 =	simm.s32 $0x1B8B  }
0xa9: {  	_ =	swait.ge [sflag:s24], $0x1  }
0xaa: {  	[sflag:s24] =	ssyncset.done $0x0  }
0xab: {  	[sflag:s24] =	ssyncadd.s32 $0xFFFFFFFF  }
0xac: {  	s7 =	sld [smem:$0x0]  }
0xad: {  	s8 =	sand.u32 $0xFFFFFFFE, s1  }
0xae: {  	p0 =	sne.s32 s1, s8  }
0xaf: {  	s8 =	sshll.u32 @p0 s8, $0xE  }
0xb0: {  	s8 =	sadd.s32 @p0 $0x11B8D, s8;
	s9 =	sshll.u32 @p0 s7, $0x11  }
0xb1: {  	s8 =	sor.u32 @p0 s9, s8  }
0xb2: {  	[sflag:s8] =	ssyncadd.remote.s32 @p0 $0x1;
	_ =	sdelay $0x1  }
0xb3: {  	s8 =	simm.s32 @p0 $0x1B8D  }
0xb4: {  	_ =	swait.eq @p0 [sflag:s8], $0x1  }
0xb5: {  	[sflag:s8] =	ssyncadd.s32 @p0 $0xFFFFFFFF  }
0xb6: {  	s9 =	sshll.u32 @!p0 s1, $0xE  }
0xb7: {  	s9 =	sor.u32 @!p0 $0x4000, s9;
	s8 =	simm.s32 @!p0 $0x1B8D  }
0xb8: {  	s7 =	sshll.u32 @!p0 s7, $0x11;
	s9 =	sadd.s32 @!p0 $0x11B8D, s9;
	_ =	swait.eq @!p0 [sflag:s8], $0x1  }
0xb9: {  	s7 =	sor.u32 @!p0 s7, s9;
	[sflag:s8] =	ssyncadd.s32 @!p0 $0xFFFFFFFF  }
0xba: {  	s25 =	simm.s32 $0x1B8E;
	[sflag:s7] =	ssyncadd.remote.s32 @!p0 $0x1  }
0xbb: {  	s26 =	simm.s32 $execute0_lowered;
	[smem:$0x3FD2] =	sst s25  }
0xbc: {  	s7 =	sshll.u32 s26, $0x1;
	_ =	strace $0x80000049;
	[dreg:$0x1] =	wrdreg $0xFFFFFFFF  }
0xbd: {  	s28 =	simm.s32 $_size_execute0_lowered;
	s6 =	sadd.s32 s6, s7;
	[dreg:$0x0] =	wrdreg $0x0  }
0xbe: {  	s7 =	sshll.u32 s28, $0x1;
	[dreg:$0x2] =	wrdreg s6  }
0xbf: {  	[dreg:$0x3] =	wrdreg s7  }
0xc0: {  	[dreg:$0x4] =	wrdreg $0xC0  }
0xc1: {  	_ =	task [dreg:s23], $0x5FFFF  }
0xc2: {  	[dreg:$0x1] =	wrdreg $0xFFFFFFFF  }
0xc3: {  	[dreg:$0x0] =	wrdreg $0x60  }
0xc4: {  	[dreg:$0x2] =	wrdreg s17  }
0xc5: {  	[dreg:$0x3] =	wrdreg s2  }
0xc6: {  	[dreg:$0x4] =	wrdreg s18  }
0xc7: {  	[dreg:$0x5] =	wrdreg $0xA  }
0xc8: {  	_ =	task.clear_ibuf [dreg:s23], $0x6FFFF;
	_ =	strace $0x90000049  }
0xc9: {  	s29 =	simm.s32 $0xA;
	_ =	strace $0x8000004B  }
0xca: {  	_ =	swait.ge [sflag:s29], $0x1  }
0xcb: {  	[sflag:s29] =	ssyncadd.s32 $0xFFFFFFFF  }
0xcc: {  	_ =	strace $0x9000004B  }
0xcd: {  	_ =	sfence  }
0xce: {  	s30 =	sld [smem:$0x0];
	_ =	sdelay $0x2  }
0xcf: {  	s31 =	sshll.u32 s1, $0xD;
	s1 =	sshrl.u32 s1, $0x2  }
0xd0: {  	s3 =	sand.u32 $0x4000, s31;
	s1 =	sadd.s32 s1, s30  }
0xd1: {  	s0 =	sor.u32 s3, s0;
	s1 =	sshll.u32 s1, $0x11  }
0xd2: {  	s0 =	sor.u32 s1, s0  }
0xd3: {  	s0 =	sadd.s32 $0x8F2B, s0  }
0xd4: {  	[sflag:s0] =	ssyncadd.remote.s32 $0x1  }
0xd5: {  	_ =	sfence.sel $0xFFFF  }
0xd6: {  	[dreg:$0x0] =	wrdreg $0xFFFFFFFF;
	(pc) =	sbr.abs _section_cstart, $3  }
0xd7: {  	[dreg:$0x1] =	wrdreg $0xFFFFFFFF  }
0xd8: {  	_ =	task.clear_ibuf [dreg:s23], $0x2FFFF;
	_ =	strace $0x9FFFFFFF  }
0xd9: {  	(tm) =	ssettm $0x7FFFFFFF  }
tec
execute0_lowered:
.L_overlay_start_1:
0x0: {  	(tag) =	ssettag $0x1  }
0x1: {  	s1 =	rddreg [dreg:$0x0]  }
0x2: {  	s4 =	rddreg [dreg:$0x1]  }
0x3: {  	s5 =	rddreg [dreg:$0x2];
	s3 =	srdreg.scid  }
0x4: {  	s0 =	rddreg [dreg:$0x3];
	s2 =	stileid.u32;
	s10 =	simm.s32 $0x1080  }
0x5: {  	s11 =	simm.s32 $0x1880;
	s12 =	simm.s32 $0x2080;
	s13 =	simm.s32 $0x2880  }
0x6: {  	s14 =	simm.s32 $0x3080;
	s15 =	simm.s32 $0x3880;
	s16 =	simm.s32 $0x1  }
0x7: {  	s6 =	sand.u32 $0x1, s3;
	s3 =	simm.s32 $0x0;
	s7 =	sshll.u32 s2, $0x7  }
0x8: {  	s8 =	sshll.u32 s6, $0x6;
	[smem:$0x7FF] =	sst s3;
	s6 =	ssub.s32 $0x2, s6  }
0x9: {  	s7 =	sor.u32 s8, s7;
	_ =	strace $0x8000004A;
	s31 =	sshrl.u32 s6, $0x1  }
0xa: {  	v2 =	vlaneseq.u32;
	s8 =	simm.s32 $0x80;
	s9 =	sshrl.u32 s7, $0x3;
	s7 =	sshll.u32 s7, $0x5  }
0xb: {  	vm0 =	vmmov $0xffff;
	v1 =	vshrl.u32 v2, $0x3;
	s6 =	ssub.s32 s6, s31;
	s4 =	sadd.s32 s4, s9;
	s5 =	sadd.s32 s5, s7  }
0xc: {  	v0 =	vand.u32 $0x7, v2;
	v2 =	vor.u32 $0x8, v2;
	v1 =	vmul.u32 $0x8, v1;
	s6 =	smax.u32 s6, $0x1;
	s7 =	simm.s32 $0x2;
	s9 =	simm.s32 $0x880  }
.LBB2_1:
0xd: {  	[tilespmem:s3], [sflag:$0x2] =	stream.linear.gather [hbm4b:s4+s3], $0x40, $0x38;
	[tilespmem:$0x4080] =	vst v63  }
0xe: {  	_ =	swait.ge [sflag:s7], $0x40  }
0xf: {  	[sflag:s7] =	ssyncset.done $0x0  }
0x10: {  	[sflag:s7] =	ssyncadd.s32 $0xFFFFFFC0  }
0x11: {  	v3 =	vld [tilespmem:$0x0];
	_ =	sdelay $0x4  }
0x12: {  	v4 =	vshll.u32 v3, $0x1  }
0x13: {  	v3 =	vand.u32 $0x7, v3;
	v4 =	vand.u32 $0xFFFFFFF0, v4  }
0x14: {  	v3 =	vor.u32 v3, v4  }
0x15: {  	v4 =	vperm.xlane v3, v0;
	_ =	sdelay $0x1  }
0x16: {  	v3 =	vperm.xlane v3, v2;
	v4 =	vadd.s32 v1, v4;
	_ =	sdelay $0x1  }
0x17: {  	v3 =	vadd.s32 v1, v3;
	_ =	sdelay $0x2  }
0x18: {  	[tilespmem:s8], [sflag:$0x1] =	stream.indirect_vreg.gather [hbm4b:s1+s3], $0x80, v4, vm0, $0xb8;
	[tilespmem:$0x4080] =	vst v63  }
0x19: {  	_ = 	snop  }
0x1a: {  	[tilespmem:s9], [sflag:$0x1] =	stream.indirect_vreg.gather [hbm4b:s1+s3], $0x80, v3, vm0, $0xb8;
	[tilespmem:$0x4080] =	vst v63  }
0x1b: {  	v3 =	vld [tilespmem:$0x10];
	_ =	sdelay $0x4  }
0x1c: {  	v61 =	vshll.u32 v3, $0x1  }
0x1d: {  	v3 =	vand.u32 $0x7, v3;
	v4 =	vand.u32 $0xFFFFFFF0, v61  }
0x1e: {  	v3 =	vor.u32 v3, v4  }
0x1f: {  	v4 =	vperm.xlane v3, v0;
	_ =	sdelay $0x1  }
0x20: {  	v3 =	vperm.xlane v3, v2;
	v4 =	vadd.s32 v1, v4;
	_ =	sdelay $0x1  }
0x21: {  	v3 =	vadd.s32 v1, v3;
	_ =	sdelay $0x2  }
0x22: {  	[tilespmem:s10], [sflag:$0x1] =	stream.indirect_vreg.gather [hbm4b:s1+s3], $0x80, v4, vm0, $0xb8;
	[tilespmem:$0x4080] =	vst v63  }
0x23: {  	_ = 	snop  }
0x24: {  	[tilespmem:s11], [sflag:$0x1] =	stream.indirect_vreg.gather [hbm4b:s1+s3], $0x80, v3, vm0, $0xb8;
	[tilespmem:$0x4080] =	vst v63  }
0x25: {  	v3 =	vld [tilespmem:$0x20];
	_ =	sdelay $0x4  }
0x26: {  	v62 =	vshll.u32 v3, $0x1  }
0x27: {  	v3 =	vand.u32 $0x7, v3;
	v4 =	vand.u32 $0xFFFFFFF0, v62  }
0x28: {  	v3 =	vor.u32 v3, v4  }
0x29: {  	v4 =	vperm.xlane v3, v0;
	_ =	sdelay $0x1  }
0x2a: {  	v3 =	vperm.xlane v3, v2;
	v4 =	vadd.s32 v1, v4;
	_ =	sdelay $0x1  }
0x2b: {  	v3 =	vadd.s32 v1, v3;
	_ =	sdelay $0x2  }
0x2c: {  	[tilespmem:s12], [sflag:$0x1] =	stream.indirect_vreg.gather [hbm4b:s1+s3], $0x80, v4, vm0, $0xb8;
	[tilespmem:$0x4080] =	vst v63  }
0x2d: {  	_ = 	snop  }
0x2e: {  	[tilespmem:s13], [sflag:$0x1] =	stream.indirect_vreg.gather [hbm4b:s1+s3], $0x80, v3, vm0, $0xb8;
	[tilespmem:$0x4080] =	vst v63  }
0x2f: {  	v3 =	vld [tilespmem:$0x30];
	_ =	sdelay $0x4  }
0x30: {  	v63 =	vshll.u32 v3, $0x1  }
0x31: {  	v3 =	vand.u32 $0x7, v3;
	v4 =	vand.u32 $0xFFFFFFF0, v63  }
0x32: {  	v3 =	vor.u32 v3, v4  }
0x33: {  	v4 =	vperm.xlane v3, v0;
	_ =	sdelay $0x1  }
0x34: {  	v3 =	vperm.xlane v3, v2;
	v4 =	vadd.s32 v1, v4;
	_ =	sdelay $0x1  }
0x35: {  	v3 =	vadd.s32 v1, v3;
	_ =	sdelay $0x2  }
0x36: {  	[tilespmem:s14], [sflag:$0x1] =	stream.indirect_vreg.gather [hbm4b:s1+s3], $0x80, v4, vm0, $0xb8;
	[tilespmem:$0x4080] =	vst v63  }
0x37: {  	_ = 	snop  }
0x38: {  	[tilespmem:s15], [sflag:$0x1] =	stream.indirect_vreg.gather [hbm4b:s1+s3], $0x80, v3, vm0, $0xb8;
	[tilespmem:$0x4080] =	vst v63  }
0x39: {  	_ =	swait.ge [sflag:s16], $0x4000  }
0x3a: {  	p0 =	sne.s32 s6, $0x1;
	[sflag:s16] =	ssyncset.done $0x0  }
.Ltmp0:
0x3b: {  	[sflag:s16] =	ssyncadd.s32 $0xFFFFC000;
	(pc) =	sbr.rel @p0 .LBB2_1-.Ltmp0, $4  }
0x3c: {  	[hbm4b:s5+s3] =	stream.linear.scatter [tilespmem:s8], [sflag:$0x2], $0x4000, $0x38;
	[tilespmem:$0x4080] =	vst v63  }
0x3d: {  	_ =	swait.ge [sflag:s7], $0x4000  }
0x3e: {  	[sflag:s7] =	ssyncset.done $0x0  }
0x3f: {  	s6 =	sadd.s32 $0xFFFFFFFF, s6;
	[sflag:s7] =	ssyncadd.s32 $0xFFFFC000  }
0x40: {  	_ =	sfence.sel $0x180000  }
0x41: {  	[bflag:$0x0] =	sbarrier.arrive $0xFFFF  }
0x42: {  	p0 =	sne.s32 s2, $0x0;
	_ =	strace $0x9000004A  }
0x43: {  	s0 =	sadd.s32 @!p0 $0x100000, s0;
	[bflag:$0x2] =	sbarrier.arrive $0xFFFF  }
0x44: {  	[sflag:s0] =	ssyncadd.tile.s32 @!p0 $0x1;
	_ =	shalt  }
.Lfunc_end2:
_tile_overlayer_lowered:
.L_overlay_start_2:
0x45: {  	(tag) =	ssettag $0x2  }
0x46: {  	s0 =	rddreg [dreg:$0x0];
	s2 =	stileid.u32  }
0x47: {  	s1 =	rddreg [dreg:$0x1];
	p0 =	sne.s32 s2, $0x0  }
0x48: {  	s3 =	rddreg [dreg:$0x2];
	[bflag:$0x3] =	sbarrier.arrive $0xFFFF;
	s2 =	simm.s32 @!p0 $0x1C02  }
0x49: {  	[timem:s3], [sflag:s2] =	dma.local @!p0 [hbm:s0], s1  }
0x4a: {  	s0 =	simm.s32 @!p0 $0x2  }
0x4b: {  	_ =	swait.ge @!p0 [sflag:s0], s1  }
0x4c: {  	s1 =	ssub.s32 @!p0 $0x0, s1;
	[sflag:s0] =	ssyncset.done @!p0 $0x0  }
0x4d: {  	[sflag:s0] =	ssyncadd.s32 @!p0 s1  }
0x4e: {  	[bflag:$0x3] =	sbarrier.arrive $0xFFFF  }
0x4f: {  	_ =	shalt  }

// kernel: kernel.20.cloned.1.call-start
scs
__scs_entry_jumppad:
0x0: {  	(pc) =	sbr.rel $0x88, $3  }
0x1: {  	(tag) =	ssettag $0x0;
	lr =	simm.s32 $0x1  }
0x2: {  	[smem:$0x3F84] =	sst lr;
	_ =	strace $0xD0000000  }
0x3: {  	_ = 	snop  }
0x4: {  	_ = 	snop  }
0x5: {  	_ = 	snop  }
0x6: {  	_ = 	snop  }
0x7: {  	_ = 	snop  }
__scs_overlays_trampoline_lowered:
0x8: {  	[smem:$0x3F93] =	sst s0  }
0x9: {  	[smem:$0x3F94] =	sst s1  }
0xa: {  	[smem:$0x3F95] =	sst s2  }
0xb: {  	[smem:$0x3F96] =	sst s3  }
0xc: {  	[smem:$0x3F97] =	sst s4  }
0xd: {  	[smem:$0x3F98] =	sst s5  }
0xe: {  	[smem:$0x3F99] =	sst s6  }
0xf: {  	[smem:$0x3F9A] =	sst s7  }
0x10: {  	[smem:$0x3F9B] =	sst s8  }
0x11: {  	[smem:$0x3F9C] =	sst s9;
	s0 =	simm.s32 @!p0 $0x0  }
0x12: {  	s1 =	sld [smem:$0x3F82];
	s0 =	simm.s32 @p0 $0x1  }
0x13: {  	[smem:$0x3F9D] =	sst s0;
	s0 =	simm.s32 @!p1 $0x0  }
0x14: {  	s2 =	sld [smem:$0x3F81];
	s0 =	simm.s32 @p1 $0x1  }
0x15: {  	[smem:$0x3F9E] =	sst s0;
	s0 =	simm.s32 @!p2 $0x0  }
0x16: {  	s3 =	sld [smem:$0x3FDB];
	s0 =	simm.s32 @p2 $0x1  }
0x17: {  	s4 =	simm.s32 $0x1BF5;
	[smem:$0x3FA0] =	sst s0  }
0x18: {  	s0 =	sld [smem:$0x3F83];
	_ =	swait.ge [sflag:s4], $0x0  }
0x19: {  	s7 =	sld [smem:$0x3F84]  }
0x1a: {  	s8 =	sadd.s32 $0xFFFFE003, lr  }
0x1b: {  	s9 =	sadd.s32 $0xFFFFFEF7, lr;
	s5 =	simm.s32 $0xFFFFFFFF;
	p2 =	slt.u32 s8, $0xFFFFF086  }
0x1c: {  	p1 =	slt.u32 s9, $0xF7A;
	s5 =	simm.s32 @!p2 $0x0  }
0x1d: {  	s5 =	simm.s32 @p1 $0x1;
	p0 =	seq.s32 s7, s2  }
0x1e: {  	s7 =	smul.u32 @!p0 $0xF7A, s2;
	p2 =	seq.s32 @!p0 s5, $0x0  }
0x1f: {  	s9 =	smul.u32 $0xF7A, s1;
	s8 =	simm.s32 @!p0 $0x1BF5;
	p2 =	por !p2, p0  }
0x20: {  	[sflag:s8] =	ssyncset.s32 @!p0 $0xFFFFF086;
	s6 =	sadd.s32 @!p0 s3, s7;
	s7 =	simm.s32 @!p0 $0x108  }
0x21: {  	s3 =	sadd.s32 s3, s9;
	s6 =	sadd.s32 @!p0 $0x88, s6;
	s7 =	simm.s32 @p2 $0x1082  }
0x22: {  	[simem:s7], [sflag:s8] =	dma.local @!p0 [hbm:s6], $0xF7A  }
0x23: {  	s9 =	sor.u32 $0xD0000000, s2;
	s6 =	simm.s32 $0x108;
	_ =	swait.ge @!p0 [sflag:s8], $0x0  }
0x24: {  	s3 =	sadd.s32 $0x88, s3;
	s6 =	simm.s32 @!p1 $0x1082;
	[sflag:s4] =	ssyncset.s32 $0xFFFFF086  }
0x25: {  	[simem:s6], [sflag:s4] =	dma.local [hbm:s3], $0xF7A  }
0x26: {  	[smem:$0x3F84] =	sst s1;
	(tag) =	ssettag s2;
	_ =	strace s9  }
0x27: {  	s1 =	sld [smem:$0x3F94]  }
0x28: {  	s2 =	sld [smem:$0x3F95]  }
0x29: {  	s4 =	sld [smem:$0x3F97]  }
0x2a: {  	p0 =	seq.s32 s5, $0x0;
	s5 =	sld [smem:$0x3F98]  }
0x2b: {  	s6 =	sld [smem:$0x3F99]  }
0x2c: {  	s7 =	sld [smem:$0x3F9A]  }
0x2d: {  	s3 =	simm.s32 $0x108;
	s8 =	sld [smem:$0x3F9B]  }
0x2e: {  	s3 =	simm.s32 @!p0 $0x1082;
	s9 =	sld [smem:$0x3F9C]  }
0x2f: {  	lr =	sadd.s32 s0, s3;
	s0 =	sld [smem:$0x3F93]  }
0x30: {  	s3 =	sld [smem:$0x3F96]  }
0x31: {  	[smem:$0x3F9F] =	sst s10  }
0x32: {  	s10 =	sld [smem:$0x3F9D];
	_ =	sdelay $0x3  }
0x33: {  	p0 =	seq.s32 s10, $0x1;
	s10 =	sld [smem:$0x3F9F];
	_ =	sdelay $0x3  }
0x34: {  	[smem:$0x3F9F] =	sst s10  }
0x35: {  	s10 =	sld [smem:$0x3F9E];
	_ =	sdelay $0x3  }
0x36: {  	p1 =	seq.s32 s10, $0x1;
	s10 =	sld [smem:$0x3F9F];
	_ =	sdelay $0x3  }
0x37: {  	[smem:$0x3F9F] =	sst s10  }
0x38: {  	s10 =	sld [smem:$0x3FA0]  }
0x39: {  	_ = 	snop;
	(pc) =	sbr.ind lr, $3  }
0x3a: {  	_ = 	snop  }
0x3b: {  	_ = 	snop  }
0x3c: {  	p2 =	seq.s32 s10, $0x1;
	s10 =	sld [smem:$0x3F9F]  }
0x3d: {  	_ =	shalt  }
0x3e: {  	_ =	shalt  }
0x3f: {  	_ =	shalt  }
0x40: {  	_ =	shalt  }
0x41: {  	_ =	shalt  }
0x42: {  	_ =	shalt  }
0x43: {  	_ =	shalt  }
0x44: {  	_ =	shalt  }
0x45: {  	_ =	shalt  }
0x46: {  	_ =	shalt  }
0x47: {  	_ =	shalt  }
0x48: {  	_ =	shalt  }
0x49: {  	_ =	shalt  }
0x4a: {  	_ =	shalt  }
0x4b: {  	_ =	shalt  }
0x4c: {  	_ =	shalt  }
0x4d: {  	_ =	shalt  }
0x4e: {  	_ =	shalt  }
0x4f: {  	_ =	shalt  }
0x50: {  	_ =	shalt  }
0x51: {  	_ =	shalt  }
0x52: {  	_ =	shalt  }
0x53: {  	_ =	shalt  }
0x54: {  	_ =	shalt  }
0x55: {  	_ =	shalt  }
0x56: {  	_ =	shalt  }
0x57: {  	_ =	shalt  }
0x58: {  	_ =	shalt  }
0x59: {  	_ =	shalt  }
0x5a: {  	_ =	shalt  }
0x5b: {  	_ =	shalt  }
0x5c: {  	_ =	shalt  }
0x5d: {  	_ =	shalt  }
0x5e: {  	_ =	shalt  }
0x5f: {  	_ =	shalt  }
0x60: {  	_ =	shalt  }
0x61: {  	_ =	shalt  }
0x62: {  	_ =	shalt  }
0x63: {  	_ =	shalt  }
0x64: {  	_ =	shalt  }
0x65: {  	_ =	shalt  }
0x66: {  	_ =	shalt  }
0x67: {  	_ =	shalt  }
0x68: {  	_ =	shalt  }
0x69: {  	_ =	shalt  }
0x6a: {  	_ =	shalt  }
0x6b: {  	_ =	shalt  }
0x6c: {  	_ =	shalt  }
0x6d: {  	_ =	shalt  }
0x6e: {  	_ =	shalt  }
0x6f: {  	_ =	shalt  }
0x70: {  	_ =	shalt  }
0x71: {  	_ =	shalt  }
0x72: {  	_ =	shalt  }
0x73: {  	_ =	shalt  }
0x74: {  	_ =	shalt  }
0x75: {  	_ =	shalt  }
0x76: {  	_ =	shalt  }
0x77: {  	_ =	shalt  }
0x78: {  	_ =	shalt  }
0x79: {  	_ =	shalt  }
0x7a: {  	_ =	shalt  }
0x7b: {  	_ =	shalt  }
0x7c: {  	_ =	shalt  }
0x7d: {  	_ =	shalt  }
0x7e: {  	_ =	shalt  }
0x7f: {  	_ =	shalt  }
0x80: {  	_ =	shalt  }
0x81: {  	_ =	shalt  }
0x82: {  	_ =	shalt  }
0x83: {  	_ =	shalt  }
0x84: {  	_ =	shalt  }
0x85: {  	_ =	shalt  }
0x86: {  	_ =	shalt  }
0x87: {  	_ =	shalt  }
.Lfunc_end0:
.L_simem_size_0:
called_computation.2_lowered:
.L_overlay_start_0:
0x88: {  	s2 =	sld [smem:$0x3FD9]  }
0x89: {  	s3 =	sld [smem:$0x3FFE];
	_ =	sdelay $0x1  }
0x8a: {  	s1 =	srdreg.scid  }
0x8b: {  	s0 =	sand.u32 $0x1, s1  }
0x8c: {  	s14 =	sshll.u32 s0, $0xA;
	s2 =	sadd.s32 s3, s2  }
0x8d: {  	s2 =	sadd.s32 s2, s14  }
0x8e: {  	[smem:$0x3FAB] =	sst s2  }
0x8f: {  	_ = 	snop  }
0x90: {  	s2 =	sld [smem:$0x3FD0];
	_ =	sdelay $0x2  }
0x91: {  	s15 =	simm.s32 $0xB;
	s4 =	simm.s32 $0x10  }
0x92: {  	[smem:s4], [sflag:s15] =	dma.local [hbm:s2], $0x1  }
0x93: {  	_ =	swait.eq [sflag:s15], $0x1  }
0x94: {  	[sflag:s15] =	ssyncset.done $0x0  }
0x95: {  	s16 =	sld [smem:$0x12];
	[sflag:s15] =	ssyncadd.s32 $0xFFFFFFFF  }
0x96: {  	s17 =	sld [smem:$0x13];
	(tm) =	ssettm $0x1  }
0x97: {  	s18 =	sld [smem:$0x3FFB];
	_ =	sdelay $0x3  }
0x98: {  	_ =	strace s18  }
0x99: {  	s4 =	sld [smem:$0x3FFC];
	_ =	sdelay $0x3  }
0x9a: {  	_ =	strace s4  }
0x9b: {  	s4 =	sld [smem:$0x3FFD];
	_ =	sdelay $0x3  }
0x9c: {  	_ =	strace s4  }
0x9d: {  	_ =	strace $0x8FFFFFFF  }
0x9e: {  	s19 =	sld [smem:$0x3FDB];
	_ =	sdelay $0x1  }
0x9f: {  	s5 =	simm.s32 $_scs_section_size  }
0xa0: {  	s6 =	simm.s32 $_size__tile_overlayer_lowered;
	s7 =	simm.s32 $_tile_overlayer_lowered  }
0xa1: {  	s22 =	simm.s32 $0x1BFF;
	s21 =	sshll.u32 s7, $0x1;
	s4 =	sadd.s32 s5, s19  }
0xa2: {  	s8 =	simm.s32 $0x0;
	s20 =	sshll.u32 s6, $0x1;
	s6 =	sadd.s32 s21, s4  }
0xa3: {  	[timem:s8], [sflag:s22] =	dma.local [hbm:s6], s20  }
0xa4: {  	_ =	swait.ge [sflag:s22], s20  }
0xa5: {  	s5 =	ssub.s32 $0x0, s20;
	[sflag:s22] =	ssyncset.done $0x0  }
0xa6: {  	[sflag:s22] =	ssyncadd.s32 s5;
	_ =	sdelay $0x1  }
0xa7: {  	s23 =	simm.s32 $0x1B8B  }
0xa8: {  	_ =	swait.ge [sflag:s23], $0x1  }
0xa9: {  	[sflag:s23] =	ssyncset.done $0x0  }
0xaa: {  	s25 =	simm.s32 $0x1B8E;
	s24 =	sld [smem:$0x3FFE];
	[sflag:s23] =	ssyncadd.s32 $0xFFFFFFFF  }
0xab: {  	s26 =	simm.s32 $execute0_lowered;
	[smem:$0x3FD2] =	sst s25  }
0xac: {  	s6 =	sshll.u32 s26, $0x1;
	_ =	strace $0x8000004C;
	[dreg:$0x1] =	wrdreg $0xFFFFFFFF  }
0xad: {  	s28 =	simm.s32 $_size_execute0_lowered;
	s4 =	sadd.s32 s4, s6;
	[dreg:$0x0] =	wrdreg $0x0  }
0xae: {  	s6 =	sshll.u32 s28, $0x1;
	[dreg:$0x2] =	wrdreg s4  }
0xaf: {  	[dreg:$0x3] =	wrdreg s6  }
0xb0: {  	[dreg:$0x4] =	wrdreg $0xC0  }
0xb1: {  	_ =	task [dreg:s8], $0x5FFFF  }
0xb2: {  	[dreg:$0x1] =	wrdreg $0xFFFFFFFF  }
0xb3: {  	[dreg:$0x0] =	wrdreg $0x60  }
0xb4: {  	[dreg:$0x2] =	wrdreg s24  }
0xb5: {  	[dreg:$0x3] =	wrdreg s16  }
0xb6: {  	[dreg:$0x4] =	wrdreg s17  }
0xb7: {  	[dreg:$0x5] =	wrdreg $0x9  }
0xb8: {  	_ =	task.clear_ibuf [dreg:s8], $0x6FFFF;
	_ =	strace $0x9000004C  }
0xb9: {  	s29 =	simm.s32 $0x9;
	_ =	strace $0x8000004E  }
0xba: {  	_ =	swait.ge [sflag:s29], $0x1  }
0xbb: {  	[sflag:s29] =	ssyncadd.s32 $0xFFFFFFFF  }
0xbc: {  	_ =	strace $0x9000004E  }
0xbd: {  	_ =	sfence  }
0xbe: {  	s30 =	sld [smem:$0x0];
	_ =	sdelay $0x2  }
0xbf: {  	s31 =	sshll.u32 s1, $0xD;
	s1 =	sshrl.u32 s1, $0x2  }
0xc0: {  	s3 =	sand.u32 $0x4000, s31;
	s1 =	sadd.s32 s1, s30  }
0xc1: {  	s0 =	sor.u32 s3, s0;
	s1 =	sshll.u32 s1, $0x11  }
0xc2: {  	s0 =	sor.u32 s1, s0  }
0xc3: {  	s0 =	sadd.s32 $0x8F2B, s0  }
0xc4: {  	[sflag:s0] =	ssyncadd.remote.s32 $0x1  }
0xc5: {  	_ =	sfence.sel $0xFFFF  }
0xc6: {  	[dreg:$0x0] =	wrdreg $0xFFFFFFFF;
	(pc) =	sbr.abs _section_cstart, $3  }
0xc7: {  	[dreg:$0x1] =	wrdreg $0xFFFFFFFF  }
0xc8: {  	_ =	task.clear_ibuf [dreg:s8], $0x2FFFF;
	_ =	strace $0x9FFFFFFF  }
0xc9: {  	(tm) =	ssettm $0x7FFFFFFF  }
tec
execute0_lowered:
.L_overlay_start_1:
0x0: {  	(tag) =	ssettag $0x1  }
0x1: {  	s3 =	rddreg [dreg:$0x0]  }
0x2: {  	s1 =	srdreg.scid;
	s9 =	rddreg [dreg:$0x1]  }
0x3: {  	s0 =	stileid.u32;
	s10 =	rddreg [dreg:$0x2];
	s2 =	simm.s32 $0x0  }
0x4: {  	s14 =	simm.s32 $0x100;
	s15 =	simm.s32 $0x3100;
	s16 =	simm.s32 $0x1  }
0x5: {  	s17 =	simm.s32 $0x2;
	s18 =	simm.s32 $0x6100;
	s19 =	simm.s32 $0x0  }
0x6: {  	s4 =	sand.u32 $0x1, s1;
	s30 =	sshll.u32 s0, $0x1;
	s1 =	rddreg [dreg:$0x3]  }
0x7: {  	[smem:$0x7FF] =	sst s2;
	s11 =	sadd.s32 $0xDA00, s3;
	s6 =	sor.u32 s4, s30  }
0x8: {  	s3 =	sadd.s32 $0x5A00, s3;
	s4 =	ssub.s32 $0x2, s4;
	s7 =	smul.u32 $0xC0, s6  }
0x9: {  	_ =	strace $0x8000004D;
	s5 =	sshrl.u32 s4, $0x1;
	s31 =	smul.u32 $0xC00, s6  }
0xa: {  	s5 =	ssub.s32 s4, s5;
	s8 =	sadd.s32 $0x60, s7;
	s7 =	sshrl.u32 s7, $0x3  }
0xb: {  	s5 =	smax.u32 s5, $0x1;
	s12 =	sshll.u32 s8, $0x4;
	s6 =	sadd.s32 s9, s7  }
0xc: {  	s7 =	sadd.s32 s10, s7;
	s13 =	sshrl.u32 s8, $0x3;
	s8 =	sadd.s32 s11, s31  }
0xd: {  	v0 =	vlaneseq.u32;
	s4 =	sadd.s32 s11, s12;
	s9 =	sadd.s32 s9, s13;
	s10 =	sadd.s32 s10, s13  }
0xe: {  	v1 =	vor.u32 $0x10, v0;
	s11 =	simm.s32 $0x3;
	s12 =	simm.s32 $0x80;
	s13 =	simm.s32 $0x60  }
.LBB2_1:
0xf: {  	[tilespmem:s2], [sflag:$0x3] =	stream.linear.gather [hbm4b:s6+s2], $0x60, $0x38;
	[tilespmem:$0x9100] =	vst v63  }
0x10: {  	_ =	swait.ge [sflag:s11], $0x60  }
0x11: {  	[sflag:s11] =	ssyncset.done $0x0  }
0x12: {  	[sflag:s11] =	ssyncadd.s32 $0xFFFFFFA0  }
0x13: {  	[tilespmem:s12], [sflag:$0x3] =	stream.linear.gather [hbm4b:s7+s2], $0x60, $0x38;
	[tilespmem:$0x9100] =	vst v63  }
0x14: {  	_ =	swait.ge [sflag:s11], $0x60  }
0x15: {  	[sflag:s11] =	ssyncset.done $0x0  }
0x16: {  	[sflag:s11] =	ssyncadd.s32 $0xFFFFFFA0  }
0x17: {  	[tilespmem:s14], [sflag:$0x1] =	stream.indirect.gather [hbm4b:s3+s13], $0x80, s2, s13, $0xb8;
	[tilespmem:$0x9100] =	vst v63  }
0x18: {  	_ = 	snop  }
0x19: {  	[tilespmem:s15], [sflag:$0x2] =	stream.indirect.gather [hbm4b:s3+s13], $0x80, s12, s13, $0xb8;
	[tilespmem:$0x9100] =	vst v63  }
0x1a: {  	s20 =	simm.s32 $0x0;
	_ =	swait.ge [sflag:s16], $0x3000  }
0x1b: {  	v3 =	vor.u32 s20, v1;
	[sflag:s16] =	ssyncset.done $0x0  }
0x1c: {  	v2 =	vor.u32 s20, v0;
	[sflag:s16] =	ssyncadd.s32 $0xFFFFD000  }
0x1d: {  	_ =	swait.ge [sflag:s17], $0x3000  }
0x1e: {  	[sflag:s17] =	ssyncset.done $0x0  }
0x1f: {  	[sflag:s17] =	ssyncadd.s32 $0xFFFFD000  }
0x20: {  	v3 =	vld.idx.msk [tilespmem:v3+s15+$0x0], $0xffff  }
0x21: {  	v5 =	vld.idx.msk [tilespmem:v2+s14+$0x0], $0xffff;
	_ =	sdelay $0x1  }
0x22: {  	s21 =	simm.s32 $0x80  }
0x23: {  	v4 =	vor.u32 s21, v1;
	s20 =	simm.s32 $0x2  }
.LBB2_2:
0x24: {  	p0 =	sne.s32 s20, $0x5F;
	v6 =	vor.u32 s21, v0  }
0x25: {  	v3 =	vadd.f32 v3, v5;
	_ =	sdelay $0x1  }
0x26: {  	[tilespmem:v2+s18+$0x0] =	vst.idx.msk $0xffff, v3;
	v2 =	vmov v6  }
0x27: {  	v3 =	vld.idx.msk [tilespmem:v4+s15+$0x0], $0xffff  }
.Ltmp0:
0x28: {  	v5 =	vld.idx.msk [tilespmem:v6+s14+$0x0], $0xffff;
	(pc) =	sbr.rel @p0 .LBB2_2-.Ltmp0, $3  }
0x29: {  	_ =	sdelay $0x1  }
0x2a: {  	s21 =	sshll.u32 s20, $0x7  }
0x2b: {  	s20 =	sadd.s32 $0x1, s20;
	v4 =	vor.u32 s21, v1  }
0x2c: {  	_ = 	snop  }
0x2d: {  	v6 =	vor.u32 s21, v0  }
0x2e: {  	v3 =	vadd.f32 v3, v5;
	_ =	sdelay $0x1  }
0x2f: {  	[tilespmem:v2+s18+$0x0] =	vst.idx.msk $0xffff, v3  }
0x30: {  	v2 =	vld.idx.msk [tilespmem:v4+s15+$0x0], $0xffff  }
0x31: {  	v3 =	vld.idx.msk [tilespmem:v6+s14+$0x0], $0xffff;
	_ =	sdelay $0x4  }
0x32: {  	v2 =	vadd.f32 v2, v3;
	_ =	sdelay $0x1  }
0x33: {  	s20 =	simm.s32 $0x0;
	[tilespmem:v6+s18+$0x0] =	vst.idx.msk $0xffff, v2  }
0x34: {  	[hbm4b:s8+s20] =	stream.linear.scatter [tilespmem:s18], [sflag:$0x3], $0x3000, $0x38;
	[tilespmem:$0x9100] =	vst v63  }
0x35: {  	_ =	swait.ge [sflag:s11], $0x3000  }
0x36: {  	[sflag:s11] =	ssyncset.done $0x0  }
0x37: {  	[sflag:s11] =	ssyncadd.s32 $0xFFFFD000  }
0x38: {  	[tilespmem:s20], [sflag:$0x3] =	stream.linear.gather [hbm4b:s9+s20], $0x60, $0x38;
	[tilespmem:$0x9100] =	vst v63  }
0x39: {  	_ =	swait.ge [sflag:s11], $0x60  }
0x3a: {  	[sflag:s11] =	ssyncset.done $0x0  }
0x3b: {  	[sflag:s11] =	ssyncadd.s32 $0xFFFFFFA0  }
0x3c: {  	[tilespmem:s12], [sflag:$0x3] =	stream.linear.gather [hbm4b:s10+s20], $0x60, $0x38;
	[tilespmem:$0x9100] =	vst v63  }
0x3d: {  	_ =	swait.ge [sflag:s11], $0x60  }
0x3e: {  	[sflag:s11] =	ssyncset.done $0x0  }
0x3f: {  	[sflag:s11] =	ssyncadd.s32 $0xFFFFFFA0  }
0x40: {  	[tilespmem:s14], [sflag:$0x1] =	stream.indirect.gather [hbm4b:s3+s13], $0x80, s20, s13, $0xb8;
	[tilespmem:$0x9100] =	vst v63  }
0x41: {  	_ = 	snop  }
0x42: {  	[tilespmem:s15], [sflag:$0x2] =	stream.indirect.gather [hbm4b:s3+s13], $0x80, s12, s13, $0xb8;
	[tilespmem:$0x9100] =	vst v63  }
0x43: {  	s31 =	simm.s32 $0x0;
	_ =	swait.ge [sflag:s16], $0x3000  }
0x44: {  	v3 =	vor.u32 s31, v1;
	[sflag:s16] =	ssyncset.done $0x0  }
0x45: {  	v2 =	vor.u32 s31, v0;
	[sflag:s16] =	ssyncadd.s32 $0xFFFFD000  }
0x46: {  	_ =	swait.ge [sflag:s17], $0x3000  }
0x47: {  	[sflag:s17] =	ssyncset.done $0x0  }
0x48: {  	[sflag:s17] =	ssyncadd.s32 $0xFFFFD000  }
0x49: {  	v3 =	vld.idx.msk [tilespmem:v3+s15+$0x0], $0xffff  }
0x4a: {  	v5 =	vld.idx.msk [tilespmem:v2+s14+$0x0], $0xffff;
	_ =	sdelay $0x1  }
0x4b: {  	s21 =	simm.s32 $0x80  }
0x4c: {  	v4 =	vor.u32 s21, v1;
	s20 =	simm.s32 $0x2  }
.LBB2_4:
0x4d: {  	p0 =	sne.s32 s20, $0x5F;
	v6 =	vor.u32 s21, v0  }
0x4e: {  	v3 =	vadd.f32 v3, v5;
	_ =	sdelay $0x1  }
0x4f: {  	[tilespmem:v2+s18+$0x0] =	vst.idx.msk $0xffff, v3;
	v2 =	vmov v6  }
0x50: {  	v3 =	vld.idx.msk [tilespmem:v4+s15+$0x0], $0xffff  }
.Ltmp1:
0x51: {  	v5 =	vld.idx.msk [tilespmem:v6+s14+$0x0], $0xffff;
	(pc) =	sbr.rel @p0 .LBB2_4-.Ltmp1, $3  }
0x52: {  	_ =	sdelay $0x1  }
0x53: {  	s21 =	sshll.u32 s20, $0x7  }
0x54: {  	s20 =	sadd.s32 $0x1, s20;
	v4 =	vor.u32 s21, v1  }
0x55: {  	_ = 	snop  }
0x56: {  	v6 =	vor.u32 s21, v0  }
0x57: {  	v3 =	vadd.f32 v3, v5;
	_ =	sdelay $0x1  }
0x58: {  	[tilespmem:v2+s18+$0x0] =	vst.idx.msk $0xffff, v3  }
0x59: {  	v2 =	vld.idx.msk [tilespmem:v4+s15+$0x0], $0xffff  }
0x5a: {  	v3 =	vld.idx.msk [tilespmem:v6+s14+$0x0], $0xffff;
	_ =	sdelay $0x4  }
0x5b: {  	s19 =	sadd.s32 $0x1, s19;
	v2 =	vadd.f32 v2, v3  }
0x5c: {  	p0 =	sne.s32 s19, s5  }
.Ltmp2:
0x5d: {  	[tilespmem:v6+s18+$0x0] =	vst.idx.msk $0xffff, v2;
	(pc) =	sbr.rel @p0 .LBB2_1-.Ltmp2, $4  }
0x5e: {  	[hbm4b:s4+s2] =	stream.linear.scatter [tilespmem:s18], [sflag:$0x3], $0x3000, $0x38;
	[tilespmem:$0x9100] =	vst v63  }
0x5f: {  	_ =	swait.ge [sflag:s11], $0x3000  }
0x60: {  	[sflag:s11] =	ssyncset.done $0x0  }
0x61: {  	[sflag:s11] =	ssyncadd.s32 $0xFFFFD000  }
0x62: {  	_ =	sfence.sel $0x180000  }
0x63: {  	[bflag:$0x0] =	sbarrier.arrive $0xFFFF  }
0x64: {  	p0 =	sne.s32 s0, $0x0;
	_ =	strace $0x9000004D  }
0x65: {  	s0 =	sadd.s32 @!p0 $0x100000, s1;
	[bflag:$0x2] =	sbarrier.arrive $0xFFFF  }
0x66: {  	[sflag:s0] =	ssyncadd.tile.s32 @!p0 $0x1;
	_ =	shalt  }
.Lfunc_end2:
_tile_overlayer_lowered:
.L_overlay_start_2:
0x67: {  	(tag) =	ssettag $0x2  }
0x68: {  	s0 =	rddreg [dreg:$0x0];
	s2 =	stileid.u32  }
0x69: {  	s1 =	rddreg [dreg:$0x1];
	p0 =	sne.s32 s2, $0x0  }
0x6a: {  	s3 =	rddreg [dreg:$0x2];
	[bflag:$0x3] =	sbarrier.arrive $0xFFFF;
	s2 =	simm.s32 @!p0 $0x1C03  }
0x6b: {  	[timem:s3], [sflag:s2] =	dma.local @!p0 [hbm:s0], s1  }
0x6c: {  	s0 =	simm.s32 @!p0 $0x3  }
0x6d: {  	_ =	swait.ge @!p0 [sflag:s0], s1  }
0x6e: {  	s1 =	ssub.s32 @!p0 $0x0, s1;
	[sflag:s0] =	ssyncset.done @!p0 $0x0  }
0x6f: {  	[sflag:s0] =	ssyncadd.s32 @!p0 s1  }
0x70: {  	[bflag:$0x3] =	sbarrier.arrive $0xFFFF  }
0x71: {  	_ =	shalt  }

</sc_bundles>
